<compile_context>
chip_gen: v7x
topology: tpu7x:2x2x1
jax: 0.10.2.dev20260603
libtpu: 0.0.44.dev20260713+nightly
codegen_flags: <defaults>
</compile_context>

<pallas_src>
import functools

import jax
import jax.numpy as jnp
from jax import lax
from jax.experimental import pallas as pl
from jax.experimental.pallas import tpu as pltpu
from jax.experimental.pallas import tpu_sc as plsc

N_NODES = 10000
N_EDGES = 320000
D_FEAT = 128
BATCH = 2
LANES = 16

NUM_TILES = 16
CHUNK = 128
N_STAGES = 8
SCHUNKS = 20
E_PER_TILE = N_STAGES * SCHUNKS * CHUNK
E_RAW_PER_TILE = N_EDGES // NUM_TILES
PAD_PER_TILE = E_PER_TILE - E_RAW_PER_TILE

TRASH = 8
ACC_ROWS = N_NODES + TRASH
ROWS_PER_TILE = 632
LAST_ROWS = ACC_ROWS - 15 * ROWS_PER_TILE
LAST_VALID = N_NODES - 15 * ROWS_PER_TILE


def _sc_body(t_hbm, row_hbm, col_hbm, out_hbm,
             row_v, col_v, row_v2, col_v2, gbuf, gbuf2, acc,
             gsem, gsem2, isem, isem2):
    c = lax.axis_index("c")
    s = lax.axis_index("s")
    nbase = s * ROWS_PER_TILE

    pltpu.async_copy(row_hbm.at[c, s, 0], row_v, isem)
    pltpu.async_copy(col_hbm.at[s, 0], col_v, isem)
    pltpu.async_copy(row_hbm.at[c, s, 1], row_v2, isem2)
    pltpu.async_copy(col_hbm.at[s, 1], col_v2, isem2)

    def zrow(i, carry):
        for j in range(D_FEAT // LANES):
            gbuf[i, pl.ds(j * LANES, LANES)] = jnp.zeros((LANES,), jnp.float32)
        return carry
    lax.fori_loop(0, CHUNK, zrow, 0)

    for i in range(4):
        pltpu.async_copy(gbuf, acc.at[pl.ds(nbase + i * CHUNK, CHUNK)], gsem)
    for i in range(4):
        pltpu.make_async_copy(gbuf, acc.at[pl.ds(nbase + i * CHUNK, CHUNK)],
                              gsem).wait()

    @pl.when(s < NUM_TILES - 1)
    def _():
        pltpu.sync_copy(gbuf.at[pl.ds(0, ROWS_PER_TILE - 4 * CHUNK)],
                        acc.at[pl.ds(nbase + 4 * CHUNK, ROWS_PER_TILE - 4 * CHUNK)])

    @pl.when(s == NUM_TILES - 1)
    def _():
        pltpu.sync_copy(gbuf.at[pl.ds(0, LAST_ROWS - 4 * CHUNK)],
                        acc.at[pl.ds(nbase + 4 * CHUNK, LAST_ROWS - 4 * CHUNK)])

    plsc.subcore_barrier()

    def gather(rv, k, buf, sem):
        pltpu.async_copy(t_hbm.at[rv.at[k]], buf, sem)

    def gwait(rv, k, buf, sem):
        pltpu.make_async_copy(t_hbm.at[rv.at[k]], buf, sem).wait()

    def iload(q, rv, cv, sem):
        pltpu.async_copy(row_hbm.at[c, s, q], rv, sem)
        pltpu.async_copy(col_hbm.at[s, q], cv, sem)

    def iwait(q, rv, cv, sem):
        pltpu.make_async_copy(row_hbm.at[c, s, q], rv, sem).wait()
        pltpu.make_async_copy(col_hbm.at[s, q], cv, sem).wait()

    bufs = [(row_v, col_v, isem), (row_v2, col_v2, isem2)]
    for q in range(N_STAGES):
        rv, cv, isem_q = bufs[q % 2]
        if q == 0:
            iwait(q, rv, cv, isem_q)
            gather(rv, 0, gbuf, gsem)

        def pair_body(g, carry):
            k0 = 2 * g
            gather(rv, k0 + 1, gbuf2, gsem2)
            gwait(rv, k0, gbuf, gsem)
            pltpu.sync_copy(gbuf, acc.at[cv.at[k0]], add=True)
            gather(rv, k0 + 2, gbuf, gsem)
            gwait(rv, k0 + 1, gbuf2, gsem2)
            pltpu.sync_copy(gbuf2, acc.at[cv.at[k0 + 1]], add=True)
            return carry
        lax.fori_loop(0, SCHUNKS // 2 - 1, pair_body, 0)

        kl = SCHUNKS - 2
        gather(rv, kl + 1, gbuf2, gsem2)
        gwait(rv, kl, gbuf, gsem)
        pltpu.sync_copy(gbuf, acc.at[cv.at[kl]], add=True)
        if q + 1 < N_STAGES:
            rvn, cvn, isem_n = bufs[(q + 1) % 2]
            iwait(q + 1, rvn, cvn, isem_n)
            gather(rvn, 0, gbuf, gsem)
        gwait(rv, kl + 1, gbuf2, gsem2)
        pltpu.sync_copy(gbuf2, acc.at[cv.at[kl + 1]], add=True)
        if q + 2 < N_STAGES:
            iload(q + 2, rv, cv, isem_q)
    plsc.subcore_barrier()

    @pl.when(s < NUM_TILES - 1)
    def _():
        pltpu.sync_copy(acc.at[pl.ds(nbase, ROWS_PER_TILE)],
                        out_hbm.at[pl.ds(c * N_NODES + nbase, ROWS_PER_TILE)])

    @pl.when(s == NUM_TILES - 1)
    def _():
        pltpu.sync_copy(acc.at[pl.ds(nbase, LAST_VALID)],
                        out_hbm.at[pl.ds(c * N_NODES + nbase, LAST_VALID)])


_mesh = plsc.VectorSubcoreMesh(core_axis_name="c", subcore_axis_name="s")

_sc_call = functools.partial(
    pl.kernel,
    out_type=jax.ShapeDtypeStruct((BATCH * N_NODES, D_FEAT), jnp.float32),
    mesh=_mesh,
    scratch_types=[
        pltpu.VMEM((SCHUNKS, CHUNK), jnp.int32),
        pltpu.VMEM((SCHUNKS, CHUNK), jnp.int32),
        pltpu.VMEM((SCHUNKS, CHUNK), jnp.int32),
        pltpu.VMEM((SCHUNKS, CHUNK), jnp.int32),
        pltpu.VMEM((CHUNK, D_FEAT), jnp.float32),
        pltpu.VMEM((CHUNK, D_FEAT), jnp.float32),
        pltpu.VMEM_SHARED((ACC_ROWS, D_FEAT), jnp.float32),
        pltpu.SemaphoreType.DMA,
        pltpu.SemaphoreType.DMA,
        pltpu.SemaphoreType.DMA,
        pltpu.SemaphoreType.DMA,
    ],
)(_sc_body)


def kernel(t, edge_index):
    b, n, d = t.shape
    t2 = t.reshape(b * n, d)
    row = edge_index[0].reshape(NUM_TILES, E_RAW_PER_TILE)
    col = edge_index[1].reshape(NUM_TILES, E_RAW_PER_TILE)
    row_pad = jnp.zeros((NUM_TILES, PAD_PER_TILE), jnp.int32)
    col_pad = jnp.broadcast_to(
        N_NODES + (jnp.arange(PAD_PER_TILE, dtype=jnp.int32) % TRASH),
        (NUM_TILES, PAD_PER_TILE))
    rowp = jnp.concatenate([row, row_pad], axis=1)
    colp = jnp.concatenate([col, col_pad], axis=1)
    row_b = rowp[None] + (jnp.arange(b, dtype=jnp.int32) * n).reshape(b, 1, 1)
    row5 = row_b.reshape(b, NUM_TILES, N_STAGES, SCHUNKS, CHUNK)
    col4 = colp.reshape(NUM_TILES, N_STAGES, SCHUNKS, CHUNK)
    out2 = _sc_call(t2, row5, col4)
    return out2.reshape(b, n, d)

# --- scband reference (transcript-rebuilt; emitter-appended) ---
"""Pipeline reference for scband-aggregation-layer-5360119185625 (READ-ONLY COPY).

The authoritative reference and input builder live on the scoring server;
editing this copy changes nothing except your own understanding.
"""

import jax, jax.numpy as jnp
import numpy as np

N_NODES = 10000
N_EDGES = 320000
D_FEAT = 128
BATCH = 2

def setup_inputs(seed: int = 0) -> dict:
    key = jax.random.key(seed)
    k1, k2 = jax.random.split(key)
    t = jax.random.normal(k1, (BATCH, N_NODES, D_FEAT), dtype=jnp.float32)
    edge_index = jax.random.randint(k2, (2, N_EDGES), 0, N_NODES, dtype=jnp.int32)
    return {"t": t, "edge_index": edge_index}

def reference(t, edge_index):
    # Faithful translation of AggregationLayer.forward with aggregate='sum'.
    # self.edges = [row (source node in t), col (destination / pooled node)]
    # aggr = scatter(src=t[:, row], index=col, dim=-2, dim_size=N_out, reduce='sum')
    row = edge_index[0]
    col = edge_index[1]
    gathered = jnp.take(t, row, axis=1)  # [B, E, d]
    out = jnp.zeros((t.shape[0], N_NODES, t.shape[-1]), dtype=t.dtype)
    out = out.at[:, col, :].add(gathered)  # scatter-add over dim -2
    return out

if __name__ == "__main__":
    import jax
    _d = setup_inputs()
    print(jax.jit(kernel)(*tuple(_d.values())))

</pallas_src>

<mosaic_0001>
#map = affine_map<(d0, d1) -> (0, 0)>
#map1 = affine_map<(d0, d1) -> (0, 0, 0, 0, 0)>
#map2 = affine_map<(d0, d1) -> (0, 0, 0, 0)>
module attributes {stable_mosaic.version = 14 : i64} {
  func.func @_sc_body(%arg0: i32, %arg1: i32, %arg2: memref<20000x128xf32, #tpu.memory_space<hbm>>, %arg3: memref<2x16x8x20x128xi32, #tpu.memory_space<hbm>>, %arg4: memref<16x8x20x128xi32, #tpu.memory_space<hbm>>, %arg5: memref<20000x128xf32, #tpu.memory_space<hbm>>, %arg6: memref<20x128xi32, #tpu.memory_space<vmem>>, %arg7: memref<20x128xi32, #tpu.memory_space<vmem>>, %arg8: memref<20x128xi32, #tpu.memory_space<vmem>>, %arg9: memref<20x128xi32, #tpu.memory_space<vmem>>, %arg10: memref<128x128xf32, #tpu.memory_space<vmem>>, %arg11: memref<128x128xf32, #tpu.memory_space<vmem>>, %arg12: memref<10008x128xf32, #tpu.memory_space<vmem_shared>>, %arg13: memref<!tpu.dma_semaphore, #tpu.memory_space<semaphore_mem>>, %arg14: memref<!tpu.dma_semaphore, #tpu.memory_space<semaphore_mem>>, %arg15: memref<!tpu.dma_semaphore, #tpu.memory_space<semaphore_mem>>, %arg16: memref<!tpu.dma_semaphore, #tpu.memory_space<semaphore_mem>>) attributes {dimension_semantics = [#tpu.dimension_semantics<core_parallel>, #tpu.dimension_semantics<subcore_parallel>], iteration_bounds = array<i64: 2, 16>, scalar_prefetch = 0 : i64, scratch_operands = 11 : i64, tpu.core_type = #tpu.core_type<sc_vector_subcore>, window_params = [{transform_indices = #map}, {transform_indices = #map1}, {transform_indices = #map2}, {transform_indices = #map}]} {
    %mul3A = arith.constant 632 : i32
    %mul3A_0 = arith.muli %arg1, %mul3A : i32
    %dma_start3A = arith.constant 0 : i32
    %dma_start3A_1 = arith.constant 0 : i32
    %dma_start3A_2 = arith.constant 0 : i32
    %dma_start3A_3 = tpu.memref_slice %arg3[%arg0, %arg1, %dma_start3A, %dma_start3A_1, %dma_start3A_2] : memref<2x16x8x20x128xi32, #tpu.memory_space<hbm>> -> memref<1x1x1x20x128xi32, #tpu.memory_space<hbm>>
    %dma_start3A_4 = tpu.memref_squeeze %dma_start3A_3 : memref<1x1x1x20x128xi32, #tpu.memory_space<hbm>> -> memref<20x128xi32, #tpu.memory_space<hbm>>
    %dma_start3A_5 = arith.constant 0 : i32
    %dma_start3A_6 = arith.constant 0 : i32
    %dma_start3A_7 = tpu.memref_slice %arg3[%arg0, %arg1, %dma_start3A, %dma_start3A_5, %dma_start3A_6] : memref<2x16x8x20x128xi32, #tpu.memory_space<hbm>> -> memref<1x1x1x20x128xi32, #tpu.memory_space<hbm>>
    %dma_start3A_8 = tpu.memref_squeeze %dma_start3A_7 : memref<1x1x1x20x128xi32, #tpu.memory_space<hbm>> -> memref<20x128xi32, #tpu.memory_space<hbm>>
    tpu.enqueue_dma source(%dma_start3A_8 : memref<20x128xi32, #tpu.memory_space<hbm>>) target(%arg6 : memref<20x128xi32, #tpu.memory_space<vmem>>) target_semaphore(%arg15 : memref<!tpu.dma_semaphore, #tpu.memory_space<semaphore_mem>>)
    %dma_start3A_9 = arith.constant 0 : i32
    %dma_start3A_10 = arith.constant 0 : i32
    %dma_start3A_11 = arith.constant 0 : i32
    %dma_start3A_12 = tpu.memref_slice %arg4[%arg1, %dma_start3A_9, %dma_start3A_10, %dma_start3A_11] : memref<16x8x20x128xi32, #tpu.memory_space<hbm>> -> memref<1x1x20x128xi32, #tpu.memory_space<hbm>>
    %dma_start3A_13 = tpu.memref_squeeze %dma_start3A_12 : memref<1x1x20x128xi32, #tpu.memory_space<hbm>> -> memref<20x128xi32, #tpu.memory_space<hbm>>
    %dma_start3A_14 = arith.constant 0 : i32
    %dma_start3A_15 = arith.constant 0 : i32
    %dma_start3A_16 = tpu.memref_slice %arg4[%arg1, %dma_start3A_9, %dma_start3A_14, %dma_start3A_15] : memref<16x8x20x128xi32, #tpu.memory_space<hbm>> -> memref<1x1x20x128xi32, #tpu.memory_space<hbm>>
    %dma_start3A_17 = tpu.memref_squeeze %dma_start3A_16 : memref<1x1x20x128xi32, #tpu.memory_space<hbm>> -> memref<20x128xi32, #tpu.memory_space<hbm>>
    tpu.enqueue_dma source(%dma_start3A_17 : memref<20x128xi32, #tpu.memory_space<hbm>>) target(%arg7 : memref<20x128xi32, #tpu.memory_space<vmem>>) target_semaphore(%arg15 : memref<!tpu.dma_semaphore, #tpu.memory_space<semaphore_mem>>)
    %dma_start3A_18 = arith.constant 1 : i32
    %dma_start3A_19 = arith.constant 0 : i32
    %dma_start3A_20 = arith.constant 0 : i32
    %dma_start3A_21 = tpu.memref_slice %arg3[%arg0, %arg1, %dma_start3A_18, %dma_start3A_19, %dma_start3A_20] : memref<2x16x8x20x128xi32, #tpu.memory_space<hbm>> -> memref<1x1x1x20x128xi32, #tpu.memory_space<hbm>>
    %dma_start3A_22 = tpu.memref_squeeze %dma_start3A_21 : memref<1x1x1x20x128xi32, #tpu.memory_space<hbm>> -> memref<20x128xi32, #tpu.memory_space<hbm>>
    %dma_start3A_23 = arith.constant 0 : i32
    %dma_start3A_24 = arith.constant 0 : i32
    %dma_start3A_25 = tpu.memref_slice %arg3[%arg0, %arg1, %dma_start3A_18, %dma_start3A_23, %dma_start3A_24] : memref<2x16x8x20x128xi32, #tpu.memory_space<hbm>> -> memref<1x1x1x20x128xi32, #tpu.memory_space<hbm>>
    %dma_start3A_26 = tpu.memref_squeeze %dma_start3A_25 : memref<1x1x1x20x128xi32, #tpu.memory_space<hbm>> -> memref<20x128xi32, #tpu.memory_space<hbm>>
    tpu.enqueue_dma source(%dma_start3A_26 : memref<20x128xi32, #tpu.memory_space<hbm>>) target(%arg8 : memref<20x128xi32, #tpu.memory_space<vmem>>) target_semaphore(%arg16 : memref<!tpu.dma_semaphore, #tpu.memory_space<semaphore_mem>>)
    %dma_start3A_27 = arith.constant 1 : i32
    %dma_start3A_28 = arith.constant 0 : i32
    %dma_start3A_29 = arith.constant 0 : i32
    %dma_start3A_30 = tpu.memref_slice %arg4[%arg1, %dma_start3A_27, %dma_start3A_28, %dma_start3A_29] : memref<16x8x20x128xi32, #tpu.memory_space<hbm>> -> memref<1x1x20x128xi32, #tpu.memory_space<hbm>>
    %dma_start3A_31 = tpu.memref_squeeze %dma_start3A_30 : memref<1x1x20x128xi32, #tpu.memory_space<hbm>> -> memref<20x128xi32, #tpu.memory_space<hbm>>
    %dma_start3A_32 = arith.constant 0 : i32
    %dma_start3A_33 = arith.constant 0 : i32
    %dma_start3A_34 = tpu.memref_slice %arg4[%arg1, %dma_start3A_27, %dma_start3A_32, %dma_start3A_33] : memref<16x8x20x128xi32, #tpu.memory_space<hbm>> -> memref<1x1x20x128xi32, #tpu.memory_space<hbm>>
    %dma_start3A_35 = tpu.memref_squeeze %dma_start3A_34 : memref<1x1x20x128xi32, #tpu.memory_space<hbm>> -> memref<20x128xi32, #tpu.memory_space<hbm>>
    tpu.enqueue_dma source(%dma_start3A_35 : memref<20x128xi32, #tpu.memory_space<hbm>>) target(%arg9 : memref<20x128xi32, #tpu.memory_space<vmem>>) target_semaphore(%arg16 : memref<!tpu.dma_semaphore, #tpu.memory_space<semaphore_mem>>)
    %scan3A = arith.constant 0 : i32
    %scan3A_36 = arith.constant 0 : i32
    %scan3A_37 = arith.constant 128 : i32
    %scan3A_38 = arith.addi %scan3A_36, %scan3A_37 : i32
    %scan3A_39 = arith.constant 1 : i32
    scf.for %scan3A_643 = %scan3A_36 to %scan3A_38 step %scan3A_39  : i32 {
      %broadcast_in_dim3A = arith.constant 0.000000e+00 : f32
      %broadcast_in_dim3A_644 = vector.broadcast %broadcast_in_dim3A : f32 to vector<16xf32>
      %swap3A = arith.index_cast %scan3A_643 : i32 to index
      %swap3A_645 = arith.constant 0 : index
      %swap3A_646 = tpu.vector_load %arg10[%swap3A, %swap3A_645] {strides = array<i32>} : memref<128x128xf32, #tpu.memory_space<vmem>>, vector<1x16xf32>,
      %swap3A_647 = vector.shape_cast %swap3A_646 : vector<1x16xf32> to vector<16xf32>
      %swap3A_648 = vector.shape_cast %broadcast_in_dim3A_644 : vector<16xf32> to vector<1x16xf32>
      tpu.vector_store %arg10[%swap3A, %swap3A_645], %swap3A_648 {strides = array<i32>} : memref<128x128xf32, #tpu.memory_space<vmem>>, vector<1x16xf32>,
      %broadcast_in_dim3A_649 = arith.constant 0.000000e+00 : f32
      %broadcast_in_dim3A_650 = vector.broadcast %broadcast_in_dim3A_649 : f32 to vector<16xf32>
      %swap3A_651 = arith.index_cast %scan3A_643 : i32 to index
      %swap3A_652 = arith.constant 16 : index
      %swap3A_653 = tpu.vector_load %arg10[%swap3A_651, %swap3A_652] {strides = array<i32>} : memref<128x128xf32, #tpu.memory_space<vmem>>, vector<1x16xf32>,
      %swap3A_654 = vector.shape_cast %swap3A_653 : vector<1x16xf32> to vector<16xf32>
      %swap3A_655 = vector.shape_cast %broadcast_in_dim3A_650 : vector<16xf32> to vector<1x16xf32>
      tpu.vector_store %arg10[%swap3A_651, %swap3A_652], %swap3A_655 {strides = array<i32>} : memref<128x128xf32, #tpu.memory_space<vmem>>, vector<1x16xf32>,
      %broadcast_in_dim3A_656 = arith.constant 0.000000e+00 : f32
      %broadcast_in_dim3A_657 = vector.broadcast %broadcast_in_dim3A_656 : f32 to vector<16xf32>
      %swap3A_658 = arith.index_cast %scan3A_643 : i32 to index
      %swap3A_659 = arith.constant 32 : index
      %swap3A_660 = tpu.vector_load %arg10[%swap3A_658, %swap3A_659] {strides = array<i32>} : memref<128x128xf32, #tpu.memory_space<vmem>>, vector<1x16xf32>,
      %swap3A_661 = vector.shape_cast %swap3A_660 : vector<1x16xf32> to vector<16xf32>
      %swap3A_662 = vector.shape_cast %broadcast_in_dim3A_657 : vector<16xf32> to vector<1x16xf32>
      tpu.vector_store %arg10[%swap3A_658, %swap3A_659], %swap3A_662 {strides = array<i32>} : memref<128x128xf32, #tpu.memory_space<vmem>>, vector<1x16xf32>,
      %broadcast_in_dim3A_663 = arith.constant 0.000000e+00 : f32
      %broadcast_in_dim3A_664 = vector.broadcast %broadcast_in_dim3A_663 : f32 to vector<16xf32>
      %swap3A_665 = arith.index_cast %scan3A_643 : i32 to index
      %swap3A_666 = arith.constant 48 : index
      %swap3A_667 = tpu.vector_load %arg10[%swap3A_665, %swap3A_666] {strides = array<i32>} : memref<128x128xf32, #tpu.memory_space<vmem>>, vector<1x16xf32>,
      %swap3A_668 = vector.shape_cast %swap3A_667 : vector<1x16xf32> to vector<16xf32>
      %swap3A_669 = vector.shape_cast %broadcast_in_dim3A_664 : vector<16xf32> to vector<1x16xf32>
      tpu.vector_store %arg10[%swap3A_665, %swap3A_666], %swap3A_669 {strides = array<i32>} : memref<128x128xf32, #tpu.memory_space<vmem>>, vector<1x16xf32>,
      %broadcast_in_dim3A_670 = arith.constant 0.000000e+00 : f32
      %broadcast_in_dim3A_671 = vector.broadcast %broadcast_in_dim3A_670 : f32 to vector<16xf32>
      %swap3A_672 = arith.index_cast %scan3A_643 : i32 to index
      %swap3A_673 = arith.constant 64 : index
      %swap3A_674 = tpu.vector_load %arg10[%swap3A_672, %swap3A_673] {strides = array<i32>} : memref<128x128xf32, #tpu.memory_space<vmem>>, vector<1x16xf32>,
      %swap3A_675 = vector.shape_cast %swap3A_674 : vector<1x16xf32> to vector<16xf32>
      %swap3A_676 = vector.shape_cast %broadcast_in_dim3A_671 : vector<16xf32> to vector<1x16xf32>
      tpu.vector_store %arg10[%swap3A_672, %swap3A_673], %swap3A_676 {strides = array<i32>} : memref<128x128xf32, #tpu.memory_space<vmem>>, vector<1x16xf32>,
      %broadcast_in_dim3A_677 = arith.constant 0.000000e+00 : f32
      %broadcast_in_dim3A_678 = vector.broadcast %broadcast_in_dim3A_677 : f32 to vector<16xf32>
      %swap3A_679 = arith.index_cast %scan3A_643 : i32 to index
      %swap3A_680 = arith.constant 80 : index
      %swap3A_681 = tpu.vector_load %arg10[%swap3A_679, %swap3A_680] {strides = array<i32>} : memref<128x128xf32, #tpu.memory_space<vmem>>, vector<1x16xf32>,
      %swap3A_682 = vector.shape_cast %swap3A_681 : vector<1x16xf32> to vector<16xf32>
      %swap3A_683 = vector.shape_cast %broadcast_in_dim3A_678 : vector<16xf32> to vector<1x16xf32>
      tpu.vector_store %arg10[%swap3A_679, %swap3A_680], %swap3A_683 {strides = array<i32>} : memref<128x128xf32, #tpu.memory_space<vmem>>, vector<1x16xf32>,
      %broadcast_in_dim3A_684 = arith.constant 0.000000e+00 : f32
      %broadcast_in_dim3A_685 = vector.broadcast %broadcast_in_dim3A_684 : f32 to vector<16xf32>
      %swap3A_686 = arith.index_cast %scan3A_643 : i32 to index
      %swap3A_687 = arith.constant 96 : index
      %swap3A_688 = tpu.vector_load %arg10[%swap3A_686, %swap3A_687] {strides = array<i32>} : memref<128x128xf32, #tpu.memory_space<vmem>>, vector<1x16xf32>,
      %swap3A_689 = vector.shape_cast %swap3A_688 : vector<1x16xf32> to vector<16xf32>
      %swap3A_690 = vector.shape_cast %broadcast_in_dim3A_685 : vector<16xf32> to vector<1x16xf32>
      tpu.vector_store %arg10[%swap3A_686, %swap3A_687], %swap3A_690 {strides = array<i32>} : memref<128x128xf32, #tpu.memory_space<vmem>>, vector<1x16xf32>,
      %broadcast_in_dim3A_691 = arith.constant 0.000000e+00 : f32
      %broadcast_in_dim3A_692 = vector.broadcast %broadcast_in_dim3A_691 : f32 to vector<16xf32>
      %swap3A_693 = arith.index_cast %scan3A_643 : i32 to index
      %swap3A_694 = arith.constant 112 : index
      %swap3A_695 = tpu.vector_load %arg10[%swap3A_693, %swap3A_694] {strides = array<i32>} : memref<128x128xf32, #tpu.memory_space<vmem>>, vector<1x16xf32>,
      %swap3A_696 = vector.shape_cast %swap3A_695 : vector<1x16xf32> to vector<16xf32>
      %swap3A_697 = vector.shape_cast %broadcast_in_dim3A_692 : vector<16xf32> to vector<1x16xf32>
      tpu.vector_store %arg10[%swap3A_693, %swap3A_694], %swap3A_697 {strides = array<i32>} : memref<128x128xf32, #tpu.memory_space<vmem>>, vector<1x16xf32>,
    }
    %scan3A_40 = arith.constant 128 : i32
    %add3A = arith.constant 0 : i32
    %add3A_41 = arith.addi %mul3A_0, %add3A : i32
    %dma_start3A_42 = arith.constant 0 : i32
    %dma_start3A_43 = tpu.memref_slice %arg12[%add3A_41, %dma_start3A_42] : memref<10008x128xf32, #tpu.memory_space<vmem_shared>> -> memref<128x128xf32, #tpu.memory_space<vmem_shared>>
    %dma_start3A_44 = arith.constant 0 : i32
    %dma_start3A_45 = tpu.memref_slice %arg12[%add3A_41, %dma_start3A_44] : memref<10008x128xf32, #tpu.memory_space<vmem_shared>> -> memref<128x128xf32, #tpu.memory_space<vmem_shared>>
    tpu.enqueue_dma source(%arg10 : memref<128x128xf32, #tpu.memory_space<vmem>>) target(%dma_start3A_45 : memref<128x128xf32, #tpu.memory_space<vmem_shared>>) target_semaphore(%arg13 : memref<!tpu.dma_semaphore, #tpu.memory_space<semaphore_mem>>)
    %add3A_46 = arith.constant 128 : i32
    %add3A_47 = arith.addi %mul3A_0, %add3A_46 : i32
    %dma_start3A_48 = arith.constant 0 : i32
    %dma_start3A_49 = tpu.memref_slice %arg12[%add3A_47, %dma_start3A_48] : memref<10008x128xf32, #tpu.memory_space<vmem_shared>> -> memref<128x128xf32, #tpu.memory_space<vmem_shared>>
    %dma_start3A_50 = arith.constant 0 : i32
    %dma_start3A_51 = tpu.memref_slice %arg12[%add3A_47, %dma_start3A_50] : memref<10008x128xf32, #tpu.memory_space<vmem_shared>> -> memref<128x128xf32, #tpu.memory_space<vmem_shared>>
    tpu.enqueue_dma source(%arg10 : memref<128x128xf32, #tpu.memory_space<vmem>>) target(%dma_start3A_51 : memref<128x128xf32, #tpu.memory_space<vmem_shared>>) target_semaphore(%arg13 : memref<!tpu.dma_semaphore, #tpu.memory_space<semaphore_mem>>)
    %add3A_52 = arith.constant 256 : i32
    %add3A_53 = arith.addi %mul3A_0, %add3A_52 : i32
    %dma_start3A_54 = arith.constant 0 : i32
    %dma_start3A_55 = tpu.memref_slice %arg12[%add3A_53, %dma_start3A_54] : memref<10008x128xf32, #tpu.memory_space<vmem_shared>> -> memref<128x128xf32, #tpu.memory_space<vmem_shared>>
    %dma_start3A_56 = arith.constant 0 : i32
    %dma_start3A_57 = tpu.memref_slice %arg12[%add3A_53, %dma_start3A_56] : memref<10008x128xf32, #tpu.memory_space<vmem_shared>> -> memref<128x128xf32, #tpu.memory_space<vmem_shared>>
    tpu.enqueue_dma source(%arg10 : memref<128x128xf32, #tpu.memory_space<vmem>>) target(%dma_start3A_57 : memref<128x128xf32, #tpu.memory_space<vmem_shared>>) target_semaphore(%arg13 : memref<!tpu.dma_semaphore, #tpu.memory_space<semaphore_mem>>)
    %add3A_58 = arith.constant 384 : i32
    %add3A_59 = arith.addi %mul3A_0, %add3A_58 : i32
    %dma_start3A_60 = arith.constant 0 : i32
    %dma_start3A_61 = tpu.memref_slice %arg12[%add3A_59, %dma_start3A_60] : memref<10008x128xf32, #tpu.memory_space<vmem_shared>> -> memref<128x128xf32, #tpu.memory_space<vmem_shared>>
    %dma_start3A_62 = arith.constant 0 : i32
    %dma_start3A_63 = tpu.memref_slice %arg12[%add3A_59, %dma_start3A_62] : memref<10008x128xf32, #tpu.memory_space<vmem_shared>> -> memref<128x128xf32, #tpu.memory_space<vmem_shared>>
    tpu.enqueue_dma source(%arg10 : memref<128x128xf32, #tpu.memory_space<vmem>>) target(%dma_start3A_63 : memref<128x128xf32, #tpu.memory_space<vmem_shared>>) target_semaphore(%arg13 : memref<!tpu.dma_semaphore, #tpu.memory_space<semaphore_mem>>)
    %add3A_64 = arith.constant 0 : i32
    %add3A_65 = arith.addi %mul3A_0, %add3A_64 : i32
    %dma_wait3A = arith.constant 0 : i32
    %dma_wait3A_66 = tpu.memref_slice %arg12[%add3A_65, %dma_wait3A] : memref<10008x128xf32, #tpu.memory_space<vmem_shared>> -> memref<128x128xf32, #tpu.memory_space<vmem_shared>>
    %dma_wait3A_67 = arith.constant 0 : i32
    %dma_wait3A_68 = tpu.memref_slice %arg12[%add3A_65, %dma_wait3A_67] : memref<10008x128xf32, #tpu.memory_space<vmem_shared>> -> memref<128x128xf32, #tpu.memory_space<vmem_shared>>
    tpu.wait_dma2 semaphore(%arg13 : memref<!tpu.dma_semaphore, #tpu.memory_space<semaphore_mem>>) src(%arg10 : memref<128x128xf32, #tpu.memory_space<vmem>>) dst(%dma_wait3A_68 : memref<128x128xf32, #tpu.memory_space<vmem_shared>>)
    %add3A_69 = arith.constant 128 : i32
    %add3A_70 = arith.addi %mul3A_0, %add3A_69 : i32
    %dma_wait3A_71 = arith.constant 0 : i32
    %dma_wait3A_72 = tpu.memref_slice %arg12[%add3A_70, %dma_wait3A_71] : memref<10008x128xf32, #tpu.memory_space<vmem_shared>> -> memref<128x128xf32, #tpu.memory_space<vmem_shared>>
    %dma_wait3A_73 = arith.constant 0 : i32
    %dma_wait3A_74 = tpu.memref_slice %arg12[%add3A_70, %dma_wait3A_73] : memref<10008x128xf32, #tpu.memory_space<vmem_shared>> -> memref<128x128xf32, #tpu.memory_space<vmem_shared>>
    tpu.wait_dma2 semaphore(%arg13 : memref<!tpu.dma_semaphore, #tpu.memory_space<semaphore_mem>>) src(%arg10 : memref<128x128xf32, #tpu.memory_space<vmem>>) dst(%dma_wait3A_74 : memref<128x128xf32, #tpu.memory_space<vmem_shared>>)
    %add3A_75 = arith.constant 256 : i32
    %add3A_76 = arith.addi %mul3A_0, %add3A_75 : i32
    %dma_wait3A_77 = arith.constant 0 : i32
    %dma_wait3A_78 = tpu.memref_slice %arg12[%add3A_76, %dma_wait3A_77] : memref<10008x128xf32, #tpu.memory_space<vmem_shared>> -> memref<128x128xf32, #tpu.memory_space<vmem_shared>>
    %dma_wait3A_79 = arith.constant 0 : i32
    %dma_wait3A_80 = tpu.memref_slice %arg12[%add3A_76, %dma_wait3A_79] : memref<10008x128xf32, #tpu.memory_space<vmem_shared>> -> memref<128x128xf32, #tpu.memory_space<vmem_shared>>
    tpu.wait_dma2 semaphore(%arg13 : memref<!tpu.dma_semaphore, #tpu.memory_space<semaphore_mem>>) src(%arg10 : memref<128x128xf32, #tpu.memory_space<vmem>>) dst(%dma_wait3A_80 : memref<128x128xf32, #tpu.memory_space<vmem_shared>>)
    %add3A_81 = arith.constant 384 : i32
    %add3A_82 = arith.addi %mul3A_0, %add3A_81 : i32
    %dma_wait3A_83 = arith.constant 0 : i32
    %dma_wait3A_84 = tpu.memref_slice %arg12[%add3A_82, %dma_wait3A_83] : memref<10008x128xf32, #tpu.memory_space<vmem_shared>> -> memref<128x128xf32, #tpu.memory_space<vmem_shared>>
    %dma_wait3A_85 = arith.constant 0 : i32
    %dma_wait3A_86 = tpu.memref_slice %arg12[%add3A_82, %dma_wait3A_85] : memref<10008x128xf32, #tpu.memory_space<vmem_shared>> -> memref<128x128xf32, #tpu.memory_space<vmem_shared>>
    tpu.wait_dma2 semaphore(%arg13 : memref<!tpu.dma_semaphore, #tpu.memory_space<semaphore_mem>>) src(%arg10 : memref<128x128xf32, #tpu.memory_space<vmem>>) dst(%dma_wait3A_86 : memref<128x128xf32, #tpu.memory_space<vmem_shared>>)
    %lt3A = arith.constant 15 : i32
    %lt3A_87 = arith.cmpi slt, %arg1, %lt3A : i32
    %convert_element_type3A = arith.extui %lt3A_87 : i1 to i32
    %cond3A = arith.constant 0 : i32
    %cond3A_88 = arith.cmpi ne, %convert_element_type3A, %cond3A : i32
    scf.if %cond3A_88 {
      %add3A_643 = arith.constant 512 : i32
      %add3A_644 = arith.addi %mul3A_0, %add3A_643 : i32
      "tpu.region"() ({
        %run_scoped3A_645 = tpu.sem_alloc : memref<!tpu.dma_semaphore, #tpu.memory_space<semaphore_mem>>
        %dma_start3A_646 = arith.constant 0 : i32
        %dma_start3A_647 = arith.constant 0 : i32
        %dma_start3A_648 = tpu.memref_slice %arg10[%dma_start3A_646, %dma_start3A_647] : memref<128x128xf32, #tpu.memory_space<vmem>> -> memref<120x128xf32, #tpu.memory_space<vmem>>
        %dma_start3A_649 = arith.constant 0 : i32
        %dma_start3A_650 = tpu.memref_slice %arg12[%add3A_644, %dma_start3A_649] : memref<10008x128xf32, #tpu.memory_space<vmem_shared>> -> memref<120x128xf32, #tpu.memory_space<vmem_shared>>
        %dma_start3A_651 = arith.constant 0 : i32
        %dma_start3A_652 = tpu.memref_slice %arg12[%add3A_644, %dma_start3A_651] : memref<10008x128xf32, #tpu.memory_space<vmem_shared>> -> memref<120x128xf32, #tpu.memory_space<vmem_shared>>
        %dma_start3A_653 = arith.constant 0 : i32
        %dma_start3A_654 = arith.constant 0 : i32
        %dma_start3A_655 = tpu.memref_slice %arg10[%dma_start3A_653, %dma_start3A_654] : memref<128x128xf32, #tpu.memory_space<vmem>> -> memref<120x128xf32, #tpu.memory_space<vmem>>
        tpu.enqueue_dma source(%dma_start3A_655 : memref<120x128xf32, #tpu.memory_space<vmem>>) target(%dma_start3A_652 : memref<120x128xf32, #tpu.memory_space<vmem_shared>>) target_semaphore(%run_scoped3A_645 : memref<!tpu.dma_semaphore, #tpu.memory_space<semaphore_mem>>)
        %dma_wait3A_656 = arith.constant 0 : i32
        %dma_wait3A_657 = arith.constant 0 : i32
        %dma_wait3A_658 = tpu.memref_slice %arg10[%dma_wait3A_656, %dma_wait3A_657] : memref<128x128xf32, #tpu.memory_space<vmem>> -> memref<120x128xf32, #tpu.memory_space<vmem>>
        %dma_wait3A_659 = arith.constant 0 : i32
        %dma_wait3A_660 = tpu.memref_slice %arg12[%add3A_644, %dma_wait3A_659] : memref<10008x128xf32, #tpu.memory_space<vmem_shared>> -> memref<120x128xf32, #tpu.memory_space<vmem_shared>>
        %dma_wait3A_661 = arith.constant 0 : i32
        %dma_wait3A_662 = tpu.memref_slice %arg12[%add3A_644, %dma_wait3A_661] : memref<10008x128xf32, #tpu.memory_space<vmem_shared>> -> memref<120x128xf32, #tpu.memory_space<vmem_shared>>
        %dma_wait3A_663 = arith.constant 0 : i32
        %dma_wait3A_664 = arith.constant 0 : i32
        %dma_wait3A_665 = tpu.memref_slice %arg10[%dma_wait3A_663, %dma_wait3A_664] : memref<128x128xf32, #tpu.memory_space<vmem>> -> memref<120x128xf32, #tpu.memory_space<vmem>>
        tpu.wait_dma2 semaphore(%run_scoped3A_645 : memref<!tpu.dma_semaphore, #tpu.memory_space<semaphore_mem>>) src(%dma_wait3A_665 : memref<120x128xf32, #tpu.memory_space<vmem>>) dst(%dma_wait3A_662 : memref<120x128xf32, #tpu.memory_space<vmem_shared>>)
        tpu.yield
      }) : () -> ()
    } else {
    }
    %eq3A = arith.constant 15 : i32
    %eq3A_89 = arith.cmpi eq, %arg1, %eq3A : i32
    %convert_element_type3A_90 = arith.extui %eq3A_89 : i1 to i32
    %cond3A_91 = arith.constant 0 : i32
    %cond3A_92 = arith.cmpi ne, %convert_element_type3A_90, %cond3A_91 : i32
    scf.if %cond3A_92 {
      %add3A_643 = arith.constant 512 : i32
      %add3A_644 = arith.addi %mul3A_0, %add3A_643 : i32
      "tpu.region"() ({
        %run_scoped3A_645 = tpu.sem_alloc : memref<!tpu.dma_semaphore, #tpu.memory_space<semaphore_mem>>
        %dma_start3A_646 = arith.constant 0 : i32
        %dma_start3A_647 = arith.constant 0 : i32
        %dma_start3A_648 = tpu.memref_slice %arg10[%dma_start3A_646, %dma_start3A_647] : memref<128x128xf32, #tpu.memory_space<vmem>> -> memref<16x128xf32, #tpu.memory_space<vmem>>
        %dma_start3A_649 = arith.constant 0 : i32
        %dma_start3A_650 = tpu.memref_slice %arg12[%add3A_644, %dma_start3A_649] : memref<10008x128xf32, #tpu.memory_space<vmem_shared>> -> memref<16x128xf32, #tpu.memory_space<vmem_shared>>
        %dma_start3A_651 = arith.constant 0 : i32
        %dma_start3A_652 = tpu.memref_slice %arg12[%add3A_644, %dma_start3A_651] : memref<10008x128xf32, #tpu.memory_space<vmem_shared>> -> memref<16x128xf32, #tpu.memory_space<vmem_shared>>
        %dma_start3A_653 = arith.constant 0 : i32
        %dma_start3A_654 = arith.constant 0 : i32
        %dma_start3A_655 = tpu.memref_slice %arg10[%dma_start3A_653, %dma_start3A_654] : memref<128x128xf32, #tpu.memory_space<vmem>> -> memref<16x128xf32, #tpu.memory_space<vmem>>
        tpu.enqueue_dma source(%dma_start3A_655 : memref<16x128xf32, #tpu.memory_space<vmem>>) target(%dma_start3A_652 : memref<16x128xf32, #tpu.memory_space<vmem_shared>>) target_semaphore(%run_scoped3A_645 : memref<!tpu.dma_semaphore, #tpu.memory_space<semaphore_mem>>)
        %dma_wait3A_656 = arith.constant 0 : i32
        %dma_wait3A_657 = arith.constant 0 : i32
        %dma_wait3A_658 = tpu.memref_slice %arg10[%dma_wait3A_656, %dma_wait3A_657] : memref<128x128xf32, #tpu.memory_space<vmem>> -> memref<16x128xf32, #tpu.memory_space<vmem>>
        %dma_wait3A_659 = arith.constant 0 : i32
        %dma_wait3A_660 = tpu.memref_slice %arg12[%add3A_644, %dma_wait3A_659] : memref<10008x128xf32, #tpu.memory_space<vmem_shared>> -> memref<16x128xf32, #tpu.memory_space<vmem_shared>>
        %dma_wait3A_661 = arith.constant 0 : i32
        %dma_wait3A_662 = tpu.memref_slice %arg12[%add3A_644, %dma_wait3A_661] : memref<10008x128xf32, #tpu.memory_space<vmem_shared>> -> memref<16x128xf32, #tpu.memory_space<vmem_shared>>
        %dma_wait3A_663 = arith.constant 0 : i32
        %dma_wait3A_664 = arith.constant 0 : i32
        %dma_wait3A_665 = tpu.memref_slice %arg10[%dma_wait3A_663, %dma_wait3A_664] : memref<128x128xf32, #tpu.memory_space<vmem>> -> memref<16x128xf32, #tpu.memory_space<vmem>>
        tpu.wait_dma2 semaphore(%run_scoped3A_645 : memref<!tpu.dma_semaphore, #tpu.memory_space<semaphore_mem>>) src(%dma_wait3A_665 : memref<16x128xf32, #tpu.memory_space<vmem>>) dst(%dma_wait3A_662 : memref<16x128xf32, #tpu.memory_space<vmem_shared>>)
        tpu.yield
      }) : () -> ()
    } else {
    }
    %barrier3A = arith.constant 0 : index
    tpu.barrier barrier_id(%barrier3A)
    %dma_wait3A_93 = arith.constant 0 : i32
    %dma_wait3A_94 = arith.constant 0 : i32
    %dma_wait3A_95 = arith.constant 0 : i32
    %dma_wait3A_96 = tpu.memref_slice %arg3[%arg0, %arg1, %dma_wait3A_93, %dma_wait3A_94, %dma_wait3A_95] : memref<2x16x8x20x128xi32, #tpu.memory_space<hbm>> -> memref<1x1x1x20x128xi32, #tpu.memory_space<hbm>>
    %dma_wait3A_97 = tpu.memref_squeeze %dma_wait3A_96 : memref<1x1x1x20x128xi32, #tpu.memory_space<hbm>> -> memref<20x128xi32, #tpu.memory_space<hbm>>
    %dma_wait3A_98 = arith.constant 0 : i32
    %dma_wait3A_99 = arith.constant 0 : i32
    %dma_wait3A_100 = tpu.memref_slice %arg3[%arg0, %arg1, %dma_wait3A_93, %dma_wait3A_98, %dma_wait3A_99] : memref<2x16x8x20x128xi32, #tpu.memory_space<hbm>> -> memref<1x1x1x20x128xi32, #tpu.memory_space<hbm>>
    %dma_wait3A_101 = tpu.memref_squeeze %dma_wait3A_100 : memref<1x1x1x20x128xi32, #tpu.memory_space<hbm>> -> memref<20x128xi32, #tpu.memory_space<hbm>>
    tpu.wait_dma2 semaphore(%arg15 : memref<!tpu.dma_semaphore, #tpu.memory_space<semaphore_mem>>) src(%dma_wait3A_101 : memref<20x128xi32, #tpu.memory_space<hbm>>) dst(%arg6 : memref<20x128xi32, #tpu.memory_space<vmem>>)
    %dma_wait3A_102 = arith.constant 0 : i32
    %dma_wait3A_103 = arith.constant 0 : i32
    %dma_wait3A_104 = arith.constant 0 : i32
    %dma_wait3A_105 = tpu.memref_slice %arg4[%arg1, %dma_wait3A_102, %dma_wait3A_103, %dma_wait3A_104] : memref<16x8x20x128xi32, #tpu.memory_space<hbm>> -> memref<1x1x20x128xi32, #tpu.memory_space<hbm>>
    %dma_wait3A_106 = tpu.memref_squeeze %dma_wait3A_105 : memref<1x1x20x128xi32, #tpu.memory_space<hbm>> -> memref<20x128xi32, #tpu.memory_space<hbm>>
    %dma_wait3A_107 = arith.constant 0 : i32
    %dma_wait3A_108 = arith.constant 0 : i32
    %dma_wait3A_109 = tpu.memref_slice %arg4[%arg1, %dma_wait3A_102, %dma_wait3A_107, %dma_wait3A_108] : memref<16x8x20x128xi32, #tpu.memory_space<hbm>> -> memref<1x1x20x128xi32, #tpu.memory_space<hbm>>
    %dma_wait3A_110 = tpu.memref_squeeze %dma_wait3A_109 : memref<1x1x20x128xi32, #tpu.memory_space<hbm>> -> memref<20x128xi32, #tpu.memory_space<hbm>>
    tpu.wait_dma2 semaphore(%arg15 : memref<!tpu.dma_semaphore, #tpu.memory_space<semaphore_mem>>) src(%dma_wait3A_110 : memref<20x128xi32, #tpu.memory_space<hbm>>) dst(%arg7 : memref<20x128xi32, #tpu.memory_space<vmem>>)
    %dma_start3A_111 = arith.constant 0 : i32
    %dma_start3A_112 = arith.constant 0 : i32
    %dma_start3A_113 = tpu.memref_slice %arg6[%dma_start3A_111, %dma_start3A_112] : memref<20x128xi32, #tpu.memory_space<vmem>> -> memref<1x128xi32, #tpu.memory_space<vmem>>
    %dma_start3A_114 = tpu.memref_squeeze %dma_start3A_113 : memref<1x128xi32, #tpu.memory_space<vmem>> -> memref<128xi32, #tpu.memory_space<vmem>>
    %dma_start3A_115 = arith.constant 0 : i32
    %dma_start3A_116 = arith.constant 0 : i32
    %dma_start3A_117 = tpu.memref_slice %arg2[%dma_start3A_115, %dma_start3A_116] : memref<20000x128xf32, #tpu.memory_space<hbm>> -> memref<20000x128xf32, #tpu.memory_space<hbm>>
    tpu.enqueue_indirect_dma source(%dma_start3A_117 : memref<20000x128xf32, #tpu.memory_space<hbm>>) target(%arg10 : memref<128x128xf32, #tpu.memory_space<vmem>>) offsets(%dma_start3A_114 : memref<128xi32, #tpu.memory_space<vmem>>) semaphore(%arg13 : memref<!tpu.dma_semaphore, #tpu.memory_space<semaphore_mem>>)
    %scan3A_118 = arith.constant 0 : i32
    %scan3A_119 = arith.constant 0 : i32
    %scan3A_120 = arith.constant 9 : i32
    %scan3A_121 = arith.addi %scan3A_119, %scan3A_120 : i32
    %scan3A_122 = arith.constant 1 : i32
    scf.for %scan3A_643 = %scan3A_119 to %scan3A_121 step %scan3A_122  : i32 {
      %mul3A_644 = arith.constant 2 : i32
      %mul3A_645 = arith.muli %mul3A_644, %scan3A_643 : i32
      %add3A_646 = arith.constant 1 : i32
      %add3A_647 = arith.addi %mul3A_645, %add3A_646 : i32
      %dma_start3A_648 = arith.constant 0 : i32
      %dma_start3A_649 = tpu.memref_slice %arg6[%add3A_647, %dma_start3A_648] : memref<20x128xi32, #tpu.memory_space<vmem>> -> memref<1x128xi32, #tpu.memory_space<vmem>>
      %dma_start3A_650 = tpu.memref_squeeze %dma_start3A_649 : memref<1x128xi32, #tpu.memory_space<vmem>> -> memref<128xi32, #tpu.memory_space<vmem>>
      %dma_start3A_651 = arith.constant 0 : i32
      %dma_start3A_652 = arith.constant 0 : i32
      %dma_start3A_653 = tpu.memref_slice %arg2[%dma_start3A_651, %dma_start3A_652] : memref<20000x128xf32, #tpu.memory_space<hbm>> -> memref<20000x128xf32, #tpu.memory_space<hbm>>
      tpu.enqueue_indirect_dma source(%dma_start3A_653 : memref<20000x128xf32, #tpu.memory_space<hbm>>) target(%arg11 : memref<128x128xf32, #tpu.memory_space<vmem>>) offsets(%dma_start3A_650 : memref<128xi32, #tpu.memory_space<vmem>>) semaphore(%arg14 : memref<!tpu.dma_semaphore, #tpu.memory_space<semaphore_mem>>)
      %dma_wait3A_654 = arith.constant 0 : i32
      %dma_wait3A_655 = tpu.memref_slice %arg6[%mul3A_645, %dma_wait3A_654] : memref<20x128xi32, #tpu.memory_space<vmem>> -> memref<1x128xi32, #tpu.memory_space<vmem>>
      %dma_wait3A_656 = tpu.memref_squeeze %dma_wait3A_655 : memref<1x128xi32, #tpu.memory_space<vmem>> -> memref<128xi32, #tpu.memory_space<vmem>>
      %dma_wait3A_657 = arith.constant 0 : i32
      %dma_wait3A_658 = arith.constant 0 : i32
      %dma_wait3A_659 = tpu.memref_slice %arg2[%dma_wait3A_657, %dma_wait3A_658] : memref<20000x128xf32, #tpu.memory_space<hbm>> -> memref<20000x128xf32, #tpu.memory_space<hbm>>
      tpu.wait_indirect_dma semaphore(%arg13 : memref<!tpu.dma_semaphore, #tpu.memory_space<semaphore_mem>>) src(%dma_wait3A_659 : memref<20000x128xf32, #tpu.memory_space<hbm>>) dst(%arg10 : memref<128x128xf32, #tpu.memory_space<vmem>>)
      "tpu.region"() ({
        %run_scoped3A_678 = tpu.sem_alloc : memref<!tpu.dma_semaphore, #tpu.memory_space<semaphore_mem>>
        %dma_start3A_679 = arith.constant 0 : i32
        %dma_start3A_680 = tpu.memref_slice %arg7[%mul3A_645, %dma_start3A_679] : memref<20x128xi32, #tpu.memory_space<vmem>> -> memref<1x128xi32, #tpu.memory_space<vmem>>
        %dma_start3A_681 = tpu.memref_squeeze %dma_start3A_680 : memref<1x128xi32, #tpu.memory_space<vmem>> -> memref<128xi32, #tpu.memory_space<vmem>>
        %dma_start3A_682 = arith.constant 0 : i32
        %dma_start3A_683 = arith.constant 0 : i32
        %dma_start3A_684 = tpu.memref_slice %arg12[%dma_start3A_682, %dma_start3A_683] : memref<10008x128xf32, #tpu.memory_space<vmem_shared>> -> memref<10008x128xf32, #tpu.memory_space<vmem_shared>>
        tpu.enqueue_indirect_dma source(%arg10 : memref<128x128xf32, #tpu.memory_space<vmem>>) target(%dma_start3A_684 : memref<10008x128xf32, #tpu.memory_space<vmem_shared>>) offsets(%dma_start3A_681 : memref<128xi32, #tpu.memory_space<vmem>>) semaphore(%run_scoped3A_678 : memref<!tpu.dma_semaphore, #tpu.memory_space<semaphore_mem>>) {add = true}
        %dma_wait3A_685 = arith.constant 0 : i32
        %dma_wait3A_686 = tpu.memref_slice %arg7[%mul3A_645, %dma_wait3A_685] : memref<20x128xi32, #tpu.memory_space<vmem>> -> memref<1x128xi32, #tpu.memory_space<vmem>>
        %dma_wait3A_687 = tpu.memref_squeeze %dma_wait3A_686 : memref<1x128xi32, #tpu.memory_space<vmem>> -> memref<128xi32, #tpu.memory_space<vmem>>
        %dma_wait3A_688 = arith.constant 0 : i32
        %dma_wait3A_689 = arith.constant 0 : i32
        %dma_wait3A_690 = tpu.memref_slice %arg12[%dma_wait3A_688, %dma_wait3A_689] : memref<10008x128xf32, #tpu.memory_space<vmem_shared>> -> memref<10008x128xf32, #tpu.memory_space<vmem_shared>>
        tpu.wait_indirect_dma semaphore(%run_scoped3A_678 : memref<!tpu.dma_semaphore, #tpu.memory_space<semaphore_mem>>) src(%arg10 : memref<128x128xf32, #tpu.memory_space<vmem>>) dst(%dma_wait3A_690 : memref<10008x128xf32, #tpu.memory_space<vmem_shared>>)
        tpu.yield
      }) : () -> ()
      %add3A_660 = arith.constant 2 : i32
      %add3A_661 = arith.addi %mul3A_645, %add3A_660 : i32
      %dma_start3A_662 = arith.constant 0 : i32
      %dma_start3A_663 = tpu.memref_slice %arg6[%add3A_661, %dma_start3A_662] : memref<20x128xi32, #tpu.memory_space<vmem>> -> memref<1x128xi32, #tpu.memory_space<vmem>>
      %dma_start3A_664 = tpu.memref_squeeze %dma_start3A_663 : memref<1x128xi32, #tpu.memory_space<vmem>> -> memref<128xi32, #tpu.memory_space<vmem>>
      %dma_start3A_665 = arith.constant 0 : i32
      %dma_start3A_666 = arith.constant 0 : i32
      %dma_start3A_667 = tpu.memref_slice %arg2[%dma_start3A_665, %dma_start3A_666] : memref<20000x128xf32, #tpu.memory_space<hbm>> -> memref<20000x128xf32, #tpu.memory_space<hbm>>
      tpu.enqueue_indirect_dma source(%dma_start3A_667 : memref<20000x128xf32, #tpu.memory_space<hbm>>) target(%arg10 : memref<128x128xf32, #tpu.memory_space<vmem>>) offsets(%dma_start3A_664 : memref<128xi32, #tpu.memory_space<vmem>>) semaphore(%arg13 : memref<!tpu.dma_semaphore, #tpu.memory_space<semaphore_mem>>)
      %add3A_668 = arith.constant 1 : i32
      %add3A_669 = arith.addi %mul3A_645, %add3A_668 : i32
      %dma_wait3A_670 = arith.constant 0 : i32
      %dma_wait3A_671 = tpu.memref_slice %arg6[%add3A_669, %dma_wait3A_670] : memref<20x128xi32, #tpu.memory_space<vmem>> -> memref<1x128xi32, #tpu.memory_space<vmem>>
      %dma_wait3A_672 = tpu.memref_squeeze %dma_wait3A_671 : memref<1x128xi32, #tpu.memory_space<vmem>> -> memref<128xi32, #tpu.memory_space<vmem>>
      %dma_wait3A_673 = arith.constant 0 : i32
      %dma_wait3A_674 = arith.constant 0 : i32
      %dma_wait3A_675 = tpu.memref_slice %arg2[%dma_wait3A_673, %dma_wait3A_674] : memref<20000x128xf32, #tpu.memory_space<hbm>> -> memref<20000x128xf32, #tpu.memory_space<hbm>>
      tpu.wait_indirect_dma semaphore(%arg14 : memref<!tpu.dma_semaphore, #tpu.memory_space<semaphore_mem>>) src(%dma_wait3A_675 : memref<20000x128xf32, #tpu.memory_space<hbm>>) dst(%arg11 : memref<128x128xf32, #tpu.memory_space<vmem>>)
      %add3A_676 = arith.constant 1 : i32
      %add3A_677 = arith.addi %mul3A_645, %add3A_676 : i32
      "tpu.region"() ({
        %run_scoped3A_678 = tpu.sem_alloc : memref<!tpu.dma_semaphore, #tpu.memory_space<semaphore_mem>>
        %dma_start3A_679 = arith.constant 0 : i32
        %dma_start3A_680 = tpu.memref_slice %arg7[%add3A_677, %dma_start3A_679] : memref<20x128xi32, #tpu.memory_space<vmem>> -> memref<1x128xi32, #tpu.memory_space<vmem>>
        %dma_start3A_681 = tpu.memref_squeeze %dma_start3A_680 : memref<1x128xi32, #tpu.memory_space<vmem>> -> memref<128xi32, #tpu.memory_space<vmem>>
        %dma_start3A_682 = arith.constant 0 : i32
        %dma_start3A_683 = arith.constant 0 : i32
        %dma_start3A_684 = tpu.memref_slice %arg12[%dma_start3A_682, %dma_start3A_683] : memref<10008x128xf32, #tpu.memory_space<vmem_shared>> -> memref<10008x128xf32, #tpu.memory_space<vmem_shared>>
        tpu.enqueue_indirect_dma source(%arg11 : memref<128x128xf32, #tpu.memory_space<vmem>>) target(%dma_start3A_684 : memref<10008x128xf32, #tpu.memory_space<vmem_shared>>) offsets(%dma_start3A_681 : memref<128xi32, #tpu.memory_space<vmem>>) semaphore(%run_scoped3A_678 : memref<!tpu.dma_semaphore, #tpu.memory_space<semaphore_mem>>) {add = true}
        %dma_wait3A_685 = arith.constant 0 : i32
        %dma_wait3A_686 = tpu.memref_slice %arg7[%add3A_677, %dma_wait3A_685] : memref<20x128xi32, #tpu.memory_space<vmem>> -> memref<1x128xi32, #tpu.memory_space<vmem>>
        %dma_wait3A_687 = tpu.memref_squeeze %dma_wait3A_686 : memref<1x128xi32, #tpu.memory_space<vmem>> -> memref<128xi32, #tpu.memory_space<vmem>>
        %dma_wait3A_688 = arith.constant 0 : i32
        %dma_wait3A_689 = arith.constant 0 : i32
        %dma_wait3A_690 = tpu.memref_slice %arg12[%dma_wait3A_688, %dma_wait3A_689] : memref<10008x128xf32, #tpu.memory_space<vmem_shared>> -> memref<10008x128xf32, #tpu.memory_space<vmem_shared>>
        tpu.wait_indirect_dma semaphore(%run_scoped3A_678 : memref<!tpu.dma_semaphore, #tpu.memory_space<semaphore_mem>>) src(%arg11 : memref<128x128xf32, #tpu.memory_space<vmem>>) dst(%dma_wait3A_690 : memref<10008x128xf32, #tpu.memory_space<vmem_shared>>)
        tpu.yield
      }) : () -> ()
    }
    %scan3A_123 = arith.constant 9 : i32
    %dma_start3A_124 = arith.constant 19 : i32
    %dma_start3A_125 = arith.constant 0 : i32
    %dma_start3A_126 = tpu.memref_slice %arg6[%dma_start3A_124, %dma_start3A_125] : memref<20x128xi32, #tpu.memory_space<vmem>> -> memref<1x128xi32, #tpu.memory_space<vmem>>
    %dma_start3A_127 = tpu.memref_squeeze %dma_start3A_126 : memref<1x128xi32, #tpu.memory_space<vmem>> -> memref<128xi32, #tpu.memory_space<vmem>>
    %dma_start3A_128 = arith.constant 0 : i32
    %dma_start3A_129 = arith.constant 0 : i32
    %dma_start3A_130 = tpu.memref_slice %arg2[%dma_start3A_128, %dma_start3A_129] : memref<20000x128xf32, #tpu.memory_space<hbm>> -> memref<20000x128xf32, #tpu.memory_space<hbm>>
    tpu.enqueue_indirect_dma source(%dma_start3A_130 : memref<20000x128xf32, #tpu.memory_space<hbm>>) target(%arg11 : memref<128x128xf32, #tpu.memory_space<vmem>>) offsets(%dma_start3A_127 : memref<128xi32, #tpu.memory_space<vmem>>) semaphore(%arg14 : memref<!tpu.dma_semaphore, #tpu.memory_space<semaphore_mem>>)
    %dma_wait3A_131 = arith.constant 18 : i32
    %dma_wait3A_132 = arith.constant 0 : i32
    %dma_wait3A_133 = tpu.memref_slice %arg6[%dma_wait3A_131, %dma_wait3A_132] : memref<20x128xi32, #tpu.memory_space<vmem>> -> memref<1x128xi32, #tpu.memory_space<vmem>>
    %dma_wait3A_134 = tpu.memref_squeeze %dma_wait3A_133 : memref<1x128xi32, #tpu.memory_space<vmem>> -> memref<128xi32, #tpu.memory_space<vmem>>
    %dma_wait3A_135 = arith.constant 0 : i32
    %dma_wait3A_136 = arith.constant 0 : i32
    %dma_wait3A_137 = tpu.memref_slice %arg2[%dma_wait3A_135, %dma_wait3A_136] : memref<20000x128xf32, #tpu.memory_space<hbm>> -> memref<20000x128xf32, #tpu.memory_space<hbm>>
    tpu.wait_indirect_dma semaphore(%arg13 : memref<!tpu.dma_semaphore, #tpu.memory_space<semaphore_mem>>) src(%dma_wait3A_137 : memref<20000x128xf32, #tpu.memory_space<hbm>>) dst(%arg10 : memref<128x128xf32, #tpu.memory_space<vmem>>)
    %run_scoped3A = arith.constant 18 : i32
    "tpu.region"() ({
      %run_scoped3A_643 = tpu.sem_alloc : memref<!tpu.dma_semaphore, #tpu.memory_space<semaphore_mem>>
      %dma_start3A_644 = arith.constant 0 : i32
      %dma_start3A_645 = tpu.memref_slice %arg7[%run_scoped3A, %dma_start3A_644] : memref<20x128xi32, #tpu.memory_space<vmem>> -> memref<1x128xi32, #tpu.memory_space<vmem>>
      %dma_start3A_646 = tpu.memref_squeeze %dma_start3A_645 : memref<1x128xi32, #tpu.memory_space<vmem>> -> memref<128xi32, #tpu.memory_space<vmem>>
      %dma_start3A_647 = arith.constant 0 : i32
      %dma_start3A_648 = arith.constant 0 : i32
      %dma_start3A_649 = tpu.memref_slice %arg12[%dma_start3A_647, %dma_start3A_648] : memref<10008x128xf32, #tpu.memory_space<vmem_shared>> -> memref<10008x128xf32, #tpu.memory_space<vmem_shared>>
      tpu.enqueue_indirect_dma source(%arg10 : memref<128x128xf32, #tpu.memory_space<vmem>>) target(%dma_start3A_649 : memref<10008x128xf32, #tpu.memory_space<vmem_shared>>) offsets(%dma_start3A_646 : memref<128xi32, #tpu.memory_space<vmem>>) semaphore(%run_scoped3A_643 : memref<!tpu.dma_semaphore, #tpu.memory_space<semaphore_mem>>) {add = true}
      %dma_wait3A_650 = arith.constant 0 : i32
      %dma_wait3A_651 = tpu.memref_slice %arg7[%run_scoped3A, %dma_wait3A_650] : memref<20x128xi32, #tpu.memory_space<vmem>> -> memref<1x128xi32, #tpu.memory_space<vmem>>
      %dma_wait3A_652 = tpu.memref_squeeze %dma_wait3A_651 : memref<1x128xi32, #tpu.memory_space<vmem>> -> memref<128xi32, #tpu.memory_space<vmem>>
      %dma_wait3A_653 = arith.constant 0 : i32
      %dma_wait3A_654 = arith.constant 0 : i32
      %dma_wait3A_655 = tpu.memref_slice %arg12[%dma_wait3A_653, %dma_wait3A_654] : memref<10008x128xf32, #tpu.memory_space<vmem_shared>> -> memref<10008x128xf32, #tpu.memory_space<vmem_shared>>
      tpu.wait_indirect_dma semaphore(%run_scoped3A_643 : memref<!tpu.dma_semaphore, #tpu.memory_space<semaphore_mem>>) src(%arg10 : memref<128x128xf32, #tpu.memory_space<vmem>>) dst(%dma_wait3A_655 : memref<10008x128xf32, #tpu.memory_space<vmem_shared>>)
      tpu.yield
    }) : () -> ()
    %dma_wait3A_138 = arith.constant 1 : i32
    %dma_wait3A_139 = arith.constant 0 : i32
    %dma_wait3A_140 = arith.constant 0 : i32
    %dma_wait3A_141 = tpu.memref_slice %arg3[%arg0, %arg1, %dma_wait3A_138, %dma_wait3A_139, %dma_wait3A_140] : memref<2x16x8x20x128xi32, #tpu.memory_space<hbm>> -> memref<1x1x1x20x128xi32, #tpu.memory_space<hbm>>
    %dma_wait3A_142 = tpu.memref_squeeze %dma_wait3A_141 : memref<1x1x1x20x128xi32, #tpu.memory_space<hbm>> -> memref<20x128xi32, #tpu.memory_space<hbm>>
    %dma_wait3A_143 = arith.constant 0 : i32
    %dma_wait3A_144 = arith.constant 0 : i32
    %dma_wait3A_145 = tpu.memref_slice %arg3[%arg0, %arg1, %dma_wait3A_138, %dma_wait3A_143, %dma_wait3A_144] : memref<2x16x8x20x128xi32, #tpu.memory_space<hbm>> -> memref<1x1x1x20x128xi32, #tpu.memory_space<hbm>>
    %dma_wait3A_146 = tpu.memref_squeeze %dma_wait3A_145 : memref<1x1x1x20x128xi32, #tpu.memory_space<hbm>> -> memref<20x128xi32, #tpu.memory_space<hbm>>
    tpu.wait_dma2 semaphore(%arg16 : memref<!tpu.dma_semaphore, #tpu.memory_space<semaphore_mem>>) src(%dma_wait3A_146 : memref<20x128xi32, #tpu.memory_space<hbm>>) dst(%arg8 : memref<20x128xi32, #tpu.memory_space<vmem>>)
    %dma_wait3A_147 = arith.constant 1 : i32
    %dma_wait3A_148 = arith.constant 0 : i32
    %dma_wait3A_149 = arith.constant 0 : i32
    %dma_wait3A_150 = tpu.memref_slice %arg4[%arg1, %dma_wait3A_147, %dma_wait3A_148, %dma_wait3A_149] : memref<16x8x20x128xi32, #tpu.memory_space<hbm>> -> memref<1x1x20x128xi32, #tpu.memory_space<hbm>>
    %dma_wait3A_151 = tpu.memref_squeeze %dma_wait3A_150 : memref<1x1x20x128xi32, #tpu.memory_space<hbm>> -> memref<20x128xi32, #tpu.memory_space<hbm>>
    %dma_wait3A_152 = arith.constant 0 : i32
    %dma_wait3A_153 = arith.constant 0 : i32
    %dma_wait3A_154 = tpu.memref_slice %arg4[%arg1, %dma_wait3A_147, %dma_wait3A_152, %dma_wait3A_153] : memref<16x8x20x128xi32, #tpu.memory_space<hbm>> -> memref<1x1x20x128xi32, #tpu.memory_space<hbm>>
    %dma_wait3A_155 = tpu.memref_squeeze %dma_wait3A_154 : memref<1x1x20x128xi32, #tpu.memory_space<hbm>> -> memref<20x128xi32, #tpu.memory_space<hbm>>
    tpu.wait_dma2 semaphore(%arg16 : memref<!tpu.dma_semaphore, #tpu.memory_space<semaphore_mem>>) src(%dma_wait3A_155 : memref<20x128xi32, #tpu.memory_space<hbm>>) dst(%arg9 : memref<20x128xi32, #tpu.memory_space<vmem>>)
    %dma_start3A_156 = arith.constant 0 : i32
    %dma_start3A_157 = arith.constant 0 : i32
    %dma_start3A_158 = tpu.memref_slice %arg8[%dma_start3A_156, %dma_start3A_157] : memref<20x128xi32, #tpu.memory_space<vmem>> -> memref<1x128xi32, #tpu.memory_space<vmem>>
    %dma_start3A_159 = tpu.memref_squeeze %dma_start3A_158 : memref<1x128xi32, #tpu.memory_space<vmem>> -> memref<128xi32, #tpu.memory_space<vmem>>
    %dma_start3A_160 = arith.constant 0 : i32
    %dma_start3A_161 = arith.constant 0 : i32
    %dma_start3A_162 = tpu.memref_slice %arg2[%dma_start3A_160, %dma_start3A_161] : memref<20000x128xf32, #tpu.memory_space<hbm>> -> memref<20000x128xf32, #tpu.memory_space<hbm>>
    tpu.enqueue_indirect_dma source(%dma_start3A_162 : memref<20000x128xf32, #tpu.memory_space<hbm>>) target(%arg10 : memref<128x128xf32, #tpu.memory_space<vmem>>) offsets(%dma_start3A_159 : memref<128xi32, #tpu.memory_space<vmem>>) semaphore(%arg13 : memref<!tpu.dma_semaphore, #tpu.memory_space<semaphore_mem>>)
    %dma_wait3A_163 = arith.constant 19 : i32
    %dma_wait3A_164 = arith.constant 0 : i32
    %dma_wait3A_165 = tpu.memref_slice %arg6[%dma_wait3A_163, %dma_wait3A_164] : memref<20x128xi32, #tpu.memory_space<vmem>> -> memref<1x128xi32, #tpu.memory_space<vmem>>
    %dma_wait3A_166 = tpu.memref_squeeze %dma_wait3A_165 : memref<1x128xi32, #tpu.memory_space<vmem>> -> memref<128xi32, #tpu.memory_space<vmem>>
    %dma_wait3A_167 = arith.constant 0 : i32
    %dma_wait3A_168 = arith.constant 0 : i32
    %dma_wait3A_169 = tpu.memref_slice %arg2[%dma_wait3A_167, %dma_wait3A_168] : memref<20000x128xf32, #tpu.memory_space<hbm>> -> memref<20000x128xf32, #tpu.memory_space<hbm>>
    tpu.wait_indirect_dma semaphore(%arg14 : memref<!tpu.dma_semaphore, #tpu.memory_space<semaphore_mem>>) src(%dma_wait3A_169 : memref<20000x128xf32, #tpu.memory_space<hbm>>) dst(%arg11 : memref<128x128xf32, #tpu.memory_space<vmem>>)
    %run_scoped3A_170 = arith.constant 19 : i32
    "tpu.region"() ({
      %run_scoped3A_643 = tpu.sem_alloc : memref<!tpu.dma_semaphore, #tpu.memory_space<semaphore_mem>>
      %dma_start3A_644 = arith.constant 0 : i32
      %dma_start3A_645 = tpu.memref_slice %arg7[%run_scoped3A_170, %dma_start3A_644] : memref<20x128xi32, #tpu.memory_space<vmem>> -> memref<1x128xi32, #tpu.memory_space<vmem>>
      %dma_start3A_646 = tpu.memref_squeeze %dma_start3A_645 : memref<1x128xi32, #tpu.memory_space<vmem>> -> memref<128xi32, #tpu.memory_space<vmem>>
      %dma_start3A_647 = arith.constant 0 : i32
      %dma_start3A_648 = arith.constant 0 : i32
      %dma_start3A_649 = tpu.memref_slice %arg12[%dma_start3A_647, %dma_start3A_648] : memref<10008x128xf32, #tpu.memory_space<vmem_shared>> -> memref<10008x128xf32, #tpu.memory_space<vmem_shared>>
      tpu.enqueue_indirect_dma source(%arg11 : memref<128x128xf32, #tpu.memory_space<vmem>>) target(%dma_start3A_649 : memref<10008x128xf32, #tpu.memory_space<vmem_shared>>) offsets(%dma_start3A_646 : memref<128xi32, #tpu.memory_space<vmem>>) semaphore(%run_scoped3A_643 : memref<!tpu.dma_semaphore, #tpu.memory_space<semaphore_mem>>) {add = true}
      %dma_wait3A_650 = arith.constant 0 : i32
      %dma_wait3A_651 = tpu.memref_slice %arg7[%run_scoped3A_170, %dma_wait3A_650] : memref<20x128xi32, #tpu.memory_space<vmem>> -> memref<1x128xi32, #tpu.memory_space<vmem>>
      %dma_wait3A_652 = tpu.memref_squeeze %dma_wait3A_651 : memref<1x128xi32, #tpu.memory_space<vmem>> -> memref<128xi32, #tpu.memory_space<vmem>>
      %dma_wait3A_653 = arith.constant 0 : i32
      %dma_wait3A_654 = arith.constant 0 : i32
      %dma_wait3A_655 = tpu.memref_slice %arg12[%dma_wait3A_653, %dma_wait3A_654] : memref<10008x128xf32, #tpu.memory_space<vmem_shared>> -> memref<10008x128xf32, #tpu.memory_space<vmem_shared>>
      tpu.wait_indirect_dma semaphore(%run_scoped3A_643 : memref<!tpu.dma_semaphore, #tpu.memory_space<semaphore_mem>>) src(%arg11 : memref<128x128xf32, #tpu.memory_space<vmem>>) dst(%dma_wait3A_655 : memref<10008x128xf32, #tpu.memory_space<vmem_shared>>)
      tpu.yield
    }) : () -> ()
    %dma_start3A_171 = arith.constant 2 : i32
    %dma_start3A_172 = arith.constant 0 : i32
    %dma_start3A_173 = arith.constant 0 : i32
    %dma_start3A_174 = tpu.memref_slice %arg3[%arg0, %arg1, %dma_start3A_171, %dma_start3A_172, %dma_start3A_173] : memref<2x16x8x20x128xi32, #tpu.memory_space<hbm>> -> memref<1x1x1x20x128xi32, #tpu.memory_space<hbm>>
    %dma_start3A_175 = tpu.memref_squeeze %dma_start3A_174 : memref<1x1x1x20x128xi32, #tpu.memory_space<hbm>> -> memref<20x128xi32, #tpu.memory_space<hbm>>
    %dma_start3A_176 = arith.constant 0 : i32
    %dma_start3A_177 = arith.constant 0 : i32
    %dma_start3A_178 = tpu.memref_slice %arg3[%arg0, %arg1, %dma_start3A_171, %dma_start3A_176, %dma_start3A_177] : memref<2x16x8x20x128xi32, #tpu.memory_space<hbm>> -> memref<1x1x1x20x128xi32, #tpu.memory_space<hbm>>
    %dma_start3A_179 = tpu.memref_squeeze %dma_start3A_178 : memref<1x1x1x20x128xi32, #tpu.memory_space<hbm>> -> memref<20x128xi32, #tpu.memory_space<hbm>>
    tpu.enqueue_dma source(%dma_start3A_179 : memref<20x128xi32, #tpu.memory_space<hbm>>) target(%arg6 : memref<20x128xi32, #tpu.memory_space<vmem>>) target_semaphore(%arg15 : memref<!tpu.dma_semaphore, #tpu.memory_space<semaphore_mem>>)
    %dma_start3A_180 = arith.constant 2 : i32
    %dma_start3A_181 = arith.constant 0 : i32
    %dma_start3A_182 = arith.constant 0 : i32
    %dma_start3A_183 = tpu.memref_slice %arg4[%arg1, %dma_start3A_180, %dma_start3A_181, %dma_start3A_182] : memref<16x8x20x128xi32, #tpu.memory_space<hbm>> -> memref<1x1x20x128xi32, #tpu.memory_space<hbm>>
    %dma_start3A_184 = tpu.memref_squeeze %dma_start3A_183 : memref<1x1x20x128xi32, #tpu.memory_space<hbm>> -> memref<20x128xi32, #tpu.memory_space<hbm>>
    %dma_start3A_185 = arith.constant 0 : i32
    %dma_start3A_186 = arith.constant 0 : i32
    %dma_start3A_187 = tpu.memref_slice %arg4[%arg1, %dma_start3A_180, %dma_start3A_185, %dma_start3A_186] : memref<16x8x20x128xi32, #tpu.memory_space<hbm>> -> memref<1x1x20x128xi32, #tpu.memory_space<hbm>>
    %dma_start3A_188 = tpu.memref_squeeze %dma_start3A_187 : memref<1x1x20x128xi32, #tpu.memory_space<hbm>> -> memref<20x128xi32, #tpu.memory_space<hbm>>
    tpu.enqueue_dma source(%dma_start3A_188 : memref<20x128xi32, #tpu.memory_space<hbm>>) target(%arg7 : memref<20x128xi32, #tpu.memory_space<vmem>>) target_semaphore(%arg15 : memref<!tpu.dma_semaphore, #tpu.memory_space<semaphore_mem>>)
    %scan3A_189 = arith.constant 0 : i32
    %scan3A_190 = arith.constant 0 : i32
    %scan3A_191 = arith.constant 9 : i32
    %scan3A_192 = arith.addi %scan3A_190, %scan3A_191 : i32
    %scan3A_193 = arith.constant 1 : i32
    scf.for %scan3A_643 = %scan3A_190 to %scan3A_192 step %scan3A_193  : i32 {
      %mul3A_644 = arith.constant 2 : i32
      %mul3A_645 = arith.muli %mul3A_644, %scan3A_643 : i32
      %add3A_646 = arith.constant 1 : i32
      %add3A_647 = arith.addi %mul3A_645, %add3A_646 : i32
      %dma_start3A_648 = arith.constant 0 : i32
      %dma_start3A_649 = tpu.memref_slice %arg8[%add3A_647, %dma_start3A_648] : memref<20x128xi32, #tpu.memory_space<vmem>> -> memref<1x128xi32, #tpu.memory_space<vmem>>
      %dma_start3A_650 = tpu.memref_squeeze %dma_start3A_649 : memref<1x128xi32, #tpu.memory_space<vmem>> -> memref<128xi32, #tpu.memory_space<vmem>>
      %dma_start3A_651 = arith.constant 0 : i32
      %dma_start3A_652 = arith.constant 0 : i32
      %dma_start3A_653 = tpu.memref_slice %arg2[%dma_start3A_651, %dma_start3A_652] : memref<20000x128xf32, #tpu.memory_space<hbm>> -> memref<20000x128xf32, #tpu.memory_space<hbm>>
      tpu.enqueue_indirect_dma source(%dma_start3A_653 : memref<20000x128xf32, #tpu.memory_space<hbm>>) target(%arg11 : memref<128x128xf32, #tpu.memory_space<vmem>>) offsets(%dma_start3A_650 : memref<128xi32, #tpu.memory_space<vmem>>) semaphore(%arg14 : memref<!tpu.dma_semaphore, #tpu.memory_space<semaphore_mem>>)
      %dma_wait3A_654 = arith.constant 0 : i32
      %dma_wait3A_655 = tpu.memref_slice %arg8[%mul3A_645, %dma_wait3A_654] : memref<20x128xi32, #tpu.memory_space<vmem>> -> memref<1x128xi32, #tpu.memory_space<vmem>>
      %dma_wait3A_656 = tpu.memref_squeeze %dma_wait3A_655 : memref<1x128xi32, #tpu.memory_space<vmem>> -> memref<128xi32, #tpu.memory_space<vmem>>
      %dma_wait3A_657 = arith.constant 0 : i32
      %dma_wait3A_658 = arith.constant 0 : i32
      %dma_wait3A_659 = tpu.memref_slice %arg2[%dma_wait3A_657, %dma_wait3A_658] : memref<20000x128xf32, #tpu.memory_space<hbm>> -> memref<20000x128xf32, #tpu.memory_space<hbm>>
      tpu.wait_indirect_dma semaphore(%arg13 : memref<!tpu.dma_semaphore, #tpu.memory_space<semaphore_mem>>) src(%dma_wait3A_659 : memref<20000x128xf32, #tpu.memory_space<hbm>>) dst(%arg10 : memref<128x128xf32, #tpu.memory_space<vmem>>)
      "tpu.region"() ({
        %run_scoped3A_678 = tpu.sem_alloc : memref<!tpu.dma_semaphore, #tpu.memory_space<semaphore_mem>>
        %dma_start3A_679 = arith.constant 0 : i32
        %dma_start3A_680 = tpu.memref_slice %arg9[%mul3A_645, %dma_start3A_679] : memref<20x128xi32, #tpu.memory_space<vmem>> -> memref<1x128xi32, #tpu.memory_space<vmem>>
        %dma_start3A_681 = tpu.memref_squeeze %dma_start3A_680 : memref<1x128xi32, #tpu.memory_space<vmem>> -> memref<128xi32, #tpu.memory_space<vmem>>
        %dma_start3A_682 = arith.constant 0 : i32
        %dma_start3A_683 = arith.constant 0 : i32
        %dma_start3A_684 = tpu.memref_slice %arg12[%dma_start3A_682, %dma_start3A_683] : memref<10008x128xf32, #tpu.memory_space<vmem_shared>> -> memref<10008x128xf32, #tpu.memory_space<vmem_shared>>
        tpu.enqueue_indirect_dma source(%arg10 : memref<128x128xf32, #tpu.memory_space<vmem>>) target(%dma_start3A_684 : memref<10008x128xf32, #tpu.memory_space<vmem_shared>>) offsets(%dma_start3A_681 : memref<128xi32, #tpu.memory_space<vmem>>) semaphore(%run_scoped3A_678 : memref<!tpu.dma_semaphore, #tpu.memory_space<semaphore_mem>>) {add = true}
        %dma_wait3A_685 = arith.constant 0 : i32
        %dma_wait3A_686 = tpu.memref_slice %arg9[%mul3A_645, %dma_wait3A_685] : memref<20x128xi32, #tpu.memory_space<vmem>> -> memref<1x128xi32, #tpu.memory_space<vmem>>
        %dma_wait3A_687 = tpu.memref_squeeze %dma_wait3A_686 : memref<1x128xi32, #tpu.memory_space<vmem>> -> memref<128xi32, #tpu.memory_space<vmem>>
        %dma_wait3A_688 = arith.constant 0 : i32
        %dma_wait3A_689 = arith.constant 0 : i32
        %dma_wait3A_690 = tpu.memref_slice %arg12[%dma_wait3A_688, %dma_wait3A_689] : memref<10008x128xf32, #tpu.memory_space<vmem_shared>> -> memref<10008x128xf32, #tpu.memory_space<vmem_shared>>
        tpu.wait_indirect_dma semaphore(%run_scoped3A_678 : memref<!tpu.dma_semaphore, #tpu.memory_space<semaphore_mem>>) src(%arg10 : memref<128x128xf32, #tpu.memory_space<vmem>>) dst(%dma_wait3A_690 : memref<10008x128xf32, #tpu.memory_space<vmem_shared>>)
        tpu.yield
      }) : () -> ()
      %add3A_660 = arith.constant 2 : i32
      %add3A_661 = arith.addi %mul3A_645, %add3A_660 : i32
      %dma_start3A_662 = arith.constant 0 : i32
      %dma_start3A_663 = tpu.memref_slice %arg8[%add3A_661, %dma_start3A_662] : memref<20x128xi32, #tpu.memory_space<vmem>> -> memref<1x128xi32, #tpu.memory_space<vmem>>
      %dma_start3A_664 = tpu.memref_squeeze %dma_start3A_663 : memref<1x128xi32, #tpu.memory_space<vmem>> -> memref<128xi32, #tpu.memory_space<vmem>>
      %dma_start3A_665 = arith.constant 0 : i32
      %dma_start3A_666 = arith.constant 0 : i32
      %dma_start3A_667 = tpu.memref_slice %arg2[%dma_start3A_665, %dma_start3A_666] : memref<20000x128xf32, #tpu.memory_space<hbm>> -> memref<20000x128xf32, #tpu.memory_space<hbm>>
      tpu.enqueue_indirect_dma source(%dma_start3A_667 : memref<20000x128xf32, #tpu.memory_space<hbm>>) target(%arg10 : memref<128x128xf32, #tpu.memory_space<vmem>>) offsets(%dma_start3A_664 : memref<128xi32, #tpu.memory_space<vmem>>) semaphore(%arg13 : memref<!tpu.dma_semaphore, #tpu.memory_space<semaphore_mem>>)
      %add3A_668 = arith.constant 1 : i32
      %add3A_669 = arith.addi %mul3A_645, %add3A_668 : i32
      %dma_wait3A_670 = arith.constant 0 : i32
      %dma_wait3A_671 = tpu.memref_slice %arg8[%add3A_669, %dma_wait3A_670] : memref<20x128xi32, #tpu.memory_space<vmem>> -> memref<1x128xi32, #tpu.memory_space<vmem>>
      %dma_wait3A_672 = tpu.memref_squeeze %dma_wait3A_671 : memref<1x128xi32, #tpu.memory_space<vmem>> -> memref<128xi32, #tpu.memory_space<vmem>>
      %dma_wait3A_673 = arith.constant 0 : i32
      %dma_wait3A_674 = arith.constant 0 : i32
      %dma_wait3A_675 = tpu.memref_slice %arg2[%dma_wait3A_673, %dma_wait3A_674] : memref<20000x128xf32, #tpu.memory_space<hbm>> -> memref<20000x128xf32, #tpu.memory_space<hbm>>
      tpu.wait_indirect_dma semaphore(%arg14 : memref<!tpu.dma_semaphore, #tpu.memory_space<semaphore_mem>>) src(%dma_wait3A_675 : memref<20000x128xf32, #tpu.memory_space<hbm>>) dst(%arg11 : memref<128x128xf32, #tpu.memory_space<vmem>>)
      %add3A_676 = arith.constant 1 : i32
      %add3A_677 = arith.addi %mul3A_645, %add3A_676 : i32
      "tpu.region"() ({
        %run_scoped3A_678 = tpu.sem_alloc : memref<!tpu.dma_semaphore, #tpu.memory_space<semaphore_mem>>
        %dma_start3A_679 = arith.constant 0 : i32
        %dma_start3A_680 = tpu.memref_slice %arg9[%add3A_677, %dma_start3A_679] : memref<20x128xi32, #tpu.memory_space<vmem>> -> memref<1x128xi32, #tpu.memory_space<vmem>>
        %dma_start3A_681 = tpu.memref_squeeze %dma_start3A_680 : memref<1x128xi32, #tpu.memory_space<vmem>> -> memref<128xi32, #tpu.memory_space<vmem>>
        %dma_start3A_682 = arith.constant 0 : i32
        %dma_start3A_683 = arith.constant 0 : i32
        %dma_start3A_684 = tpu.memref_slice %arg12[%dma_start3A_682, %dma_start3A_683] : memref<10008x128xf32, #tpu.memory_space<vmem_shared>> -> memref<10008x128xf32, #tpu.memory_space<vmem_shared>>
        tpu.enqueue_indirect_dma source(%arg11 : memref<128x128xf32, #tpu.memory_space<vmem>>) target(%dma_start3A_684 : memref<10008x128xf32, #tpu.memory_space<vmem_shared>>) offsets(%dma_start3A_681 : memref<128xi32, #tpu.memory_space<vmem>>) semaphore(%run_scoped3A_678 : memref<!tpu.dma_semaphore, #tpu.memory_space<semaphore_mem>>) {add = true}
        %dma_wait3A_685 = arith.constant 0 : i32
        %dma_wait3A_686 = tpu.memref_slice %arg9[%add3A_677, %dma_wait3A_685] : memref<20x128xi32, #tpu.memory_space<vmem>> -> memref<1x128xi32, #tpu.memory_space<vmem>>
        %dma_wait3A_687 = tpu.memref_squeeze %dma_wait3A_686 : memref<1x128xi32, #tpu.memory_space<vmem>> -> memref<128xi32, #tpu.memory_space<vmem>>
        %dma_wait3A_688 = arith.constant 0 : i32
        %dma_wait3A_689 = arith.constant 0 : i32
        %dma_wait3A_690 = tpu.memref_slice %arg12[%dma_wait3A_688, %dma_wait3A_689] : memref<10008x128xf32, #tpu.memory_space<vmem_shared>> -> memref<10008x128xf32, #tpu.memory_space<vmem_shared>>
        tpu.wait_indirect_dma semaphore(%run_scoped3A_678 : memref<!tpu.dma_semaphore, #tpu.memory_space<semaphore_mem>>) src(%arg11 : memref<128x128xf32, #tpu.memory_space<vmem>>) dst(%dma_wait3A_690 : memref<10008x128xf32, #tpu.memory_space<vmem_shared>>)
        tpu.yield
      }) : () -> ()
    }
    %scan3A_194 = arith.constant 9 : i32
    %dma_start3A_195 = arith.constant 19 : i32
    %dma_start3A_196 = arith.constant 0 : i32
    %dma_start3A_197 = tpu.memref_slice %arg8[%dma_start3A_195, %dma_start3A_196] : memref<20x128xi32, #tpu.memory_space<vmem>> -> memref<1x128xi32, #tpu.memory_space<vmem>>
    %dma_start3A_198 = tpu.memref_squeeze %dma_start3A_197 : memref<1x128xi32, #tpu.memory_space<vmem>> -> memref<128xi32, #tpu.memory_space<vmem>>
    %dma_start3A_199 = arith.constant 0 : i32
    %dma_start3A_200 = arith.constant 0 : i32
    %dma_start3A_201 = tpu.memref_slice %arg2[%dma_start3A_199, %dma_start3A_200] : memref<20000x128xf32, #tpu.memory_space<hbm>> -> memref<20000x128xf32, #tpu.memory_space<hbm>>
    tpu.enqueue_indirect_dma source(%dma_start3A_201 : memref<20000x128xf32, #tpu.memory_space<hbm>>) target(%arg11 : memref<128x128xf32, #tpu.memory_space<vmem>>) offsets(%dma_start3A_198 : memref<128xi32, #tpu.memory_space<vmem>>) semaphore(%arg14 : memref<!tpu.dma_semaphore, #tpu.memory_space<semaphore_mem>>)
    %dma_wait3A_202 = arith.constant 18 : i32
    %dma_wait3A_203 = arith.constant 0 : i32
    %dma_wait3A_204 = tpu.memref_slice %arg8[%dma_wait3A_202, %dma_wait3A_203] : memref<20x128xi32, #tpu.memory_space<vmem>> -> memref<1x128xi32, #tpu.memory_space<vmem>>
    %dma_wait3A_205 = tpu.memref_squeeze %dma_wait3A_204 : memref<1x128xi32, #tpu.memory_space<vmem>> -> memref<128xi32, #tpu.memory_space<vmem>>
    %dma_wait3A_206 = arith.constant 0 : i32
    %dma_wait3A_207 = arith.constant 0 : i32
    %dma_wait3A_208 = tpu.memref_slice %arg2[%dma_wait3A_206, %dma_wait3A_207] : memref<20000x128xf32, #tpu.memory_space<hbm>> -> memref<20000x128xf32, #tpu.memory_space<hbm>>
    tpu.wait_indirect_dma semaphore(%arg13 : memref<!tpu.dma_semaphore, #tpu.memory_space<semaphore_mem>>) src(%dma_wait3A_208 : memref<20000x128xf32, #tpu.memory_space<hbm>>) dst(%arg10 : memref<128x128xf32, #tpu.memory_space<vmem>>)
    %run_scoped3A_209 = arith.constant 18 : i32
    "tpu.region"() ({
      %run_scoped3A_643 = tpu.sem_alloc : memref<!tpu.dma_semaphore, #tpu.memory_space<semaphore_mem>>
      %dma_start3A_644 = arith.constant 0 : i32
      %dma_start3A_645 = tpu.memref_slice %arg9[%run_scoped3A_209, %dma_start3A_644] : memref<20x128xi32, #tpu.memory_space<vmem>> -> memref<1x128xi32, #tpu.memory_space<vmem>>
      %dma_start3A_646 = tpu.memref_squeeze %dma_start3A_645 : memref<1x128xi32, #tpu.memory_space<vmem>> -> memref<128xi32, #tpu.memory_space<vmem>>
      %dma_start3A_647 = arith.constant 0 : i32
      %dma_start3A_648 = arith.constant 0 : i32
      %dma_start3A_649 = tpu.memref_slice %arg12[%dma_start3A_647, %dma_start3A_648] : memref<10008x128xf32, #tpu.memory_space<vmem_shared>> -> memref<10008x128xf32, #tpu.memory_space<vmem_shared>>
      tpu.enqueue_indirect_dma source(%arg10 : memref<128x128xf32, #tpu.memory_space<vmem>>) target(%dma_start3A_649 : memref<10008x128xf32, #tpu.memory_space<vmem_shared>>) offsets(%dma_start3A_646 : memref<128xi32, #tpu.memory_space<vmem>>) semaphore(%run_scoped3A_643 : memref<!tpu.dma_semaphore, #tpu.memory_space<semaphore_mem>>) {add = true}
      %dma_wait3A_650 = arith.constant 0 : i32
      %dma_wait3A_651 = tpu.memref_slice %arg9[%run_scoped3A_209, %dma_wait3A_650] : memref<20x128xi32, #tpu.memory_space<vmem>> -> memref<1x128xi32, #tpu.memory_space<vmem>>
      %dma_wait3A_652 = tpu.memref_squeeze %dma_wait3A_651 : memref<1x128xi32, #tpu.memory_space<vmem>> -> memref<128xi32, #tpu.memory_space<vmem>>
      %dma_wait3A_653 = arith.constant 0 : i32
      %dma_wait3A_654 = arith.constant 0 : i32
      %dma_wait3A_655 = tpu.memref_slice %arg12[%dma_wait3A_653, %dma_wait3A_654] : memref<10008x128xf32, #tpu.memory_space<vmem_shared>> -> memref<10008x128xf32, #tpu.memory_space<vmem_shared>>
      tpu.wait_indirect_dma semaphore(%run_scoped3A_643 : memref<!tpu.dma_semaphore, #tpu.memory_space<semaphore_mem>>) src(%arg10 : memref<128x128xf32, #tpu.memory_space<vmem>>) dst(%dma_wait3A_655 : memref<10008x128xf32, #tpu.memory_space<vmem_shared>>)
      tpu.yield
    }) : () -> ()
    %dma_wait3A_210 = arith.constant 2 : i32
    %dma_wait3A_211 = arith.constant 0 : i32
    %dma_wait3A_212 = arith.constant 0 : i32
    %dma_wait3A_213 = tpu.memref_slice %arg3[%arg0, %arg1, %dma_wait3A_210, %dma_wait3A_211, %dma_wait3A_212] : memref<2x16x8x20x128xi32, #tpu.memory_space<hbm>> -> memref<1x1x1x20x128xi32, #tpu.memory_space<hbm>>
    %dma_wait3A_214 = tpu.memref_squeeze %dma_wait3A_213 : memref<1x1x1x20x128xi32, #tpu.memory_space<hbm>> -> memref<20x128xi32, #tpu.memory_space<hbm>>
    %dma_wait3A_215 = arith.constant 0 : i32
    %dma_wait3A_216 = arith.constant 0 : i32
    %dma_wait3A_217 = tpu.memref_slice %arg3[%arg0, %arg1, %dma_wait3A_210, %dma_wait3A_215, %dma_wait3A_216] : memref<2x16x8x20x128xi32, #tpu.memory_space<hbm>> -> memref<1x1x1x20x128xi32, #tpu.memory_space<hbm>>
    %dma_wait3A_218 = tpu.memref_squeeze %dma_wait3A_217 : memref<1x1x1x20x128xi32, #tpu.memory_space<hbm>> -> memref<20x128xi32, #tpu.memory_space<hbm>>
    tpu.wait_dma2 semaphore(%arg15 : memref<!tpu.dma_semaphore, #tpu.memory_space<semaphore_mem>>) src(%dma_wait3A_218 : memref<20x128xi32, #tpu.memory_space<hbm>>) dst(%arg6 : memref<20x128xi32, #tpu.memory_space<vmem>>)
    %dma_wait3A_219 = arith.constant 2 : i32
    %dma_wait3A_220 = arith.constant 0 : i32
    %dma_wait3A_221 = arith.constant 0 : i32
    %dma_wait3A_222 = tpu.memref_slice %arg4[%arg1, %dma_wait3A_219, %dma_wait3A_220, %dma_wait3A_221] : memref<16x8x20x128xi32, #tpu.memory_space<hbm>> -> memref<1x1x20x128xi32, #tpu.memory_space<hbm>>
    %dma_wait3A_223 = tpu.memref_squeeze %dma_wait3A_222 : memref<1x1x20x128xi32, #tpu.memory_space<hbm>> -> memref<20x128xi32, #tpu.memory_space<hbm>>
    %dma_wait3A_224 = arith.constant 0 : i32
    %dma_wait3A_225 = arith.constant 0 : i32
    %dma_wait3A_226 = tpu.memref_slice %arg4[%arg1, %dma_wait3A_219, %dma_wait3A_224, %dma_wait3A_225] : memref<16x8x20x128xi32, #tpu.memory_space<hbm>> -> memref<1x1x20x128xi32, #tpu.memory_space<hbm>>
    %dma_wait3A_227 = tpu.memref_squeeze %dma_wait3A_226 : memref<1x1x20x128xi32, #tpu.memory_space<hbm>> -> memref<20x128xi32, #tpu.memory_space<hbm>>
    tpu.wait_dma2 semaphore(%arg15 : memref<!tpu.dma_semaphore, #tpu.memory_space<semaphore_mem>>) src(%dma_wait3A_227 : memref<20x128xi32, #tpu.memory_space<hbm>>) dst(%arg7 : memref<20x128xi32, #tpu.memory_space<vmem>>)
    %dma_start3A_228 = arith.constant 0 : i32
    %dma_start3A_229 = arith.constant 0 : i32
    %dma_start3A_230 = tpu.memref_slice %arg6[%dma_start3A_228, %dma_start3A_229] : memref<20x128xi32, #tpu.memory_space<vmem>> -> memref<1x128xi32, #tpu.memory_space<vmem>>
    %dma_start3A_231 = tpu.memref_squeeze %dma_start3A_230 : memref<1x128xi32, #tpu.memory_space<vmem>> -> memref<128xi32, #tpu.memory_space<vmem>>
    %dma_start3A_232 = arith.constant 0 : i32
    %dma_start3A_233 = arith.constant 0 : i32
    %dma_start3A_234 = tpu.memref_slice %arg2[%dma_start3A_232, %dma_start3A_233] : memref<20000x128xf32, #tpu.memory_space<hbm>> -> memref<20000x128xf32, #tpu.memory_space<hbm>>
    tpu.enqueue_indirect_dma source(%dma_start3A_234 : memref<20000x128xf32, #tpu.memory_space<hbm>>) target(%arg10 : memref<128x128xf32, #tpu.memory_space<vmem>>) offsets(%dma_start3A_231 : memref<128xi32, #tpu.memory_space<vmem>>) semaphore(%arg13 : memref<!tpu.dma_semaphore, #tpu.memory_space<semaphore_mem>>)
    %dma_wait3A_235 = arith.constant 19 : i32
    %dma_wait3A_236 = arith.constant 0 : i32
    %dma_wait3A_237 = tpu.memref_slice %arg8[%dma_wait3A_235, %dma_wait3A_236] : memref<20x128xi32, #tpu.memory_space<vmem>> -> memref<1x128xi32, #tpu.memory_space<vmem>>
    %dma_wait3A_238 = tpu.memref_squeeze %dma_wait3A_237 : memref<1x128xi32, #tpu.memory_space<vmem>> -> memref<128xi32, #tpu.memory_space<vmem>>
    %dma_wait3A_239 = arith.constant 0 : i32
    %dma_wait3A_240 = arith.constant 0 : i32
    %dma_wait3A_241 = tpu.memref_slice %arg2[%dma_wait3A_239, %dma_wait3A_240] : memref<20000x128xf32, #tpu.memory_space<hbm>> -> memref<20000x128xf32, #tpu.memory_space<hbm>>
    tpu.wait_indirect_dma semaphore(%arg14 : memref<!tpu.dma_semaphore, #tpu.memory_space<semaphore_mem>>) src(%dma_wait3A_241 : memref<20000x128xf32, #tpu.memory_space<hbm>>) dst(%arg11 : memref<128x128xf32, #tpu.memory_space<vmem>>)
    %run_scoped3A_242 = arith.constant 19 : i32
    "tpu.region"() ({
      %run_scoped3A_643 = tpu.sem_alloc : memref<!tpu.dma_semaphore, #tpu.memory_space<semaphore_mem>>
      %dma_start3A_644 = arith.constant 0 : i32
      %dma_start3A_645 = tpu.memref_slice %arg9[%run_scoped3A_242, %dma_start3A_644] : memref<20x128xi32, #tpu.memory_space<vmem>> -> memref<1x128xi32, #tpu.memory_space<vmem>>
      %dma_start3A_646 = tpu.memref_squeeze %dma_start3A_645 : memref<1x128xi32, #tpu.memory_space<vmem>> -> memref<128xi32, #tpu.memory_space<vmem>>
      %dma_start3A_647 = arith.constant 0 : i32
      %dma_start3A_648 = arith.constant 0 : i32
      %dma_start3A_649 = tpu.memref_slice %arg12[%dma_start3A_647, %dma_start3A_648] : memref<10008x128xf32, #tpu.memory_space<vmem_shared>> -> memref<10008x128xf32, #tpu.memory_space<vmem_shared>>
      tpu.enqueue_indirect_dma source(%arg11 : memref<128x128xf32, #tpu.memory_space<vmem>>) target(%dma_start3A_649 : memref<10008x128xf32, #tpu.memory_space<vmem_shared>>) offsets(%dma_start3A_646 : memref<128xi32, #tpu.memory_space<vmem>>) semaphore(%run_scoped3A_643 : memref<!tpu.dma_semaphore, #tpu.memory_space<semaphore_mem>>) {add = true}
      %dma_wait3A_650 = arith.constant 0 : i32
      %dma_wait3A_651 = tpu.memref_slice %arg9[%run_scoped3A_242, %dma_wait3A_650] : memref<20x128xi32, #tpu.memory_space<vmem>> -> memref<1x128xi32, #tpu.memory_space<vmem>>
      %dma_wait3A_652 = tpu.memref_squeeze %dma_wait3A_651 : memref<1x128xi32, #tpu.memory_space<vmem>> -> memref<128xi32, #tpu.memory_space<vmem>>
      %dma_wait3A_653 = arith.constant 0 : i32
      %dma_wait3A_654 = arith.constant 0 : i32
      %dma_wait3A_655 = tpu.memref_slice %arg12[%dma_wait3A_653, %dma_wait3A_654] : memref<10008x128xf32, #tpu.memory_space<vmem_shared>> -> memref<10008x128xf32, #tpu.memory_space<vmem_shared>>
      tpu.wait_indirect_dma semaphore(%run_scoped3A_643 : memref<!tpu.dma_semaphore, #tpu.memory_space<semaphore_mem>>) src(%arg11 : memref<128x128xf32, #tpu.memory_space<vmem>>) dst(%dma_wait3A_655 : memref<10008x128xf32, #tpu.memory_space<vmem_shared>>)
      tpu.yield
    }) : () -> ()
    %dma_start3A_243 = arith.constant 3 : i32
    %dma_start3A_244 = arith.constant 0 : i32
    %dma_start3A_245 = arith.constant 0 : i32
    %dma_start3A_246 = tpu.memref_slice %arg3[%arg0, %arg1, %dma_start3A_243, %dma_start3A_244, %dma_start3A_245] : memref<2x16x8x20x128xi32, #tpu.memory_space<hbm>> -> memref<1x1x1x20x128xi32, #tpu.memory_space<hbm>>
    %dma_start3A_247 = tpu.memref_squeeze %dma_start3A_246 : memref<1x1x1x20x128xi32, #tpu.memory_space<hbm>> -> memref<20x128xi32, #tpu.memory_space<hbm>>
    %dma_start3A_248 = arith.constant 0 : i32
    %dma_start3A_249 = arith.constant 0 : i32
    %dma_start3A_250 = tpu.memref_slice %arg3[%arg0, %arg1, %dma_start3A_243, %dma_start3A_248, %dma_start3A_249] : memref<2x16x8x20x128xi32, #tpu.memory_space<hbm>> -> memref<1x1x1x20x128xi32, #tpu.memory_space<hbm>>
    %dma_start3A_251 = tpu.memref_squeeze %dma_start3A_250 : memref<1x1x1x20x128xi32, #tpu.memory_space<hbm>> -> memref<20x128xi32, #tpu.memory_space<hbm>>
    tpu.enqueue_dma source(%dma_start3A_251 : memref<20x128xi32, #tpu.memory_space<hbm>>) target(%arg8 : memref<20x128xi32, #tpu.memory_space<vmem>>) target_semaphore(%arg16 : memref<!tpu.dma_semaphore, #tpu.memory_space<semaphore_mem>>)
    %dma_start3A_252 = arith.constant 3 : i32
    %dma_start3A_253 = arith.constant 0 : i32
    %dma_start3A_254 = arith.constant 0 : i32
    %dma_start3A_255 = tpu.memref_slice %arg4[%arg1, %dma_start3A_252, %dma_start3A_253, %dma_start3A_254] : memref<16x8x20x128xi32, #tpu.memory_space<hbm>> -> memref<1x1x20x128xi32, #tpu.memory_space<hbm>>
    %dma_start3A_256 = tpu.memref_squeeze %dma_start3A_255 : memref<1x1x20x128xi32, #tpu.memory_space<hbm>> -> memref<20x128xi32, #tpu.memory_space<hbm>>
    %dma_start3A_257 = arith.constant 0 : i32
    %dma_start3A_258 = arith.constant 0 : i32
    %dma_start3A_259 = tpu.memref_slice %arg4[%arg1, %dma_start3A_252, %dma_start3A_257, %dma_start3A_258] : memref<16x8x20x128xi32, #tpu.memory_space<hbm>> -> memref<1x1x20x128xi32, #tpu.memory_space<hbm>>
    %dma_start3A_260 = tpu.memref_squeeze %dma_start3A_259 : memref<1x1x20x128xi32, #tpu.memory_space<hbm>> -> memref<20x128xi32, #tpu.memory_space<hbm>>
    tpu.enqueue_dma source(%dma_start3A_260 : memref<20x128xi32, #tpu.memory_space<hbm>>) target(%arg9 : memref<20x128xi32, #tpu.memory_space<vmem>>) target_semaphore(%arg16 : memref<!tpu.dma_semaphore, #tpu.memory_space<semaphore_mem>>)
    %scan3A_261 = arith.constant 0 : i32
    %scan3A_262 = arith.constant 0 : i32
    %scan3A_263 = arith.constant 9 : i32
    %scan3A_264 = arith.addi %scan3A_262, %scan3A_263 : i32
    %scan3A_265 = arith.constant 1 : i32
    scf.for %scan3A_643 = %scan3A_262 to %scan3A_264 step %scan3A_265  : i32 {
      %mul3A_644 = arith.constant 2 : i32
      %mul3A_645 = arith.muli %mul3A_644, %scan3A_643 : i32
      %add3A_646 = arith.constant 1 : i32
      %add3A_647 = arith.addi %mul3A_645, %add3A_646 : i32
      %dma_start3A_648 = arith.constant 0 : i32
      %dma_start3A_649 = tpu.memref_slice %arg6[%add3A_647, %dma_start3A_648] : memref<20x128xi32, #tpu.memory_space<vmem>> -> memref<1x128xi32, #tpu.memory_space<vmem>>
      %dma_start3A_650 = tpu.memref_squeeze %dma_start3A_649 : memref<1x128xi32, #tpu.memory_space<vmem>> -> memref<128xi32, #tpu.memory_space<vmem>>
      %dma_start3A_651 = arith.constant 0 : i32
      %dma_start3A_652 = arith.constant 0 : i32
      %dma_start3A_653 = tpu.memref_slice %arg2[%dma_start3A_651, %dma_start3A_652] : memref<20000x128xf32, #tpu.memory_space<hbm>> -> memref<20000x128xf32, #tpu.memory_space<hbm>>
      tpu.enqueue_indirect_dma source(%dma_start3A_653 : memref<20000x128xf32, #tpu.memory_space<hbm>>) target(%arg11 : memref<128x128xf32, #tpu.memory_space<vmem>>) offsets(%dma_start3A_650 : memref<128xi32, #tpu.memory_space<vmem>>) semaphore(%arg14 : memref<!tpu.dma_semaphore, #tpu.memory_space<semaphore_mem>>)
      %dma_wait3A_654 = arith.constant 0 : i32
      %dma_wait3A_655 = tpu.memref_slice %arg6[%mul3A_645, %dma_wait3A_654] : memref<20x128xi32, #tpu.memory_space<vmem>> -> memref<1x128xi32, #tpu.memory_space<vmem>>
      %dma_wait3A_656 = tpu.memref_squeeze %dma_wait3A_655 : memref<1x128xi32, #tpu.memory_space<vmem>> -> memref<128xi32, #tpu.memory_space<vmem>>
      %dma_wait3A_657 = arith.constant 0 : i32
      %dma_wait3A_658 = arith.constant 0 : i32
      %dma_wait3A_659 = tpu.memref_slice %arg2[%dma_wait3A_657, %dma_wait3A_658] : memref<20000x128xf32, #tpu.memory_space<hbm>> -> memref<20000x128xf32, #tpu.memory_space<hbm>>
      tpu.wait_indirect_dma semaphore(%arg13 : memref<!tpu.dma_semaphore, #tpu.memory_space<semaphore_mem>>) src(%dma_wait3A_659 : memref<20000x128xf32, #tpu.memory_space<hbm>>) dst(%arg10 : memref<128x128xf32, #tpu.memory_space<vmem>>)
      "tpu.region"() ({
        %run_scoped3A_678 = tpu.sem_alloc : memref<!tpu.dma_semaphore, #tpu.memory_space<semaphore_mem>>
        %dma_start3A_679 = arith.constant 0 : i32
        %dma_start3A_680 = tpu.memref_slice %arg7[%mul3A_645, %dma_start3A_679] : memref<20x128xi32, #tpu.memory_space<vmem>> -> memref<1x128xi32, #tpu.memory_space<vmem>>
        %dma_start3A_681 = tpu.memref_squeeze %dma_start3A_680 : memref<1x128xi32, #tpu.memory_space<vmem>> -> memref<128xi32, #tpu.memory_space<vmem>>
        %dma_start3A_682 = arith.constant 0 : i32
        %dma_start3A_683 = arith.constant 0 : i32
        %dma_start3A_684 = tpu.memref_slice %arg12[%dma_start3A_682, %dma_start3A_683] : memref<10008x128xf32, #tpu.memory_space<vmem_shared>> -> memref<10008x128xf32, #tpu.memory_space<vmem_shared>>
        tpu.enqueue_indirect_dma source(%arg10 : memref<128x128xf32, #tpu.memory_space<vmem>>) target(%dma_start3A_684 : memref<10008x128xf32, #tpu.memory_space<vmem_shared>>) offsets(%dma_start3A_681 : memref<128xi32, #tpu.memory_space<vmem>>) semaphore(%run_scoped3A_678 : memref<!tpu.dma_semaphore, #tpu.memory_space<semaphore_mem>>) {add = true}
        %dma_wait3A_685 = arith.constant 0 : i32
        %dma_wait3A_686 = tpu.memref_slice %arg7[%mul3A_645, %dma_wait3A_685] : memref<20x128xi32, #tpu.memory_space<vmem>> -> memref<1x128xi32, #tpu.memory_space<vmem>>
        %dma_wait3A_687 = tpu.memref_squeeze %dma_wait3A_686 : memref<1x128xi32, #tpu.memory_space<vmem>> -> memref<128xi32, #tpu.memory_space<vmem>>
        %dma_wait3A_688 = arith.constant 0 : i32
        %dma_wait3A_689 = arith.constant 0 : i32
        %dma_wait3A_690 = tpu.memref_slice %arg12[%dma_wait3A_688, %dma_wait3A_689] : memref<10008x128xf32, #tpu.memory_space<vmem_shared>> -> memref<10008x128xf32, #tpu.memory_space<vmem_shared>>
        tpu.wait_indirect_dma semaphore(%run_scoped3A_678 : memref<!tpu.dma_semaphore, #tpu.memory_space<semaphore_mem>>) src(%arg10 : memref<128x128xf32, #tpu.memory_space<vmem>>) dst(%dma_wait3A_690 : memref<10008x128xf32, #tpu.memory_space<vmem_shared>>)
        tpu.yield
      }) : () -> ()
      %add3A_660 = arith.constant 2 : i32
      %add3A_661 = arith.addi %mul3A_645, %add3A_660 : i32
      %dma_start3A_662 = arith.constant 0 : i32
      %dma_start3A_663 = tpu.memref_slice %arg6[%add3A_661, %dma_start3A_662] : memref<20x128xi32, #tpu.memory_space<vmem>> -> memref<1x128xi32, #tpu.memory_space<vmem>>
      %dma_start3A_664 = tpu.memref_squeeze %dma_start3A_663 : memref<1x128xi32, #tpu.memory_space<vmem>> -> memref<128xi32, #tpu.memory_space<vmem>>
      %dma_start3A_665 = arith.constant 0 : i32
      %dma_start3A_666 = arith.constant 0 : i32
      %dma_start3A_667 = tpu.memref_slice %arg2[%dma_start3A_665, %dma_start3A_666] : memref<20000x128xf32, #tpu.memory_space<hbm>> -> memref<20000x128xf32, #tpu.memory_space<hbm>>
      tpu.enqueue_indirect_dma source(%dma_start3A_667 : memref<20000x128xf32, #tpu.memory_space<hbm>>) target(%arg10 : memref<128x128xf32, #tpu.memory_space<vmem>>) offsets(%dma_start3A_664 : memref<128xi32, #tpu.memory_space<vmem>>) semaphore(%arg13 : memref<!tpu.dma_semaphore, #tpu.memory_space<semaphore_mem>>)
      %add3A_668 = arith.constant 1 : i32
      %add3A_669 = arith.addi %mul3A_645, %add3A_668 : i32
      %dma_wait3A_670 = arith.constant 0 : i32
      %dma_wait3A_671 = tpu.memref_slice %arg6[%add3A_669, %dma_wait3A_670] : memref<20x128xi32, #tpu.memory_space<vmem>> -> memref<1x128xi32, #tpu.memory_space<vmem>>
      %dma_wait3A_672 = tpu.memref_squeeze %dma_wait3A_671 : memref<1x128xi32, #tpu.memory_space<vmem>> -> memref<128xi32, #tpu.memory_space<vmem>>
      %dma_wait3A_673 = arith.constant 0 : i32
      %dma_wait3A_674 = arith.constant 0 : i32
      %dma_wait3A_675 = tpu.memref_slice %arg2[%dma_wait3A_673, %dma_wait3A_674] : memref<20000x128xf32, #tpu.memory_space<hbm>> -> memref<20000x128xf32, #tpu.memory_space<hbm>>
      tpu.wait_indirect_dma semaphore(%arg14 : memref<!tpu.dma_semaphore, #tpu.memory_space<semaphore_mem>>) src(%dma_wait3A_675 : memref<20000x128xf32, #tpu.memory_space<hbm>>) dst(%arg11 : memref<128x128xf32, #tpu.memory_space<vmem>>)
      %add3A_676 = arith.constant 1 : i32
      %add3A_677 = arith.addi %mul3A_645, %add3A_676 : i32
      "tpu.region"() ({
        %run_scoped3A_678 = tpu.sem_alloc : memref<!tpu.dma_semaphore, #tpu.memory_space<semaphore_mem>>
        %dma_start3A_679 = arith.constant 0 : i32
        %dma_start3A_680 = tpu.memref_slice %arg7[%add3A_677, %dma_start3A_679] : memref<20x128xi32, #tpu.memory_space<vmem>> -> memref<1x128xi32, #tpu.memory_space<vmem>>
        %dma_start3A_681 = tpu.memref_squeeze %dma_start3A_680 : memref<1x128xi32, #tpu.memory_space<vmem>> -> memref<128xi32, #tpu.memory_space<vmem>>
        %dma_start3A_682 = arith.constant 0 : i32
        %dma_start3A_683 = arith.constant 0 : i32
        %dma_start3A_684 = tpu.memref_slice %arg12[%dma_start3A_682, %dma_start3A_683] : memref<10008x128xf32, #tpu.memory_space<vmem_shared>> -> memref<10008x128xf32, #tpu.memory_space<vmem_shared>>
        tpu.enqueue_indirect_dma source(%arg11 : memref<128x128xf32, #tpu.memory_space<vmem>>) target(%dma_start3A_684 : memref<10008x128xf32, #tpu.memory_space<vmem_shared>>) offsets(%dma_start3A_681 : memref<128xi32, #tpu.memory_space<vmem>>) semaphore(%run_scoped3A_678 : memref<!tpu.dma_semaphore, #tpu.memory_space<semaphore_mem>>) {add = true}
        %dma_wait3A_685 = arith.constant 0 : i32
        %dma_wait3A_686 = tpu.memref_slice %arg7[%add3A_677, %dma_wait3A_685] : memref<20x128xi32, #tpu.memory_space<vmem>> -> memref<1x128xi32, #tpu.memory_space<vmem>>
        %dma_wait3A_687 = tpu.memref_squeeze %dma_wait3A_686 : memref<1x128xi32, #tpu.memory_space<vmem>> -> memref<128xi32, #tpu.memory_space<vmem>>
        %dma_wait3A_688 = arith.constant 0 : i32
        %dma_wait3A_689 = arith.constant 0 : i32
        %dma_wait3A_690 = tpu.memref_slice %arg12[%dma_wait3A_688, %dma_wait3A_689] : memref<10008x128xf32, #tpu.memory_space<vmem_shared>> -> memref<10008x128xf32, #tpu.memory_space<vmem_shared>>
        tpu.wait_indirect_dma semaphore(%run_scoped3A_678 : memref<!tpu.dma_semaphore, #tpu.memory_space<semaphore_mem>>) src(%arg11 : memref<128x128xf32, #tpu.memory_space<vmem>>) dst(%dma_wait3A_690 : memref<10008x128xf32, #tpu.memory_space<vmem_shared>>)
        tpu.yield
      }) : () -> ()
    }
    %scan3A_266 = arith.constant 9 : i32
    %dma_start3A_267 = arith.constant 19 : i32
    %dma_start3A_268 = arith.constant 0 : i32
    %dma_start3A_269 = tpu.memref_slice %arg6[%dma_start3A_267, %dma_start3A_268] : memref<20x128xi32, #tpu.memory_space<vmem>> -> memref<1x128xi32, #tpu.memory_space<vmem>>
    %dma_start3A_270 = tpu.memref_squeeze %dma_start3A_269 : memref<1x128xi32, #tpu.memory_space<vmem>> -> memref<128xi32, #tpu.memory_space<vmem>>
    %dma_start3A_271 = arith.constant 0 : i32
    %dma_start3A_272 = arith.constant 0 : i32
    %dma_start3A_273 = tpu.memref_slice %arg2[%dma_start3A_271, %dma_start3A_272] : memref<20000x128xf32, #tpu.memory_space<hbm>> -> memref<20000x128xf32, #tpu.memory_space<hbm>>
    tpu.enqueue_indirect_dma source(%dma_start3A_273 : memref<20000x128xf32, #tpu.memory_space<hbm>>) target(%arg11 : memref<128x128xf32, #tpu.memory_space<vmem>>) offsets(%dma_start3A_270 : memref<128xi32, #tpu.memory_space<vmem>>) semaphore(%arg14 : memref<!tpu.dma_semaphore, #tpu.memory_space<semaphore_mem>>)
    %dma_wait3A_274 = arith.constant 18 : i32
    %dma_wait3A_275 = arith.constant 0 : i32
    %dma_wait3A_276 = tpu.memref_slice %arg6[%dma_wait3A_274, %dma_wait3A_275] : memref<20x128xi32, #tpu.memory_space<vmem>> -> memref<1x128xi32, #tpu.memory_space<vmem>>
    %dma_wait3A_277 = tpu.memref_squeeze %dma_wait3A_276 : memref<1x128xi32, #tpu.memory_space<vmem>> -> memref<128xi32, #tpu.memory_space<vmem>>
    %dma_wait3A_278 = arith.constant 0 : i32
    %dma_wait3A_279 = arith.constant 0 : i32
    %dma_wait3A_280 = tpu.memref_slice %arg2[%dma_wait3A_278, %dma_wait3A_279] : memref<20000x128xf32, #tpu.memory_space<hbm>> -> memref<20000x128xf32, #tpu.memory_space<hbm>>
    tpu.wait_indirect_dma semaphore(%arg13 : memref<!tpu.dma_semaphore, #tpu.memory_space<semaphore_mem>>) src(%dma_wait3A_280 : memref<20000x128xf32, #tpu.memory_space<hbm>>) dst(%arg10 : memref<128x128xf32, #tpu.memory_space<vmem>>)
    %run_scoped3A_281 = arith.constant 18 : i32
    "tpu.region"() ({
      %run_scoped3A_643 = tpu.sem_alloc : memref<!tpu.dma_semaphore, #tpu.memory_space<semaphore_mem>>
      %dma_start3A_644 = arith.constant 0 : i32
      %dma_start3A_645 = tpu.memref_slice %arg7[%run_scoped3A_281, %dma_start3A_644] : memref<20x128xi32, #tpu.memory_space<vmem>> -> memref<1x128xi32, #tpu.memory_space<vmem>>
      %dma_start3A_646 = tpu.memref_squeeze %dma_start3A_645 : memref<1x128xi32, #tpu.memory_space<vmem>> -> memref<128xi32, #tpu.memory_space<vmem>>
      %dma_start3A_647 = arith.constant 0 : i32
      %dma_start3A_648 = arith.constant 0 : i32
      %dma_start3A_649 = tpu.memref_slice %arg12[%dma_start3A_647, %dma_start3A_648] : memref<10008x128xf32, #tpu.memory_space<vmem_shared>> -> memref<10008x128xf32, #tpu.memory_space<vmem_shared>>
      tpu.enqueue_indirect_dma source(%arg10 : memref<128x128xf32, #tpu.memory_space<vmem>>) target(%dma_start3A_649 : memref<10008x128xf32, #tpu.memory_space<vmem_shared>>) offsets(%dma_start3A_646 : memref<128xi32, #tpu.memory_space<vmem>>) semaphore(%run_scoped3A_643 : memref<!tpu.dma_semaphore, #tpu.memory_space<semaphore_mem>>) {add = true}
      %dma_wait3A_650 = arith.constant 0 : i32
      %dma_wait3A_651 = tpu.memref_slice %arg7[%run_scoped3A_281, %dma_wait3A_650] : memref<20x128xi32, #tpu.memory_space<vmem>> -> memref<1x128xi32, #tpu.memory_space<vmem>>
      %dma_wait3A_652 = tpu.memref_squeeze %dma_wait3A_651 : memref<1x128xi32, #tpu.memory_space<vmem>> -> memref<128xi32, #tpu.memory_space<vmem>>
      %dma_wait3A_653 = arith.constant 0 : i32
      %dma_wait3A_654 = arith.constant 0 : i32
      %dma_wait3A_655 = tpu.memref_slice %arg12[%dma_wait3A_653, %dma_wait3A_654] : memref<10008x128xf32, #tpu.memory_space<vmem_shared>> -> memref<10008x128xf32, #tpu.memory_space<vmem_shared>>
      tpu.wait_indirect_dma semaphore(%run_scoped3A_643 : memref<!tpu.dma_semaphore, #tpu.memory_space<semaphore_mem>>) src(%arg10 : memref<128x128xf32, #tpu.memory_space<vmem>>) dst(%dma_wait3A_655 : memref<10008x128xf32, #tpu.memory_space<vmem_shared>>)
      tpu.yield
    }) : () -> ()
    %dma_wait3A_282 = arith.constant 3 : i32
    %dma_wait3A_283 = arith.constant 0 : i32
    %dma_wait3A_284 = arith.constant 0 : i32
    %dma_wait3A_285 = tpu.memref_slice %arg3[%arg0, %arg1, %dma_wait3A_282, %dma_wait3A_283, %dma_wait3A_284] : memref<2x16x8x20x128xi32, #tpu.memory_space<hbm>> -> memref<1x1x1x20x128xi32, #tpu.memory_space<hbm>>
    %dma_wait3A_286 = tpu.memref_squeeze %dma_wait3A_285 : memref<1x1x1x20x128xi32, #tpu.memory_space<hbm>> -> memref<20x128xi32, #tpu.memory_space<hbm>>
    %dma_wait3A_287 = arith.constant 0 : i32
    %dma_wait3A_288 = arith.constant 0 : i32
    %dma_wait3A_289 = tpu.memref_slice %arg3[%arg0, %arg1, %dma_wait3A_282, %dma_wait3A_287, %dma_wait3A_288] : memref<2x16x8x20x128xi32, #tpu.memory_space<hbm>> -> memref<1x1x1x20x128xi32, #tpu.memory_space<hbm>>
    %dma_wait3A_290 = tpu.memref_squeeze %dma_wait3A_289 : memref<1x1x1x20x128xi32, #tpu.memory_space<hbm>> -> memref<20x128xi32, #tpu.memory_space<hbm>>
    tpu.wait_dma2 semaphore(%arg16 : memref<!tpu.dma_semaphore, #tpu.memory_space<semaphore_mem>>) src(%dma_wait3A_290 : memref<20x128xi32, #tpu.memory_space<hbm>>) dst(%arg8 : memref<20x128xi32, #tpu.memory_space<vmem>>)
    %dma_wait3A_291 = arith.constant 3 : i32
    %dma_wait3A_292 = arith.constant 0 : i32
    %dma_wait3A_293 = arith.constant 0 : i32
    %dma_wait3A_294 = tpu.memref_slice %arg4[%arg1, %dma_wait3A_291, %dma_wait3A_292, %dma_wait3A_293] : memref<16x8x20x128xi32, #tpu.memory_space<hbm>> -> memref<1x1x20x128xi32, #tpu.memory_space<hbm>>
    %dma_wait3A_295 = tpu.memref_squeeze %dma_wait3A_294 : memref<1x1x20x128xi32, #tpu.memory_space<hbm>> -> memref<20x128xi32, #tpu.memory_space<hbm>>
    %dma_wait3A_296 = arith.constant 0 : i32
    %dma_wait3A_297 = arith.constant 0 : i32
    %dma_wait3A_298 = tpu.memref_slice %arg4[%arg1, %dma_wait3A_291, %dma_wait3A_296, %dma_wait3A_297] : memref<16x8x20x128xi32, #tpu.memory_space<hbm>> -> memref<1x1x20x128xi32, #tpu.memory_space<hbm>>
    %dma_wait3A_299 = tpu.memref_squeeze %dma_wait3A_298 : memref<1x1x20x128xi32, #tpu.memory_space<hbm>> -> memref<20x128xi32, #tpu.memory_space<hbm>>
    tpu.wait_dma2 semaphore(%arg16 : memref<!tpu.dma_semaphore, #tpu.memory_space<semaphore_mem>>) src(%dma_wait3A_299 : memref<20x128xi32, #tpu.memory_space<hbm>>) dst(%arg9 : memref<20x128xi32, #tpu.memory_space<vmem>>)
    %dma_start3A_300 = arith.constant 0 : i32
    %dma_start3A_301 = arith.constant 0 : i32
    %dma_start3A_302 = tpu.memref_slice %arg8[%dma_start3A_300, %dma_start3A_301] : memref<20x128xi32, #tpu.memory_space<vmem>> -> memref<1x128xi32, #tpu.memory_space<vmem>>
    %dma_start3A_303 = tpu.memref_squeeze %dma_start3A_302 : memref<1x128xi32, #tpu.memory_space<vmem>> -> memref<128xi32, #tpu.memory_space<vmem>>
    %dma_start3A_304 = arith.constant 0 : i32
    %dma_start3A_305 = arith.constant 0 : i32
    %dma_start3A_306 = tpu.memref_slice %arg2[%dma_start3A_304, %dma_start3A_305] : memref<20000x128xf32, #tpu.memory_space<hbm>> -> memref<20000x128xf32, #tpu.memory_space<hbm>>
    tpu.enqueue_indirect_dma source(%dma_start3A_306 : memref<20000x128xf32, #tpu.memory_space<hbm>>) target(%arg10 : memref<128x128xf32, #tpu.memory_space<vmem>>) offsets(%dma_start3A_303 : memref<128xi32, #tpu.memory_space<vmem>>) semaphore(%arg13 : memref<!tpu.dma_semaphore, #tpu.memory_space<semaphore_mem>>)
    %dma_wait3A_307 = arith.constant 19 : i32
    %dma_wait3A_308 = arith.constant 0 : i32
    %dma_wait3A_309 = tpu.memref_slice %arg6[%dma_wait3A_307, %dma_wait3A_308] : memref<20x128xi32, #tpu.memory_space<vmem>> -> memref<1x128xi32, #tpu.memory_space<vmem>>
    %dma_wait3A_310 = tpu.memref_squeeze %dma_wait3A_309 : memref<1x128xi32, #tpu.memory_space<vmem>> -> memref<128xi32, #tpu.memory_space<vmem>>
    %dma_wait3A_311 = arith.constant 0 : i32
    %dma_wait3A_312 = arith.constant 0 : i32
    %dma_wait3A_313 = tpu.memref_slice %arg2[%dma_wait3A_311, %dma_wait3A_312] : memref<20000x128xf32, #tpu.memory_space<hbm>> -> memref<20000x128xf32, #tpu.memory_space<hbm>>
    tpu.wait_indirect_dma semaphore(%arg14 : memref<!tpu.dma_semaphore, #tpu.memory_space<semaphore_mem>>) src(%dma_wait3A_313 : memref<20000x128xf32, #tpu.memory_space<hbm>>) dst(%arg11 : memref<128x128xf32, #tpu.memory_space<vmem>>)
    %run_scoped3A_314 = arith.constant 19 : i32
    "tpu.region"() ({
      %run_scoped3A_643 = tpu.sem_alloc : memref<!tpu.dma_semaphore, #tpu.memory_space<semaphore_mem>>
      %dma_start3A_644 = arith.constant 0 : i32
      %dma_start3A_645 = tpu.memref_slice %arg7[%run_scoped3A_314, %dma_start3A_644] : memref<20x128xi32, #tpu.memory_space<vmem>> -> memref<1x128xi32, #tpu.memory_space<vmem>>
      %dma_start3A_646 = tpu.memref_squeeze %dma_start3A_645 : memref<1x128xi32, #tpu.memory_space<vmem>> -> memref<128xi32, #tpu.memory_space<vmem>>
      %dma_start3A_647 = arith.constant 0 : i32
      %dma_start3A_648 = arith.constant 0 : i32
      %dma_start3A_649 = tpu.memref_slice %arg12[%dma_start3A_647, %dma_start3A_648] : memref<10008x128xf32, #tpu.memory_space<vmem_shared>> -> memref<10008x128xf32, #tpu.memory_space<vmem_shared>>
      tpu.enqueue_indirect_dma source(%arg11 : memref<128x128xf32, #tpu.memory_space<vmem>>) target(%dma_start3A_649 : memref<10008x128xf32, #tpu.memory_space<vmem_shared>>) offsets(%dma_start3A_646 : memref<128xi32, #tpu.memory_space<vmem>>) semaphore(%run_scoped3A_643 : memref<!tpu.dma_semaphore, #tpu.memory_space<semaphore_mem>>) {add = true}
      %dma_wait3A_650 = arith.constant 0 : i32
      %dma_wait3A_651 = tpu.memref_slice %arg7[%run_scoped3A_314, %dma_wait3A_650] : memref<20x128xi32, #tpu.memory_space<vmem>> -> memref<1x128xi32, #tpu.memory_space<vmem>>
      %dma_wait3A_652 = tpu.memref_squeeze %dma_wait3A_651 : memref<1x128xi32, #tpu.memory_space<vmem>> -> memref<128xi32, #tpu.memory_space<vmem>>
      %dma_wait3A_653 = arith.constant 0 : i32
      %dma_wait3A_654 = arith.constant 0 : i32
      %dma_wait3A_655 = tpu.memref_slice %arg12[%dma_wait3A_653, %dma_wait3A_654] : memref<10008x128xf32, #tpu.memory_space<vmem_shared>> -> memref<10008x128xf32, #tpu.memory_space<vmem_shared>>
      tpu.wait_indirect_dma semaphore(%run_scoped3A_643 : memref<!tpu.dma_semaphore, #tpu.memory_space<semaphore_mem>>) src(%arg11 : memref<128x128xf32, #tpu.memory_space<vmem>>) dst(%dma_wait3A_655 : memref<10008x128xf32, #tpu.memory_space<vmem_shared>>)
      tpu.yield
    }) : () -> ()
    %dma_start3A_315 = arith.constant 4 : i32
    %dma_start3A_316 = arith.constant 0 : i32
    %dma_start3A_317 = arith.constant 0 : i32
    %dma_start3A_318 = tpu.memref_slice %arg3[%arg0, %arg1, %dma_start3A_315, %dma_start3A_316, %dma_start3A_317] : memref<2x16x8x20x128xi32, #tpu.memory_space<hbm>> -> memref<1x1x1x20x128xi32, #tpu.memory_space<hbm>>
    %dma_start3A_319 = tpu.memref_squeeze %dma_start3A_318 : memref<1x1x1x20x128xi32, #tpu.memory_space<hbm>> -> memref<20x128xi32, #tpu.memory_space<hbm>>
    %dma_start3A_320 = arith.constant 0 : i32
    %dma_start3A_321 = arith.constant 0 : i32
    %dma_start3A_322 = tpu.memref_slice %arg3[%arg0, %arg1, %dma_start3A_315, %dma_start3A_320, %dma_start3A_321] : memref<2x16x8x20x128xi32, #tpu.memory_space<hbm>> -> memref<1x1x1x20x128xi32, #tpu.memory_space<hbm>>
    %dma_start3A_323 = tpu.memref_squeeze %dma_start3A_322 : memref<1x1x1x20x128xi32, #tpu.memory_space<hbm>> -> memref<20x128xi32, #tpu.memory_space<hbm>>
    tpu.enqueue_dma source(%dma_start3A_323 : memref<20x128xi32, #tpu.memory_space<hbm>>) target(%arg6 : memref<20x128xi32, #tpu.memory_space<vmem>>) target_semaphore(%arg15 : memref<!tpu.dma_semaphore, #tpu.memory_space<semaphore_mem>>)
    %dma_start3A_324 = arith.constant 4 : i32
    %dma_start3A_325 = arith.constant 0 : i32
    %dma_start3A_326 = arith.constant 0 : i32
    %dma_start3A_327 = tpu.memref_slice %arg4[%arg1, %dma_start3A_324, %dma_start3A_325, %dma_start3A_326] : memref<16x8x20x128xi32, #tpu.memory_space<hbm>> -> memref<1x1x20x128xi32, #tpu.memory_space<hbm>>
    %dma_start3A_328 = tpu.memref_squeeze %dma_start3A_327 : memref<1x1x20x128xi32, #tpu.memory_space<hbm>> -> memref<20x128xi32, #tpu.memory_space<hbm>>
    %dma_start3A_329 = arith.constant 0 : i32
    %dma_start3A_330 = arith.constant 0 : i32
    %dma_start3A_331 = tpu.memref_slice %arg4[%arg1, %dma_start3A_324, %dma_start3A_329, %dma_start3A_330] : memref<16x8x20x128xi32, #tpu.memory_space<hbm>> -> memref<1x1x20x128xi32, #tpu.memory_space<hbm>>
    %dma_start3A_332 = tpu.memref_squeeze %dma_start3A_331 : memref<1x1x20x128xi32, #tpu.memory_space<hbm>> -> memref<20x128xi32, #tpu.memory_space<hbm>>
    tpu.enqueue_dma source(%dma_start3A_332 : memref<20x128xi32, #tpu.memory_space<hbm>>) target(%arg7 : memref<20x128xi32, #tpu.memory_space<vmem>>) target_semaphore(%arg15 : memref<!tpu.dma_semaphore, #tpu.memory_space<semaphore_mem>>)
    %scan3A_333 = arith.constant 0 : i32
    %scan3A_334 = arith.constant 0 : i32
    %scan3A_335 = arith.constant 9 : i32
    %scan3A_336 = arith.addi %scan3A_334, %scan3A_335 : i32
    %scan3A_337 = arith.constant 1 : i32
    scf.for %scan3A_643 = %scan3A_334 to %scan3A_336 step %scan3A_337  : i32 {
      %mul3A_644 = arith.constant 2 : i32
      %mul3A_645 = arith.muli %mul3A_644, %scan3A_643 : i32
      %add3A_646 = arith.constant 1 : i32
      %add3A_647 = arith.addi %mul3A_645, %add3A_646 : i32
      %dma_start3A_648 = arith.constant 0 : i32
      %dma_start3A_649 = tpu.memref_slice %arg8[%add3A_647, %dma_start3A_648] : memref<20x128xi32, #tpu.memory_space<vmem>> -> memref<1x128xi32, #tpu.memory_space<vmem>>
      %dma_start3A_650 = tpu.memref_squeeze %dma_start3A_649 : memref<1x128xi32, #tpu.memory_space<vmem>> -> memref<128xi32, #tpu.memory_space<vmem>>
      %dma_start3A_651 = arith.constant 0 : i32
      %dma_start3A_652 = arith.constant 0 : i32
      %dma_start3A_653 = tpu.memref_slice %arg2[%dma_start3A_651, %dma_start3A_652] : memref<20000x128xf32, #tpu.memory_space<hbm>> -> memref<20000x128xf32, #tpu.memory_space<hbm>>
      tpu.enqueue_indirect_dma source(%dma_start3A_653 : memref<20000x128xf32, #tpu.memory_space<hbm>>) target(%arg11 : memref<128x128xf32, #tpu.memory_space<vmem>>) offsets(%dma_start3A_650 : memref<128xi32, #tpu.memory_space<vmem>>) semaphore(%arg14 : memref<!tpu.dma_semaphore, #tpu.memory_space<semaphore_mem>>)
      %dma_wait3A_654 = arith.constant 0 : i32
      %dma_wait3A_655 = tpu.memref_slice %arg8[%mul3A_645, %dma_wait3A_654] : memref<20x128xi32, #tpu.memory_space<vmem>> -> memref<1x128xi32, #tpu.memory_space<vmem>>
      %dma_wait3A_656 = tpu.memref_squeeze %dma_wait3A_655 : memref<1x128xi32, #tpu.memory_space<vmem>> -> memref<128xi32, #tpu.memory_space<vmem>>
      %dma_wait3A_657 = arith.constant 0 : i32
      %dma_wait3A_658 = arith.constant 0 : i32
      %dma_wait3A_659 = tpu.memref_slice %arg2[%dma_wait3A_657, %dma_wait3A_658] : memref<20000x128xf32, #tpu.memory_space<hbm>> -> memref<20000x128xf32, #tpu.memory_space<hbm>>
      tpu.wait_indirect_dma semaphore(%arg13 : memref<!tpu.dma_semaphore, #tpu.memory_space<semaphore_mem>>) src(%dma_wait3A_659 : memref<20000x128xf32, #tpu.memory_space<hbm>>) dst(%arg10 : memref<128x128xf32, #tpu.memory_space<vmem>>)
      "tpu.region"() ({
        %run_scoped3A_678 = tpu.sem_alloc : memref<!tpu.dma_semaphore, #tpu.memory_space<semaphore_mem>>
        %dma_start3A_679 = arith.constant 0 : i32
        %dma_start3A_680 = tpu.memref_slice %arg9[%mul3A_645, %dma_start3A_679] : memref<20x128xi32, #tpu.memory_space<vmem>> -> memref<1x128xi32, #tpu.memory_space<vmem>>
        %dma_start3A_681 = tpu.memref_squeeze %dma_start3A_680 : memref<1x128xi32, #tpu.memory_space<vmem>> -> memref<128xi32, #tpu.memory_space<vmem>>
        %dma_start3A_682 = arith.constant 0 : i32
        %dma_start3A_683 = arith.constant 0 : i32
        %dma_start3A_684 = tpu.memref_slice %arg12[%dma_start3A_682, %dma_start3A_683] : memref<10008x128xf32, #tpu.memory_space<vmem_shared>> -> memref<10008x128xf32, #tpu.memory_space<vmem_shared>>
        tpu.enqueue_indirect_dma source(%arg10 : memref<128x128xf32, #tpu.memory_space<vmem>>) target(%dma_start3A_684 : memref<10008x128xf32, #tpu.memory_space<vmem_shared>>) offsets(%dma_start3A_681 : memref<128xi32, #tpu.memory_space<vmem>>) semaphore(%run_scoped3A_678 : memref<!tpu.dma_semaphore, #tpu.memory_space<semaphore_mem>>) {add = true}
        %dma_wait3A_685 = arith.constant 0 : i32
        %dma_wait3A_686 = tpu.memref_slice %arg9[%mul3A_645, %dma_wait3A_685] : memref<20x128xi32, #tpu.memory_space<vmem>> -> memref<1x128xi32, #tpu.memory_space<vmem>>
        %dma_wait3A_687 = tpu.memref_squeeze %dma_wait3A_686 : memref<1x128xi32, #tpu.memory_space<vmem>> -> memref<128xi32, #tpu.memory_space<vmem>>
        %dma_wait3A_688 = arith.constant 0 : i32
        %dma_wait3A_689 = arith.constant 0 : i32
        %dma_wait3A_690 = tpu.memref_slice %arg12[%dma_wait3A_688, %dma_wait3A_689] : memref<10008x128xf32, #tpu.memory_space<vmem_shared>> -> memref<10008x128xf32, #tpu.memory_space<vmem_shared>>
        tpu.wait_indirect_dma semaphore(%run_scoped3A_678 : memref<!tpu.dma_semaphore, #tpu.memory_space<semaphore_mem>>) src(%arg10 : memref<128x128xf32, #tpu.memory_space<vmem>>) dst(%dma_wait3A_690 : memref<10008x128xf32, #tpu.memory_space<vmem_shared>>)
        tpu.yield
      }) : () -> ()
      %add3A_660 = arith.constant 2 : i32
      %add3A_661 = arith.addi %mul3A_645, %add3A_660 : i32
      %dma_start3A_662 = arith.constant 0 : i32
      %dma_start3A_663 = tpu.memref_slice %arg8[%add3A_661, %dma_start3A_662] : memref<20x128xi32, #tpu.memory_space<vmem>> -> memref<1x128xi32, #tpu.memory_space<vmem>>
      %dma_start3A_664 = tpu.memref_squeeze %dma_start3A_663 : memref<1x128xi32, #tpu.memory_space<vmem>> -> memref<128xi32, #tpu.memory_space<vmem>>
      %dma_start3A_665 = arith.constant 0 : i32
      %dma_start3A_666 = arith.constant 0 : i32
      %dma_start3A_667 = tpu.memref_slice %arg2[%dma_start3A_665, %dma_start3A_666] : memref<20000x128xf32, #tpu.memory_space<hbm>> -> memref<20000x128xf32, #tpu.memory_space<hbm>>
      tpu.enqueue_indirect_dma source(%dma_start3A_667 : memref<20000x128xf32, #tpu.memory_space<hbm>>) target(%arg10 : memref<128x128xf32, #tpu.memory_space<vmem>>) offsets(%dma_start3A_664 : memref<128xi32, #tpu.memory_space<vmem>>) semaphore(%arg13 : memref<!tpu.dma_semaphore, #tpu.memory_space<semaphore_mem>>)
      %add3A_668 = arith.constant 1 : i32
      %add3A_669 = arith.addi %mul3A_645, %add3A_668 : i32
      %dma_wait3A_670 = arith.constant 0 : i32
      %dma_wait3A_671 = tpu.memref_slice %arg8[%add3A_669, %dma_wait3A_670] : memref<20x128xi32, #tpu.memory_space<vmem>> -> memref<1x128xi32, #tpu.memory_space<vmem>>
      %dma_wait3A_672 = tpu.memref_squeeze %dma_wait3A_671 : memref<1x128xi32, #tpu.memory_space<vmem>> -> memref<128xi32, #tpu.memory_space<vmem>>
      %dma_wait3A_673 = arith.constant 0 : i32
      %dma_wait3A_674 = arith.constant 0 : i32
      %dma_wait3A_675 = tpu.memref_slice %arg2[%dma_wait3A_673, %dma_wait3A_674] : memref<20000x128xf32, #tpu.memory_space<hbm>> -> memref<20000x128xf32, #tpu.memory_space<hbm>>
      tpu.wait_indirect_dma semaphore(%arg14 : memref<!tpu.dma_semaphore, #tpu.memory_space<semaphore_mem>>) src(%dma_wait3A_675 : memref<20000x128xf32, #tpu.memory_space<hbm>>) dst(%arg11 : memref<128x128xf32, #tpu.memory_space<vmem>>)
      %add3A_676 = arith.constant 1 : i32
      %add3A_677 = arith.addi %mul3A_645, %add3A_676 : i32
      "tpu.region"() ({
        %run_scoped3A_678 = tpu.sem_alloc : memref<!tpu.dma_semaphore, #tpu.memory_space<semaphore_mem>>
        %dma_start3A_679 = arith.constant 0 : i32
        %dma_start3A_680 = tpu.memref_slice %arg9[%add3A_677, %dma_start3A_679] : memref<20x128xi32, #tpu.memory_space<vmem>> -> memref<1x128xi32, #tpu.memory_space<vmem>>
        %dma_start3A_681 = tpu.memref_squeeze %dma_start3A_680 : memref<1x128xi32, #tpu.memory_space<vmem>> -> memref<128xi32, #tpu.memory_space<vmem>>
        %dma_start3A_682 = arith.constant 0 : i32
        %dma_start3A_683 = arith.constant 0 : i32
        %dma_start3A_684 = tpu.memref_slice %arg12[%dma_start3A_682, %dma_start3A_683] : memref<10008x128xf32, #tpu.memory_space<vmem_shared>> -> memref<10008x128xf32, #tpu.memory_space<vmem_shared>>
        tpu.enqueue_indirect_dma source(%arg11 : memref<128x128xf32, #tpu.memory_space<vmem>>) target(%dma_start3A_684 : memref<10008x128xf32, #tpu.memory_space<vmem_shared>>) offsets(%dma_start3A_681 : memref<128xi32, #tpu.memory_space<vmem>>) semaphore(%run_scoped3A_678 : memref<!tpu.dma_semaphore, #tpu.memory_space<semaphore_mem>>) {add = true}
        %dma_wait3A_685 = arith.constant 0 : i32
        %dma_wait3A_686 = tpu.memref_slice %arg9[%add3A_677, %dma_wait3A_685] : memref<20x128xi32, #tpu.memory_space<vmem>> -> memref<1x128xi32, #tpu.memory_space<vmem>>
        %dma_wait3A_687 = tpu.memref_squeeze %dma_wait3A_686 : memref<1x128xi32, #tpu.memory_space<vmem>> -> memref<128xi32, #tpu.memory_space<vmem>>
        %dma_wait3A_688 = arith.constant 0 : i32
        %dma_wait3A_689 = arith.constant 0 : i32
        %dma_wait3A_690 = tpu.memref_slice %arg12[%dma_wait3A_688, %dma_wait3A_689] : memref<10008x128xf32, #tpu.memory_space<vmem_shared>> -> memref<10008x128xf32, #tpu.memory_space<vmem_shared>>
        tpu.wait_indirect_dma semaphore(%run_scoped3A_678 : memref<!tpu.dma_semaphore, #tpu.memory_space<semaphore_mem>>) src(%arg11 : memref<128x128xf32, #tpu.memory_space<vmem>>) dst(%dma_wait3A_690 : memref<10008x128xf32, #tpu.memory_space<vmem_shared>>)
        tpu.yield
      }) : () -> ()
    }
    %scan3A_338 = arith.constant 9 : i32
    %dma_start3A_339 = arith.constant 19 : i32
    %dma_start3A_340 = arith.constant 0 : i32
    %dma_start3A_341 = tpu.memref_slice %arg8[%dma_start3A_339, %dma_start3A_340] : memref<20x128xi32, #tpu.memory_space<vmem>> -> memref<1x128xi32, #tpu.memory_space<vmem>>
    %dma_start3A_342 = tpu.memref_squeeze %dma_start3A_341 : memref<1x128xi32, #tpu.memory_space<vmem>> -> memref<128xi32, #tpu.memory_space<vmem>>
    %dma_start3A_343 = arith.constant 0 : i32
    %dma_start3A_344 = arith.constant 0 : i32
    %dma_start3A_345 = tpu.memref_slice %arg2[%dma_start3A_343, %dma_start3A_344] : memref<20000x128xf32, #tpu.memory_space<hbm>> -> memref<20000x128xf32, #tpu.memory_space<hbm>>
    tpu.enqueue_indirect_dma source(%dma_start3A_345 : memref<20000x128xf32, #tpu.memory_space<hbm>>) target(%arg11 : memref<128x128xf32, #tpu.memory_space<vmem>>) offsets(%dma_start3A_342 : memref<128xi32, #tpu.memory_space<vmem>>) semaphore(%arg14 : memref<!tpu.dma_semaphore, #tpu.memory_space<semaphore_mem>>)
    %dma_wait3A_346 = arith.constant 18 : i32
    %dma_wait3A_347 = arith.constant 0 : i32
    %dma_wait3A_348 = tpu.memref_slice %arg8[%dma_wait3A_346, %dma_wait3A_347] : memref<20x128xi32, #tpu.memory_space<vmem>> -> memref<1x128xi32, #tpu.memory_space<vmem>>
    %dma_wait3A_349 = tpu.memref_squeeze %dma_wait3A_348 : memref<1x128xi32, #tpu.memory_space<vmem>> -> memref<128xi32, #tpu.memory_space<vmem>>
    %dma_wait3A_350 = arith.constant 0 : i32
    %dma_wait3A_351 = arith.constant 0 : i32
    %dma_wait3A_352 = tpu.memref_slice %arg2[%dma_wait3A_350, %dma_wait3A_351] : memref<20000x128xf32, #tpu.memory_space<hbm>> -> memref<20000x128xf32, #tpu.memory_space<hbm>>
    tpu.wait_indirect_dma semaphore(%arg13 : memref<!tpu.dma_semaphore, #tpu.memory_space<semaphore_mem>>) src(%dma_wait3A_352 : memref<20000x128xf32, #tpu.memory_space<hbm>>) dst(%arg10 : memref<128x128xf32, #tpu.memory_space<vmem>>)
    %run_scoped3A_353 = arith.constant 18 : i32
    "tpu.region"() ({
      %run_scoped3A_643 = tpu.sem_alloc : memref<!tpu.dma_semaphore, #tpu.memory_space<semaphore_mem>>
      %dma_start3A_644 = arith.constant 0 : i32
      %dma_start3A_645 = tpu.memref_slice %arg9[%run_scoped3A_353, %dma_start3A_644] : memref<20x128xi32, #tpu.memory_space<vmem>> -> memref<1x128xi32, #tpu.memory_space<vmem>>
      %dma_start3A_646 = tpu.memref_squeeze %dma_start3A_645 : memref<1x128xi32, #tpu.memory_space<vmem>> -> memref<128xi32, #tpu.memory_space<vmem>>
      %dma_start3A_647 = arith.constant 0 : i32
      %dma_start3A_648 = arith.constant 0 : i32
      %dma_start3A_649 = tpu.memref_slice %arg12[%dma_start3A_647, %dma_start3A_648] : memref<10008x128xf32, #tpu.memory_space<vmem_shared>> -> memref<10008x128xf32, #tpu.memory_space<vmem_shared>>
      tpu.enqueue_indirect_dma source(%arg10 : memref<128x128xf32, #tpu.memory_space<vmem>>) target(%dma_start3A_649 : memref<10008x128xf32, #tpu.memory_space<vmem_shared>>) offsets(%dma_start3A_646 : memref<128xi32, #tpu.memory_space<vmem>>) semaphore(%run_scoped3A_643 : memref<!tpu.dma_semaphore, #tpu.memory_space<semaphore_mem>>) {add = true}
      %dma_wait3A_650 = arith.constant 0 : i32
      %dma_wait3A_651 = tpu.memref_slice %arg9[%run_scoped3A_353, %dma_wait3A_650] : memref<20x128xi32, #tpu.memory_space<vmem>> -> memref<1x128xi32, #tpu.memory_space<vmem>>
      %dma_wait3A_652 = tpu.memref_squeeze %dma_wait3A_651 : memref<1x128xi32, #tpu.memory_space<vmem>> -> memref<128xi32, #tpu.memory_space<vmem>>
      %dma_wait3A_653 = arith.constant 0 : i32
      %dma_wait3A_654 = arith.constant 0 : i32
      %dma_wait3A_655 = tpu.memref_slice %arg12[%dma_wait3A_653, %dma_wait3A_654] : memref<10008x128xf32, #tpu.memory_space<vmem_shared>> -> memref<10008x128xf32, #tpu.memory_space<vmem_shared>>
      tpu.wait_indirect_dma semaphore(%run_scoped3A_643 : memref<!tpu.dma_semaphore, #tpu.memory_space<semaphore_mem>>) src(%arg10 : memref<128x128xf32, #tpu.memory_space<vmem>>) dst(%dma_wait3A_655 : memref<10008x128xf32, #tpu.memory_space<vmem_shared>>)
      tpu.yield
    }) : () -> ()
    %dma_wait3A_354 = arith.constant 4 : i32
    %dma_wait3A_355 = arith.constant 0 : i32
    %dma_wait3A_356 = arith.constant 0 : i32
    %dma_wait3A_357 = tpu.memref_slice %arg3[%arg0, %arg1, %dma_wait3A_354, %dma_wait3A_355, %dma_wait3A_356] : memref<2x16x8x20x128xi32, #tpu.memory_space<hbm>> -> memref<1x1x1x20x128xi32, #tpu.memory_space<hbm>>
    %dma_wait3A_358 = tpu.memref_squeeze %dma_wait3A_357 : memref<1x1x1x20x128xi32, #tpu.memory_space<hbm>> -> memref<20x128xi32, #tpu.memory_space<hbm>>
    %dma_wait3A_359 = arith.constant 0 : i32
    %dma_wait3A_360 = arith.constant 0 : i32
    %dma_wait3A_361 = tpu.memref_slice %arg3[%arg0, %arg1, %dma_wait3A_354, %dma_wait3A_359, %dma_wait3A_360] : memref<2x16x8x20x128xi32, #tpu.memory_space<hbm>> -> memref<1x1x1x20x128xi32, #tpu.memory_space<hbm>>
    %dma_wait3A_362 = tpu.memref_squeeze %dma_wait3A_361 : memref<1x1x1x20x128xi32, #tpu.memory_space<hbm>> -> memref<20x128xi32, #tpu.memory_space<hbm>>
    tpu.wait_dma2 semaphore(%arg15 : memref<!tpu.dma_semaphore, #tpu.memory_space<semaphore_mem>>) src(%dma_wait3A_362 : memref<20x128xi32, #tpu.memory_space<hbm>>) dst(%arg6 : memref<20x128xi32, #tpu.memory_space<vmem>>)
    %dma_wait3A_363 = arith.constant 4 : i32
    %dma_wait3A_364 = arith.constant 0 : i32
    %dma_wait3A_365 = arith.constant 0 : i32
    %dma_wait3A_366 = tpu.memref_slice %arg4[%arg1, %dma_wait3A_363, %dma_wait3A_364, %dma_wait3A_365] : memref<16x8x20x128xi32, #tpu.memory_space<hbm>> -> memref<1x1x20x128xi32, #tpu.memory_space<hbm>>
    %dma_wait3A_367 = tpu.memref_squeeze %dma_wait3A_366 : memref<1x1x20x128xi32, #tpu.memory_space<hbm>> -> memref<20x128xi32, #tpu.memory_space<hbm>>
    %dma_wait3A_368 = arith.constant 0 : i32
    %dma_wait3A_369 = arith.constant 0 : i32
    %dma_wait3A_370 = tpu.memref_slice %arg4[%arg1, %dma_wait3A_363, %dma_wait3A_368, %dma_wait3A_369] : memref<16x8x20x128xi32, #tpu.memory_space<hbm>> -> memref<1x1x20x128xi32, #tpu.memory_space<hbm>>
    %dma_wait3A_371 = tpu.memref_squeeze %dma_wait3A_370 : memref<1x1x20x128xi32, #tpu.memory_space<hbm>> -> memref<20x128xi32, #tpu.memory_space<hbm>>
    tpu.wait_dma2 semaphore(%arg15 : memref<!tpu.dma_semaphore, #tpu.memory_space<semaphore_mem>>) src(%dma_wait3A_371 : memref<20x128xi32, #tpu.memory_space<hbm>>) dst(%arg7 : memref<20x128xi32, #tpu.memory_space<vmem>>)
    %dma_start3A_372 = arith.constant 0 : i32
    %dma_start3A_373 = arith.constant 0 : i32
    %dma_start3A_374 = tpu.memref_slice %arg6[%dma_start3A_372, %dma_start3A_373] : memref<20x128xi32, #tpu.memory_space<vmem>> -> memref<1x128xi32, #tpu.memory_space<vmem>>
    %dma_start3A_375 = tpu.memref_squeeze %dma_start3A_374 : memref<1x128xi32, #tpu.memory_space<vmem>> -> memref<128xi32, #tpu.memory_space<vmem>>
    %dma_start3A_376 = arith.constant 0 : i32
    %dma_start3A_377 = arith.constant 0 : i32
    %dma_start3A_378 = tpu.memref_slice %arg2[%dma_start3A_376, %dma_start3A_377] : memref<20000x128xf32, #tpu.memory_space<hbm>> -> memref<20000x128xf32, #tpu.memory_space<hbm>>
    tpu.enqueue_indirect_dma source(%dma_start3A_378 : memref<20000x128xf32, #tpu.memory_space<hbm>>) target(%arg10 : memref<128x128xf32, #tpu.memory_space<vmem>>) offsets(%dma_start3A_375 : memref<128xi32, #tpu.memory_space<vmem>>) semaphore(%arg13 : memref<!tpu.dma_semaphore, #tpu.memory_space<semaphore_mem>>)
    %dma_wait3A_379 = arith.constant 19 : i32
    %dma_wait3A_380 = arith.constant 0 : i32
    %dma_wait3A_381 = tpu.memref_slice %arg8[%dma_wait3A_379, %dma_wait3A_380] : memref<20x128xi32, #tpu.memory_space<vmem>> -> memref<1x128xi32, #tpu.memory_space<vmem>>
    %dma_wait3A_382 = tpu.memref_squeeze %dma_wait3A_381 : memref<1x128xi32, #tpu.memory_space<vmem>> -> memref<128xi32, #tpu.memory_space<vmem>>
    %dma_wait3A_383 = arith.constant 0 : i32
    %dma_wait3A_384 = arith.constant 0 : i32
    %dma_wait3A_385 = tpu.memref_slice %arg2[%dma_wait3A_383, %dma_wait3A_384] : memref<20000x128xf32, #tpu.memory_space<hbm>> -> memref<20000x128xf32, #tpu.memory_space<hbm>>
    tpu.wait_indirect_dma semaphore(%arg14 : memref<!tpu.dma_semaphore, #tpu.memory_space<semaphore_mem>>) src(%dma_wait3A_385 : memref<20000x128xf32, #tpu.memory_space<hbm>>) dst(%arg11 : memref<128x128xf32, #tpu.memory_space<vmem>>)
    %run_scoped3A_386 = arith.constant 19 : i32
    "tpu.region"() ({
      %run_scoped3A_643 = tpu.sem_alloc : memref<!tpu.dma_semaphore, #tpu.memory_space<semaphore_mem>>
      %dma_start3A_644 = arith.constant 0 : i32
      %dma_start3A_645 = tpu.memref_slice %arg9[%run_scoped3A_386, %dma_start3A_644] : memref<20x128xi32, #tpu.memory_space<vmem>> -> memref<1x128xi32, #tpu.memory_space<vmem>>
      %dma_start3A_646 = tpu.memref_squeeze %dma_start3A_645 : memref<1x128xi32, #tpu.memory_space<vmem>> -> memref<128xi32, #tpu.memory_space<vmem>>
      %dma_start3A_647 = arith.constant 0 : i32
      %dma_start3A_648 = arith.constant 0 : i32
      %dma_start3A_649 = tpu.memref_slice %arg12[%dma_start3A_647, %dma_start3A_648] : memref<10008x128xf32, #tpu.memory_space<vmem_shared>> -> memref<10008x128xf32, #tpu.memory_space<vmem_shared>>
      tpu.enqueue_indirect_dma source(%arg11 : memref<128x128xf32, #tpu.memory_space<vmem>>) target(%dma_start3A_649 : memref<10008x128xf32, #tpu.memory_space<vmem_shared>>) offsets(%dma_start3A_646 : memref<128xi32, #tpu.memory_space<vmem>>) semaphore(%run_scoped3A_643 : memref<!tpu.dma_semaphore, #tpu.memory_space<semaphore_mem>>) {add = true}
      %dma_wait3A_650 = arith.constant 0 : i32
      %dma_wait3A_651 = tpu.memref_slice %arg9[%run_scoped3A_386, %dma_wait3A_650] : memref<20x128xi32, #tpu.memory_space<vmem>> -> memref<1x128xi32, #tpu.memory_space<vmem>>
      %dma_wait3A_652 = tpu.memref_squeeze %dma_wait3A_651 : memref<1x128xi32, #tpu.memory_space<vmem>> -> memref<128xi32, #tpu.memory_space<vmem>>
      %dma_wait3A_653 = arith.constant 0 : i32
      %dma_wait3A_654 = arith.constant 0 : i32
      %dma_wait3A_655 = tpu.memref_slice %arg12[%dma_wait3A_653, %dma_wait3A_654] : memref<10008x128xf32, #tpu.memory_space<vmem_shared>> -> memref<10008x128xf32, #tpu.memory_space<vmem_shared>>
      tpu.wait_indirect_dma semaphore(%run_scoped3A_643 : memref<!tpu.dma_semaphore, #tpu.memory_space<semaphore_mem>>) src(%arg11 : memref<128x128xf32, #tpu.memory_space<vmem>>) dst(%dma_wait3A_655 : memref<10008x128xf32, #tpu.memory_space<vmem_shared>>)
      tpu.yield
    }) : () -> ()
    %dma_start3A_387 = arith.constant 5 : i32
    %dma_start3A_388 = arith.constant 0 : i32
    %dma_start3A_389 = arith.constant 0 : i32
    %dma_start3A_390 = tpu.memref_slice %arg3[%arg0, %arg1, %dma_start3A_387, %dma_start3A_388, %dma_start3A_389] : memref<2x16x8x20x128xi32, #tpu.memory_space<hbm>> -> memref<1x1x1x20x128xi32, #tpu.memory_space<hbm>>
    %dma_start3A_391 = tpu.memref_squeeze %dma_start3A_390 : memref<1x1x1x20x128xi32, #tpu.memory_space<hbm>> -> memref<20x128xi32, #tpu.memory_space<hbm>>
    %dma_start3A_392 = arith.constant 0 : i32
    %dma_start3A_393 = arith.constant 0 : i32
    %dma_start3A_394 = tpu.memref_slice %arg3[%arg0, %arg1, %dma_start3A_387, %dma_start3A_392, %dma_start3A_393] : memref<2x16x8x20x128xi32, #tpu.memory_space<hbm>> -> memref<1x1x1x20x128xi32, #tpu.memory_space<hbm>>
    %dma_start3A_395 = tpu.memref_squeeze %dma_start3A_394 : memref<1x1x1x20x128xi32, #tpu.memory_space<hbm>> -> memref<20x128xi32, #tpu.memory_space<hbm>>
    tpu.enqueue_dma source(%dma_start3A_395 : memref<20x128xi32, #tpu.memory_space<hbm>>) target(%arg8 : memref<20x128xi32, #tpu.memory_space<vmem>>) target_semaphore(%arg16 : memref<!tpu.dma_semaphore, #tpu.memory_space<semaphore_mem>>)
    %dma_start3A_396 = arith.constant 5 : i32
    %dma_start3A_397 = arith.constant 0 : i32
    %dma_start3A_398 = arith.constant 0 : i32
    %dma_start3A_399 = tpu.memref_slice %arg4[%arg1, %dma_start3A_396, %dma_start3A_397, %dma_start3A_398] : memref<16x8x20x128xi32, #tpu.memory_space<hbm>> -> memref<1x1x20x128xi32, #tpu.memory_space<hbm>>
    %dma_start3A_400 = tpu.memref_squeeze %dma_start3A_399 : memref<1x1x20x128xi32, #tpu.memory_space<hbm>> -> memref<20x128xi32, #tpu.memory_space<hbm>>
    %dma_start3A_401 = arith.constant 0 : i32
    %dma_start3A_402 = arith.constant 0 : i32
    %dma_start3A_403 = tpu.memref_slice %arg4[%arg1, %dma_start3A_396, %dma_start3A_401, %dma_start3A_402] : memref<16x8x20x128xi32, #tpu.memory_space<hbm>> -> memref<1x1x20x128xi32, #tpu.memory_space<hbm>>
    %dma_start3A_404 = tpu.memref_squeeze %dma_start3A_403 : memref<1x1x20x128xi32, #tpu.memory_space<hbm>> -> memref<20x128xi32, #tpu.memory_space<hbm>>
    tpu.enqueue_dma source(%dma_start3A_404 : memref<20x128xi32, #tpu.memory_space<hbm>>) target(%arg9 : memref<20x128xi32, #tpu.memory_space<vmem>>) target_semaphore(%arg16 : memref<!tpu.dma_semaphore, #tpu.memory_space<semaphore_mem>>)
    %scan3A_405 = arith.constant 0 : i32
    %scan3A_406 = arith.constant 0 : i32
    %scan3A_407 = arith.constant 9 : i32
    %scan3A_408 = arith.addi %scan3A_406, %scan3A_407 : i32
    %scan3A_409 = arith.constant 1 : i32
    scf.for %scan3A_643 = %scan3A_406 to %scan3A_408 step %scan3A_409  : i32 {
      %mul3A_644 = arith.constant 2 : i32
      %mul3A_645 = arith.muli %mul3A_644, %scan3A_643 : i32
      %add3A_646 = arith.constant 1 : i32
      %add3A_647 = arith.addi %mul3A_645, %add3A_646 : i32
      %dma_start3A_648 = arith.constant 0 : i32
      %dma_start3A_649 = tpu.memref_slice %arg6[%add3A_647, %dma_start3A_648] : memref<20x128xi32, #tpu.memory_space<vmem>> -> memref<1x128xi32, #tpu.memory_space<vmem>>
      %dma_start3A_650 = tpu.memref_squeeze %dma_start3A_649 : memref<1x128xi32, #tpu.memory_space<vmem>> -> memref<128xi32, #tpu.memory_space<vmem>>
      %dma_start3A_651 = arith.constant 0 : i32
      %dma_start3A_652 = arith.constant 0 : i32
      %dma_start3A_653 = tpu.memref_slice %arg2[%dma_start3A_651, %dma_start3A_652] : memref<20000x128xf32, #tpu.memory_space<hbm>> -> memref<20000x128xf32, #tpu.memory_space<hbm>>
      tpu.enqueue_indirect_dma source(%dma_start3A_653 : memref<20000x128xf32, #tpu.memory_space<hbm>>) target(%arg11 : memref<128x128xf32, #tpu.memory_space<vmem>>) offsets(%dma_start3A_650 : memref<128xi32, #tpu.memory_space<vmem>>) semaphore(%arg14 : memref<!tpu.dma_semaphore, #tpu.memory_space<semaphore_mem>>)
      %dma_wait3A_654 = arith.constant 0 : i32
      %dma_wait3A_655 = tpu.memref_slice %arg6[%mul3A_645, %dma_wait3A_654] : memref<20x128xi32, #tpu.memory_space<vmem>> -> memref<1x128xi32, #tpu.memory_space<vmem>>
      %dma_wait3A_656 = tpu.memref_squeeze %dma_wait3A_655 : memref<1x128xi32, #tpu.memory_space<vmem>> -> memref<128xi32, #tpu.memory_space<vmem>>
      %dma_wait3A_657 = arith.constant 0 : i32
      %dma_wait3A_658 = arith.constant 0 : i32
      %dma_wait3A_659 = tpu.memref_slice %arg2[%dma_wait3A_657, %dma_wait3A_658] : memref<20000x128xf32, #tpu.memory_space<hbm>> -> memref<20000x128xf32, #tpu.memory_space<hbm>>
      tpu.wait_indirect_dma semaphore(%arg13 : memref<!tpu.dma_semaphore, #tpu.memory_space<semaphore_mem>>) src(%dma_wait3A_659 : memref<20000x128xf32, #tpu.memory_space<hbm>>) dst(%arg10 : memref<128x128xf32, #tpu.memory_space<vmem>>)
      "tpu.region"() ({
        %run_scoped3A_678 = tpu.sem_alloc : memref<!tpu.dma_semaphore, #tpu.memory_space<semaphore_mem>>
        %dma_start3A_679 = arith.constant 0 : i32
        %dma_start3A_680 = tpu.memref_slice %arg7[%mul3A_645, %dma_start3A_679] : memref<20x128xi32, #tpu.memory_space<vmem>> -> memref<1x128xi32, #tpu.memory_space<vmem>>
        %dma_start3A_681 = tpu.memref_squeeze %dma_start3A_680 : memref<1x128xi32, #tpu.memory_space<vmem>> -> memref<128xi32, #tpu.memory_space<vmem>>
        %dma_start3A_682 = arith.constant 0 : i32
        %dma_start3A_683 = arith.constant 0 : i32
        %dma_start3A_684 = tpu.memref_slice %arg12[%dma_start3A_682, %dma_start3A_683] : memref<10008x128xf32, #tpu.memory_space<vmem_shared>> -> memref<10008x128xf32, #tpu.memory_space<vmem_shared>>
        tpu.enqueue_indirect_dma source(%arg10 : memref<128x128xf32, #tpu.memory_space<vmem>>) target(%dma_start3A_684 : memref<10008x128xf32, #tpu.memory_space<vmem_shared>>) offsets(%dma_start3A_681 : memref<128xi32, #tpu.memory_space<vmem>>) semaphore(%run_scoped3A_678 : memref<!tpu.dma_semaphore, #tpu.memory_space<semaphore_mem>>) {add = true}
        %dma_wait3A_685 = arith.constant 0 : i32
        %dma_wait3A_686 = tpu.memref_slice %arg7[%mul3A_645, %dma_wait3A_685] : memref<20x128xi32, #tpu.memory_space<vmem>> -> memref<1x128xi32, #tpu.memory_space<vmem>>
        %dma_wait3A_687 = tpu.memref_squeeze %dma_wait3A_686 : memref<1x128xi32, #tpu.memory_space<vmem>> -> memref<128xi32, #tpu.memory_space<vmem>>
        %dma_wait3A_688 = arith.constant 0 : i32
        %dma_wait3A_689 = arith.constant 0 : i32
        %dma_wait3A_690 = tpu.memref_slice %arg12[%dma_wait3A_688, %dma_wait3A_689] : memref<10008x128xf32, #tpu.memory_space<vmem_shared>> -> memref<10008x128xf32, #tpu.memory_space<vmem_shared>>
        tpu.wait_indirect_dma semaphore(%run_scoped3A_678 : memref<!tpu.dma_semaphore, #tpu.memory_space<semaphore_mem>>) src(%arg10 : memref<128x128xf32, #tpu.memory_space<vmem>>) dst(%dma_wait3A_690 : memref<10008x128xf32, #tpu.memory_space<vmem_shared>>)
        tpu.yield
      }) : () -> ()
      %add3A_660 = arith.constant 2 : i32
      %add3A_661 = arith.addi %mul3A_645, %add3A_660 : i32
      %dma_start3A_662 = arith.constant 0 : i32
      %dma_start3A_663 = tpu.memref_slice %arg6[%add3A_661, %dma_start3A_662] : memref<20x128xi32, #tpu.memory_space<vmem>> -> memref<1x128xi32, #tpu.memory_space<vmem>>
      %dma_start3A_664 = tpu.memref_squeeze %dma_start3A_663 : memref<1x128xi32, #tpu.memory_space<vmem>> -> memref<128xi32, #tpu.memory_space<vmem>>
      %dma_start3A_665 = arith.constant 0 : i32
      %dma_start3A_666 = arith.constant 0 : i32
      %dma_start3A_667 = tpu.memref_slice %arg2[%dma_start3A_665, %dma_start3A_666] : memref<20000x128xf32, #tpu.memory_space<hbm>> -> memref<20000x128xf32, #tpu.memory_space<hbm>>
      tpu.enqueue_indirect_dma source(%dma_start3A_667 : memref<20000x128xf32, #tpu.memory_space<hbm>>) target(%arg10 : memref<128x128xf32, #tpu.memory_space<vmem>>) offsets(%dma_start3A_664 : memref<128xi32, #tpu.memory_space<vmem>>) semaphore(%arg13 : memref<!tpu.dma_semaphore, #tpu.memory_space<semaphore_mem>>)
      %add3A_668 = arith.constant 1 : i32
      %add3A_669 = arith.addi %mul3A_645, %add3A_668 : i32
      %dma_wait3A_670 = arith.constant 0 : i32
      %dma_wait3A_671 = tpu.memref_slice %arg6[%add3A_669, %dma_wait3A_670] : memref<20x128xi32, #tpu.memory_space<vmem>> -> memref<1x128xi32, #tpu.memory_space<vmem>>
      %dma_wait3A_672 = tpu.memref_squeeze %dma_wait3A_671 : memref<1x128xi32, #tpu.memory_space<vmem>> -> memref<128xi32, #tpu.memory_space<vmem>>
      %dma_wait3A_673 = arith.constant 0 : i32
      %dma_wait3A_674 = arith.constant 0 : i32
      %dma_wait3A_675 = tpu.memref_slice %arg2[%dma_wait3A_673, %dma_wait3A_674] : memref<20000x128xf32, #tpu.memory_space<hbm>> -> memref<20000x128xf32, #tpu.memory_space<hbm>>
      tpu.wait_indirect_dma semaphore(%arg14 : memref<!tpu.dma_semaphore, #tpu.memory_space<semaphore_mem>>) src(%dma_wait3A_675 : memref<20000x128xf32, #tpu.memory_space<hbm>>) dst(%arg11 : memref<128x128xf32, #tpu.memory_space<vmem>>)
      %add3A_676 = arith.constant 1 : i32
      %add3A_677 = arith.addi %mul3A_645, %add3A_676 : i32
      "tpu.region"() ({
        %run_scoped3A_678 = tpu.sem_alloc : memref<!tpu.dma_semaphore, #tpu.memory_space<semaphore_mem>>
        %dma_start3A_679 = arith.constant 0 : i32
        %dma_start3A_680 = tpu.memref_slice %arg7[%add3A_677, %dma_start3A_679] : memref<20x128xi32, #tpu.memory_space<vmem>> -> memref<1x128xi32, #tpu.memory_space<vmem>>
        %dma_start3A_681 = tpu.memref_squeeze %dma_start3A_680 : memref<1x128xi32, #tpu.memory_space<vmem>> -> memref<128xi32, #tpu.memory_space<vmem>>
        %dma_start3A_682 = arith.constant 0 : i32
        %dma_start3A_683 = arith.constant 0 : i32
        %dma_start3A_684 = tpu.memref_slice %arg12[%dma_start3A_682, %dma_start3A_683] : memref<10008x128xf32, #tpu.memory_space<vmem_shared>> -> memref<10008x128xf32, #tpu.memory_space<vmem_shared>>
        tpu.enqueue_indirect_dma source(%arg11 : memref<128x128xf32, #tpu.memory_space<vmem>>) target(%dma_start3A_684 : memref<10008x128xf32, #tpu.memory_space<vmem_shared>>) offsets(%dma_start3A_681 : memref<128xi32, #tpu.memory_space<vmem>>) semaphore(%run_scoped3A_678 : memref<!tpu.dma_semaphore, #tpu.memory_space<semaphore_mem>>) {add = true}
        %dma_wait3A_685 = arith.constant 0 : i32
        %dma_wait3A_686 = tpu.memref_slice %arg7[%add3A_677, %dma_wait3A_685] : memref<20x128xi32, #tpu.memory_space<vmem>> -> memref<1x128xi32, #tpu.memory_space<vmem>>
        %dma_wait3A_687 = tpu.memref_squeeze %dma_wait3A_686 : memref<1x128xi32, #tpu.memory_space<vmem>> -> memref<128xi32, #tpu.memory_space<vmem>>
        %dma_wait3A_688 = arith.constant 0 : i32
        %dma_wait3A_689 = arith.constant 0 : i32
        %dma_wait3A_690 = tpu.memref_slice %arg12[%dma_wait3A_688, %dma_wait3A_689] : memref<10008x128xf32, #tpu.memory_space<vmem_shared>> -> memref<10008x128xf32, #tpu.memory_space<vmem_shared>>
        tpu.wait_indirect_dma semaphore(%run_scoped3A_678 : memref<!tpu.dma_semaphore, #tpu.memory_space<semaphore_mem>>) src(%arg11 : memref<128x128xf32, #tpu.memory_space<vmem>>) dst(%dma_wait3A_690 : memref<10008x128xf32, #tpu.memory_space<vmem_shared>>)
        tpu.yield
      }) : () -> ()
    }
    %scan3A_410 = arith.constant 9 : i32
    %dma_start3A_411 = arith.constant 19 : i32
    %dma_start3A_412 = arith.constant 0 : i32
    %dma_start3A_413 = tpu.memref_slice %arg6[%dma_start3A_411, %dma_start3A_412] : memref<20x128xi32, #tpu.memory_space<vmem>> -> memref<1x128xi32, #tpu.memory_space<vmem>>
    %dma_start3A_414 = tpu.memref_squeeze %dma_start3A_413 : memref<1x128xi32, #tpu.memory_space<vmem>> -> memref<128xi32, #tpu.memory_space<vmem>>
    %dma_start3A_415 = arith.constant 0 : i32
    %dma_start3A_416 = arith.constant 0 : i32
    %dma_start3A_417 = tpu.memref_slice %arg2[%dma_start3A_415, %dma_start3A_416] : memref<20000x128xf32, #tpu.memory_space<hbm>> -> memref<20000x128xf32, #tpu.memory_space<hbm>>
    tpu.enqueue_indirect_dma source(%dma_start3A_417 : memref<20000x128xf32, #tpu.memory_space<hbm>>) target(%arg11 : memref<128x128xf32, #tpu.memory_space<vmem>>) offsets(%dma_start3A_414 : memref<128xi32, #tpu.memory_space<vmem>>) semaphore(%arg14 : memref<!tpu.dma_semaphore, #tpu.memory_space<semaphore_mem>>)
    %dma_wait3A_418 = arith.constant 18 : i32
    %dma_wait3A_419 = arith.constant 0 : i32
    %dma_wait3A_420 = tpu.memref_slice %arg6[%dma_wait3A_418, %dma_wait3A_419] : memref<20x128xi32, #tpu.memory_space<vmem>> -> memref<1x128xi32, #tpu.memory_space<vmem>>
    %dma_wait3A_421 = tpu.memref_squeeze %dma_wait3A_420 : memref<1x128xi32, #tpu.memory_space<vmem>> -> memref<128xi32, #tpu.memory_space<vmem>>
    %dma_wait3A_422 = arith.constant 0 : i32
    %dma_wait3A_423 = arith.constant 0 : i32
    %dma_wait3A_424 = tpu.memref_slice %arg2[%dma_wait3A_422, %dma_wait3A_423] : memref<20000x128xf32, #tpu.memory_space<hbm>> -> memref<20000x128xf32, #tpu.memory_space<hbm>>
    tpu.wait_indirect_dma semaphore(%arg13 : memref<!tpu.dma_semaphore, #tpu.memory_space<semaphore_mem>>) src(%dma_wait3A_424 : memref<20000x128xf32, #tpu.memory_space<hbm>>) dst(%arg10 : memref<128x128xf32, #tpu.memory_space<vmem>>)
    %run_scoped3A_425 = arith.constant 18 : i32
    "tpu.region"() ({
      %run_scoped3A_643 = tpu.sem_alloc : memref<!tpu.dma_semaphore, #tpu.memory_space<semaphore_mem>>
      %dma_start3A_644 = arith.constant 0 : i32
      %dma_start3A_645 = tpu.memref_slice %arg7[%run_scoped3A_425, %dma_start3A_644] : memref<20x128xi32, #tpu.memory_space<vmem>> -> memref<1x128xi32, #tpu.memory_space<vmem>>
      %dma_start3A_646 = tpu.memref_squeeze %dma_start3A_645 : memref<1x128xi32, #tpu.memory_space<vmem>> -> memref<128xi32, #tpu.memory_space<vmem>>
      %dma_start3A_647 = arith.constant 0 : i32
      %dma_start3A_648 = arith.constant 0 : i32
      %dma_start3A_649 = tpu.memref_slice %arg12[%dma_start3A_647, %dma_start3A_648] : memref<10008x128xf32, #tpu.memory_space<vmem_shared>> -> memref<10008x128xf32, #tpu.memory_space<vmem_shared>>
      tpu.enqueue_indirect_dma source(%arg10 : memref<128x128xf32, #tpu.memory_space<vmem>>) target(%dma_start3A_649 : memref<10008x128xf32, #tpu.memory_space<vmem_shared>>) offsets(%dma_start3A_646 : memref<128xi32, #tpu.memory_space<vmem>>) semaphore(%run_scoped3A_643 : memref<!tpu.dma_semaphore, #tpu.memory_space<semaphore_mem>>) {add = true}
      %dma_wait3A_650 = arith.constant 0 : i32
      %dma_wait3A_651 = tpu.memref_slice %arg7[%run_scoped3A_425, %dma_wait3A_650] : memref<20x128xi32, #tpu.memory_space<vmem>> -> memref<1x128xi32, #tpu.memory_space<vmem>>
      %dma_wait3A_652 = tpu.memref_squeeze %dma_wait3A_651 : memref<1x128xi32, #tpu.memory_space<vmem>> -> memref<128xi32, #tpu.memory_space<vmem>>
      %dma_wait3A_653 = arith.constant 0 : i32
      %dma_wait3A_654 = arith.constant 0 : i32
      %dma_wait3A_655 = tpu.memref_slice %arg12[%dma_wait3A_653, %dma_wait3A_654] : memref<10008x128xf32, #tpu.memory_space<vmem_shared>> -> memref<10008x128xf32, #tpu.memory_space<vmem_shared>>
      tpu.wait_indirect_dma semaphore(%run_scoped3A_643 : memref<!tpu.dma_semaphore, #tpu.memory_space<semaphore_mem>>) src(%arg10 : memref<128x128xf32, #tpu.memory_space<vmem>>) dst(%dma_wait3A_655 : memref<10008x128xf32, #tpu.memory_space<vmem_shared>>)
      tpu.yield
    }) : () -> ()
    %dma_wait3A_426 = arith.constant 5 : i32
    %dma_wait3A_427 = arith.constant 0 : i32
    %dma_wait3A_428 = arith.constant 0 : i32
    %dma_wait3A_429 = tpu.memref_slice %arg3[%arg0, %arg1, %dma_wait3A_426, %dma_wait3A_427, %dma_wait3A_428] : memref<2x16x8x20x128xi32, #tpu.memory_space<hbm>> -> memref<1x1x1x20x128xi32, #tpu.memory_space<hbm>>
    %dma_wait3A_430 = tpu.memref_squeeze %dma_wait3A_429 : memref<1x1x1x20x128xi32, #tpu.memory_space<hbm>> -> memref<20x128xi32, #tpu.memory_space<hbm>>
    %dma_wait3A_431 = arith.constant 0 : i32
    %dma_wait3A_432 = arith.constant 0 : i32
    %dma_wait3A_433 = tpu.memref_slice %arg3[%arg0, %arg1, %dma_wait3A_426, %dma_wait3A_431, %dma_wait3A_432] : memref<2x16x8x20x128xi32, #tpu.memory_space<hbm>> -> memref<1x1x1x20x128xi32, #tpu.memory_space<hbm>>
    %dma_wait3A_434 = tpu.memref_squeeze %dma_wait3A_433 : memref<1x1x1x20x128xi32, #tpu.memory_space<hbm>> -> memref<20x128xi32, #tpu.memory_space<hbm>>
    tpu.wait_dma2 semaphore(%arg16 : memref<!tpu.dma_semaphore, #tpu.memory_space<semaphore_mem>>) src(%dma_wait3A_434 : memref<20x128xi32, #tpu.memory_space<hbm>>) dst(%arg8 : memref<20x128xi32, #tpu.memory_space<vmem>>)
    %dma_wait3A_435 = arith.constant 5 : i32
    %dma_wait3A_436 = arith.constant 0 : i32
    %dma_wait3A_437 = arith.constant 0 : i32
    %dma_wait3A_438 = tpu.memref_slice %arg4[%arg1, %dma_wait3A_435, %dma_wait3A_436, %dma_wait3A_437] : memref<16x8x20x128xi32, #tpu.memory_space<hbm>> -> memref<1x1x20x128xi32, #tpu.memory_space<hbm>>
    %dma_wait3A_439 = tpu.memref_squeeze %dma_wait3A_438 : memref<1x1x20x128xi32, #tpu.memory_space<hbm>> -> memref<20x128xi32, #tpu.memory_space<hbm>>
    %dma_wait3A_440 = arith.constant 0 : i32
    %dma_wait3A_441 = arith.constant 0 : i32
    %dma_wait3A_442 = tpu.memref_slice %arg4[%arg1, %dma_wait3A_435, %dma_wait3A_440, %dma_wait3A_441] : memref<16x8x20x128xi32, #tpu.memory_space<hbm>> -> memref<1x1x20x128xi32, #tpu.memory_space<hbm>>
    %dma_wait3A_443 = tpu.memref_squeeze %dma_wait3A_442 : memref<1x1x20x128xi32, #tpu.memory_space<hbm>> -> memref<20x128xi32, #tpu.memory_space<hbm>>
    tpu.wait_dma2 semaphore(%arg16 : memref<!tpu.dma_semaphore, #tpu.memory_space<semaphore_mem>>) src(%dma_wait3A_443 : memref<20x128xi32, #tpu.memory_space<hbm>>) dst(%arg9 : memref<20x128xi32, #tpu.memory_space<vmem>>)
    %dma_start3A_444 = arith.constant 0 : i32
    %dma_start3A_445 = arith.constant 0 : i32
    %dma_start3A_446 = tpu.memref_slice %arg8[%dma_start3A_444, %dma_start3A_445] : memref<20x128xi32, #tpu.memory_space<vmem>> -> memref<1x128xi32, #tpu.memory_space<vmem>>
    %dma_start3A_447 = tpu.memref_squeeze %dma_start3A_446 : memref<1x128xi32, #tpu.memory_space<vmem>> -> memref<128xi32, #tpu.memory_space<vmem>>
    %dma_start3A_448 = arith.constant 0 : i32
    %dma_start3A_449 = arith.constant 0 : i32
    %dma_start3A_450 = tpu.memref_slice %arg2[%dma_start3A_448, %dma_start3A_449] : memref<20000x128xf32, #tpu.memory_space<hbm>> -> memref<20000x128xf32, #tpu.memory_space<hbm>>
    tpu.enqueue_indirect_dma source(%dma_start3A_450 : memref<20000x128xf32, #tpu.memory_space<hbm>>) target(%arg10 : memref<128x128xf32, #tpu.memory_space<vmem>>) offsets(%dma_start3A_447 : memref<128xi32, #tpu.memory_space<vmem>>) semaphore(%arg13 : memref<!tpu.dma_semaphore, #tpu.memory_space<semaphore_mem>>)
    %dma_wait3A_451 = arith.constant 19 : i32
    %dma_wait3A_452 = arith.constant 0 : i32
    %dma_wait3A_453 = tpu.memref_slice %arg6[%dma_wait3A_451, %dma_wait3A_452] : memref<20x128xi32, #tpu.memory_space<vmem>> -> memref<1x128xi32, #tpu.memory_space<vmem>>
    %dma_wait3A_454 = tpu.memref_squeeze %dma_wait3A_453 : memref<1x128xi32, #tpu.memory_space<vmem>> -> memref<128xi32, #tpu.memory_space<vmem>>
    %dma_wait3A_455 = arith.constant 0 : i32
    %dma_wait3A_456 = arith.constant 0 : i32
    %dma_wait3A_457 = tpu.memref_slice %arg2[%dma_wait3A_455, %dma_wait3A_456] : memref<20000x128xf32, #tpu.memory_space<hbm>> -> memref<20000x128xf32, #tpu.memory_space<hbm>>
    tpu.wait_indirect_dma semaphore(%arg14 : memref<!tpu.dma_semaphore, #tpu.memory_space<semaphore_mem>>) src(%dma_wait3A_457 : memref<20000x128xf32, #tpu.memory_space<hbm>>) dst(%arg11 : memref<128x128xf32, #tpu.memory_space<vmem>>)
    %run_scoped3A_458 = arith.constant 19 : i32
    "tpu.region"() ({
      %run_scoped3A_643 = tpu.sem_alloc : memref<!tpu.dma_semaphore, #tpu.memory_space<semaphore_mem>>
      %dma_start3A_644 = arith.constant 0 : i32
      %dma_start3A_645 = tpu.memref_slice %arg7[%run_scoped3A_458, %dma_start3A_644] : memref<20x128xi32, #tpu.memory_space<vmem>> -> memref<1x128xi32, #tpu.memory_space<vmem>>
      %dma_start3A_646 = tpu.memref_squeeze %dma_start3A_645 : memref<1x128xi32, #tpu.memory_space<vmem>> -> memref<128xi32, #tpu.memory_space<vmem>>
      %dma_start3A_647 = arith.constant 0 : i32
      %dma_start3A_648 = arith.constant 0 : i32
      %dma_start3A_649 = tpu.memref_slice %arg12[%dma_start3A_647, %dma_start3A_648] : memref<10008x128xf32, #tpu.memory_space<vmem_shared>> -> memref<10008x128xf32, #tpu.memory_space<vmem_shared>>
      tpu.enqueue_indirect_dma source(%arg11 : memref<128x128xf32, #tpu.memory_space<vmem>>) target(%dma_start3A_649 : memref<10008x128xf32, #tpu.memory_space<vmem_shared>>) offsets(%dma_start3A_646 : memref<128xi32, #tpu.memory_space<vmem>>) semaphore(%run_scoped3A_643 : memref<!tpu.dma_semaphore, #tpu.memory_space<semaphore_mem>>) {add = true}
      %dma_wait3A_650 = arith.constant 0 : i32
      %dma_wait3A_651 = tpu.memref_slice %arg7[%run_scoped3A_458, %dma_wait3A_650] : memref<20x128xi32, #tpu.memory_space<vmem>> -> memref<1x128xi32, #tpu.memory_space<vmem>>
      %dma_wait3A_652 = tpu.memref_squeeze %dma_wait3A_651 : memref<1x128xi32, #tpu.memory_space<vmem>> -> memref<128xi32, #tpu.memory_space<vmem>>
      %dma_wait3A_653 = arith.constant 0 : i32
      %dma_wait3A_654 = arith.constant 0 : i32
      %dma_wait3A_655 = tpu.memref_slice %arg12[%dma_wait3A_653, %dma_wait3A_654] : memref<10008x128xf32, #tpu.memory_space<vmem_shared>> -> memref<10008x128xf32, #tpu.memory_space<vmem_shared>>
      tpu.wait_indirect_dma semaphore(%run_scoped3A_643 : memref<!tpu.dma_semaphore, #tpu.memory_space<semaphore_mem>>) src(%arg11 : memref<128x128xf32, #tpu.memory_space<vmem>>) dst(%dma_wait3A_655 : memref<10008x128xf32, #tpu.memory_space<vmem_shared>>)
      tpu.yield
    }) : () -> ()
    %dma_start3A_459 = arith.constant 6 : i32
    %dma_start3A_460 = arith.constant 0 : i32
    %dma_start3A_461 = arith.constant 0 : i32
    %dma_start3A_462 = tpu.memref_slice %arg3[%arg0, %arg1, %dma_start3A_459, %dma_start3A_460, %dma_start3A_461] : memref<2x16x8x20x128xi32, #tpu.memory_space<hbm>> -> memref<1x1x1x20x128xi32, #tpu.memory_space<hbm>>
    %dma_start3A_463 = tpu.memref_squeeze %dma_start3A_462 : memref<1x1x1x20x128xi32, #tpu.memory_space<hbm>> -> memref<20x128xi32, #tpu.memory_space<hbm>>
    %dma_start3A_464 = arith.constant 0 : i32
    %dma_start3A_465 = arith.constant 0 : i32
    %dma_start3A_466 = tpu.memref_slice %arg3[%arg0, %arg1, %dma_start3A_459, %dma_start3A_464, %dma_start3A_465] : memref<2x16x8x20x128xi32, #tpu.memory_space<hbm>> -> memref<1x1x1x20x128xi32, #tpu.memory_space<hbm>>
    %dma_start3A_467 = tpu.memref_squeeze %dma_start3A_466 : memref<1x1x1x20x128xi32, #tpu.memory_space<hbm>> -> memref<20x128xi32, #tpu.memory_space<hbm>>
    tpu.enqueue_dma source(%dma_start3A_467 : memref<20x128xi32, #tpu.memory_space<hbm>>) target(%arg6 : memref<20x128xi32, #tpu.memory_space<vmem>>) target_semaphore(%arg15 : memref<!tpu.dma_semaphore, #tpu.memory_space<semaphore_mem>>)
    %dma_start3A_468 = arith.constant 6 : i32
    %dma_start3A_469 = arith.constant 0 : i32
    %dma_start3A_470 = arith.constant 0 : i32
    %dma_start3A_471 = tpu.memref_slice %arg4[%arg1, %dma_start3A_468, %dma_start3A_469, %dma_start3A_470] : memref<16x8x20x128xi32, #tpu.memory_space<hbm>> -> memref<1x1x20x128xi32, #tpu.memory_space<hbm>>
    %dma_start3A_472 = tpu.memref_squeeze %dma_start3A_471 : memref<1x1x20x128xi32, #tpu.memory_space<hbm>> -> memref<20x128xi32, #tpu.memory_space<hbm>>
    %dma_start3A_473 = arith.constant 0 : i32
    %dma_start3A_474 = arith.constant 0 : i32
    %dma_start3A_475 = tpu.memref_slice %arg4[%arg1, %dma_start3A_468, %dma_start3A_473, %dma_start3A_474] : memref<16x8x20x128xi32, #tpu.memory_space<hbm>> -> memref<1x1x20x128xi32, #tpu.memory_space<hbm>>
    %dma_start3A_476 = tpu.memref_squeeze %dma_start3A_475 : memref<1x1x20x128xi32, #tpu.memory_space<hbm>> -> memref<20x128xi32, #tpu.memory_space<hbm>>
    tpu.enqueue_dma source(%dma_start3A_476 : memref<20x128xi32, #tpu.memory_space<hbm>>) target(%arg7 : memref<20x128xi32, #tpu.memory_space<vmem>>) target_semaphore(%arg15 : memref<!tpu.dma_semaphore, #tpu.memory_space<semaphore_mem>>)
    %scan3A_477 = arith.constant 0 : i32
    %scan3A_478 = arith.constant 0 : i32
    %scan3A_479 = arith.constant 9 : i32
    %scan3A_480 = arith.addi %scan3A_478, %scan3A_479 : i32
    %scan3A_481 = arith.constant 1 : i32
    scf.for %scan3A_643 = %scan3A_478 to %scan3A_480 step %scan3A_481  : i32 {
      %mul3A_644 = arith.constant 2 : i32
      %mul3A_645 = arith.muli %mul3A_644, %scan3A_643 : i32
      %add3A_646 = arith.constant 1 : i32
      %add3A_647 = arith.addi %mul3A_645, %add3A_646 : i32
      %dma_start3A_648 = arith.constant 0 : i32
      %dma_start3A_649 = tpu.memref_slice %arg8[%add3A_647, %dma_start3A_648] : memref<20x128xi32, #tpu.memory_space<vmem>> -> memref<1x128xi32, #tpu.memory_space<vmem>>
      %dma_start3A_650 = tpu.memref_squeeze %dma_start3A_649 : memref<1x128xi32, #tpu.memory_space<vmem>> -> memref<128xi32, #tpu.memory_space<vmem>>
      %dma_start3A_651 = arith.constant 0 : i32
      %dma_start3A_652 = arith.constant 0 : i32
      %dma_start3A_653 = tpu.memref_slice %arg2[%dma_start3A_651, %dma_start3A_652] : memref<20000x128xf32, #tpu.memory_space<hbm>> -> memref<20000x128xf32, #tpu.memory_space<hbm>>
      tpu.enqueue_indirect_dma source(%dma_start3A_653 : memref<20000x128xf32, #tpu.memory_space<hbm>>) target(%arg11 : memref<128x128xf32, #tpu.memory_space<vmem>>) offsets(%dma_start3A_650 : memref<128xi32, #tpu.memory_space<vmem>>) semaphore(%arg14 : memref<!tpu.dma_semaphore, #tpu.memory_space<semaphore_mem>>)
      %dma_wait3A_654 = arith.constant 0 : i32
      %dma_wait3A_655 = tpu.memref_slice %arg8[%mul3A_645, %dma_wait3A_654] : memref<20x128xi32, #tpu.memory_space<vmem>> -> memref<1x128xi32, #tpu.memory_space<vmem>>
      %dma_wait3A_656 = tpu.memref_squeeze %dma_wait3A_655 : memref<1x128xi32, #tpu.memory_space<vmem>> -> memref<128xi32, #tpu.memory_space<vmem>>
      %dma_wait3A_657 = arith.constant 0 : i32
      %dma_wait3A_658 = arith.constant 0 : i32
      %dma_wait3A_659 = tpu.memref_slice %arg2[%dma_wait3A_657, %dma_wait3A_658] : memref<20000x128xf32, #tpu.memory_space<hbm>> -> memref<20000x128xf32, #tpu.memory_space<hbm>>
      tpu.wait_indirect_dma semaphore(%arg13 : memref<!tpu.dma_semaphore, #tpu.memory_space<semaphore_mem>>) src(%dma_wait3A_659 : memref<20000x128xf32, #tpu.memory_space<hbm>>) dst(%arg10 : memref<128x128xf32, #tpu.memory_space<vmem>>)
      "tpu.region"() ({
        %run_scoped3A_678 = tpu.sem_alloc : memref<!tpu.dma_semaphore, #tpu.memory_space<semaphore_mem>>
        %dma_start3A_679 = arith.constant 0 : i32
        %dma_start3A_680 = tpu.memref_slice %arg9[%mul3A_645, %dma_start3A_679] : memref<20x128xi32, #tpu.memory_space<vmem>> -> memref<1x128xi32, #tpu.memory_space<vmem>>
        %dma_start3A_681 = tpu.memref_squeeze %dma_start3A_680 : memref<1x128xi32, #tpu.memory_space<vmem>> -> memref<128xi32, #tpu.memory_space<vmem>>
        %dma_start3A_682 = arith.constant 0 : i32
        %dma_start3A_683 = arith.constant 0 : i32
        %dma_start3A_684 = tpu.memref_slice %arg12[%dma_start3A_682, %dma_start3A_683] : memref<10008x128xf32, #tpu.memory_space<vmem_shared>> -> memref<10008x128xf32, #tpu.memory_space<vmem_shared>>
        tpu.enqueue_indirect_dma source(%arg10 : memref<128x128xf32, #tpu.memory_space<vmem>>) target(%dma_start3A_684 : memref<10008x128xf32, #tpu.memory_space<vmem_shared>>) offsets(%dma_start3A_681 : memref<128xi32, #tpu.memory_space<vmem>>) semaphore(%run_scoped3A_678 : memref<!tpu.dma_semaphore, #tpu.memory_space<semaphore_mem>>) {add = true}
        %dma_wait3A_685 = arith.constant 0 : i32
        %dma_wait3A_686 = tpu.memref_slice %arg9[%mul3A_645, %dma_wait3A_685] : memref<20x128xi32, #tpu.memory_space<vmem>> -> memref<1x128xi32, #tpu.memory_space<vmem>>
        %dma_wait3A_687 = tpu.memref_squeeze %dma_wait3A_686 : memref<1x128xi32, #tpu.memory_space<vmem>> -> memref<128xi32, #tpu.memory_space<vmem>>
        %dma_wait3A_688 = arith.constant 0 : i32
        %dma_wait3A_689 = arith.constant 0 : i32
        %dma_wait3A_690 = tpu.memref_slice %arg12[%dma_wait3A_688, %dma_wait3A_689] : memref<10008x128xf32, #tpu.memory_space<vmem_shared>> -> memref<10008x128xf32, #tpu.memory_space<vmem_shared>>
        tpu.wait_indirect_dma semaphore(%run_scoped3A_678 : memref<!tpu.dma_semaphore, #tpu.memory_space<semaphore_mem>>) src(%arg10 : memref<128x128xf32, #tpu.memory_space<vmem>>) dst(%dma_wait3A_690 : memref<10008x128xf32, #tpu.memory_space<vmem_shared>>)
        tpu.yield
      }) : () -> ()
      %add3A_660 = arith.constant 2 : i32
      %add3A_661 = arith.addi %mul3A_645, %add3A_660 : i32
      %dma_start3A_662 = arith.constant 0 : i32
      %dma_start3A_663 = tpu.memref_slice %arg8[%add3A_661, %dma_start3A_662] : memref<20x128xi32, #tpu.memory_space<vmem>> -> memref<1x128xi32, #tpu.memory_space<vmem>>
      %dma_start3A_664 = tpu.memref_squeeze %dma_start3A_663 : memref<1x128xi32, #tpu.memory_space<vmem>> -> memref<128xi32, #tpu.memory_space<vmem>>
      %dma_start3A_665 = arith.constant 0 : i32
      %dma_start3A_666 = arith.constant 0 : i32
      %dma_start3A_667 = tpu.memref_slice %arg2[%dma_start3A_665, %dma_start3A_666] : memref<20000x128xf32, #tpu.memory_space<hbm>> -> memref<20000x128xf32, #tpu.memory_space<hbm>>
      tpu.enqueue_indirect_dma source(%dma_start3A_667 : memref<20000x128xf32, #tpu.memory_space<hbm>>) target(%arg10 : memref<128x128xf32, #tpu.memory_space<vmem>>) offsets(%dma_start3A_664 : memref<128xi32, #tpu.memory_space<vmem>>) semaphore(%arg13 : memref<!tpu.dma_semaphore, #tpu.memory_space<semaphore_mem>>)
      %add3A_668 = arith.constant 1 : i32
      %add3A_669 = arith.addi %mul3A_645, %add3A_668 : i32
      %dma_wait3A_670 = arith.constant 0 : i32
      %dma_wait3A_671 = tpu.memref_slice %arg8[%add3A_669, %dma_wait3A_670] : memref<20x128xi32, #tpu.memory_space<vmem>> -> memref<1x128xi32, #tpu.memory_space<vmem>>
      %dma_wait3A_672 = tpu.memref_squeeze %dma_wait3A_671 : memref<1x128xi32, #tpu.memory_space<vmem>> -> memref<128xi32, #tpu.memory_space<vmem>>
      %dma_wait3A_673 = arith.constant 0 : i32
      %dma_wait3A_674 = arith.constant 0 : i32
      %dma_wait3A_675 = tpu.memref_slice %arg2[%dma_wait3A_673, %dma_wait3A_674] : memref<20000x128xf32, #tpu.memory_space<hbm>> -> memref<20000x128xf32, #tpu.memory_space<hbm>>
      tpu.wait_indirect_dma semaphore(%arg14 : memref<!tpu.dma_semaphore, #tpu.memory_space<semaphore_mem>>) src(%dma_wait3A_675 : memref<20000x128xf32, #tpu.memory_space<hbm>>) dst(%arg11 : memref<128x128xf32, #tpu.memory_space<vmem>>)
      %add3A_676 = arith.constant 1 : i32
      %add3A_677 = arith.addi %mul3A_645, %add3A_676 : i32
      "tpu.region"() ({
        %run_scoped3A_678 = tpu.sem_alloc : memref<!tpu.dma_semaphore, #tpu.memory_space<semaphore_mem>>
        %dma_start3A_679 = arith.constant 0 : i32
        %dma_start3A_680 = tpu.memref_slice %arg9[%add3A_677, %dma_start3A_679] : memref<20x128xi32, #tpu.memory_space<vmem>> -> memref<1x128xi32, #tpu.memory_space<vmem>>
        %dma_start3A_681 = tpu.memref_squeeze %dma_start3A_680 : memref<1x128xi32, #tpu.memory_space<vmem>> -> memref<128xi32, #tpu.memory_space<vmem>>
        %dma_start3A_682 = arith.constant 0 : i32
        %dma_start3A_683 = arith.constant 0 : i32
        %dma_start3A_684 = tpu.memref_slice %arg12[%dma_start3A_682, %dma_start3A_683] : memref<10008x128xf32, #tpu.memory_space<vmem_shared>> -> memref<10008x128xf32, #tpu.memory_space<vmem_shared>>
        tpu.enqueue_indirect_dma source(%arg11 : memref<128x128xf32, #tpu.memory_space<vmem>>) target(%dma_start3A_684 : memref<10008x128xf32, #tpu.memory_space<vmem_shared>>) offsets(%dma_start3A_681 : memref<128xi32, #tpu.memory_space<vmem>>) semaphore(%run_scoped3A_678 : memref<!tpu.dma_semaphore, #tpu.memory_space<semaphore_mem>>) {add = true}
        %dma_wait3A_685 = arith.constant 0 : i32
        %dma_wait3A_686 = tpu.memref_slice %arg9[%add3A_677, %dma_wait3A_685] : memref<20x128xi32, #tpu.memory_space<vmem>> -> memref<1x128xi32, #tpu.memory_space<vmem>>
        %dma_wait3A_687 = tpu.memref_squeeze %dma_wait3A_686 : memref<1x128xi32, #tpu.memory_space<vmem>> -> memref<128xi32, #tpu.memory_space<vmem>>
        %dma_wait3A_688 = arith.constant 0 : i32
        %dma_wait3A_689 = arith.constant 0 : i32
        %dma_wait3A_690 = tpu.memref_slice %arg12[%dma_wait3A_688, %dma_wait3A_689] : memref<10008x128xf32, #tpu.memory_space<vmem_shared>> -> memref<10008x128xf32, #tpu.memory_space<vmem_shared>>
        tpu.wait_indirect_dma semaphore(%run_scoped3A_678 : memref<!tpu.dma_semaphore, #tpu.memory_space<semaphore_mem>>) src(%arg11 : memref<128x128xf32, #tpu.memory_space<vmem>>) dst(%dma_wait3A_690 : memref<10008x128xf32, #tpu.memory_space<vmem_shared>>)
        tpu.yield
      }) : () -> ()
    }
    %scan3A_482 = arith.constant 9 : i32
    %dma_start3A_483 = arith.constant 19 : i32
    %dma_start3A_484 = arith.constant 0 : i32
    %dma_start3A_485 = tpu.memref_slice %arg8[%dma_start3A_483, %dma_start3A_484] : memref<20x128xi32, #tpu.memory_space<vmem>> -> memref<1x128xi32, #tpu.memory_space<vmem>>
    %dma_start3A_486 = tpu.memref_squeeze %dma_start3A_485 : memref<1x128xi32, #tpu.memory_space<vmem>> -> memref<128xi32, #tpu.memory_space<vmem>>
    %dma_start3A_487 = arith.constant 0 : i32
    %dma_start3A_488 = arith.constant 0 : i32
    %dma_start3A_489 = tpu.memref_slice %arg2[%dma_start3A_487, %dma_start3A_488] : memref<20000x128xf32, #tpu.memory_space<hbm>> -> memref<20000x128xf32, #tpu.memory_space<hbm>>
    tpu.enqueue_indirect_dma source(%dma_start3A_489 : memref<20000x128xf32, #tpu.memory_space<hbm>>) target(%arg11 : memref<128x128xf32, #tpu.memory_space<vmem>>) offsets(%dma_start3A_486 : memref<128xi32, #tpu.memory_space<vmem>>) semaphore(%arg14 : memref<!tpu.dma_semaphore, #tpu.memory_space<semaphore_mem>>)
    %dma_wait3A_490 = arith.constant 18 : i32
    %dma_wait3A_491 = arith.constant 0 : i32
    %dma_wait3A_492 = tpu.memref_slice %arg8[%dma_wait3A_490, %dma_wait3A_491] : memref<20x128xi32, #tpu.memory_space<vmem>> -> memref<1x128xi32, #tpu.memory_space<vmem>>
    %dma_wait3A_493 = tpu.memref_squeeze %dma_wait3A_492 : memref<1x128xi32, #tpu.memory_space<vmem>> -> memref<128xi32, #tpu.memory_space<vmem>>
    %dma_wait3A_494 = arith.constant 0 : i32
    %dma_wait3A_495 = arith.constant 0 : i32
    %dma_wait3A_496 = tpu.memref_slice %arg2[%dma_wait3A_494, %dma_wait3A_495] : memref<20000x128xf32, #tpu.memory_space<hbm>> -> memref<20000x128xf32, #tpu.memory_space<hbm>>
    tpu.wait_indirect_dma semaphore(%arg13 : memref<!tpu.dma_semaphore, #tpu.memory_space<semaphore_mem>>) src(%dma_wait3A_496 : memref<20000x128xf32, #tpu.memory_space<hbm>>) dst(%arg10 : memref<128x128xf32, #tpu.memory_space<vmem>>)
    %run_scoped3A_497 = arith.constant 18 : i32
    "tpu.region"() ({
      %run_scoped3A_643 = tpu.sem_alloc : memref<!tpu.dma_semaphore, #tpu.memory_space<semaphore_mem>>
      %dma_start3A_644 = arith.constant 0 : i32
      %dma_start3A_645 = tpu.memref_slice %arg9[%run_scoped3A_497, %dma_start3A_644] : memref<20x128xi32, #tpu.memory_space<vmem>> -> memref<1x128xi32, #tpu.memory_space<vmem>>
      %dma_start3A_646 = tpu.memref_squeeze %dma_start3A_645 : memref<1x128xi32, #tpu.memory_space<vmem>> -> memref<128xi32, #tpu.memory_space<vmem>>
      %dma_start3A_647 = arith.constant 0 : i32
      %dma_start3A_648 = arith.constant 0 : i32
      %dma_start3A_649 = tpu.memref_slice %arg12[%dma_start3A_647, %dma_start3A_648] : memref<10008x128xf32, #tpu.memory_space<vmem_shared>> -> memref<10008x128xf32, #tpu.memory_space<vmem_shared>>
      tpu.enqueue_indirect_dma source(%arg10 : memref<128x128xf32, #tpu.memory_space<vmem>>) target(%dma_start3A_649 : memref<10008x128xf32, #tpu.memory_space<vmem_shared>>) offsets(%dma_start3A_646 : memref<128xi32, #tpu.memory_space<vmem>>) semaphore(%run_scoped3A_643 : memref<!tpu.dma_semaphore, #tpu.memory_space<semaphore_mem>>) {add = true}
      %dma_wait3A_650 = arith.constant 0 : i32
      %dma_wait3A_651 = tpu.memref_slice %arg9[%run_scoped3A_497, %dma_wait3A_650] : memref<20x128xi32, #tpu.memory_space<vmem>> -> memref<1x128xi32, #tpu.memory_space<vmem>>
      %dma_wait3A_652 = tpu.memref_squeeze %dma_wait3A_651 : memref<1x128xi32, #tpu.memory_space<vmem>> -> memref<128xi32, #tpu.memory_space<vmem>>
      %dma_wait3A_653 = arith.constant 0 : i32
      %dma_wait3A_654 = arith.constant 0 : i32
      %dma_wait3A_655 = tpu.memref_slice %arg12[%dma_wait3A_653, %dma_wait3A_654] : memref<10008x128xf32, #tpu.memory_space<vmem_shared>> -> memref<10008x128xf32, #tpu.memory_space<vmem_shared>>
      tpu.wait_indirect_dma semaphore(%run_scoped3A_643 : memref<!tpu.dma_semaphore, #tpu.memory_space<semaphore_mem>>) src(%arg10 : memref<128x128xf32, #tpu.memory_space<vmem>>) dst(%dma_wait3A_655 : memref<10008x128xf32, #tpu.memory_space<vmem_shared>>)
      tpu.yield
    }) : () -> ()
    %dma_wait3A_498 = arith.constant 6 : i32
    %dma_wait3A_499 = arith.constant 0 : i32
    %dma_wait3A_500 = arith.constant 0 : i32
    %dma_wait3A_501 = tpu.memref_slice %arg3[%arg0, %arg1, %dma_wait3A_498, %dma_wait3A_499, %dma_wait3A_500] : memref<2x16x8x20x128xi32, #tpu.memory_space<hbm>> -> memref<1x1x1x20x128xi32, #tpu.memory_space<hbm>>
    %dma_wait3A_502 = tpu.memref_squeeze %dma_wait3A_501 : memref<1x1x1x20x128xi32, #tpu.memory_space<hbm>> -> memref<20x128xi32, #tpu.memory_space<hbm>>
    %dma_wait3A_503 = arith.constant 0 : i32
    %dma_wait3A_504 = arith.constant 0 : i32
    %dma_wait3A_505 = tpu.memref_slice %arg3[%arg0, %arg1, %dma_wait3A_498, %dma_wait3A_503, %dma_wait3A_504] : memref<2x16x8x20x128xi32, #tpu.memory_space<hbm>> -> memref<1x1x1x20x128xi32, #tpu.memory_space<hbm>>
    %dma_wait3A_506 = tpu.memref_squeeze %dma_wait3A_505 : memref<1x1x1x20x128xi32, #tpu.memory_space<hbm>> -> memref<20x128xi32, #tpu.memory_space<hbm>>
    tpu.wait_dma2 semaphore(%arg15 : memref<!tpu.dma_semaphore, #tpu.memory_space<semaphore_mem>>) src(%dma_wait3A_506 : memref<20x128xi32, #tpu.memory_space<hbm>>) dst(%arg6 : memref<20x128xi32, #tpu.memory_space<vmem>>)
    %dma_wait3A_507 = arith.constant 6 : i32
    %dma_wait3A_508 = arith.constant 0 : i32
    %dma_wait3A_509 = arith.constant 0 : i32
    %dma_wait3A_510 = tpu.memref_slice %arg4[%arg1, %dma_wait3A_507, %dma_wait3A_508, %dma_wait3A_509] : memref<16x8x20x128xi32, #tpu.memory_space<hbm>> -> memref<1x1x20x128xi32, #tpu.memory_space<hbm>>
    %dma_wait3A_511 = tpu.memref_squeeze %dma_wait3A_510 : memref<1x1x20x128xi32, #tpu.memory_space<hbm>> -> memref<20x128xi32, #tpu.memory_space<hbm>>
    %dma_wait3A_512 = arith.constant 0 : i32
    %dma_wait3A_513 = arith.constant 0 : i32
    %dma_wait3A_514 = tpu.memref_slice %arg4[%arg1, %dma_wait3A_507, %dma_wait3A_512, %dma_wait3A_513] : memref<16x8x20x128xi32, #tpu.memory_space<hbm>> -> memref<1x1x20x128xi32, #tpu.memory_space<hbm>>
    %dma_wait3A_515 = tpu.memref_squeeze %dma_wait3A_514 : memref<1x1x20x128xi32, #tpu.memory_space<hbm>> -> memref<20x128xi32, #tpu.memory_space<hbm>>
    tpu.wait_dma2 semaphore(%arg15 : memref<!tpu.dma_semaphore, #tpu.memory_space<semaphore_mem>>) src(%dma_wait3A_515 : memref<20x128xi32, #tpu.memory_space<hbm>>) dst(%arg7 : memref<20x128xi32, #tpu.memory_space<vmem>>)
    %dma_start3A_516 = arith.constant 0 : i32
    %dma_start3A_517 = arith.constant 0 : i32
    %dma_start3A_518 = tpu.memref_slice %arg6[%dma_start3A_516, %dma_start3A_517] : memref<20x128xi32, #tpu.memory_space<vmem>> -> memref<1x128xi32, #tpu.memory_space<vmem>>
    %dma_start3A_519 = tpu.memref_squeeze %dma_start3A_518 : memref<1x128xi32, #tpu.memory_space<vmem>> -> memref<128xi32, #tpu.memory_space<vmem>>
    %dma_start3A_520 = arith.constant 0 : i32
    %dma_start3A_521 = arith.constant 0 : i32
    %dma_start3A_522 = tpu.memref_slice %arg2[%dma_start3A_520, %dma_start3A_521] : memref<20000x128xf32, #tpu.memory_space<hbm>> -> memref<20000x128xf32, #tpu.memory_space<hbm>>
    tpu.enqueue_indirect_dma source(%dma_start3A_522 : memref<20000x128xf32, #tpu.memory_space<hbm>>) target(%arg10 : memref<128x128xf32, #tpu.memory_space<vmem>>) offsets(%dma_start3A_519 : memref<128xi32, #tpu.memory_space<vmem>>) semaphore(%arg13 : memref<!tpu.dma_semaphore, #tpu.memory_space<semaphore_mem>>)
    %dma_wait3A_523 = arith.constant 19 : i32
    %dma_wait3A_524 = arith.constant 0 : i32
    %dma_wait3A_525 = tpu.memref_slice %arg8[%dma_wait3A_523, %dma_wait3A_524] : memref<20x128xi32, #tpu.memory_space<vmem>> -> memref<1x128xi32, #tpu.memory_space<vmem>>
    %dma_wait3A_526 = tpu.memref_squeeze %dma_wait3A_525 : memref<1x128xi32, #tpu.memory_space<vmem>> -> memref<128xi32, #tpu.memory_space<vmem>>
    %dma_wait3A_527 = arith.constant 0 : i32
    %dma_wait3A_528 = arith.constant 0 : i32
    %dma_wait3A_529 = tpu.memref_slice %arg2[%dma_wait3A_527, %dma_wait3A_528] : memref<20000x128xf32, #tpu.memory_space<hbm>> -> memref<20000x128xf32, #tpu.memory_space<hbm>>
    tpu.wait_indirect_dma semaphore(%arg14 : memref<!tpu.dma_semaphore, #tpu.memory_space<semaphore_mem>>) src(%dma_wait3A_529 : memref<20000x128xf32, #tpu.memory_space<hbm>>) dst(%arg11 : memref<128x128xf32, #tpu.memory_space<vmem>>)
    %run_scoped3A_530 = arith.constant 19 : i32
    "tpu.region"() ({
      %run_scoped3A_643 = tpu.sem_alloc : memref<!tpu.dma_semaphore, #tpu.memory_space<semaphore_mem>>
      %dma_start3A_644 = arith.constant 0 : i32
      %dma_start3A_645 = tpu.memref_slice %arg9[%run_scoped3A_530, %dma_start3A_644] : memref<20x128xi32, #tpu.memory_space<vmem>> -> memref<1x128xi32, #tpu.memory_space<vmem>>
      %dma_start3A_646 = tpu.memref_squeeze %dma_start3A_645 : memref<1x128xi32, #tpu.memory_space<vmem>> -> memref<128xi32, #tpu.memory_space<vmem>>
      %dma_start3A_647 = arith.constant 0 : i32
      %dma_start3A_648 = arith.constant 0 : i32
      %dma_start3A_649 = tpu.memref_slice %arg12[%dma_start3A_647, %dma_start3A_648] : memref<10008x128xf32, #tpu.memory_space<vmem_shared>> -> memref<10008x128xf32, #tpu.memory_space<vmem_shared>>
      tpu.enqueue_indirect_dma source(%arg11 : memref<128x128xf32, #tpu.memory_space<vmem>>) target(%dma_start3A_649 : memref<10008x128xf32, #tpu.memory_space<vmem_shared>>) offsets(%dma_start3A_646 : memref<128xi32, #tpu.memory_space<vmem>>) semaphore(%run_scoped3A_643 : memref<!tpu.dma_semaphore, #tpu.memory_space<semaphore_mem>>) {add = true}
      %dma_wait3A_650 = arith.constant 0 : i32
      %dma_wait3A_651 = tpu.memref_slice %arg9[%run_scoped3A_530, %dma_wait3A_650] : memref<20x128xi32, #tpu.memory_space<vmem>> -> memref<1x128xi32, #tpu.memory_space<vmem>>
      %dma_wait3A_652 = tpu.memref_squeeze %dma_wait3A_651 : memref<1x128xi32, #tpu.memory_space<vmem>> -> memref<128xi32, #tpu.memory_space<vmem>>
      %dma_wait3A_653 = arith.constant 0 : i32
      %dma_wait3A_654 = arith.constant 0 : i32
      %dma_wait3A_655 = tpu.memref_slice %arg12[%dma_wait3A_653, %dma_wait3A_654] : memref<10008x128xf32, #tpu.memory_space<vmem_shared>> -> memref<10008x128xf32, #tpu.memory_space<vmem_shared>>
      tpu.wait_indirect_dma semaphore(%run_scoped3A_643 : memref<!tpu.dma_semaphore, #tpu.memory_space<semaphore_mem>>) src(%arg11 : memref<128x128xf32, #tpu.memory_space<vmem>>) dst(%dma_wait3A_655 : memref<10008x128xf32, #tpu.memory_space<vmem_shared>>)
      tpu.yield
    }) : () -> ()
    %dma_start3A_531 = arith.constant 7 : i32
    %dma_start3A_532 = arith.constant 0 : i32
    %dma_start3A_533 = arith.constant 0 : i32
    %dma_start3A_534 = tpu.memref_slice %arg3[%arg0, %arg1, %dma_start3A_531, %dma_start3A_532, %dma_start3A_533] : memref<2x16x8x20x128xi32, #tpu.memory_space<hbm>> -> memref<1x1x1x20x128xi32, #tpu.memory_space<hbm>>
    %dma_start3A_535 = tpu.memref_squeeze %dma_start3A_534 : memref<1x1x1x20x128xi32, #tpu.memory_space<hbm>> -> memref<20x128xi32, #tpu.memory_space<hbm>>
    %dma_start3A_536 = arith.constant 0 : i32
    %dma_start3A_537 = arith.constant 0 : i32
    %dma_start3A_538 = tpu.memref_slice %arg3[%arg0, %arg1, %dma_start3A_531, %dma_start3A_536, %dma_start3A_537] : memref<2x16x8x20x128xi32, #tpu.memory_space<hbm>> -> memref<1x1x1x20x128xi32, #tpu.memory_space<hbm>>
    %dma_start3A_539 = tpu.memref_squeeze %dma_start3A_538 : memref<1x1x1x20x128xi32, #tpu.memory_space<hbm>> -> memref<20x128xi32, #tpu.memory_space<hbm>>
    tpu.enqueue_dma source(%dma_start3A_539 : memref<20x128xi32, #tpu.memory_space<hbm>>) target(%arg8 : memref<20x128xi32, #tpu.memory_space<vmem>>) target_semaphore(%arg16 : memref<!tpu.dma_semaphore, #tpu.memory_space<semaphore_mem>>)
    %dma_start3A_540 = arith.constant 7 : i32
    %dma_start3A_541 = arith.constant 0 : i32
    %dma_start3A_542 = arith.constant 0 : i32
    %dma_start3A_543 = tpu.memref_slice %arg4[%arg1, %dma_start3A_540, %dma_start3A_541, %dma_start3A_542] : memref<16x8x20x128xi32, #tpu.memory_space<hbm>> -> memref<1x1x20x128xi32, #tpu.memory_space<hbm>>
    %dma_start3A_544 = tpu.memref_squeeze %dma_start3A_543 : memref<1x1x20x128xi32, #tpu.memory_space<hbm>> -> memref<20x128xi32, #tpu.memory_space<hbm>>
    %dma_start3A_545 = arith.constant 0 : i32
    %dma_start3A_546 = arith.constant 0 : i32
    %dma_start3A_547 = tpu.memref_slice %arg4[%arg1, %dma_start3A_540, %dma_start3A_545, %dma_start3A_546] : memref<16x8x20x128xi32, #tpu.memory_space<hbm>> -> memref<1x1x20x128xi32, #tpu.memory_space<hbm>>
    %dma_start3A_548 = tpu.memref_squeeze %dma_start3A_547 : memref<1x1x20x128xi32, #tpu.memory_space<hbm>> -> memref<20x128xi32, #tpu.memory_space<hbm>>
    tpu.enqueue_dma source(%dma_start3A_548 : memref<20x128xi32, #tpu.memory_space<hbm>>) target(%arg9 : memref<20x128xi32, #tpu.memory_space<vmem>>) target_semaphore(%arg16 : memref<!tpu.dma_semaphore, #tpu.memory_space<semaphore_mem>>)
    %scan3A_549 = arith.constant 0 : i32
    %scan3A_550 = arith.constant 0 : i32
    %scan3A_551 = arith.constant 9 : i32
    %scan3A_552 = arith.addi %scan3A_550, %scan3A_551 : i32
    %scan3A_553 = arith.constant 1 : i32
    scf.for %scan3A_643 = %scan3A_550 to %scan3A_552 step %scan3A_553  : i32 {
      %mul3A_644 = arith.constant 2 : i32
      %mul3A_645 = arith.muli %mul3A_644, %scan3A_643 : i32
      %add3A_646 = arith.constant 1 : i32
      %add3A_647 = arith.addi %mul3A_645, %add3A_646 : i32
      %dma_start3A_648 = arith.constant 0 : i32
      %dma_start3A_649 = tpu.memref_slice %arg6[%add3A_647, %dma_start3A_648] : memref<20x128xi32, #tpu.memory_space<vmem>> -> memref<1x128xi32, #tpu.memory_space<vmem>>
      %dma_start3A_650 = tpu.memref_squeeze %dma_start3A_649 : memref<1x128xi32, #tpu.memory_space<vmem>> -> memref<128xi32, #tpu.memory_space<vmem>>
      %dma_start3A_651 = arith.constant 0 : i32
      %dma_start3A_652 = arith.constant 0 : i32
      %dma_start3A_653 = tpu.memref_slice %arg2[%dma_start3A_651, %dma_start3A_652] : memref<20000x128xf32, #tpu.memory_space<hbm>> -> memref<20000x128xf32, #tpu.memory_space<hbm>>
      tpu.enqueue_indirect_dma source(%dma_start3A_653 : memref<20000x128xf32, #tpu.memory_space<hbm>>) target(%arg11 : memref<128x128xf32, #tpu.memory_space<vmem>>) offsets(%dma_start3A_650 : memref<128xi32, #tpu.memory_space<vmem>>) semaphore(%arg14 : memref<!tpu.dma_semaphore, #tpu.memory_space<semaphore_mem>>)
      %dma_wait3A_654 = arith.constant 0 : i32
      %dma_wait3A_655 = tpu.memref_slice %arg6[%mul3A_645, %dma_wait3A_654] : memref<20x128xi32, #tpu.memory_space<vmem>> -> memref<1x128xi32, #tpu.memory_space<vmem>>
      %dma_wait3A_656 = tpu.memref_squeeze %dma_wait3A_655 : memref<1x128xi32, #tpu.memory_space<vmem>> -> memref<128xi32, #tpu.memory_space<vmem>>
      %dma_wait3A_657 = arith.constant 0 : i32
      %dma_wait3A_658 = arith.constant 0 : i32
      %dma_wait3A_659 = tpu.memref_slice %arg2[%dma_wait3A_657, %dma_wait3A_658] : memref<20000x128xf32, #tpu.memory_space<hbm>> -> memref<20000x128xf32, #tpu.memory_space<hbm>>
      tpu.wait_indirect_dma semaphore(%arg13 : memref<!tpu.dma_semaphore, #tpu.memory_space<semaphore_mem>>) src(%dma_wait3A_659 : memref<20000x128xf32, #tpu.memory_space<hbm>>) dst(%arg10 : memref<128x128xf32, #tpu.memory_space<vmem>>)
      "tpu.region"() ({
        %run_scoped3A_678 = tpu.sem_alloc : memref<!tpu.dma_semaphore, #tpu.memory_space<semaphore_mem>>
        %dma_start3A_679 = arith.constant 0 : i32
        %dma_start3A_680 = tpu.memref_slice %arg7[%mul3A_645, %dma_start3A_679] : memref<20x128xi32, #tpu.memory_space<vmem>> -> memref<1x128xi32, #tpu.memory_space<vmem>>
        %dma_start3A_681 = tpu.memref_squeeze %dma_start3A_680 : memref<1x128xi32, #tpu.memory_space<vmem>> -> memref<128xi32, #tpu.memory_space<vmem>>
        %dma_start3A_682 = arith.constant 0 : i32
        %dma_start3A_683 = arith.constant 0 : i32
        %dma_start3A_684 = tpu.memref_slice %arg12[%dma_start3A_682, %dma_start3A_683] : memref<10008x128xf32, #tpu.memory_space<vmem_shared>> -> memref<10008x128xf32, #tpu.memory_space<vmem_shared>>
        tpu.enqueue_indirect_dma source(%arg10 : memref<128x128xf32, #tpu.memory_space<vmem>>) target(%dma_start3A_684 : memref<10008x128xf32, #tpu.memory_space<vmem_shared>>) offsets(%dma_start3A_681 : memref<128xi32, #tpu.memory_space<vmem>>) semaphore(%run_scoped3A_678 : memref<!tpu.dma_semaphore, #tpu.memory_space<semaphore_mem>>) {add = true}
        %dma_wait3A_685 = arith.constant 0 : i32
        %dma_wait3A_686 = tpu.memref_slice %arg7[%mul3A_645, %dma_wait3A_685] : memref<20x128xi32, #tpu.memory_space<vmem>> -> memref<1x128xi32, #tpu.memory_space<vmem>>
        %dma_wait3A_687 = tpu.memref_squeeze %dma_wait3A_686 : memref<1x128xi32, #tpu.memory_space<vmem>> -> memref<128xi32, #tpu.memory_space<vmem>>
        %dma_wait3A_688 = arith.constant 0 : i32
        %dma_wait3A_689 = arith.constant 0 : i32
        %dma_wait3A_690 = tpu.memref_slice %arg12[%dma_wait3A_688, %dma_wait3A_689] : memref<10008x128xf32, #tpu.memory_space<vmem_shared>> -> memref<10008x128xf32, #tpu.memory_space<vmem_shared>>
        tpu.wait_indirect_dma semaphore(%run_scoped3A_678 : memref<!tpu.dma_semaphore, #tpu.memory_space<semaphore_mem>>) src(%arg10 : memref<128x128xf32, #tpu.memory_space<vmem>>) dst(%dma_wait3A_690 : memref<10008x128xf32, #tpu.memory_space<vmem_shared>>)
        tpu.yield
      }) : () -> ()
      %add3A_660 = arith.constant 2 : i32
      %add3A_661 = arith.addi %mul3A_645, %add3A_660 : i32
      %dma_start3A_662 = arith.constant 0 : i32
      %dma_start3A_663 = tpu.memref_slice %arg6[%add3A_661, %dma_start3A_662] : memref<20x128xi32, #tpu.memory_space<vmem>> -> memref<1x128xi32, #tpu.memory_space<vmem>>
      %dma_start3A_664 = tpu.memref_squeeze %dma_start3A_663 : memref<1x128xi32, #tpu.memory_space<vmem>> -> memref<128xi32, #tpu.memory_space<vmem>>
      %dma_start3A_665 = arith.constant 0 : i32
      %dma_start3A_666 = arith.constant 0 : i32
      %dma_start3A_667 = tpu.memref_slice %arg2[%dma_start3A_665, %dma_start3A_666] : memref<20000x128xf32, #tpu.memory_space<hbm>> -> memref<20000x128xf32, #tpu.memory_space<hbm>>
      tpu.enqueue_indirect_dma source(%dma_start3A_667 : memref<20000x128xf32, #tpu.memory_space<hbm>>) target(%arg10 : memref<128x128xf32, #tpu.memory_space<vmem>>) offsets(%dma_start3A_664 : memref<128xi32, #tpu.memory_space<vmem>>) semaphore(%arg13 : memref<!tpu.dma_semaphore, #tpu.memory_space<semaphore_mem>>)
      %add3A_668 = arith.constant 1 : i32
      %add3A_669 = arith.addi %mul3A_645, %add3A_668 : i32
      %dma_wait3A_670 = arith.constant 0 : i32
      %dma_wait3A_671 = tpu.memref_slice %arg6[%add3A_669, %dma_wait3A_670] : memref<20x128xi32, #tpu.memory_space<vmem>> -> memref<1x128xi32, #tpu.memory_space<vmem>>
      %dma_wait3A_672 = tpu.memref_squeeze %dma_wait3A_671 : memref<1x128xi32, #tpu.memory_space<vmem>> -> memref<128xi32, #tpu.memory_space<vmem>>
      %dma_wait3A_673 = arith.constant 0 : i32
      %dma_wait3A_674 = arith.constant 0 : i32
      %dma_wait3A_675 = tpu.memref_slice %arg2[%dma_wait3A_673, %dma_wait3A_674] : memref<20000x128xf32, #tpu.memory_space<hbm>> -> memref<20000x128xf32, #tpu.memory_space<hbm>>
      tpu.wait_indirect_dma semaphore(%arg14 : memref<!tpu.dma_semaphore, #tpu.memory_space<semaphore_mem>>) src(%dma_wait3A_675 : memref<20000x128xf32, #tpu.memory_space<hbm>>) dst(%arg11 : memref<128x128xf32, #tpu.memory_space<vmem>>)
      %add3A_676 = arith.constant 1 : i32
      %add3A_677 = arith.addi %mul3A_645, %add3A_676 : i32
      "tpu.region"() ({
        %run_scoped3A_678 = tpu.sem_alloc : memref<!tpu.dma_semaphore, #tpu.memory_space<semaphore_mem>>
        %dma_start3A_679 = arith.constant 0 : i32
        %dma_start3A_680 = tpu.memref_slice %arg7[%add3A_677, %dma_start3A_679] : memref<20x128xi32, #tpu.memory_space<vmem>> -> memref<1x128xi32, #tpu.memory_space<vmem>>
        %dma_start3A_681 = tpu.memref_squeeze %dma_start3A_680 : memref<1x128xi32, #tpu.memory_space<vmem>> -> memref<128xi32, #tpu.memory_space<vmem>>
        %dma_start3A_682 = arith.constant 0 : i32
        %dma_start3A_683 = arith.constant 0 : i32
        %dma_start3A_684 = tpu.memref_slice %arg12[%dma_start3A_682, %dma_start3A_683] : memref<10008x128xf32, #tpu.memory_space<vmem_shared>> -> memref<10008x128xf32, #tpu.memory_space<vmem_shared>>
        tpu.enqueue_indirect_dma source(%arg11 : memref<128x128xf32, #tpu.memory_space<vmem>>) target(%dma_start3A_684 : memref<10008x128xf32, #tpu.memory_space<vmem_shared>>) offsets(%dma_start3A_681 : memref<128xi32, #tpu.memory_space<vmem>>) semaphore(%run_scoped3A_678 : memref<!tpu.dma_semaphore, #tpu.memory_space<semaphore_mem>>) {add = true}
        %dma_wait3A_685 = arith.constant 0 : i32
        %dma_wait3A_686 = tpu.memref_slice %arg7[%add3A_677, %dma_wait3A_685] : memref<20x128xi32, #tpu.memory_space<vmem>> -> memref<1x128xi32, #tpu.memory_space<vmem>>
        %dma_wait3A_687 = tpu.memref_squeeze %dma_wait3A_686 : memref<1x128xi32, #tpu.memory_space<vmem>> -> memref<128xi32, #tpu.memory_space<vmem>>
        %dma_wait3A_688 = arith.constant 0 : i32
        %dma_wait3A_689 = arith.constant 0 : i32
        %dma_wait3A_690 = tpu.memref_slice %arg12[%dma_wait3A_688, %dma_wait3A_689] : memref<10008x128xf32, #tpu.memory_space<vmem_shared>> -> memref<10008x128xf32, #tpu.memory_space<vmem_shared>>
        tpu.wait_indirect_dma semaphore(%run_scoped3A_678 : memref<!tpu.dma_semaphore, #tpu.memory_space<semaphore_mem>>) src(%arg11 : memref<128x128xf32, #tpu.memory_space<vmem>>) dst(%dma_wait3A_690 : memref<10008x128xf32, #tpu.memory_space<vmem_shared>>)
        tpu.yield
      }) : () -> ()
    }
    %scan3A_554 = arith.constant 9 : i32
    %dma_start3A_555 = arith.constant 19 : i32
    %dma_start3A_556 = arith.constant 0 : i32
    %dma_start3A_557 = tpu.memref_slice %arg6[%dma_start3A_555, %dma_start3A_556] : memref<20x128xi32, #tpu.memory_space<vmem>> -> memref<1x128xi32, #tpu.memory_space<vmem>>
    %dma_start3A_558 = tpu.memref_squeeze %dma_start3A_557 : memref<1x128xi32, #tpu.memory_space<vmem>> -> memref<128xi32, #tpu.memory_space<vmem>>
    %dma_start3A_559 = arith.constant 0 : i32
    %dma_start3A_560 = arith.constant 0 : i32
    %dma_start3A_561 = tpu.memref_slice %arg2[%dma_start3A_559, %dma_start3A_560] : memref<20000x128xf32, #tpu.memory_space<hbm>> -> memref<20000x128xf32, #tpu.memory_space<hbm>>
    tpu.enqueue_indirect_dma source(%dma_start3A_561 : memref<20000x128xf32, #tpu.memory_space<hbm>>) target(%arg11 : memref<128x128xf32, #tpu.memory_space<vmem>>) offsets(%dma_start3A_558 : memref<128xi32, #tpu.memory_space<vmem>>) semaphore(%arg14 : memref<!tpu.dma_semaphore, #tpu.memory_space<semaphore_mem>>)
    %dma_wait3A_562 = arith.constant 18 : i32
    %dma_wait3A_563 = arith.constant 0 : i32
    %dma_wait3A_564 = tpu.memref_slice %arg6[%dma_wait3A_562, %dma_wait3A_563] : memref<20x128xi32, #tpu.memory_space<vmem>> -> memref<1x128xi32, #tpu.memory_space<vmem>>
    %dma_wait3A_565 = tpu.memref_squeeze %dma_wait3A_564 : memref<1x128xi32, #tpu.memory_space<vmem>> -> memref<128xi32, #tpu.memory_space<vmem>>
    %dma_wait3A_566 = arith.constant 0 : i32
    %dma_wait3A_567 = arith.constant 0 : i32
    %dma_wait3A_568 = tpu.memref_slice %arg2[%dma_wait3A_566, %dma_wait3A_567] : memref<20000x128xf32, #tpu.memory_space<hbm>> -> memref<20000x128xf32, #tpu.memory_space<hbm>>
    tpu.wait_indirect_dma semaphore(%arg13 : memref<!tpu.dma_semaphore, #tpu.memory_space<semaphore_mem>>) src(%dma_wait3A_568 : memref<20000x128xf32, #tpu.memory_space<hbm>>) dst(%arg10 : memref<128x128xf32, #tpu.memory_space<vmem>>)
    %run_scoped3A_569 = arith.constant 18 : i32
    "tpu.region"() ({
      %run_scoped3A_643 = tpu.sem_alloc : memref<!tpu.dma_semaphore, #tpu.memory_space<semaphore_mem>>
      %dma_start3A_644 = arith.constant 0 : i32
      %dma_start3A_645 = tpu.memref_slice %arg7[%run_scoped3A_569, %dma_start3A_644] : memref<20x128xi32, #tpu.memory_space<vmem>> -> memref<1x128xi32, #tpu.memory_space<vmem>>
      %dma_start3A_646 = tpu.memref_squeeze %dma_start3A_645 : memref<1x128xi32, #tpu.memory_space<vmem>> -> memref<128xi32, #tpu.memory_space<vmem>>
      %dma_start3A_647 = arith.constant 0 : i32
      %dma_start3A_648 = arith.constant 0 : i32
      %dma_start3A_649 = tpu.memref_slice %arg12[%dma_start3A_647, %dma_start3A_648] : memref<10008x128xf32, #tpu.memory_space<vmem_shared>> -> memref<10008x128xf32, #tpu.memory_space<vmem_shared>>
      tpu.enqueue_indirect_dma source(%arg10 : memref<128x128xf32, #tpu.memory_space<vmem>>) target(%dma_start3A_649 : memref<10008x128xf32, #tpu.memory_space<vmem_shared>>) offsets(%dma_start3A_646 : memref<128xi32, #tpu.memory_space<vmem>>) semaphore(%run_scoped3A_643 : memref<!tpu.dma_semaphore, #tpu.memory_space<semaphore_mem>>) {add = true}
      %dma_wait3A_650 = arith.constant 0 : i32
      %dma_wait3A_651 = tpu.memref_slice %arg7[%run_scoped3A_569, %dma_wait3A_650] : memref<20x128xi32, #tpu.memory_space<vmem>> -> memref<1x128xi32, #tpu.memory_space<vmem>>
      %dma_wait3A_652 = tpu.memref_squeeze %dma_wait3A_651 : memref<1x128xi32, #tpu.memory_space<vmem>> -> memref<128xi32, #tpu.memory_space<vmem>>
      %dma_wait3A_653 = arith.constant 0 : i32
      %dma_wait3A_654 = arith.constant 0 : i32
      %dma_wait3A_655 = tpu.memref_slice %arg12[%dma_wait3A_653, %dma_wait3A_654] : memref<10008x128xf32, #tpu.memory_space<vmem_shared>> -> memref<10008x128xf32, #tpu.memory_space<vmem_shared>>
      tpu.wait_indirect_dma semaphore(%run_scoped3A_643 : memref<!tpu.dma_semaphore, #tpu.memory_space<semaphore_mem>>) src(%arg10 : memref<128x128xf32, #tpu.memory_space<vmem>>) dst(%dma_wait3A_655 : memref<10008x128xf32, #tpu.memory_space<vmem_shared>>)
      tpu.yield
    }) : () -> ()
    %dma_wait3A_570 = arith.constant 7 : i32
    %dma_wait3A_571 = arith.constant 0 : i32
    %dma_wait3A_572 = arith.constant 0 : i32
    %dma_wait3A_573 = tpu.memref_slice %arg3[%arg0, %arg1, %dma_wait3A_570, %dma_wait3A_571, %dma_wait3A_572] : memref<2x16x8x20x128xi32, #tpu.memory_space<hbm>> -> memref<1x1x1x20x128xi32, #tpu.memory_space<hbm>>
    %dma_wait3A_574 = tpu.memref_squeeze %dma_wait3A_573 : memref<1x1x1x20x128xi32, #tpu.memory_space<hbm>> -> memref<20x128xi32, #tpu.memory_space<hbm>>
    %dma_wait3A_575 = arith.constant 0 : i32
    %dma_wait3A_576 = arith.constant 0 : i32
    %dma_wait3A_577 = tpu.memref_slice %arg3[%arg0, %arg1, %dma_wait3A_570, %dma_wait3A_575, %dma_wait3A_576] : memref<2x16x8x20x128xi32, #tpu.memory_space<hbm>> -> memref<1x1x1x20x128xi32, #tpu.memory_space<hbm>>
    %dma_wait3A_578 = tpu.memref_squeeze %dma_wait3A_577 : memref<1x1x1x20x128xi32, #tpu.memory_space<hbm>> -> memref<20x128xi32, #tpu.memory_space<hbm>>
    tpu.wait_dma2 semaphore(%arg16 : memref<!tpu.dma_semaphore, #tpu.memory_space<semaphore_mem>>) src(%dma_wait3A_578 : memref<20x128xi32, #tpu.memory_space<hbm>>) dst(%arg8 : memref<20x128xi32, #tpu.memory_space<vmem>>)
    %dma_wait3A_579 = arith.constant 7 : i32
    %dma_wait3A_580 = arith.constant 0 : i32
    %dma_wait3A_581 = arith.constant 0 : i32
    %dma_wait3A_582 = tpu.memref_slice %arg4[%arg1, %dma_wait3A_579, %dma_wait3A_580, %dma_wait3A_581] : memref<16x8x20x128xi32, #tpu.memory_space<hbm>> -> memref<1x1x20x128xi32, #tpu.memory_space<hbm>>
    %dma_wait3A_583 = tpu.memref_squeeze %dma_wait3A_582 : memref<1x1x20x128xi32, #tpu.memory_space<hbm>> -> memref<20x128xi32, #tpu.memory_space<hbm>>
    %dma_wait3A_584 = arith.constant 0 : i32
    %dma_wait3A_585 = arith.constant 0 : i32
    %dma_wait3A_586 = tpu.memref_slice %arg4[%arg1, %dma_wait3A_579, %dma_wait3A_584, %dma_wait3A_585] : memref<16x8x20x128xi32, #tpu.memory_space<hbm>> -> memref<1x1x20x128xi32, #tpu.memory_space<hbm>>
    %dma_wait3A_587 = tpu.memref_squeeze %dma_wait3A_586 : memref<1x1x20x128xi32, #tpu.memory_space<hbm>> -> memref<20x128xi32, #tpu.memory_space<hbm>>
    tpu.wait_dma2 semaphore(%arg16 : memref<!tpu.dma_semaphore, #tpu.memory_space<semaphore_mem>>) src(%dma_wait3A_587 : memref<20x128xi32, #tpu.memory_space<hbm>>) dst(%arg9 : memref<20x128xi32, #tpu.memory_space<vmem>>)
    %dma_start3A_588 = arith.constant 0 : i32
    %dma_start3A_589 = arith.constant 0 : i32
    %dma_start3A_590 = tpu.memref_slice %arg8[%dma_start3A_588, %dma_start3A_589] : memref<20x128xi32, #tpu.memory_space<vmem>> -> memref<1x128xi32, #tpu.memory_space<vmem>>
    %dma_start3A_591 = tpu.memref_squeeze %dma_start3A_590 : memref<1x128xi32, #tpu.memory_space<vmem>> -> memref<128xi32, #tpu.memory_space<vmem>>
    %dma_start3A_592 = arith.constant 0 : i32
    %dma_start3A_593 = arith.constant 0 : i32
    %dma_start3A_594 = tpu.memref_slice %arg2[%dma_start3A_592, %dma_start3A_593] : memref<20000x128xf32, #tpu.memory_space<hbm>> -> memref<20000x128xf32, #tpu.memory_space<hbm>>
    tpu.enqueue_indirect_dma source(%dma_start3A_594 : memref<20000x128xf32, #tpu.memory_space<hbm>>) target(%arg10 : memref<128x128xf32, #tpu.memory_space<vmem>>) offsets(%dma_start3A_591 : memref<128xi32, #tpu.memory_space<vmem>>) semaphore(%arg13 : memref<!tpu.dma_semaphore, #tpu.memory_space<semaphore_mem>>)
    %dma_wait3A_595 = arith.constant 19 : i32
    %dma_wait3A_596 = arith.constant 0 : i32
    %dma_wait3A_597 = tpu.memref_slice %arg6[%dma_wait3A_595, %dma_wait3A_596] : memref<20x128xi32, #tpu.memory_space<vmem>> -> memref<1x128xi32, #tpu.memory_space<vmem>>
    %dma_wait3A_598 = tpu.memref_squeeze %dma_wait3A_597 : memref<1x128xi32, #tpu.memory_space<vmem>> -> memref<128xi32, #tpu.memory_space<vmem>>
    %dma_wait3A_599 = arith.constant 0 : i32
    %dma_wait3A_600 = arith.constant 0 : i32
    %dma_wait3A_601 = tpu.memref_slice %arg2[%dma_wait3A_599, %dma_wait3A_600] : memref<20000x128xf32, #tpu.memory_space<hbm>> -> memref<20000x128xf32, #tpu.memory_space<hbm>>
    tpu.wait_indirect_dma semaphore(%arg14 : memref<!tpu.dma_semaphore, #tpu.memory_space<semaphore_mem>>) src(%dma_wait3A_601 : memref<20000x128xf32, #tpu.memory_space<hbm>>) dst(%arg11 : memref<128x128xf32, #tpu.memory_space<vmem>>)
    %run_scoped3A_602 = arith.constant 19 : i32
    "tpu.region"() ({
      %run_scoped3A_643 = tpu.sem_alloc : memref<!tpu.dma_semaphore, #tpu.memory_space<semaphore_mem>>
      %dma_start3A_644 = arith.constant 0 : i32
      %dma_start3A_645 = tpu.memref_slice %arg7[%run_scoped3A_602, %dma_start3A_644] : memref<20x128xi32, #tpu.memory_space<vmem>> -> memref<1x128xi32, #tpu.memory_space<vmem>>
      %dma_start3A_646 = tpu.memref_squeeze %dma_start3A_645 : memref<1x128xi32, #tpu.memory_space<vmem>> -> memref<128xi32, #tpu.memory_space<vmem>>
      %dma_start3A_647 = arith.constant 0 : i32
      %dma_start3A_648 = arith.constant 0 : i32
      %dma_start3A_649 = tpu.memref_slice %arg12[%dma_start3A_647, %dma_start3A_648] : memref<10008x128xf32, #tpu.memory_space<vmem_shared>> -> memref<10008x128xf32, #tpu.memory_space<vmem_shared>>
      tpu.enqueue_indirect_dma source(%arg11 : memref<128x128xf32, #tpu.memory_space<vmem>>) target(%dma_start3A_649 : memref<10008x128xf32, #tpu.memory_space<vmem_shared>>) offsets(%dma_start3A_646 : memref<128xi32, #tpu.memory_space<vmem>>) semaphore(%run_scoped3A_643 : memref<!tpu.dma_semaphore, #tpu.memory_space<semaphore_mem>>) {add = true}
      %dma_wait3A_650 = arith.constant 0 : i32
      %dma_wait3A_651 = tpu.memref_slice %arg7[%run_scoped3A_602, %dma_wait3A_650] : memref<20x128xi32, #tpu.memory_space<vmem>> -> memref<1x128xi32, #tpu.memory_space<vmem>>
      %dma_wait3A_652 = tpu.memref_squeeze %dma_wait3A_651 : memref<1x128xi32, #tpu.memory_space<vmem>> -> memref<128xi32, #tpu.memory_space<vmem>>
      %dma_wait3A_653 = arith.constant 0 : i32
      %dma_wait3A_654 = arith.constant 0 : i32
      %dma_wait3A_655 = tpu.memref_slice %arg12[%dma_wait3A_653, %dma_wait3A_654] : memref<10008x128xf32, #tpu.memory_space<vmem_shared>> -> memref<10008x128xf32, #tpu.memory_space<vmem_shared>>
      tpu.wait_indirect_dma semaphore(%run_scoped3A_643 : memref<!tpu.dma_semaphore, #tpu.memory_space<semaphore_mem>>) src(%arg11 : memref<128x128xf32, #tpu.memory_space<vmem>>) dst(%dma_wait3A_655 : memref<10008x128xf32, #tpu.memory_space<vmem_shared>>)
      tpu.yield
    }) : () -> ()
    %scan3A_603 = arith.constant 0 : i32
    %scan3A_604 = arith.constant 0 : i32
    %scan3A_605 = arith.constant 9 : i32
    %scan3A_606 = arith.addi %scan3A_604, %scan3A_605 : i32
    %scan3A_607 = arith.constant 1 : i32
    scf.for %scan3A_643 = %scan3A_604 to %scan3A_606 step %scan3A_607  : i32 {
      %mul3A_644 = arith.constant 2 : i32
      %mul3A_645 = arith.muli %mul3A_644, %scan3A_643 : i32
      %add3A_646 = arith.constant 1 : i32
      %add3A_647 = arith.addi %mul3A_645, %add3A_646 : i32
      %dma_start3A_648 = arith.constant 0 : i32
      %dma_start3A_649 = tpu.memref_slice %arg8[%add3A_647, %dma_start3A_648] : memref<20x128xi32, #tpu.memory_space<vmem>> -> memref<1x128xi32, #tpu.memory_space<vmem>>
      %dma_start3A_650 = tpu.memref_squeeze %dma_start3A_649 : memref<1x128xi32, #tpu.memory_space<vmem>> -> memref<128xi32, #tpu.memory_space<vmem>>
      %dma_start3A_651 = arith.constant 0 : i32
      %dma_start3A_652 = arith.constant 0 : i32
      %dma_start3A_653 = tpu.memref_slice %arg2[%dma_start3A_651, %dma_start3A_652] : memref<20000x128xf32, #tpu.memory_space<hbm>> -> memref<20000x128xf32, #tpu.memory_space<hbm>>
      tpu.enqueue_indirect_dma source(%dma_start3A_653 : memref<20000x128xf32, #tpu.memory_space<hbm>>) target(%arg11 : memref<128x128xf32, #tpu.memory_space<vmem>>) offsets(%dma_start3A_650 : memref<128xi32, #tpu.memory_space<vmem>>) semaphore(%arg14 : memref<!tpu.dma_semaphore, #tpu.memory_space<semaphore_mem>>)
      %dma_wait3A_654 = arith.constant 0 : i32
      %dma_wait3A_655 = tpu.memref_slice %arg8[%mul3A_645, %dma_wait3A_654] : memref<20x128xi32, #tpu.memory_space<vmem>> -> memref<1x128xi32, #tpu.memory_space<vmem>>
      %dma_wait3A_656 = tpu.memref_squeeze %dma_wait3A_655 : memref<1x128xi32, #tpu.memory_space<vmem>> -> memref<128xi32, #tpu.memory_space<vmem>>
      %dma_wait3A_657 = arith.constant 0 : i32
      %dma_wait3A_658 = arith.constant 0 : i32
      %dma_wait3A_659 = tpu.memref_slice %arg2[%dma_wait3A_657, %dma_wait3A_658] : memref<20000x128xf32, #tpu.memory_space<hbm>> -> memref<20000x128xf32, #tpu.memory_space<hbm>>
      tpu.wait_indirect_dma semaphore(%arg13 : memref<!tpu.dma_semaphore, #tpu.memory_space<semaphore_mem>>) src(%dma_wait3A_659 : memref<20000x128xf32, #tpu.memory_space<hbm>>) dst(%arg10 : memref<128x128xf32, #tpu.memory_space<vmem>>)
      "tpu.region"() ({
        %run_scoped3A_678 = tpu.sem_alloc : memref<!tpu.dma_semaphore, #tpu.memory_space<semaphore_mem>>
        %dma_start3A_679 = arith.constant 0 : i32
        %dma_start3A_680 = tpu.memref_slice %arg9[%mul3A_645, %dma_start3A_679] : memref<20x128xi32, #tpu.memory_space<vmem>> -> memref<1x128xi32, #tpu.memory_space<vmem>>
        %dma_start3A_681 = tpu.memref_squeeze %dma_start3A_680 : memref<1x128xi32, #tpu.memory_space<vmem>> -> memref<128xi32, #tpu.memory_space<vmem>>
        %dma_start3A_682 = arith.constant 0 : i32
        %dma_start3A_683 = arith.constant 0 : i32
        %dma_start3A_684 = tpu.memref_slice %arg12[%dma_start3A_682, %dma_start3A_683] : memref<10008x128xf32, #tpu.memory_space<vmem_shared>> -> memref<10008x128xf32, #tpu.memory_space<vmem_shared>>
        tpu.enqueue_indirect_dma source(%arg10 : memref<128x128xf32, #tpu.memory_space<vmem>>) target(%dma_start3A_684 : memref<10008x128xf32, #tpu.memory_space<vmem_shared>>) offsets(%dma_start3A_681 : memref<128xi32, #tpu.memory_space<vmem>>) semaphore(%run_scoped3A_678 : memref<!tpu.dma_semaphore, #tpu.memory_space<semaphore_mem>>) {add = true}
        %dma_wait3A_685 = arith.constant 0 : i32
        %dma_wait3A_686 = tpu.memref_slice %arg9[%mul3A_645, %dma_wait3A_685] : memref<20x128xi32, #tpu.memory_space<vmem>> -> memref<1x128xi32, #tpu.memory_space<vmem>>
        %dma_wait3A_687 = tpu.memref_squeeze %dma_wait3A_686 : memref<1x128xi32, #tpu.memory_space<vmem>> -> memref<128xi32, #tpu.memory_space<vmem>>
        %dma_wait3A_688 = arith.constant 0 : i32
        %dma_wait3A_689 = arith.constant 0 : i32
        %dma_wait3A_690 = tpu.memref_slice %arg12[%dma_wait3A_688, %dma_wait3A_689] : memref<10008x128xf32, #tpu.memory_space<vmem_shared>> -> memref<10008x128xf32, #tpu.memory_space<vmem_shared>>
        tpu.wait_indirect_dma semaphore(%run_scoped3A_678 : memref<!tpu.dma_semaphore, #tpu.memory_space<semaphore_mem>>) src(%arg10 : memref<128x128xf32, #tpu.memory_space<vmem>>) dst(%dma_wait3A_690 : memref<10008x128xf32, #tpu.memory_space<vmem_shared>>)
        tpu.yield
      }) : () -> ()
      %add3A_660 = arith.constant 2 : i32
      %add3A_661 = arith.addi %mul3A_645, %add3A_660 : i32
      %dma_start3A_662 = arith.constant 0 : i32
      %dma_start3A_663 = tpu.memref_slice %arg8[%add3A_661, %dma_start3A_662] : memref<20x128xi32, #tpu.memory_space<vmem>> -> memref<1x128xi32, #tpu.memory_space<vmem>>
      %dma_start3A_664 = tpu.memref_squeeze %dma_start3A_663 : memref<1x128xi32, #tpu.memory_space<vmem>> -> memref<128xi32, #tpu.memory_space<vmem>>
      %dma_start3A_665 = arith.constant 0 : i32
      %dma_start3A_666 = arith.constant 0 : i32
      %dma_start3A_667 = tpu.memref_slice %arg2[%dma_start3A_665, %dma_start3A_666] : memref<20000x128xf32, #tpu.memory_space<hbm>> -> memref<20000x128xf32, #tpu.memory_space<hbm>>
      tpu.enqueue_indirect_dma source(%dma_start3A_667 : memref<20000x128xf32, #tpu.memory_space<hbm>>) target(%arg10 : memref<128x128xf32, #tpu.memory_space<vmem>>) offsets(%dma_start3A_664 : memref<128xi32, #tpu.memory_space<vmem>>) semaphore(%arg13 : memref<!tpu.dma_semaphore, #tpu.memory_space<semaphore_mem>>)
      %add3A_668 = arith.constant 1 : i32
      %add3A_669 = arith.addi %mul3A_645, %add3A_668 : i32
      %dma_wait3A_670 = arith.constant 0 : i32
      %dma_wait3A_671 = tpu.memref_slice %arg8[%add3A_669, %dma_wait3A_670] : memref<20x128xi32, #tpu.memory_space<vmem>> -> memref<1x128xi32, #tpu.memory_space<vmem>>
      %dma_wait3A_672 = tpu.memref_squeeze %dma_wait3A_671 : memref<1x128xi32, #tpu.memory_space<vmem>> -> memref<128xi32, #tpu.memory_space<vmem>>
      %dma_wait3A_673 = arith.constant 0 : i32
      %dma_wait3A_674 = arith.constant 0 : i32
      %dma_wait3A_675 = tpu.memref_slice %arg2[%dma_wait3A_673, %dma_wait3A_674] : memref<20000x128xf32, #tpu.memory_space<hbm>> -> memref<20000x128xf32, #tpu.memory_space<hbm>>
      tpu.wait_indirect_dma semaphore(%arg14 : memref<!tpu.dma_semaphore, #tpu.memory_space<semaphore_mem>>) src(%dma_wait3A_675 : memref<20000x128xf32, #tpu.memory_space<hbm>>) dst(%arg11 : memref<128x128xf32, #tpu.memory_space<vmem>>)
      %add3A_676 = arith.constant 1 : i32
      %add3A_677 = arith.addi %mul3A_645, %add3A_676 : i32
      "tpu.region"() ({
        %run_scoped3A_678 = tpu.sem_alloc : memref<!tpu.dma_semaphore, #tpu.memory_space<semaphore_mem>>
        %dma_start3A_679 = arith.constant 0 : i32
        %dma_start3A_680 = tpu.memref_slice %arg9[%add3A_677, %dma_start3A_679] : memref<20x128xi32, #tpu.memory_space<vmem>> -> memref<1x128xi32, #tpu.memory_space<vmem>>
        %dma_start3A_681 = tpu.memref_squeeze %dma_start3A_680 : memref<1x128xi32, #tpu.memory_space<vmem>> -> memref<128xi32, #tpu.memory_space<vmem>>
        %dma_start3A_682 = arith.constant 0 : i32
        %dma_start3A_683 = arith.constant 0 : i32
        %dma_start3A_684 = tpu.memref_slice %arg12[%dma_start3A_682, %dma_start3A_683] : memref<10008x128xf32, #tpu.memory_space<vmem_shared>> -> memref<10008x128xf32, #tpu.memory_space<vmem_shared>>
        tpu.enqueue_indirect_dma source(%arg11 : memref<128x128xf32, #tpu.memory_space<vmem>>) target(%dma_start3A_684 : memref<10008x128xf32, #tpu.memory_space<vmem_shared>>) offsets(%dma_start3A_681 : memref<128xi32, #tpu.memory_space<vmem>>) semaphore(%run_scoped3A_678 : memref<!tpu.dma_semaphore, #tpu.memory_space<semaphore_mem>>) {add = true}
        %dma_wait3A_685 = arith.constant 0 : i32
        %dma_wait3A_686 = tpu.memref_slice %arg9[%add3A_677, %dma_wait3A_685] : memref<20x128xi32, #tpu.memory_space<vmem>> -> memref<1x128xi32, #tpu.memory_space<vmem>>
        %dma_wait3A_687 = tpu.memref_squeeze %dma_wait3A_686 : memref<1x128xi32, #tpu.memory_space<vmem>> -> memref<128xi32, #tpu.memory_space<vmem>>
        %dma_wait3A_688 = arith.constant 0 : i32
        %dma_wait3A_689 = arith.constant 0 : i32
        %dma_wait3A_690 = tpu.memref_slice %arg12[%dma_wait3A_688, %dma_wait3A_689] : memref<10008x128xf32, #tpu.memory_space<vmem_shared>> -> memref<10008x128xf32, #tpu.memory_space<vmem_shared>>
        tpu.wait_indirect_dma semaphore(%run_scoped3A_678 : memref<!tpu.dma_semaphore, #tpu.memory_space<semaphore_mem>>) src(%arg11 : memref<128x128xf32, #tpu.memory_space<vmem>>) dst(%dma_wait3A_690 : memref<10008x128xf32, #tpu.memory_space<vmem_shared>>)
        tpu.yield
      }) : () -> ()
    }
    %scan3A_608 = arith.constant 9 : i32
    %dma_start3A_609 = arith.constant 19 : i32
    %dma_start3A_610 = arith.constant 0 : i32
    %dma_start3A_611 = tpu.memref_slice %arg8[%dma_start3A_609, %dma_start3A_610] : memref<20x128xi32, #tpu.memory_space<vmem>> -> memref<1x128xi32, #tpu.memory_space<vmem>>
    %dma_start3A_612 = tpu.memref_squeeze %dma_start3A_611 : memref<1x128xi32, #tpu.memory_space<vmem>> -> memref<128xi32, #tpu.memory_space<vmem>>
    %dma_start3A_613 = arith.constant 0 : i32
    %dma_start3A_614 = arith.constant 0 : i32
    %dma_start3A_615 = tpu.memref_slice %arg2[%dma_start3A_613, %dma_start3A_614] : memref<20000x128xf32, #tpu.memory_space<hbm>> -> memref<20000x128xf32, #tpu.memory_space<hbm>>
    tpu.enqueue_indirect_dma source(%dma_start3A_615 : memref<20000x128xf32, #tpu.memory_space<hbm>>) target(%arg11 : memref<128x128xf32, #tpu.memory_space<vmem>>) offsets(%dma_start3A_612 : memref<128xi32, #tpu.memory_space<vmem>>) semaphore(%arg14 : memref<!tpu.dma_semaphore, #tpu.memory_space<semaphore_mem>>)
    %dma_wait3A_616 = arith.constant 18 : i32
    %dma_wait3A_617 = arith.constant 0 : i32
    %dma_wait3A_618 = tpu.memref_slice %arg8[%dma_wait3A_616, %dma_wait3A_617] : memref<20x128xi32, #tpu.memory_space<vmem>> -> memref<1x128xi32, #tpu.memory_space<vmem>>
    %dma_wait3A_619 = tpu.memref_squeeze %dma_wait3A_618 : memref<1x128xi32, #tpu.memory_space<vmem>> -> memref<128xi32, #tpu.memory_space<vmem>>
    %dma_wait3A_620 = arith.constant 0 : i32
    %dma_wait3A_621 = arith.constant 0 : i32
    %dma_wait3A_622 = tpu.memref_slice %arg2[%dma_wait3A_620, %dma_wait3A_621] : memref<20000x128xf32, #tpu.memory_space<hbm>> -> memref<20000x128xf32, #tpu.memory_space<hbm>>
    tpu.wait_indirect_dma semaphore(%arg13 : memref<!tpu.dma_semaphore, #tpu.memory_space<semaphore_mem>>) src(%dma_wait3A_622 : memref<20000x128xf32, #tpu.memory_space<hbm>>) dst(%arg10 : memref<128x128xf32, #tpu.memory_space<vmem>>)
    %run_scoped3A_623 = arith.constant 18 : i32
    "tpu.region"() ({
      %run_scoped3A_643 = tpu.sem_alloc : memref<!tpu.dma_semaphore, #tpu.memory_space<semaphore_mem>>
      %dma_start3A_644 = arith.constant 0 : i32
      %dma_start3A_645 = tpu.memref_slice %arg9[%run_scoped3A_623, %dma_start3A_644] : memref<20x128xi32, #tpu.memory_space<vmem>> -> memref<1x128xi32, #tpu.memory_space<vmem>>
      %dma_start3A_646 = tpu.memref_squeeze %dma_start3A_645 : memref<1x128xi32, #tpu.memory_space<vmem>> -> memref<128xi32, #tpu.memory_space<vmem>>
      %dma_start3A_647 = arith.constant 0 : i32
      %dma_start3A_648 = arith.constant 0 : i32
      %dma_start3A_649 = tpu.memref_slice %arg12[%dma_start3A_647, %dma_start3A_648] : memref<10008x128xf32, #tpu.memory_space<vmem_shared>> -> memref<10008x128xf32, #tpu.memory_space<vmem_shared>>
      tpu.enqueue_indirect_dma source(%arg10 : memref<128x128xf32, #tpu.memory_space<vmem>>) target(%dma_start3A_649 : memref<10008x128xf32, #tpu.memory_space<vmem_shared>>) offsets(%dma_start3A_646 : memref<128xi32, #tpu.memory_space<vmem>>) semaphore(%run_scoped3A_643 : memref<!tpu.dma_semaphore, #tpu.memory_space<semaphore_mem>>) {add = true}
      %dma_wait3A_650 = arith.constant 0 : i32
      %dma_wait3A_651 = tpu.memref_slice %arg9[%run_scoped3A_623, %dma_wait3A_650] : memref<20x128xi32, #tpu.memory_space<vmem>> -> memref<1x128xi32, #tpu.memory_space<vmem>>
      %dma_wait3A_652 = tpu.memref_squeeze %dma_wait3A_651 : memref<1x128xi32, #tpu.memory_space<vmem>> -> memref<128xi32, #tpu.memory_space<vmem>>
      %dma_wait3A_653 = arith.constant 0 : i32
      %dma_wait3A_654 = arith.constant 0 : i32
      %dma_wait3A_655 = tpu.memref_slice %arg12[%dma_wait3A_653, %dma_wait3A_654] : memref<10008x128xf32, #tpu.memory_space<vmem_shared>> -> memref<10008x128xf32, #tpu.memory_space<vmem_shared>>
      tpu.wait_indirect_dma semaphore(%run_scoped3A_643 : memref<!tpu.dma_semaphore, #tpu.memory_space<semaphore_mem>>) src(%arg10 : memref<128x128xf32, #tpu.memory_space<vmem>>) dst(%dma_wait3A_655 : memref<10008x128xf32, #tpu.memory_space<vmem_shared>>)
      tpu.yield
    }) : () -> ()
    %dma_wait3A_624 = arith.constant 19 : i32
    %dma_wait3A_625 = arith.constant 0 : i32
    %dma_wait3A_626 = tpu.memref_slice %arg8[%dma_wait3A_624, %dma_wait3A_625] : memref<20x128xi32, #tpu.memory_space<vmem>> -> memref<1x128xi32, #tpu.memory_space<vmem>>
    %dma_wait3A_627 = tpu.memref_squeeze %dma_wait3A_626 : memref<1x128xi32, #tpu.memory_space<vmem>> -> memref<128xi32, #tpu.memory_space<vmem>>
    %dma_wait3A_628 = arith.constant 0 : i32
    %dma_wait3A_629 = arith.constant 0 : i32
    %dma_wait3A_630 = tpu.memref_slice %arg2[%dma_wait3A_628, %dma_wait3A_629] : memref<20000x128xf32, #tpu.memory_space<hbm>> -> memref<20000x128xf32, #tpu.memory_space<hbm>>
    tpu.wait_indirect_dma semaphore(%arg14 : memref<!tpu.dma_semaphore, #tpu.memory_space<semaphore_mem>>) src(%dma_wait3A_630 : memref<20000x128xf32, #tpu.memory_space<hbm>>) dst(%arg11 : memref<128x128xf32, #tpu.memory_space<vmem>>)
    %run_scoped3A_631 = arith.constant 19 : i32
    "tpu.region"() ({
      %run_scoped3A_643 = tpu.sem_alloc : memref<!tpu.dma_semaphore, #tpu.memory_space<semaphore_mem>>
      %dma_start3A_644 = arith.constant 0 : i32
      %dma_start3A_645 = tpu.memref_slice %arg9[%run_scoped3A_631, %dma_start3A_644] : memref<20x128xi32, #tpu.memory_space<vmem>> -> memref<1x128xi32, #tpu.memory_space<vmem>>
      %dma_start3A_646 = tpu.memref_squeeze %dma_start3A_645 : memref<1x128xi32, #tpu.memory_space<vmem>> -> memref<128xi32, #tpu.memory_space<vmem>>
      %dma_start3A_647 = arith.constant 0 : i32
      %dma_start3A_648 = arith.constant 0 : i32
      %dma_start3A_649 = tpu.memref_slice %arg12[%dma_start3A_647, %dma_start3A_648] : memref<10008x128xf32, #tpu.memory_space<vmem_shared>> -> memref<10008x128xf32, #tpu.memory_space<vmem_shared>>
      tpu.enqueue_indirect_dma source(%arg11 : memref<128x128xf32, #tpu.memory_space<vmem>>) target(%dma_start3A_649 : memref<10008x128xf32, #tpu.memory_space<vmem_shared>>) offsets(%dma_start3A_646 : memref<128xi32, #tpu.memory_space<vmem>>) semaphore(%run_scoped3A_643 : memref<!tpu.dma_semaphore, #tpu.memory_space<semaphore_mem>>) {add = true}
      %dma_wait3A_650 = arith.constant 0 : i32
      %dma_wait3A_651 = tpu.memref_slice %arg9[%run_scoped3A_631, %dma_wait3A_650] : memref<20x128xi32, #tpu.memory_space<vmem>> -> memref<1x128xi32, #tpu.memory_space<vmem>>
      %dma_wait3A_652 = tpu.memref_squeeze %dma_wait3A_651 : memref<1x128xi32, #tpu.memory_space<vmem>> -> memref<128xi32, #tpu.memory_space<vmem>>
      %dma_wait3A_653 = arith.constant 0 : i32
      %dma_wait3A_654 = arith.constant 0 : i32
      %dma_wait3A_655 = tpu.memref_slice %arg12[%dma_wait3A_653, %dma_wait3A_654] : memref<10008x128xf32, #tpu.memory_space<vmem_shared>> -> memref<10008x128xf32, #tpu.memory_space<vmem_shared>>
      tpu.wait_indirect_dma semaphore(%run_scoped3A_643 : memref<!tpu.dma_semaphore, #tpu.memory_space<semaphore_mem>>) src(%arg11 : memref<128x128xf32, #tpu.memory_space<vmem>>) dst(%dma_wait3A_655 : memref<10008x128xf32, #tpu.memory_space<vmem_shared>>)
      tpu.yield
    }) : () -> ()
    %barrier3A_632 = arith.constant 0 : index
    tpu.barrier barrier_id(%barrier3A_632)
    %lt3A_633 = arith.constant 15 : i32
    %lt3A_634 = arith.cmpi slt, %arg1, %lt3A_633 : i32
    %convert_element_type3A_635 = arith.extui %lt3A_634 : i1 to i32
    %cond3A_636 = arith.constant 0 : i32
    %cond3A_637 = arith.cmpi ne, %convert_element_type3A_635, %cond3A_636 : i32
    scf.if %cond3A_637 {
      %mul3A_643 = arith.constant 10000 : i32
      %mul3A_644 = arith.muli %arg0, %mul3A_643 : i32
      %add3A_645 = arith.addi %mul3A_644, %mul3A_0 : i32
      "tpu.region"() ({
        %run_scoped3A_646 = tpu.sem_alloc : memref<!tpu.dma_semaphore, #tpu.memory_space<semaphore_mem>>
        %dma_start3A_647 = arith.constant 0 : i32
        %dma_start3A_648 = tpu.memref_slice %arg5[%add3A_645, %dma_start3A_647] : memref<20000x128xf32, #tpu.memory_space<hbm>> -> memref<632x128xf32, #tpu.memory_space<hbm>>
        %dma_start3A_649 = arith.constant 0 : i32
        %dma_start3A_650 = tpu.memref_slice %arg12[%mul3A_0, %dma_start3A_649] : memref<10008x128xf32, #tpu.memory_space<vmem_shared>> -> memref<632x128xf32, #tpu.memory_space<vmem_shared>>
        tpu.enqueue_dma source(%dma_start3A_650 : memref<632x128xf32, #tpu.memory_space<vmem_shared>>) target(%dma_start3A_648 : memref<632x128xf32, #tpu.memory_space<hbm>>) target_semaphore(%run_scoped3A_646 : memref<!tpu.dma_semaphore, #tpu.memory_space<semaphore_mem>>)
        %dma_wait3A_651 = arith.constant 0 : i32
        %dma_wait3A_652 = tpu.memref_slice %arg5[%add3A_645, %dma_wait3A_651] : memref<20000x128xf32, #tpu.memory_space<hbm>> -> memref<632x128xf32, #tpu.memory_space<hbm>>
        %dma_wait3A_653 = arith.constant 0 : i32
        %dma_wait3A_654 = tpu.memref_slice %arg12[%mul3A_0, %dma_wait3A_653] : memref<10008x128xf32, #tpu.memory_space<vmem_shared>> -> memref<632x128xf32, #tpu.memory_space<vmem_shared>>
        tpu.wait_dma2 semaphore(%run_scoped3A_646 : memref<!tpu.dma_semaphore, #tpu.memory_space<semaphore_mem>>) src(%dma_wait3A_654 : memref<632x128xf32, #tpu.memory_space<vmem_shared>>) dst(%dma_wait3A_652 : memref<632x128xf32, #tpu.memory_space<hbm>>)
        tpu.yield
      }) : () -> ()
    } else {
    }
    %eq3A_638 = arith.constant 15 : i32
    %eq3A_639 = arith.cmpi eq, %arg1, %eq3A_638 : i32
    %convert_element_type3A_640 = arith.extui %eq3A_639 : i1 to i32
    %cond3A_641 = arith.constant 0 : i32
    %cond3A_642 = arith.cmpi ne, %convert_element_type3A_640, %cond3A_641 : i32
    scf.if %cond3A_642 {
      %mul3A_643 = arith.constant 10000 : i32
      %mul3A_644 = arith.muli %arg0, %mul3A_643 : i32
      %add3A_645 = arith.addi %mul3A_644, %mul3A_0 : i32
      "tpu.region"() ({
        %run_scoped3A_646 = tpu.sem_alloc : memref<!tpu.dma_semaphore, #tpu.memory_space<semaphore_mem>>
        %dma_start3A_647 = arith.constant 0 : i32
        %dma_start3A_648 = tpu.memref_slice %arg5[%add3A_645, %dma_start3A_647] : memref<20000x128xf32, #tpu.memory_space<hbm>> -> memref<520x128xf32, #tpu.memory_space<hbm>>
        %dma_start3A_649 = arith.constant 0 : i32
        %dma_start3A_650 = tpu.memref_slice %arg12[%mul3A_0, %dma_start3A_649] : memref<10008x128xf32, #tpu.memory_space<vmem_shared>> -> memref<520x128xf32, #tpu.memory_space<vmem_shared>>
        tpu.enqueue_dma source(%dma_start3A_650 : memref<520x128xf32, #tpu.memory_space<vmem_shared>>) target(%dma_start3A_648 : memref<520x128xf32, #tpu.memory_space<hbm>>) target_semaphore(%run_scoped3A_646 : memref<!tpu.dma_semaphore, #tpu.memory_space<semaphore_mem>>)
        %dma_wait3A_651 = arith.constant 0 : i32
        %dma_wait3A_652 = tpu.memref_slice %arg5[%add3A_645, %dma_wait3A_651] : memref<20000x128xf32, #tpu.memory_space<hbm>> -> memref<520x128xf32, #tpu.memory_space<hbm>>
        %dma_wait3A_653 = arith.constant 0 : i32
        %dma_wait3A_654 = tpu.memref_slice %arg12[%mul3A_0, %dma_wait3A_653] : memref<10008x128xf32, #tpu.memory_space<vmem_shared>> -> memref<520x128xf32, #tpu.memory_space<vmem_shared>>
        tpu.wait_dma2 semaphore(%run_scoped3A_646 : memref<!tpu.dma_semaphore, #tpu.memory_space<semaphore_mem>>) src(%dma_wait3A_654 : memref<520x128xf32, #tpu.memory_space<vmem_shared>>) dst(%dma_wait3A_652 : memref<520x128xf32, #tpu.memory_space<hbm>>)
        tpu.yield
      }) : () -> ()
    } else {
    }
    return
  }
}

</mosaic_0001>

<sc_bundles>
// kernel: kernel.3.cloned.1.call-start
scs
__scs_entry_jumppad:
0x0: {  	(pc) =	sbr.rel $0x88, $3  }
0x1: {  	(tag) =	ssettag $0x0;
	lr =	simm.s32 $0x1  }
0x2: {  	[smem:$0x3F9F] =	sst lr;
	_ =	strace $0xD0000000  }
0x3: {  	_ = 	snop  }
0x4: {  	_ = 	snop  }
0x5: {  	_ = 	snop  }
0x6: {  	_ = 	snop  }
0x7: {  	_ = 	snop  }
__scs_overlays_trampoline_lowered:
0x8: {  	[smem:$0x3FAE] =	sst s0  }
0x9: {  	[smem:$0x3FAF] =	sst s1  }
0xa: {  	[smem:$0x3FB0] =	sst s2  }
0xb: {  	[smem:$0x3FB1] =	sst s3  }
0xc: {  	[smem:$0x3FB2] =	sst s4  }
0xd: {  	[smem:$0x3FB3] =	sst s5  }
0xe: {  	[smem:$0x3FB4] =	sst s6  }
0xf: {  	[smem:$0x3FB5] =	sst s7  }
0x10: {  	[smem:$0x3FB6] =	sst s8  }
0x11: {  	[smem:$0x3FB7] =	sst s9;
	s0 =	simm.s32 @!p0 $0x0  }
0x12: {  	s1 =	sld [smem:$0x3F9D];
	s0 =	simm.s32 @p0 $0x1  }
0x13: {  	[smem:$0x3FB8] =	sst s0;
	s0 =	simm.s32 @!p1 $0x0  }
0x14: {  	s2 =	sld [smem:$0x3F9C];
	s0 =	simm.s32 @p1 $0x1  }
0x15: {  	[smem:$0x3FB9] =	sst s0;
	s0 =	simm.s32 @!p2 $0x0  }
0x16: {  	s3 =	sld [smem:$0x3FDB];
	s0 =	simm.s32 @p2 $0x1  }
0x17: {  	s4 =	simm.s32 $0x1BF5;
	[smem:$0x3FBB] =	sst s0  }
0x18: {  	s0 =	sld [smem:$0x3F9E];
	_ =	swait.ge [sflag:s4], $0x0  }
0x19: {  	s7 =	sld [smem:$0x3F9F]  }
0x1a: {  	s8 =	sadd.s32 $0xFFFFE003, lr  }
0x1b: {  	s9 =	sadd.s32 $0xFFFFFEF7, lr;
	s5 =	simm.s32 $0xFFFFFFFF;
	p2 =	slt.u32 s8, $0xFFFFF086  }
0x1c: {  	p1 =	slt.u32 s9, $0xF7A;
	s5 =	simm.s32 @!p2 $0x0  }
0x1d: {  	s5 =	simm.s32 @p1 $0x1;
	p0 =	seq.s32 s7, s2  }
0x1e: {  	s7 =	smul.u32 @!p0 $0xF7A, s2;
	p2 =	seq.s32 @!p0 s5, $0x0  }
0x1f: {  	s9 =	smul.u32 $0xF7A, s1;
	s8 =	simm.s32 @!p0 $0x1BF5;
	p2 =	por !p2, p0  }
0x20: {  	[sflag:s8] =	ssyncset.s32 @!p0 $0xFFFFF086;
	s6 =	sadd.s32 @!p0 s3, s7;
	s7 =	simm.s32 @!p0 $0x108  }
0x21: {  	s3 =	sadd.s32 s3, s9;
	s6 =	sadd.s32 @!p0 $0x88, s6;
	s7 =	simm.s32 @p2 $0x1082  }
0x22: {  	[simem:s7], [sflag:s8] =	dma.local @!p0 [hbm:s6], $0xF7A  }
0x23: {  	s9 =	sor.u32 $0xD0000000, s2;
	s6 =	simm.s32 $0x108;
	_ =	swait.ge @!p0 [sflag:s8], $0x0  }
0x24: {  	s3 =	sadd.s32 $0x88, s3;
	s6 =	simm.s32 @!p1 $0x1082;
	[sflag:s4] =	ssyncset.s32 $0xFFFFF086  }
0x25: {  	[simem:s6], [sflag:s4] =	dma.local [hbm:s3], $0xF7A  }
0x26: {  	[smem:$0x3F9F] =	sst s1;
	(tag) =	ssettag s2;
	_ =	strace s9  }
0x27: {  	s1 =	sld [smem:$0x3FAF]  }
0x28: {  	s2 =	sld [smem:$0x3FB0]  }
0x29: {  	s4 =	sld [smem:$0x3FB2]  }
0x2a: {  	p0 =	seq.s32 s5, $0x0;
	s5 =	sld [smem:$0x3FB3]  }
0x2b: {  	s6 =	sld [smem:$0x3FB4]  }
0x2c: {  	s7 =	sld [smem:$0x3FB5]  }
0x2d: {  	s3 =	simm.s32 $0x108;
	s8 =	sld [smem:$0x3FB6]  }
0x2e: {  	s3 =	simm.s32 @!p0 $0x1082;
	s9 =	sld [smem:$0x3FB7]  }
0x2f: {  	lr =	sadd.s32 s0, s3;
	s0 =	sld [smem:$0x3FAE]  }
0x30: {  	s3 =	sld [smem:$0x3FB1]  }
0x31: {  	[smem:$0x3FBA] =	sst s10  }
0x32: {  	s10 =	sld [smem:$0x3FB8];
	_ =	sdelay $0x3  }
0x33: {  	p0 =	seq.s32 s10, $0x1;
	s10 =	sld [smem:$0x3FBA];
	_ =	sdelay $0x3  }
0x34: {  	[smem:$0x3FBA] =	sst s10  }
0x35: {  	s10 =	sld [smem:$0x3FB9];
	_ =	sdelay $0x3  }
0x36: {  	p1 =	seq.s32 s10, $0x1;
	s10 =	sld [smem:$0x3FBA];
	_ =	sdelay $0x3  }
0x37: {  	[smem:$0x3FBA] =	sst s10  }
0x38: {  	s10 =	sld [smem:$0x3FBB]  }
0x39: {  	_ = 	snop;
	(pc) =	sbr.ind lr, $3  }
0x3a: {  	_ = 	snop  }
0x3b: {  	_ = 	snop  }
0x3c: {  	p2 =	seq.s32 s10, $0x1;
	s10 =	sld [smem:$0x3FBA]  }
0x3d: {  	_ =	shalt  }
0x3e: {  	_ =	shalt  }
0x3f: {  	_ =	shalt  }
0x40: {  	_ =	shalt  }
0x41: {  	_ =	shalt  }
0x42: {  	_ =	shalt  }
0x43: {  	_ =	shalt  }
0x44: {  	_ =	shalt  }
0x45: {  	_ =	shalt  }
0x46: {  	_ =	shalt  }
0x47: {  	_ =	shalt  }
0x48: {  	_ =	shalt  }
0x49: {  	_ =	shalt  }
0x4a: {  	_ =	shalt  }
0x4b: {  	_ =	shalt  }
0x4c: {  	_ =	shalt  }
0x4d: {  	_ =	shalt  }
0x4e: {  	_ =	shalt  }
0x4f: {  	_ =	shalt  }
0x50: {  	_ =	shalt  }
0x51: {  	_ =	shalt  }
0x52: {  	_ =	shalt  }
0x53: {  	_ =	shalt  }
0x54: {  	_ =	shalt  }
0x55: {  	_ =	shalt  }
0x56: {  	_ =	shalt  }
0x57: {  	_ =	shalt  }
0x58: {  	_ =	shalt  }
0x59: {  	_ =	shalt  }
0x5a: {  	_ =	shalt  }
0x5b: {  	_ =	shalt  }
0x5c: {  	_ =	shalt  }
0x5d: {  	_ =	shalt  }
0x5e: {  	_ =	shalt  }
0x5f: {  	_ =	shalt  }
0x60: {  	_ =	shalt  }
0x61: {  	_ =	shalt  }
0x62: {  	_ =	shalt  }
0x63: {  	_ =	shalt  }
0x64: {  	_ =	shalt  }
0x65: {  	_ =	shalt  }
0x66: {  	_ =	shalt  }
0x67: {  	_ =	shalt  }
0x68: {  	_ =	shalt  }
0x69: {  	_ =	shalt  }
0x6a: {  	_ =	shalt  }
0x6b: {  	_ =	shalt  }
0x6c: {  	_ =	shalt  }
0x6d: {  	_ =	shalt  }
0x6e: {  	_ =	shalt  }
0x6f: {  	_ =	shalt  }
0x70: {  	_ =	shalt  }
0x71: {  	_ =	shalt  }
0x72: {  	_ =	shalt  }
0x73: {  	_ =	shalt  }
0x74: {  	_ =	shalt  }
0x75: {  	_ =	shalt  }
0x76: {  	_ =	shalt  }
0x77: {  	_ =	shalt  }
0x78: {  	_ =	shalt  }
0x79: {  	_ =	shalt  }
0x7a: {  	_ =	shalt  }
0x7b: {  	_ =	shalt  }
0x7c: {  	_ =	shalt  }
0x7d: {  	_ =	shalt  }
0x7e: {  	_ =	shalt  }
0x7f: {  	_ =	shalt  }
0x80: {  	_ =	shalt  }
0x81: {  	_ =	shalt  }
0x82: {  	_ =	shalt  }
0x83: {  	_ =	shalt  }
0x84: {  	_ =	shalt  }
0x85: {  	_ =	shalt  }
0x86: {  	_ =	shalt  }
0x87: {  	_ =	shalt  }
.Lfunc_end0:
.L_simem_size_0:
called_computation_lowered:
.L_overlay_start_0:
0x88: {  	s2 =	sld [smem:$0x3FD9]  }
0x89: {  	s3 =	sld [smem:$0x3FFE];
	_ =	sdelay $0x1  }
0x8a: {  	s1 =	srdreg.scid  }
0x8b: {  	s0 =	sand.u32 $0x1, s1  }
0x8c: {  	s17 =	sshll.u32 s0, $0xA;
	s2 =	sadd.s32 s3, s2  }
0x8d: {  	s2 =	sadd.s32 s2, s17  }
0x8e: {  	[smem:$0x3FC6] =	sst s2  }
0x8f: {  	_ = 	snop  }
0x90: {  	s2 =	sld [smem:$0x3FC9]  }
0x91: {  	s18 =	sld [smem:$0x3FD0];
	(tm) =	ssettm $0x1  }
0x92: {  	s4 =	sld [smem:$0x3FFB];
	_ =	sdelay $0x3  }
0x93: {  	_ =	strace s4  }
0x94: {  	s4 =	sld [smem:$0x3FFC];
	_ =	sdelay $0x3  }
0x95: {  	_ =	strace s4  }
0x96: {  	s4 =	sld [smem:$0x3FFD];
	_ =	sdelay $0x3  }
0x97: {  	_ =	strace s4  }
0x98: {  	_ =	strace $0x8FFFFFFF  }
0x99: {  	s19 =	sld [smem:$0x3FDB];
	_ =	sdelay $0x1  }
0x9a: {  	s5 =	simm.s32 $_scs_section_size  }
0x9b: {  	s6 =	simm.s32 $_size__tile_overlayer_lowered;
	s7 =	simm.s32 $_tile_overlayer_lowered  }
0x9c: {  	s22 =	simm.s32 $0x1BFF;
	s21 =	sshll.u32 s7, $0x1;
	s4 =	sadd.s32 s5, s19  }
0x9d: {  	s8 =	simm.s32 $0x0;
	s20 =	sshll.u32 s6, $0x1;
	s6 =	sadd.s32 s21, s4  }
0x9e: {  	[timem:s8], [sflag:s22] =	dma.local [hbm:s6], s20  }
0x9f: {  	_ =	swait.ge [sflag:s22], s20  }
0xa0: {  	s5 =	ssub.s32 $0x0, s20;
	[sflag:s22] =	ssyncset.done $0x0  }
0xa1: {  	[sflag:s22] =	ssyncadd.s32 s5;
	_ =	sdelay $0x1  }
0xa2: {  	s23 =	simm.s32 $0x1B8B  }
0xa3: {  	_ =	swait.ge [sflag:s23], $0x1  }
0xa4: {  	[sflag:s23] =	ssyncset.done $0x0  }
0xa5: {  	s25 =	simm.s32 $0x1B8E;
	s24 =	sld [smem:$0x3FFE];
	[sflag:s23] =	ssyncadd.s32 $0xFFFFFFFF  }
0xa6: {  	s26 =	simm.s32 $execute0_lowered;
	[smem:$0x3FD2] =	sst s25  }
0xa7: {  	s6 =	sshll.u32 s26, $0x1;
	_ =	strace $0x80000046;
	[dreg:$0x1] =	wrdreg $0xFFFFFFFF  }
0xa8: {  	s28 =	simm.s32 $_size_execute0_lowered;
	s4 =	sadd.s32 s4, s6;
	[dreg:$0x0] =	wrdreg $0x0  }
0xa9: {  	s6 =	sshll.u32 s28, $0x1;
	[dreg:$0x2] =	wrdreg s4  }
0xaa: {  	[dreg:$0x3] =	wrdreg s6  }
0xab: {  	[dreg:$0x4] =	wrdreg $0xC0  }
0xac: {  	_ =	task [dreg:s8], $0x5FFFF  }
0xad: {  	[dreg:$0x1] =	wrdreg $0xFFFFFFFF  }
0xae: {  	[dreg:$0x0] =	wrdreg $0x60  }
0xaf: {  	[dreg:$0x2] =	wrdreg s2  }
0xb0: {  	[dreg:$0x3] =	wrdreg s24  }
0xb1: {  	[dreg:$0x4] =	wrdreg s18  }
0xb2: {  	[dreg:$0x5] =	wrdreg $0xB0000  }
0xb3: {  	[dreg:$0x6] =	wrdreg $0x9  }
0xb4: {  	_ =	task.clear_ibuf [dreg:s8], $0x7FFFF;
	_ =	strace $0x90000046  }
0xb5: {  	s29 =	simm.s32 $0x9;
	_ =	strace $0x80000048  }
0xb6: {  	_ =	swait.ge [sflag:s29], $0x1  }
0xb7: {  	[sflag:s29] =	ssyncadd.s32 $0xFFFFFFFF  }
0xb8: {  	_ =	strace $0x90000048  }
0xb9: {  	_ =	sfence  }
0xba: {  	s30 =	sld [smem:$0x0];
	_ =	sdelay $0x2  }
0xbb: {  	s31 =	sshll.u32 s1, $0xD;
	s1 =	sshrl.u32 s1, $0x2  }
0xbc: {  	s3 =	sand.u32 $0x4000, s31;
	s1 =	sadd.s32 s1, s30  }
0xbd: {  	s0 =	sor.u32 s3, s0;
	s1 =	sshll.u32 s1, $0x11  }
0xbe: {  	s0 =	sor.u32 s1, s0  }
0xbf: {  	s0 =	sadd.s32 $0x8F2B, s0  }
0xc0: {  	[sflag:s0] =	ssyncadd.remote.s32 $0x1  }
0xc1: {  	_ =	sfence.sel $0xFFFF  }
0xc2: {  	[dreg:$0x0] =	wrdreg $0xFFFFFFFF;
	(pc) =	sbr.abs _section_cstart, $3  }
0xc3: {  	[dreg:$0x1] =	wrdreg $0xFFFFFFFF  }
0xc4: {  	_ =	task.clear_ibuf [dreg:s8], $0x2FFFF;
	_ =	strace $0x9FFFFFFF  }
0xc5: {  	(tm) =	ssettm $0x7FFFFFFF  }
tec
execute0_lowered:
.L_overlay_start_1:
0x0: {  	(tag) =	ssettag $0x1  }
0x1: {  	s0 =	rddreg [dreg:$0x0]  }
0x2: {  	s1 =	rddreg [dreg:$0x1]  }
0x3: {  	s2 =	rddreg [dreg:$0x2]  }
0x4: {  	s4 =	srdreg.scid;
	s12 =	stileid.u32  }
0x5: {  	s3 =	rddreg [dreg:$0x3];
	s7 =	smul.u32 $0x6000, s12  }
0x6: {  	s5 =	sand.u32 $0x1, s4;
	s4 =	simm.s32 $0x0;
	s10 =	smul.u32 $0x4F000, s12  }
0x7: {  	s14 =	sadd.s32 $0x138400, s3;
	[smem:$0x7FF] =	sst s4;
	s8 =	ssub.s32 $0x2, s5  }
0x8: {  	_ =	strace $0x80000047;
	s9 =	sshrl.u32 s8, $0x1;
	s28 =	sshrl.u32 s10, $0x2  }
0x9: {  	[dreg:$0xc] =	wrdreg s14;
	s9 =	ssub.s32 s8, s9;
	s8 =	sadd.s32 s28, s3  }
0xa: {  	s6 =	smul.u32 $0x60000, s5;
	s31 =	sadd.s32 $0x4000, s8;
	[dreg:$0x1d] =	wrdreg s8  }
0xb: {  	s10 =	sadd.s32 $0x8000, s8;
	[dreg:$0x9] =	wrdreg s31  }
0xc: {  	s6 =	sadd.s32 s7, s6;
	s13 =	sadd.s32 $0xC000, s8;
	[dreg:$0xa] =	wrdreg s10  }
0xd: {  	s7 =	sshrl.u32 s7, $0x3;
	s16 =	sadd.s32 $0x10000, s8;
	[dreg:$0xb] =	wrdreg s13  }
0xe: {  	s11 =	smul.u32 $0x2780, s12;
	s7 =	sadd.s32 s1, s7;
	[dreg:$0xd] =	wrdreg s16  }
0xf: {  	p0 =	seq.s32 s12, $0xF;
	s30 =	sadd.s32 $0x180, s7;
	[dreg:$0x6] =	wrdreg s7  }
0x10: {  	s12 =	simm.s32 $0x5;
	s18 =	sadd.s32 $0x300, s7;
	[dreg:$0x8] =	wrdreg s30  }
0x11: {  	s15 =	smul.u32 $0x27100, s5;
	s20 =	sadd.s32 $0x480, s7;
	[dreg:$0xf] =	wrdreg s18  }
0x12: {  	s6 =	sshrl.u32 s6, $0x3;
	s28 =	sadd.s32 $0x600, s7;
	[dreg:$0x11] =	wrdreg s20  }
0x13: {  	s6 =	sadd.s32 s6, s1;
	s31 =	sadd.s32 $0xA80, s7;
	[dreg:$0x19] =	wrdreg s28  }
0x14: {  	s5 =	smul.u32 $0x138800, s5;
	s26 =	sadd.s32 $0xC000, s6;
	[dreg:$0x1c] =	wrdreg s31  }
0x15: {  	s14 =	simm.s32 $0x2;
	s29 =	sadd.s32 $0xC180, s6;
	[dreg:$0x5] =	wrdreg s26  }
0x16: {  	s5 =	sshrl.u32 s5, $0x3;
	s17 =	sadd.s32 $0xC300, s6;
	[dreg:$0x7] =	wrdreg s29  }
0x17: {  	s23 =	sadd.s32 s2, s5;
	s19 =	sadd.s32 $0xC480, s6;
	[dreg:$0xe] =	wrdreg s17  }
0x18: {  	s5 =	simm.s32 $0x3000;
	s21 =	sadd.s32 $0xC600, s6;
	[dreg:$0x10] =	wrdreg s19  }
0x19: {  	s1 =	sadd.s32 s11, s15;
	s22 =	sadd.s32 $0xC780, s6;
	[dreg:$0x12] =	wrdreg s21  }
0x1a: {  	s10 =	simm.s32 $0x80;
	s1 =	sadd.s32 s2, s1;
	[dreg:$0x13] =	wrdreg s22  }
0x1b: {  	s11 =	simm.s32 $0x7000;
	s24 =	sadd.s32 $0xC900, s6;
	[dreg:$0x14] =	wrdreg s1  }
0x1c: {  	s16 =	simm.s32 $0x4;
	s25 =	sadd.s32 $0xCA80, s6;
	[dreg:$0x15] =	wrdreg s24  }
0x1d: {  	s30 =	sadd.s32 $0x900, s7;
	s6 =	simm.s32 $0xC00;
	[dreg:$0x16] =	wrdreg s25  }
0x1e: {  	s2 =	simm.s32 $0x2400;
	s1 =	sadd.s32 $0x25080, s23;
	[dreg:$0x1b] =	wrdreg s30  }
0x1f: {  	s26 =	smax.u32 s9, $0x1;
	s29 =	sadd.s32 $0x780, s7;
	[dreg:$0x17] =	wrdreg s1  }
0x20: {  	s7 =	simm.s32 $0x1;
	s9 =	simm.s32 $0x3;
	[dreg:$0x18] =	wrdreg s26  }
0x21: {  	v0 =	vimm.f32 $0.0e+00;
	s24 =	simm.s32 $0x0;
	[dreg:$0x1a] =	wrdreg s29;
	s1 =	simm.s32 $0x1800  }
.LBB2_1:
0x22: {  	s25 =	rddreg [dreg:$0x5]  }
0x23: {  	[tilespmem:s4], [sflag:$0x3] =	stream.linear.gather [hbm4b:s25+s4], $0xA00, $0x38;
	[tilespmem:$0x1E8C0] =	vst v63  }
0x24: {  	s29 =	rddreg [dreg:$0x6]  }
0x25: {  	[tilespmem:s6], [sflag:$0x3] =	stream.linear.gather [hbm4b:s29+s4], $0xA00, $0x38;
	[tilespmem:$0x1E8C0] =	vst v63  }
0x26: {  	s30 =	rddreg [dreg:$0x7]  }
0x27: {  	[tilespmem:s1], [sflag:$0x4] =	stream.linear.gather [hbm4b:s30+s4], $0xA00, $0x38;
	[tilespmem:$0x1E8C0] =	vst v63  }
0x28: {  	s31 =	rddreg [dreg:$0x8];
	s26 =	simm.s32 $0x200;
	s25 =	simm.s32 $0x0  }
0x29: {  	[tilespmem:s2], [sflag:$0x4] =	stream.linear.gather [hbm4b:s31+s4], $0xA00, $0x38;
	[tilespmem:$0x1E8C0] =	vst v63  }
.LBB2_2:
0x2a: {  	p1 =	sne.s32 s26, $0xFE00;
	[tilespmem:s25+$0x3070] =	vst v0  }
0x2b: {  	[tilespmem:s25+$0x3000] =	vst v0  }
0x2c: {  	[tilespmem:s25+$0x3010] =	vst v0  }
.Ltmp0:
0x2d: {  	[tilespmem:s25+$0x3020] =	vst v0;
	(pc) =	sbr.rel @p1 .LBB2_2-.Ltmp0, $4  }
0x2e: {  	[tilespmem:s25+$0x3030] =	vst v0  }
0x2f: {  	[tilespmem:s25+$0x3040] =	vst v0  }
0x30: {  	[tilespmem:s25+$0x3050] =	vst v0  }
0x31: {  	[tilespmem:s25+$0x3060] =	vst v0;
	s25 =	sshra.s32 s26, $0x2;
	s26 =	sadd.s32 $0x200, s26  }
0x32: {  	[tilespmem:s25+$0x3070] =	vst v0  }
0x33: {  	[tilespmem:s25+$0x3000] =	vst v0  }
0x34: {  	[tilespmem:s25+$0x3010] =	vst v0  }
0x35: {  	[tilespmem:s25+$0x3020] =	vst v0  }
0x36: {  	[tilespmem:s25+$0x3030] =	vst v0  }
0x37: {  	[tilespmem:s25+$0x3040] =	vst v0  }
0x38: {  	[tilespmem:s25+$0x3050] =	vst v0  }
0x39: {  	[tilespmem:s25+$0x3060] =	vst v0;
	s8 =	rddreg [dreg:$0x1d]  }
0x3a: {  	[spmem:s8] =	stream.linear.scatter [tilespmem:s5], [sflag:$0x1], $0x4000, $0x38;
	[tilespmem:$0x1E8C0] =	vst v63  }
0x3b: {  	s21 =	rddreg [dreg:$0x9]  }
0x3c: {  	[spmem:s21] =	stream.linear.scatter [tilespmem:s5], [sflag:$0x1], $0x4000, $0x38;
	[tilespmem:$0x1E8C0] =	vst v63  }
0x3d: {  	s22 =	rddreg [dreg:$0xa]  }
0x3e: {  	[spmem:s22] =	stream.linear.scatter [tilespmem:s5], [sflag:$0x1], $0x4000, $0x38;
	[tilespmem:$0x1E8C0] =	vst v63  }
0x3f: {  	s23 =	rddreg [dreg:$0xb]  }
0x40: {  	[spmem:s23] =	stream.linear.scatter [tilespmem:s5], [sflag:$0x1], $0x4000, $0x38;
	[tilespmem:$0x1E8C0] =	vst v63  }
0x41: {  	_ =	swait.ge [sflag:s7], $0x4000  }
0x42: {  	[sflag:s7] =	ssyncset.done $0x0  }
0x43: {  	[sflag:s7] =	ssyncadd.s32 $0xFFFFC000  }
0x44: {  	_ =	swait.ge [sflag:s7], $0x4000  }
0x45: {  	[sflag:s7] =	ssyncset.done $0x0  }
0x46: {  	[sflag:s7] =	ssyncadd.s32 $0xFFFFC000  }
0x47: {  	_ =	swait.ge [sflag:s7], $0x4000  }
0x48: {  	[sflag:s7] =	ssyncset.done $0x0  }
0x49: {  	[sflag:s7] =	ssyncadd.s32 $0xFFFFC000  }
0x4a: {  	_ =	swait.ge [sflag:s7], $0x4000  }
0x4b: {  	s25 =	simm.s32 @p0 $0x3000;
	[sflag:s7] =	ssyncset.done $0x0  }
0x4c: {  	s8 =	simm.s32 @p0 $0x5;
	s26 =	rddreg [dreg:$0xc];
	[sflag:s7] =	ssyncadd.s32 $0xFFFFC000  }
0x4d: {  	[spmem:s26] =	stream.linear.scatter @p0 [tilespmem:s25], [sflag:$0x5], $0x800, $0x38;
	[tilespmem:$0x1E8C0] =	vst v63  }
0x4e: {  	_ =	swait.ge @p0 [sflag:s8], $0x800  }
0x4f: {  	s25 =	simm.s32 @!p0 $0x3000;
	[sflag:s8] =	ssyncset.done @p0 $0x0  }
0x50: {  	s28 =	rddreg [dreg:$0xd];
	[sflag:s8] =	ssyncadd.s32 @p0 $0xFFFFF800;
	s8 =	simm.s32 @!p0 $0x5  }
0x51: {  	[spmem:s28] =	stream.linear.scatter @!p0 [tilespmem:s25], [sflag:$0x5], $0x3C00, $0x38;
	[tilespmem:$0x1E8C0] =	vst v63  }
0x52: {  	_ =	swait.ge @!p0 [sflag:s8], $0x3C00  }
0x53: {  	[sflag:s8] =	ssyncset.done @!p0 $0x0  }
0x54: {  	[sflag:s8] =	ssyncadd.s32 @!p0 $0xFFFFC400  }
0x55: {  	[bflag:$0x0] =	sbarrier.arrive $0xFFFF  }
0x56: {  	_ =	swait.ge [sflag:s9], $0xA00  }
0x57: {  	[sflag:s9] =	ssyncset.done $0x0  }
0x58: {  	[sflag:s9] =	ssyncadd.s32 $0xFFFFF600  }
0x59: {  	_ =	swait.ge [sflag:s9], $0xA00  }
0x5a: {  	[sflag:s9] =	ssyncset.done $0x0  }
0x5b: {  	[sflag:s9] =	ssyncadd.s32 $0xFFFFF600  }
0x5c: {  	[tilespmem:s5], [sflag:$0x1] =	stream.indirect.gather [hbm4b:s0+s10], $0x80, s4, s10, $0xb8;
	[tilespmem:$0x1E8C0] =	vst v63  }
0x5d: {  	_ = 	snop  }
0x5e: {  	[tilespmem:s11], [sflag:$0x2] =	stream.indirect.gather [hbm4b:s0+s10], $0x80, s10, s10, $0xb8;
	[tilespmem:$0x1E8C0] =	vst v63  }
0x5f: {  	_ =	swait.ge [sflag:s7], $0x4000  }
0x60: {  	[sflag:s7] =	ssyncset.done $0x0  }
0x61: {  	[sflag:s7] =	ssyncadd.s32 $0xFFFFC000  }
0x62: {  	[spmem:s3] =	stream.indirect.scatter.add.f32 [tilespmem:s5], [sflag:$0x5], $0x80, s6, s10, $0xb8;
	[tilespmem:$0x1E8C0] =	vst v63  }
0x63: {  	_ =	swait.ge [sflag:s12], $0x4000  }
0x64: {  	[sflag:s12] =	ssyncset.done $0x0  }
0x65: {  	s25 =	simm.s32 $0x100;
	[sflag:s12] =	ssyncadd.s32 $0xFFFFC000  }
0x66: {  	[tilespmem:s5], [sflag:$0x1] =	stream.indirect.gather [hbm4b:s0+s10], $0x80, s25, s10, $0xb8;
	[tilespmem:$0x1E8C0] =	vst v63  }
0x67: {  	_ =	swait.ge [sflag:s14], $0x4000  }
0x68: {  	[sflag:s14] =	ssyncset.done $0x0  }
0x69: {  	s26 =	simm.s32 $0xC80;
	[sflag:s14] =	ssyncadd.s32 $0xFFFFC000  }
0x6a: {  	[spmem:s3] =	stream.indirect.scatter.add.f32 [tilespmem:s11], [sflag:$0x5], $0x80, s26, s10, $0xb8;
	[tilespmem:$0x1E8C0] =	vst v63  }
0x6b: {  	_ =	swait.ge [sflag:s12], $0x4000  }
0x6c: {  	[sflag:s12] =	ssyncset.done $0x0  }
0x6d: {  	s28 =	simm.s32 $0x180;
	[sflag:s12] =	ssyncadd.s32 $0xFFFFC000  }
0x6e: {  	[tilespmem:s11], [sflag:$0x2] =	stream.indirect.gather [hbm4b:s0+s10], $0x80, s28, s10, $0xb8;
	[tilespmem:$0x1E8C0] =	vst v63  }
0x6f: {  	_ =	swait.ge [sflag:s7], $0x4000  }
0x70: {  	[sflag:s7] =	ssyncset.done $0x0  }
0x71: {  	s29 =	simm.s32 $0xD00;
	[sflag:s7] =	ssyncadd.s32 $0xFFFFC000  }
0x72: {  	[spmem:s3] =	stream.indirect.scatter.add.f32 [tilespmem:s5], [sflag:$0x5], $0x80, s29, s10, $0xb8;
	[tilespmem:$0x1E8C0] =	vst v63  }
0x73: {  	_ =	swait.ge [sflag:s12], $0x4000  }
0x74: {  	[sflag:s12] =	ssyncset.done $0x0  }
0x75: {  	s30 =	simm.s32 $0x200;
	[sflag:s12] =	ssyncadd.s32 $0xFFFFC000  }
0x76: {  	[tilespmem:s5], [sflag:$0x1] =	stream.indirect.gather [hbm4b:s0+s10], $0x80, s30, s10, $0xb8;
	[tilespmem:$0x1E8C0] =	vst v63  }
0x77: {  	_ =	swait.ge [sflag:s14], $0x4000  }
0x78: {  	[sflag:s14] =	ssyncset.done $0x0  }
0x79: {  	s31 =	simm.s32 $0xD80;
	[sflag:s14] =	ssyncadd.s32 $0xFFFFC000  }
0x7a: {  	[spmem:s3] =	stream.indirect.scatter.add.f32 [tilespmem:s11], [sflag:$0x5], $0x80, s31, s10, $0xb8;
	[tilespmem:$0x1E8C0] =	vst v63  }
0x7b: {  	_ =	swait.ge [sflag:s12], $0x4000  }
0x7c: {  	[sflag:s12] =	ssyncset.done $0x0  }
0x7d: {  	s13 =	simm.s32 $0x280;
	[sflag:s12] =	ssyncadd.s32 $0xFFFFC000  }
0x7e: {  	[tilespmem:s11], [sflag:$0x2] =	stream.indirect.gather [hbm4b:s0+s10], $0x80, s13, s10, $0xb8;
	[tilespmem:$0x1E8C0] =	vst v63  }
0x7f: {  	_ =	swait.ge [sflag:s7], $0x4000  }
0x80: {  	[sflag:s7] =	ssyncset.done $0x0  }
0x81: {  	s15 =	simm.s32 $0xE00;
	[sflag:s7] =	ssyncadd.s32 $0xFFFFC000  }
0x82: {  	[spmem:s3] =	stream.indirect.scatter.add.f32 [tilespmem:s5], [sflag:$0x5], $0x80, s15, s10, $0xb8;
	[tilespmem:$0x1E8C0] =	vst v63  }
0x83: {  	_ =	swait.ge [sflag:s12], $0x4000  }
0x84: {  	[sflag:s12] =	ssyncset.done $0x0  }
0x85: {  	s17 =	simm.s32 $0x300;
	[sflag:s12] =	ssyncadd.s32 $0xFFFFC000  }
0x86: {  	[tilespmem:s5], [sflag:$0x1] =	stream.indirect.gather [hbm4b:s0+s10], $0x80, s17, s10, $0xb8;
	[tilespmem:$0x1E8C0] =	vst v63  }
0x87: {  	_ =	swait.ge [sflag:s14], $0x4000  }
0x88: {  	[sflag:s14] =	ssyncset.done $0x0  }
0x89: {  	s18 =	simm.s32 $0xE80;
	[sflag:s14] =	ssyncadd.s32 $0xFFFFC000  }
0x8a: {  	[spmem:s3] =	stream.indirect.scatter.add.f32 [tilespmem:s11], [sflag:$0x5], $0x80, s18, s10, $0xb8;
	[tilespmem:$0x1E8C0] =	vst v63  }
0x8b: {  	_ =	swait.ge [sflag:s12], $0x4000  }
0x8c: {  	[sflag:s12] =	ssyncset.done $0x0  }
0x8d: {  	s19 =	simm.s32 $0x380;
	[sflag:s12] =	ssyncadd.s32 $0xFFFFC000  }
0x8e: {  	[tilespmem:s11], [sflag:$0x2] =	stream.indirect.gather [hbm4b:s0+s10], $0x80, s19, s10, $0xb8;
	[tilespmem:$0x1E8C0] =	vst v63  }
0x8f: {  	_ =	swait.ge [sflag:s7], $0x4000  }
0x90: {  	[sflag:s7] =	ssyncset.done $0x0  }
0x91: {  	s20 =	simm.s32 $0xF00;
	[sflag:s7] =	ssyncadd.s32 $0xFFFFC000  }
0x92: {  	[spmem:s3] =	stream.indirect.scatter.add.f32 [tilespmem:s5], [sflag:$0x5], $0x80, s20, s10, $0xb8;
	[tilespmem:$0x1E8C0] =	vst v63  }
0x93: {  	_ =	swait.ge [sflag:s12], $0x4000  }
0x94: {  	[sflag:s12] =	ssyncset.done $0x0  }
0x95: {  	s21 =	simm.s32 $0x400;
	[sflag:s12] =	ssyncadd.s32 $0xFFFFC000  }
0x96: {  	[tilespmem:s5], [sflag:$0x1] =	stream.indirect.gather [hbm4b:s0+s10], $0x80, s21, s10, $0xb8;
	[tilespmem:$0x1E8C0] =	vst v63  }
0x97: {  	_ =	swait.ge [sflag:s14], $0x4000  }
0x98: {  	[sflag:s14] =	ssyncset.done $0x0  }
0x99: {  	s22 =	simm.s32 $0xF80;
	[sflag:s14] =	ssyncadd.s32 $0xFFFFC000  }
0x9a: {  	[spmem:s3] =	stream.indirect.scatter.add.f32 [tilespmem:s11], [sflag:$0x5], $0x80, s22, s10, $0xb8;
	[tilespmem:$0x1E8C0] =	vst v63  }
0x9b: {  	_ =	swait.ge [sflag:s12], $0x4000  }
0x9c: {  	[sflag:s12] =	ssyncset.done $0x0  }
0x9d: {  	s23 =	simm.s32 $0x480;
	[sflag:s12] =	ssyncadd.s32 $0xFFFFC000  }
0x9e: {  	[tilespmem:s11], [sflag:$0x2] =	stream.indirect.gather [hbm4b:s0+s10], $0x80, s23, s10, $0xb8;
	[tilespmem:$0x1E8C0] =	vst v63  }
0x9f: {  	_ =	swait.ge [sflag:s7], $0x4000  }
0xa0: {  	[sflag:s7] =	ssyncset.done $0x0  }
0xa1: {  	s28 =	simm.s32 $0x1000;
	[sflag:s7] =	ssyncadd.s32 $0xFFFFC000  }
0xa2: {  	[spmem:s3] =	stream.indirect.scatter.add.f32 [tilespmem:s5], [sflag:$0x5], $0x80, s28, s10, $0xb8;
	[tilespmem:$0x1E8C0] =	vst v63  }
0xa3: {  	_ =	swait.ge [sflag:s12], $0x4000  }
0xa4: {  	[sflag:s12] =	ssyncset.done $0x0  }
0xa5: {  	s29 =	simm.s32 $0x500;
	[sflag:s12] =	ssyncadd.s32 $0xFFFFC000  }
0xa6: {  	[tilespmem:s5], [sflag:$0x1] =	stream.indirect.gather [hbm4b:s0+s10], $0x80, s29, s10, $0xb8;
	[tilespmem:$0x1E8C0] =	vst v63  }
0xa7: {  	_ =	swait.ge [sflag:s14], $0x4000  }
0xa8: {  	[sflag:s14] =	ssyncset.done $0x0  }
0xa9: {  	s30 =	simm.s32 $0x1080;
	[sflag:s14] =	ssyncadd.s32 $0xFFFFC000  }
0xaa: {  	[spmem:s3] =	stream.indirect.scatter.add.f32 [tilespmem:s11], [sflag:$0x5], $0x80, s30, s10, $0xb8;
	[tilespmem:$0x1E8C0] =	vst v63  }
0xab: {  	_ =	swait.ge [sflag:s12], $0x4000  }
0xac: {  	[sflag:s12] =	ssyncset.done $0x0  }
0xad: {  	s31 =	simm.s32 $0x580;
	[sflag:s12] =	ssyncadd.s32 $0xFFFFC000  }
0xae: {  	[tilespmem:s11], [sflag:$0x2] =	stream.indirect.gather [hbm4b:s0+s10], $0x80, s31, s10, $0xb8;
	[tilespmem:$0x1E8C0] =	vst v63  }
0xaf: {  	_ =	swait.ge [sflag:s7], $0x4000  }
0xb0: {  	[sflag:s7] =	ssyncset.done $0x0  }
0xb1: {  	s13 =	simm.s32 $0x1100;
	[sflag:s7] =	ssyncadd.s32 $0xFFFFC000  }
0xb2: {  	[spmem:s3] =	stream.indirect.scatter.add.f32 [tilespmem:s5], [sflag:$0x5], $0x80, s13, s10, $0xb8;
	[tilespmem:$0x1E8C0] =	vst v63  }
0xb3: {  	_ =	swait.ge [sflag:s12], $0x4000  }
0xb4: {  	[sflag:s12] =	ssyncset.done $0x0  }
0xb5: {  	s15 =	simm.s32 $0x600;
	[sflag:s12] =	ssyncadd.s32 $0xFFFFC000  }
0xb6: {  	[tilespmem:s5], [sflag:$0x1] =	stream.indirect.gather [hbm4b:s0+s10], $0x80, s15, s10, $0xb8;
	[tilespmem:$0x1E8C0] =	vst v63  }
0xb7: {  	_ =	swait.ge [sflag:s14], $0x4000  }
0xb8: {  	[sflag:s14] =	ssyncset.done $0x0  }
0xb9: {  	s17 =	simm.s32 $0x1180;
	[sflag:s14] =	ssyncadd.s32 $0xFFFFC000  }
0xba: {  	[spmem:s3] =	stream.indirect.scatter.add.f32 [tilespmem:s11], [sflag:$0x5], $0x80, s17, s10, $0xb8;
	[tilespmem:$0x1E8C0] =	vst v63  }
0xbb: {  	_ =	swait.ge [sflag:s12], $0x4000  }
0xbc: {  	[sflag:s12] =	ssyncset.done $0x0  }
0xbd: {  	s18 =	simm.s32 $0x680;
	[sflag:s12] =	ssyncadd.s32 $0xFFFFC000  }
0xbe: {  	[tilespmem:s11], [sflag:$0x2] =	stream.indirect.gather [hbm4b:s0+s10], $0x80, s18, s10, $0xb8;
	[tilespmem:$0x1E8C0] =	vst v63  }
0xbf: {  	_ =	swait.ge [sflag:s7], $0x4000  }
0xc0: {  	[sflag:s7] =	ssyncset.done $0x0  }
0xc1: {  	s19 =	simm.s32 $0x1200;
	[sflag:s7] =	ssyncadd.s32 $0xFFFFC000  }
0xc2: {  	[spmem:s3] =	stream.indirect.scatter.add.f32 [tilespmem:s5], [sflag:$0x5], $0x80, s19, s10, $0xb8;
	[tilespmem:$0x1E8C0] =	vst v63  }
0xc3: {  	_ =	swait.ge [sflag:s12], $0x4000  }
0xc4: {  	[sflag:s12] =	ssyncset.done $0x0  }
0xc5: {  	s20 =	simm.s32 $0x700;
	[sflag:s12] =	ssyncadd.s32 $0xFFFFC000  }
0xc6: {  	[tilespmem:s5], [sflag:$0x1] =	stream.indirect.gather [hbm4b:s0+s10], $0x80, s20, s10, $0xb8;
	[tilespmem:$0x1E8C0] =	vst v63  }
0xc7: {  	_ =	swait.ge [sflag:s14], $0x4000  }
0xc8: {  	[sflag:s14] =	ssyncset.done $0x0  }
0xc9: {  	s21 =	simm.s32 $0x1280;
	[sflag:s14] =	ssyncadd.s32 $0xFFFFC000  }
0xca: {  	[spmem:s3] =	stream.indirect.scatter.add.f32 [tilespmem:s11], [sflag:$0x5], $0x80, s21, s10, $0xb8;
	[tilespmem:$0x1E8C0] =	vst v63  }
0xcb: {  	_ =	swait.ge [sflag:s12], $0x4000  }
0xcc: {  	[sflag:s12] =	ssyncset.done $0x0  }
0xcd: {  	s22 =	simm.s32 $0x780;
	[sflag:s12] =	ssyncadd.s32 $0xFFFFC000  }
0xce: {  	[tilespmem:s11], [sflag:$0x2] =	stream.indirect.gather [hbm4b:s0+s10], $0x80, s22, s10, $0xb8;
	[tilespmem:$0x1E8C0] =	vst v63  }
0xcf: {  	_ =	swait.ge [sflag:s7], $0x4000  }
0xd0: {  	[sflag:s7] =	ssyncset.done $0x0  }
0xd1: {  	s23 =	simm.s32 $0x1300;
	[sflag:s7] =	ssyncadd.s32 $0xFFFFC000  }
0xd2: {  	[spmem:s3] =	stream.indirect.scatter.add.f32 [tilespmem:s5], [sflag:$0x5], $0x80, s23, s10, $0xb8;
	[tilespmem:$0x1E8C0] =	vst v63  }
0xd3: {  	_ =	swait.ge [sflag:s12], $0x4000  }
0xd4: {  	[sflag:s12] =	ssyncset.done $0x0  }
0xd5: {  	s28 =	simm.s32 $0x800;
	[sflag:s12] =	ssyncadd.s32 $0xFFFFC000  }
0xd6: {  	[tilespmem:s5], [sflag:$0x1] =	stream.indirect.gather [hbm4b:s0+s10], $0x80, s28, s10, $0xb8;
	[tilespmem:$0x1E8C0] =	vst v63  }
0xd7: {  	_ =	swait.ge [sflag:s14], $0x4000  }
0xd8: {  	[sflag:s14] =	ssyncset.done $0x0  }
0xd9: {  	s29 =	simm.s32 $0x1380;
	[sflag:s14] =	ssyncadd.s32 $0xFFFFC000  }
0xda: {  	[spmem:s3] =	stream.indirect.scatter.add.f32 [tilespmem:s11], [sflag:$0x5], $0x80, s29, s10, $0xb8;
	[tilespmem:$0x1E8C0] =	vst v63  }
0xdb: {  	_ =	swait.ge [sflag:s12], $0x4000  }
0xdc: {  	[sflag:s12] =	ssyncset.done $0x0  }
0xdd: {  	s30 =	simm.s32 $0x880;
	[sflag:s12] =	ssyncadd.s32 $0xFFFFC000  }
0xde: {  	[tilespmem:s11], [sflag:$0x2] =	stream.indirect.gather [hbm4b:s0+s10], $0x80, s30, s10, $0xb8;
	[tilespmem:$0x1E8C0] =	vst v63  }
0xdf: {  	_ =	swait.ge [sflag:s7], $0x4000  }
0xe0: {  	[sflag:s7] =	ssyncset.done $0x0  }
0xe1: {  	s13 =	simm.s32 $0x1400;
	[sflag:s7] =	ssyncadd.s32 $0xFFFFC000  }
0xe2: {  	[spmem:s3] =	stream.indirect.scatter.add.f32 [tilespmem:s5], [sflag:$0x5], $0x80, s13, s10, $0xb8;
	[tilespmem:$0x1E8C0] =	vst v63  }
0xe3: {  	_ =	swait.ge [sflag:s12], $0x4000  }
0xe4: {  	[sflag:s12] =	ssyncset.done $0x0  }
0xe5: {  	s15 =	simm.s32 $0x900;
	[sflag:s12] =	ssyncadd.s32 $0xFFFFC000  }
0xe6: {  	[tilespmem:s5], [sflag:$0x1] =	stream.indirect.gather [hbm4b:s0+s10], $0x80, s15, s10, $0xb8;
	[tilespmem:$0x1E8C0] =	vst v63  }
0xe7: {  	_ =	swait.ge [sflag:s14], $0x4000  }
0xe8: {  	[sflag:s14] =	ssyncset.done $0x0  }
0xe9: {  	s17 =	simm.s32 $0x1480;
	[sflag:s14] =	ssyncadd.s32 $0xFFFFC000  }
0xea: {  	[spmem:s3] =	stream.indirect.scatter.add.f32 [tilespmem:s11], [sflag:$0x5], $0x80, s17, s10, $0xb8;
	[tilespmem:$0x1E8C0] =	vst v63  }
0xeb: {  	_ =	swait.ge [sflag:s12], $0x4000  }
0xec: {  	[sflag:s12] =	ssyncset.done $0x0  }
0xed: {  	s18 =	simm.s32 $0x980;
	[sflag:s12] =	ssyncadd.s32 $0xFFFFC000  }
0xee: {  	[tilespmem:s11], [sflag:$0x2] =	stream.indirect.gather [hbm4b:s0+s10], $0x80, s18, s10, $0xb8;
	[tilespmem:$0x1E8C0] =	vst v63  }
0xef: {  	_ =	swait.ge [sflag:s7], $0x4000  }
0xf0: {  	[sflag:s7] =	ssyncset.done $0x0  }
0xf1: {  	s19 =	simm.s32 $0x1500;
	[sflag:s7] =	ssyncadd.s32 $0xFFFFC000  }
0xf2: {  	[spmem:s3] =	stream.indirect.scatter.add.f32 [tilespmem:s5], [sflag:$0x5], $0x80, s19, s10, $0xb8;
	[tilespmem:$0x1E8C0] =	vst v63  }
0xf3: {  	_ =	swait.ge [sflag:s12], $0x4000  }
0xf4: {  	[sflag:s12] =	ssyncset.done $0x0  }
0xf5: {  	[sflag:s12] =	ssyncadd.s32 $0xFFFFC000  }
0xf6: {  	_ =	swait.ge [sflag:s16], $0xA00  }
0xf7: {  	[sflag:s16] =	ssyncset.done $0x0  }
0xf8: {  	[sflag:s16] =	ssyncadd.s32 $0xFFFFF600  }
0xf9: {  	_ =	swait.ge [sflag:s16], $0xA00  }
0xfa: {  	[sflag:s16] =	ssyncset.done $0x0  }
0xfb: {  	[sflag:s16] =	ssyncadd.s32 $0xFFFFF600  }
0xfc: {  	[tilespmem:s5], [sflag:$0x1] =	stream.indirect.gather [hbm4b:s0+s10], $0x80, s1, s10, $0xb8;
	[tilespmem:$0x1E8C0] =	vst v63  }
0xfd: {  	_ =	swait.ge [sflag:s14], $0x4000  }
0xfe: {  	[sflag:s14] =	ssyncset.done $0x0  }
0xff: {  	s20 =	simm.s32 $0x1580;
	[sflag:s14] =	ssyncadd.s32 $0xFFFFC000  }
0x100: {  	[spmem:s3] =	stream.indirect.scatter.add.f32 [tilespmem:s11], [sflag:$0x5], $0x80, s20, s10, $0xb8;
	[tilespmem:$0x1E8C0] =	vst v63  }
0x101: {  	_ =	swait.ge [sflag:s12], $0x4000  }
0x102: {  	[sflag:s12] =	ssyncset.done $0x0  }
0x103: {  	s21 =	rddreg [dreg:$0xe];
	[sflag:s12] =	ssyncadd.s32 $0xFFFFC000  }
0x104: {  	[tilespmem:s4], [sflag:$0x3] =	stream.linear.gather [hbm4b:s21+s4], $0xA00, $0x38;
	[tilespmem:$0x1E8C0] =	vst v63  }
0x105: {  	s22 =	rddreg [dreg:$0xf]  }
0x106: {  	[tilespmem:s6], [sflag:$0x3] =	stream.linear.gather [hbm4b:s22+s4], $0xA00, $0x38;
	[tilespmem:$0x1E8C0] =	vst v63  }
0x107: {  	s23 =	simm.s32 $0x1880  }
0x108: {  	[tilespmem:s11], [sflag:$0x2] =	stream.indirect.gather [hbm4b:s0+s10], $0x80, s23, s10, $0xb8;
	[tilespmem:$0x1E8C0] =	vst v63  }
0x109: {  	_ =	swait.ge [sflag:s7], $0x4000  }
0x10a: {  	[sflag:s7] =	ssyncset.done $0x0  }
0x10b: {  	[sflag:s7] =	ssyncadd.s32 $0xFFFFC000  }
0x10c: {  	[spmem:s3] =	stream.indirect.scatter.add.f32 [tilespmem:s5], [sflag:$0x5], $0x80, s2, s10, $0xb8;
	[tilespmem:$0x1E8C0] =	vst v63  }
0x10d: {  	_ =	swait.ge [sflag:s12], $0x4000  }
0x10e: {  	[sflag:s12] =	ssyncset.done $0x0  }
0x10f: {  	s28 =	simm.s32 $0x1900;
	[sflag:s12] =	ssyncadd.s32 $0xFFFFC000  }
0x110: {  	[tilespmem:s5], [sflag:$0x1] =	stream.indirect.gather [hbm4b:s0+s10], $0x80, s28, s10, $0xb8;
	[tilespmem:$0x1E8C0] =	vst v63  }
0x111: {  	_ =	swait.ge [sflag:s14], $0x4000  }
0x112: {  	[sflag:s14] =	ssyncset.done $0x0  }
0x113: {  	s29 =	simm.s32 $0x2480;
	[sflag:s14] =	ssyncadd.s32 $0xFFFFC000  }
0x114: {  	[spmem:s3] =	stream.indirect.scatter.add.f32 [tilespmem:s11], [sflag:$0x5], $0x80, s29, s10, $0xb8;
	[tilespmem:$0x1E8C0] =	vst v63  }
0x115: {  	_ =	swait.ge [sflag:s12], $0x4000  }
0x116: {  	[sflag:s12] =	ssyncset.done $0x0  }
0x117: {  	s30 =	simm.s32 $0x1980;
	[sflag:s12] =	ssyncadd.s32 $0xFFFFC000  }
0x118: {  	[tilespmem:s11], [sflag:$0x2] =	stream.indirect.gather [hbm4b:s0+s10], $0x80, s30, s10, $0xb8;
	[tilespmem:$0x1E8C0] =	vst v63  }
0x119: {  	_ =	swait.ge [sflag:s7], $0x4000  }
0x11a: {  	[sflag:s7] =	ssyncset.done $0x0  }
0x11b: {  	s13 =	simm.s32 $0x2500;
	[sflag:s7] =	ssyncadd.s32 $0xFFFFC000  }
0x11c: {  	[spmem:s3] =	stream.indirect.scatter.add.f32 [tilespmem:s5], [sflag:$0x5], $0x80, s13, s10, $0xb8;
	[tilespmem:$0x1E8C0] =	vst v63  }
0x11d: {  	_ =	swait.ge [sflag:s12], $0x4000  }
0x11e: {  	[sflag:s12] =	ssyncset.done $0x0  }
0x11f: {  	s15 =	simm.s32 $0x1A00;
	[sflag:s12] =	ssyncadd.s32 $0xFFFFC000  }
0x120: {  	[tilespmem:s5], [sflag:$0x1] =	stream.indirect.gather [hbm4b:s0+s10], $0x80, s15, s10, $0xb8;
	[tilespmem:$0x1E8C0] =	vst v63  }
0x121: {  	_ =	swait.ge [sflag:s14], $0x4000  }
0x122: {  	[sflag:s14] =	ssyncset.done $0x0  }
0x123: {  	s17 =	simm.s32 $0x2580;
	[sflag:s14] =	ssyncadd.s32 $0xFFFFC000  }
0x124: {  	[spmem:s3] =	stream.indirect.scatter.add.f32 [tilespmem:s11], [sflag:$0x5], $0x80, s17, s10, $0xb8;
	[tilespmem:$0x1E8C0] =	vst v63  }
0x125: {  	_ =	swait.ge [sflag:s12], $0x4000  }
0x126: {  	[sflag:s12] =	ssyncset.done $0x0  }
0x127: {  	s18 =	simm.s32 $0x1A80;
	[sflag:s12] =	ssyncadd.s32 $0xFFFFC000  }
0x128: {  	[tilespmem:s11], [sflag:$0x2] =	stream.indirect.gather [hbm4b:s0+s10], $0x80, s18, s10, $0xb8;
	[tilespmem:$0x1E8C0] =	vst v63  }
0x129: {  	_ =	swait.ge [sflag:s7], $0x4000  }
0x12a: {  	[sflag:s7] =	ssyncset.done $0x0  }
0x12b: {  	s19 =	simm.s32 $0x2600;
	[sflag:s7] =	ssyncadd.s32 $0xFFFFC000  }
0x12c: {  	[spmem:s3] =	stream.indirect.scatter.add.f32 [tilespmem:s5], [sflag:$0x5], $0x80, s19, s10, $0xb8;
	[tilespmem:$0x1E8C0] =	vst v63  }
0x12d: {  	_ =	swait.ge [sflag:s12], $0x4000  }
0x12e: {  	[sflag:s12] =	ssyncset.done $0x0  }
0x12f: {  	s20 =	simm.s32 $0x1B00;
	[sflag:s12] =	ssyncadd.s32 $0xFFFFC000  }
0x130: {  	[tilespmem:s5], [sflag:$0x1] =	stream.indirect.gather [hbm4b:s0+s10], $0x80, s20, s10, $0xb8;
	[tilespmem:$0x1E8C0] =	vst v63  }
0x131: {  	_ =	swait.ge [sflag:s14], $0x4000  }
0x132: {  	[sflag:s14] =	ssyncset.done $0x0  }
0x133: {  	s21 =	simm.s32 $0x2680;
	[sflag:s14] =	ssyncadd.s32 $0xFFFFC000  }
0x134: {  	[spmem:s3] =	stream.indirect.scatter.add.f32 [tilespmem:s11], [sflag:$0x5], $0x80, s21, s10, $0xb8;
	[tilespmem:$0x1E8C0] =	vst v63  }
0x135: {  	_ =	swait.ge [sflag:s12], $0x4000  }
0x136: {  	[sflag:s12] =	ssyncset.done $0x0  }
0x137: {  	s22 =	simm.s32 $0x1B80;
	[sflag:s12] =	ssyncadd.s32 $0xFFFFC000  }
0x138: {  	[tilespmem:s11], [sflag:$0x2] =	stream.indirect.gather [hbm4b:s0+s10], $0x80, s22, s10, $0xb8;
	[tilespmem:$0x1E8C0] =	vst v63  }
0x139: {  	_ =	swait.ge [sflag:s7], $0x4000  }
0x13a: {  	[sflag:s7] =	ssyncset.done $0x0  }
0x13b: {  	s23 =	simm.s32 $0x2700;
	[sflag:s7] =	ssyncadd.s32 $0xFFFFC000  }
0x13c: {  	[spmem:s3] =	stream.indirect.scatter.add.f32 [tilespmem:s5], [sflag:$0x5], $0x80, s23, s10, $0xb8;
	[tilespmem:$0x1E8C0] =	vst v63  }
0x13d: {  	_ =	swait.ge [sflag:s12], $0x4000  }
0x13e: {  	[sflag:s12] =	ssyncset.done $0x0  }
0x13f: {  	s28 =	simm.s32 $0x1C00;
	[sflag:s12] =	ssyncadd.s32 $0xFFFFC000  }
0x140: {  	[tilespmem:s5], [sflag:$0x1] =	stream.indirect.gather [hbm4b:s0+s10], $0x80, s28, s10, $0xb8;
	[tilespmem:$0x1E8C0] =	vst v63  }
0x141: {  	_ =	swait.ge [sflag:s14], $0x4000  }
0x142: {  	[sflag:s14] =	ssyncset.done $0x0  }
0x143: {  	s29 =	simm.s32 $0x2780;
	[sflag:s14] =	ssyncadd.s32 $0xFFFFC000  }
0x144: {  	[spmem:s3] =	stream.indirect.scatter.add.f32 [tilespmem:s11], [sflag:$0x5], $0x80, s29, s10, $0xb8;
	[tilespmem:$0x1E8C0] =	vst v63  }
0x145: {  	_ =	swait.ge [sflag:s12], $0x4000  }
0x146: {  	[sflag:s12] =	ssyncset.done $0x0  }
0x147: {  	s30 =	simm.s32 $0x1C80;
	[sflag:s12] =	ssyncadd.s32 $0xFFFFC000  }
0x148: {  	[tilespmem:s11], [sflag:$0x2] =	stream.indirect.gather [hbm4b:s0+s10], $0x80, s30, s10, $0xb8;
	[tilespmem:$0x1E8C0] =	vst v63  }
0x149: {  	_ =	swait.ge [sflag:s7], $0x4000  }
0x14a: {  	[sflag:s7] =	ssyncset.done $0x0  }
0x14b: {  	s13 =	simm.s32 $0x2800;
	[sflag:s7] =	ssyncadd.s32 $0xFFFFC000  }
0x14c: {  	[spmem:s3] =	stream.indirect.scatter.add.f32 [tilespmem:s5], [sflag:$0x5], $0x80, s13, s10, $0xb8;
	[tilespmem:$0x1E8C0] =	vst v63  }
0x14d: {  	_ =	swait.ge [sflag:s12], $0x4000  }
0x14e: {  	[sflag:s12] =	ssyncset.done $0x0  }
0x14f: {  	s15 =	simm.s32 $0x1D00;
	[sflag:s12] =	ssyncadd.s32 $0xFFFFC000  }
0x150: {  	[tilespmem:s5], [sflag:$0x1] =	stream.indirect.gather [hbm4b:s0+s10], $0x80, s15, s10, $0xb8;
	[tilespmem:$0x1E8C0] =	vst v63  }
0x151: {  	_ =	swait.ge [sflag:s14], $0x4000  }
0x152: {  	[sflag:s14] =	ssyncset.done $0x0  }
0x153: {  	s17 =	simm.s32 $0x2880;
	[sflag:s14] =	ssyncadd.s32 $0xFFFFC000  }
0x154: {  	[spmem:s3] =	stream.indirect.scatter.add.f32 [tilespmem:s11], [sflag:$0x5], $0x80, s17, s10, $0xb8;
	[tilespmem:$0x1E8C0] =	vst v63  }
0x155: {  	_ =	swait.ge [sflag:s12], $0x4000  }
0x156: {  	[sflag:s12] =	ssyncset.done $0x0  }
0x157: {  	s18 =	simm.s32 $0x1D80;
	[sflag:s12] =	ssyncadd.s32 $0xFFFFC000  }
0x158: {  	[tilespmem:s11], [sflag:$0x2] =	stream.indirect.gather [hbm4b:s0+s10], $0x80, s18, s10, $0xb8;
	[tilespmem:$0x1E8C0] =	vst v63  }
0x159: {  	_ =	swait.ge [sflag:s7], $0x4000  }
0x15a: {  	[sflag:s7] =	ssyncset.done $0x0  }
0x15b: {  	s19 =	simm.s32 $0x2900;
	[sflag:s7] =	ssyncadd.s32 $0xFFFFC000  }
0x15c: {  	[spmem:s3] =	stream.indirect.scatter.add.f32 [tilespmem:s5], [sflag:$0x5], $0x80, s19, s10, $0xb8;
	[tilespmem:$0x1E8C0] =	vst v63  }
0x15d: {  	_ =	swait.ge [sflag:s12], $0x4000  }
0x15e: {  	[sflag:s12] =	ssyncset.done $0x0  }
0x15f: {  	s20 =	simm.s32 $0x1E00;
	[sflag:s12] =	ssyncadd.s32 $0xFFFFC000  }
0x160: {  	[tilespmem:s5], [sflag:$0x1] =	stream.indirect.gather [hbm4b:s0+s10], $0x80, s20, s10, $0xb8;
	[tilespmem:$0x1E8C0] =	vst v63  }
0x161: {  	_ =	swait.ge [sflag:s14], $0x4000  }
0x162: {  	[sflag:s14] =	ssyncset.done $0x0  }
0x163: {  	s21 =	simm.s32 $0x2980;
	[sflag:s14] =	ssyncadd.s32 $0xFFFFC000  }
0x164: {  	[spmem:s3] =	stream.indirect.scatter.add.f32 [tilespmem:s11], [sflag:$0x5], $0x80, s21, s10, $0xb8;
	[tilespmem:$0x1E8C0] =	vst v63  }
0x165: {  	_ =	swait.ge [sflag:s12], $0x4000  }
0x166: {  	[sflag:s12] =	ssyncset.done $0x0  }
0x167: {  	s22 =	simm.s32 $0x1E80;
	[sflag:s12] =	ssyncadd.s32 $0xFFFFC000  }
0x168: {  	[tilespmem:s11], [sflag:$0x2] =	stream.indirect.gather [hbm4b:s0+s10], $0x80, s22, s10, $0xb8;
	[tilespmem:$0x1E8C0] =	vst v63  }
0x169: {  	_ =	swait.ge [sflag:s7], $0x4000  }
0x16a: {  	[sflag:s7] =	ssyncset.done $0x0  }
0x16b: {  	s23 =	simm.s32 $0x2A00;
	[sflag:s7] =	ssyncadd.s32 $0xFFFFC000  }
0x16c: {  	[spmem:s3] =	stream.indirect.scatter.add.f32 [tilespmem:s5], [sflag:$0x5], $0x80, s23, s10, $0xb8;
	[tilespmem:$0x1E8C0] =	vst v63  }
0x16d: {  	_ =	swait.ge [sflag:s12], $0x4000  }
0x16e: {  	[sflag:s12] =	ssyncset.done $0x0  }
0x16f: {  	s28 =	simm.s32 $0x1F00;
	[sflag:s12] =	ssyncadd.s32 $0xFFFFC000  }
0x170: {  	[tilespmem:s5], [sflag:$0x1] =	stream.indirect.gather [hbm4b:s0+s10], $0x80, s28, s10, $0xb8;
	[tilespmem:$0x1E8C0] =	vst v63  }
0x171: {  	_ =	swait.ge [sflag:s14], $0x4000  }
0x172: {  	[sflag:s14] =	ssyncset.done $0x0  }
0x173: {  	s29 =	simm.s32 $0x2A80;
	[sflag:s14] =	ssyncadd.s32 $0xFFFFC000  }
0x174: {  	[spmem:s3] =	stream.indirect.scatter.add.f32 [tilespmem:s11], [sflag:$0x5], $0x80, s29, s10, $0xb8;
	[tilespmem:$0x1E8C0] =	vst v63  }
0x175: {  	_ =	swait.ge [sflag:s12], $0x4000  }
0x176: {  	[sflag:s12] =	ssyncset.done $0x0  }
0x177: {  	s30 =	simm.s32 $0x1F80;
	[sflag:s12] =	ssyncadd.s32 $0xFFFFC000  }
0x178: {  	[tilespmem:s11], [sflag:$0x2] =	stream.indirect.gather [hbm4b:s0+s10], $0x80, s30, s10, $0xb8;
	[tilespmem:$0x1E8C0] =	vst v63  }
0x179: {  	_ =	swait.ge [sflag:s7], $0x4000  }
0x17a: {  	[sflag:s7] =	ssyncset.done $0x0  }
0x17b: {  	s13 =	simm.s32 $0x2B00;
	[sflag:s7] =	ssyncadd.s32 $0xFFFFC000  }
0x17c: {  	[spmem:s3] =	stream.indirect.scatter.add.f32 [tilespmem:s5], [sflag:$0x5], $0x80, s13, s10, $0xb8;
	[tilespmem:$0x1E8C0] =	vst v63  }
0x17d: {  	_ =	swait.ge [sflag:s12], $0x4000  }
0x17e: {  	[sflag:s12] =	ssyncset.done $0x0  }
0x17f: {  	s15 =	simm.s32 $0x2000;
	[sflag:s12] =	ssyncadd.s32 $0xFFFFC000  }
0x180: {  	[tilespmem:s5], [sflag:$0x1] =	stream.indirect.gather [hbm4b:s0+s10], $0x80, s15, s10, $0xb8;
	[tilespmem:$0x1E8C0] =	vst v63  }
0x181: {  	_ =	swait.ge [sflag:s14], $0x4000  }
0x182: {  	[sflag:s14] =	ssyncset.done $0x0  }
0x183: {  	s17 =	simm.s32 $0x2B80;
	[sflag:s14] =	ssyncadd.s32 $0xFFFFC000  }
0x184: {  	[spmem:s3] =	stream.indirect.scatter.add.f32 [tilespmem:s11], [sflag:$0x5], $0x80, s17, s10, $0xb8;
	[tilespmem:$0x1E8C0] =	vst v63  }
0x185: {  	_ =	swait.ge [sflag:s12], $0x4000  }
0x186: {  	[sflag:s12] =	ssyncset.done $0x0  }
0x187: {  	s18 =	simm.s32 $0x2080;
	[sflag:s12] =	ssyncadd.s32 $0xFFFFC000  }
0x188: {  	[tilespmem:s11], [sflag:$0x2] =	stream.indirect.gather [hbm4b:s0+s10], $0x80, s18, s10, $0xb8;
	[tilespmem:$0x1E8C0] =	vst v63  }
0x189: {  	_ =	swait.ge [sflag:s7], $0x4000  }
0x18a: {  	[sflag:s7] =	ssyncset.done $0x0  }
0x18b: {  	s19 =	simm.s32 $0x2C00;
	[sflag:s7] =	ssyncadd.s32 $0xFFFFC000  }
0x18c: {  	[spmem:s3] =	stream.indirect.scatter.add.f32 [tilespmem:s5], [sflag:$0x5], $0x80, s19, s10, $0xb8;
	[tilespmem:$0x1E8C0] =	vst v63  }
0x18d: {  	_ =	swait.ge [sflag:s12], $0x4000  }
0x18e: {  	[sflag:s12] =	ssyncset.done $0x0  }
0x18f: {  	s20 =	simm.s32 $0x2100;
	[sflag:s12] =	ssyncadd.s32 $0xFFFFC000  }
0x190: {  	[tilespmem:s5], [sflag:$0x1] =	stream.indirect.gather [hbm4b:s0+s10], $0x80, s20, s10, $0xb8;
	[tilespmem:$0x1E8C0] =	vst v63  }
0x191: {  	_ =	swait.ge [sflag:s14], $0x4000  }
0x192: {  	[sflag:s14] =	ssyncset.done $0x0  }
0x193: {  	s21 =	simm.s32 $0x2C80;
	[sflag:s14] =	ssyncadd.s32 $0xFFFFC000  }
0x194: {  	[spmem:s3] =	stream.indirect.scatter.add.f32 [tilespmem:s11], [sflag:$0x5], $0x80, s21, s10, $0xb8;
	[tilespmem:$0x1E8C0] =	vst v63  }
0x195: {  	_ =	swait.ge [sflag:s12], $0x4000  }
0x196: {  	[sflag:s12] =	ssyncset.done $0x0  }
0x197: {  	s22 =	simm.s32 $0x2180;
	[sflag:s12] =	ssyncadd.s32 $0xFFFFC000  }
0x198: {  	[tilespmem:s11], [sflag:$0x2] =	stream.indirect.gather [hbm4b:s0+s10], $0x80, s22, s10, $0xb8;
	[tilespmem:$0x1E8C0] =	vst v63  }
0x199: {  	_ =	swait.ge [sflag:s7], $0x4000  }
0x19a: {  	[sflag:s7] =	ssyncset.done $0x0  }
0x19b: {  	s23 =	simm.s32 $0x2D00;
	[sflag:s7] =	ssyncadd.s32 $0xFFFFC000  }
0x19c: {  	[spmem:s3] =	stream.indirect.scatter.add.f32 [tilespmem:s5], [sflag:$0x5], $0x80, s23, s10, $0xb8;
	[tilespmem:$0x1E8C0] =	vst v63  }
0x19d: {  	_ =	swait.ge [sflag:s12], $0x4000  }
0x19e: {  	[sflag:s12] =	ssyncset.done $0x0  }
0x19f: {  	[sflag:s12] =	ssyncadd.s32 $0xFFFFC000  }
0x1a0: {  	_ =	swait.ge [sflag:s9], $0xA00  }
0x1a1: {  	[sflag:s9] =	ssyncset.done $0x0  }
0x1a2: {  	[sflag:s9] =	ssyncadd.s32 $0xFFFFF600  }
0x1a3: {  	_ =	swait.ge [sflag:s9], $0xA00  }
0x1a4: {  	[sflag:s9] =	ssyncset.done $0x0  }
0x1a5: {  	[sflag:s9] =	ssyncadd.s32 $0xFFFFF600  }
0x1a6: {  	[tilespmem:s5], [sflag:$0x1] =	stream.indirect.gather [hbm4b:s0+s10], $0x80, s4, s10, $0xb8;
	[tilespmem:$0x1E8C0] =	vst v63  }
0x1a7: {  	_ =	swait.ge [sflag:s14], $0x4000  }
0x1a8: {  	[sflag:s14] =	ssyncset.done $0x0  }
0x1a9: {  	s28 =	simm.s32 $0x2D80;
	[sflag:s14] =	ssyncadd.s32 $0xFFFFC000  }
0x1aa: {  	[spmem:s3] =	stream.indirect.scatter.add.f32 [tilespmem:s11], [sflag:$0x5], $0x80, s28, s10, $0xb8;
	[tilespmem:$0x1E8C0] =	vst v63  }
0x1ab: {  	_ =	swait.ge [sflag:s12], $0x4000  }
0x1ac: {  	[sflag:s12] =	ssyncset.done $0x0  }
0x1ad: {  	s29 =	rddreg [dreg:$0x10];
	[sflag:s12] =	ssyncadd.s32 $0xFFFFC000  }
0x1ae: {  	[tilespmem:s1], [sflag:$0x4] =	stream.linear.gather [hbm4b:s29+s4], $0xA00, $0x38;
	[tilespmem:$0x1E8C0] =	vst v63  }
0x1af: {  	s30 =	rddreg [dreg:$0x11]  }
0x1b0: {  	[tilespmem:s2], [sflag:$0x4] =	stream.linear.gather [hbm4b:s30+s4], $0xA00, $0x38;
	[tilespmem:$0x1E8C0] =	vst v63  }
0x1b1: {  	_ = 	snop  }
0x1b2: {  	[tilespmem:s11], [sflag:$0x2] =	stream.indirect.gather [hbm4b:s0+s10], $0x80, s10, s10, $0xb8;
	[tilespmem:$0x1E8C0] =	vst v63  }
0x1b3: {  	_ =	swait.ge [sflag:s7], $0x4000  }
0x1b4: {  	[sflag:s7] =	ssyncset.done $0x0  }
0x1b5: {  	[sflag:s7] =	ssyncadd.s32 $0xFFFFC000  }
0x1b6: {  	[spmem:s3] =	stream.indirect.scatter.add.f32 [tilespmem:s5], [sflag:$0x5], $0x80, s6, s10, $0xb8;
	[tilespmem:$0x1E8C0] =	vst v63  }
0x1b7: {  	_ =	swait.ge [sflag:s12], $0x4000  }
0x1b8: {  	[sflag:s12] =	ssyncset.done $0x0  }
0x1b9: {  	s6 =	simm.s32 $0x100;
	[sflag:s12] =	ssyncadd.s32 $0xFFFFC000  }
0x1ba: {  	[tilespmem:s5], [sflag:$0x1] =	stream.indirect.gather [hbm4b:s0+s10], $0x80, s6, s10, $0xb8;
	[tilespmem:$0x1E8C0] =	vst v63  }
0x1bb: {  	_ =	swait.ge [sflag:s14], $0x4000  }
0x1bc: {  	[sflag:s14] =	ssyncset.done $0x0  }
0x1bd: {  	s13 =	simm.s32 $0xC80;
	[sflag:s14] =	ssyncadd.s32 $0xFFFFC000  }
0x1be: {  	[spmem:s3] =	stream.indirect.scatter.add.f32 [tilespmem:s11], [sflag:$0x5], $0x80, s13, s10, $0xb8;
	[tilespmem:$0x1E8C0] =	vst v63  }
0x1bf: {  	_ =	swait.ge [sflag:s12], $0x4000  }
0x1c0: {  	[sflag:s12] =	ssyncset.done $0x0  }
0x1c1: {  	s15 =	simm.s32 $0x180;
	[sflag:s12] =	ssyncadd.s32 $0xFFFFC000  }
0x1c2: {  	[tilespmem:s11], [sflag:$0x2] =	stream.indirect.gather [hbm4b:s0+s10], $0x80, s15, s10, $0xb8;
	[tilespmem:$0x1E8C0] =	vst v63  }
0x1c3: {  	_ =	swait.ge [sflag:s7], $0x4000  }
0x1c4: {  	[sflag:s7] =	ssyncset.done $0x0  }
0x1c5: {  	s17 =	simm.s32 $0xD00;
	[sflag:s7] =	ssyncadd.s32 $0xFFFFC000  }
0x1c6: {  	[spmem:s3] =	stream.indirect.scatter.add.f32 [tilespmem:s5], [sflag:$0x5], $0x80, s17, s10, $0xb8;
	[tilespmem:$0x1E8C0] =	vst v63  }
0x1c7: {  	_ =	swait.ge [sflag:s12], $0x4000  }
0x1c8: {  	[sflag:s12] =	ssyncset.done $0x0  }
0x1c9: {  	s18 =	simm.s32 $0x200;
	[sflag:s12] =	ssyncadd.s32 $0xFFFFC000  }
0x1ca: {  	[tilespmem:s5], [sflag:$0x1] =	stream.indirect.gather [hbm4b:s0+s10], $0x80, s18, s10, $0xb8;
	[tilespmem:$0x1E8C0] =	vst v63  }
0x1cb: {  	_ =	swait.ge [sflag:s14], $0x4000  }
0x1cc: {  	[sflag:s14] =	ssyncset.done $0x0  }
0x1cd: {  	s19 =	simm.s32 $0xD80;
	[sflag:s14] =	ssyncadd.s32 $0xFFFFC000  }
0x1ce: {  	[spmem:s3] =	stream.indirect.scatter.add.f32 [tilespmem:s11], [sflag:$0x5], $0x80, s19, s10, $0xb8;
	[tilespmem:$0x1E8C0] =	vst v63  }
0x1cf: {  	_ =	swait.ge [sflag:s12], $0x4000  }
0x1d0: {  	[sflag:s12] =	ssyncset.done $0x0  }
0x1d1: {  	s20 =	simm.s32 $0x280;
	[sflag:s12] =	ssyncadd.s32 $0xFFFFC000  }
0x1d2: {  	[tilespmem:s11], [sflag:$0x2] =	stream.indirect.gather [hbm4b:s0+s10], $0x80, s20, s10, $0xb8;
	[tilespmem:$0x1E8C0] =	vst v63  }
0x1d3: {  	_ =	swait.ge [sflag:s7], $0x4000  }
0x1d4: {  	[sflag:s7] =	ssyncset.done $0x0  }
0x1d5: {  	s21 =	simm.s32 $0xE00;
	[sflag:s7] =	ssyncadd.s32 $0xFFFFC000  }
0x1d6: {  	[spmem:s3] =	stream.indirect.scatter.add.f32 [tilespmem:s5], [sflag:$0x5], $0x80, s21, s10, $0xb8;
	[tilespmem:$0x1E8C0] =	vst v63  }
0x1d7: {  	_ =	swait.ge [sflag:s12], $0x4000  }
0x1d8: {  	[sflag:s12] =	ssyncset.done $0x0  }
0x1d9: {  	s22 =	simm.s32 $0x300;
	[sflag:s12] =	ssyncadd.s32 $0xFFFFC000  }
0x1da: {  	[tilespmem:s5], [sflag:$0x1] =	stream.indirect.gather [hbm4b:s0+s10], $0x80, s22, s10, $0xb8;
	[tilespmem:$0x1E8C0] =	vst v63  }
0x1db: {  	_ =	swait.ge [sflag:s14], $0x4000  }
0x1dc: {  	[sflag:s14] =	ssyncset.done $0x0  }
0x1dd: {  	s23 =	simm.s32 $0xE80;
	[sflag:s14] =	ssyncadd.s32 $0xFFFFC000  }
0x1de: {  	[spmem:s3] =	stream.indirect.scatter.add.f32 [tilespmem:s11], [sflag:$0x5], $0x80, s23, s10, $0xb8;
	[tilespmem:$0x1E8C0] =	vst v63  }
0x1df: {  	_ =	swait.ge [sflag:s12], $0x4000  }
0x1e0: {  	[sflag:s12] =	ssyncset.done $0x0  }
0x1e1: {  	s1 =	simm.s32 $0x380;
	[sflag:s12] =	ssyncadd.s32 $0xFFFFC000  }
0x1e2: {  	[tilespmem:s11], [sflag:$0x2] =	stream.indirect.gather [hbm4b:s0+s10], $0x80, s1, s10, $0xb8;
	[tilespmem:$0x1E8C0] =	vst v63  }
0x1e3: {  	_ =	swait.ge [sflag:s7], $0x4000  }
0x1e4: {  	[sflag:s7] =	ssyncset.done $0x0  }
0x1e5: {  	s26 =	simm.s32 $0xF00;
	[sflag:s7] =	ssyncadd.s32 $0xFFFFC000  }
0x1e6: {  	[spmem:s3] =	stream.indirect.scatter.add.f32 [tilespmem:s5], [sflag:$0x5], $0x80, s26, s10, $0xb8;
	[tilespmem:$0x1E8C0] =	vst v63  }
0x1e7: {  	_ =	swait.ge [sflag:s12], $0x4000  }
0x1e8: {  	[sflag:s12] =	ssyncset.done $0x0  }
0x1e9: {  	s2 =	simm.s32 $0x400;
	[sflag:s12] =	ssyncadd.s32 $0xFFFFC000  }
0x1ea: {  	[tilespmem:s5], [sflag:$0x1] =	stream.indirect.gather [hbm4b:s0+s10], $0x80, s2, s10, $0xb8;
	[tilespmem:$0x1E8C0] =	vst v63  }
0x1eb: {  	_ =	swait.ge [sflag:s14], $0x4000  }
0x1ec: {  	[sflag:s14] =	ssyncset.done $0x0  }
0x1ed: {  	s25 =	simm.s32 $0xF80;
	[sflag:s14] =	ssyncadd.s32 $0xFFFFC000  }
0x1ee: {  	[spmem:s3] =	stream.indirect.scatter.add.f32 [tilespmem:s11], [sflag:$0x5], $0x80, s25, s10, $0xb8;
	[tilespmem:$0x1E8C0] =	vst v63  }
0x1ef: {  	_ =	swait.ge [sflag:s12], $0x4000  }
0x1f0: {  	[sflag:s12] =	ssyncset.done $0x0  }
0x1f1: {  	s8 =	simm.s32 $0x480;
	[sflag:s12] =	ssyncadd.s32 $0xFFFFC000  }
0x1f2: {  	[tilespmem:s11], [sflag:$0x2] =	stream.indirect.gather [hbm4b:s0+s10], $0x80, s8, s10, $0xb8;
	[tilespmem:$0x1E8C0] =	vst v63  }
0x1f3: {  	_ =	swait.ge [sflag:s7], $0x4000  }
0x1f4: {  	[sflag:s7] =	ssyncset.done $0x0  }
0x1f5: {  	s25 =	simm.s32 $0x1000;
	[sflag:s7] =	ssyncadd.s32 $0xFFFFC000  }
0x1f6: {  	[spmem:s3] =	stream.indirect.scatter.add.f32 [tilespmem:s5], [sflag:$0x5], $0x80, s25, s10, $0xb8;
	[tilespmem:$0x1E8C0] =	vst v63  }
0x1f7: {  	_ =	swait.ge [sflag:s12], $0x4000  }
0x1f8: {  	[sflag:s12] =	ssyncset.done $0x0  }
0x1f9: {  	s26 =	simm.s32 $0x500;
	[sflag:s12] =	ssyncadd.s32 $0xFFFFC000  }
0x1fa: {  	[tilespmem:s5], [sflag:$0x1] =	stream.indirect.gather [hbm4b:s0+s10], $0x80, s26, s10, $0xb8;
	[tilespmem:$0x1E8C0] =	vst v63  }
0x1fb: {  	_ =	swait.ge [sflag:s14], $0x4000  }
0x1fc: {  	[sflag:s14] =	ssyncset.done $0x0  }
0x1fd: {  	s29 =	simm.s32 $0x1080;
	[sflag:s14] =	ssyncadd.s32 $0xFFFFC000  }
0x1fe: {  	[spmem:s3] =	stream.indirect.scatter.add.f32 [tilespmem:s11], [sflag:$0x5], $0x80, s29, s10, $0xb8;
	[tilespmem:$0x1E8C0] =	vst v63  }
0x1ff: {  	_ =	swait.ge [sflag:s12], $0x4000  }
0x200: {  	[sflag:s12] =	ssyncset.done $0x0  }
0x201: {  	s31 =	simm.s32 $0x580;
	[sflag:s12] =	ssyncadd.s32 $0xFFFFC000  }
0x202: {  	[tilespmem:s11], [sflag:$0x2] =	stream.indirect.gather [hbm4b:s0+s10], $0x80, s31, s10, $0xb8;
	[tilespmem:$0x1E8C0] =	vst v63  }
0x203: {  	_ =	swait.ge [sflag:s7], $0x4000  }
0x204: {  	[sflag:s7] =	ssyncset.done $0x0  }
0x205: {  	s30 =	simm.s32 $0x1100;
	[sflag:s7] =	ssyncadd.s32 $0xFFFFC000  }
0x206: {  	[spmem:s3] =	stream.indirect.scatter.add.f32 [tilespmem:s5], [sflag:$0x5], $0x80, s30, s10, $0xb8;
	[tilespmem:$0x1E8C0] =	vst v63  }
0x207: {  	_ =	swait.ge [sflag:s12], $0x4000  }
0x208: {  	[sflag:s12] =	ssyncset.done $0x0  }
0x209: {  	s31 =	simm.s32 $0x600;
	[sflag:s12] =	ssyncadd.s32 $0xFFFFC000  }
0x20a: {  	[tilespmem:s5], [sflag:$0x1] =	stream.indirect.gather [hbm4b:s0+s10], $0x80, s31, s10, $0xb8;
	[tilespmem:$0x1E8C0] =	vst v63  }
0x20b: {  	_ =	swait.ge [sflag:s14], $0x4000  }
0x20c: {  	[sflag:s14] =	ssyncset.done $0x0  }
0x20d: {  	s31 =	simm.s32 $0x1180;
	[sflag:s14] =	ssyncadd.s32 $0xFFFFC000  }
0x20e: {  	[spmem:s3] =	stream.indirect.scatter.add.f32 [tilespmem:s11], [sflag:$0x5], $0x80, s31, s10, $0xb8;
	[tilespmem:$0x1E8C0] =	vst v63  }
0x20f: {  	_ =	swait.ge [sflag:s12], $0x4000  }
0x210: {  	[sflag:s12] =	ssyncset.done $0x0  }
0x211: {  	s31 =	simm.s32 $0x680;
	[sflag:s12] =	ssyncadd.s32 $0xFFFFC000  }
0x212: {  	[tilespmem:s11], [sflag:$0x2] =	stream.indirect.gather [hbm4b:s0+s10], $0x80, s31, s10, $0xb8;
	[tilespmem:$0x1E8C0] =	vst v63  }
0x213: {  	_ =	swait.ge [sflag:s7], $0x4000  }
0x214: {  	[sflag:s7] =	ssyncset.done $0x0  }
0x215: {  	s31 =	simm.s32 $0x1200;
	[sflag:s7] =	ssyncadd.s32 $0xFFFFC000  }
0x216: {  	[spmem:s3] =	stream.indirect.scatter.add.f32 [tilespmem:s5], [sflag:$0x5], $0x80, s31, s10, $0xb8;
	[tilespmem:$0x1E8C0] =	vst v63  }
0x217: {  	_ =	swait.ge [sflag:s12], $0x4000  }
0x218: {  	[sflag:s12] =	ssyncset.done $0x0  }
0x219: {  	s31 =	simm.s32 $0x700;
	[sflag:s12] =	ssyncadd.s32 $0xFFFFC000  }
0x21a: {  	[tilespmem:s5], [sflag:$0x1] =	stream.indirect.gather [hbm4b:s0+s10], $0x80, s31, s10, $0xb8;
	[tilespmem:$0x1E8C0] =	vst v63  }
0x21b: {  	_ =	swait.ge [sflag:s14], $0x4000  }
0x21c: {  	[sflag:s14] =	ssyncset.done $0x0  }
0x21d: {  	s31 =	simm.s32 $0x1280;
	[sflag:s14] =	ssyncadd.s32 $0xFFFFC000  }
0x21e: {  	[spmem:s3] =	stream.indirect.scatter.add.f32 [tilespmem:s11], [sflag:$0x5], $0x80, s31, s10, $0xb8;
	[tilespmem:$0x1E8C0] =	vst v63  }
0x21f: {  	_ =	swait.ge [sflag:s12], $0x4000  }
0x220: {  	[sflag:s12] =	ssyncset.done $0x0  }
0x221: {  	s31 =	simm.s32 $0x780;
	[sflag:s12] =	ssyncadd.s32 $0xFFFFC000  }
0x222: {  	[tilespmem:s11], [sflag:$0x2] =	stream.indirect.gather [hbm4b:s0+s10], $0x80, s31, s10, $0xb8;
	[tilespmem:$0x1E8C0] =	vst v63  }
0x223: {  	_ =	swait.ge [sflag:s7], $0x4000  }
0x224: {  	[sflag:s7] =	ssyncset.done $0x0  }
0x225: {  	s31 =	simm.s32 $0x1300;
	[sflag:s7] =	ssyncadd.s32 $0xFFFFC000  }
0x226: {  	[spmem:s3] =	stream.indirect.scatter.add.f32 [tilespmem:s5], [sflag:$0x5], $0x80, s31, s10, $0xb8;
	[tilespmem:$0x1E8C0] =	vst v63  }
0x227: {  	_ =	swait.ge [sflag:s12], $0x4000  }
0x228: {  	[sflag:s12] =	ssyncset.done $0x0  }
0x229: {  	s31 =	simm.s32 $0x800;
	[sflag:s12] =	ssyncadd.s32 $0xFFFFC000  }
0x22a: {  	[tilespmem:s5], [sflag:$0x1] =	stream.indirect.gather [hbm4b:s0+s10], $0x80, s31, s10, $0xb8;
	[tilespmem:$0x1E8C0] =	vst v63  }
0x22b: {  	_ =	swait.ge [sflag:s14], $0x4000  }
0x22c: {  	[sflag:s14] =	ssyncset.done $0x0  }
0x22d: {  	s31 =	simm.s32 $0x1380;
	[sflag:s14] =	ssyncadd.s32 $0xFFFFC000  }
0x22e: {  	[spmem:s3] =	stream.indirect.scatter.add.f32 [tilespmem:s11], [sflag:$0x5], $0x80, s31, s10, $0xb8;
	[tilespmem:$0x1E8C0] =	vst v63  }
0x22f: {  	_ =	swait.ge [sflag:s12], $0x4000  }
0x230: {  	[sflag:s12] =	ssyncset.done $0x0  }
0x231: {  	s31 =	simm.s32 $0x880;
	[sflag:s12] =	ssyncadd.s32 $0xFFFFC000  }
0x232: {  	[tilespmem:s11], [sflag:$0x2] =	stream.indirect.gather [hbm4b:s0+s10], $0x80, s31, s10, $0xb8;
	[tilespmem:$0x1E8C0] =	vst v63  }
0x233: {  	_ =	swait.ge [sflag:s7], $0x4000  }
0x234: {  	[sflag:s7] =	ssyncset.done $0x0  }
0x235: {  	s31 =	simm.s32 $0x1400;
	[sflag:s7] =	ssyncadd.s32 $0xFFFFC000  }
0x236: {  	[spmem:s3] =	stream.indirect.scatter.add.f32 [tilespmem:s5], [sflag:$0x5], $0x80, s31, s10, $0xb8;
	[tilespmem:$0x1E8C0] =	vst v63  }
0x237: {  	_ =	swait.ge [sflag:s12], $0x4000  }
0x238: {  	[sflag:s12] =	ssyncset.done $0x0  }
0x239: {  	s31 =	simm.s32 $0x900;
	[sflag:s12] =	ssyncadd.s32 $0xFFFFC000  }
0x23a: {  	[tilespmem:s5], [sflag:$0x1] =	stream.indirect.gather [hbm4b:s0+s10], $0x80, s31, s10, $0xb8;
	[tilespmem:$0x1E8C0] =	vst v63  }
0x23b: {  	_ =	swait.ge [sflag:s14], $0x4000  }
0x23c: {  	[sflag:s14] =	ssyncset.done $0x0  }
0x23d: {  	s31 =	simm.s32 $0x1480;
	[sflag:s14] =	ssyncadd.s32 $0xFFFFC000  }
0x23e: {  	[spmem:s3] =	stream.indirect.scatter.add.f32 [tilespmem:s11], [sflag:$0x5], $0x80, s31, s10, $0xb8;
	[tilespmem:$0x1E8C0] =	vst v63  }
0x23f: {  	_ =	swait.ge [sflag:s12], $0x4000  }
0x240: {  	[sflag:s12] =	ssyncset.done $0x0  }
0x241: {  	s31 =	simm.s32 $0x980;
	[sflag:s12] =	ssyncadd.s32 $0xFFFFC000  }
0x242: {  	[tilespmem:s11], [sflag:$0x2] =	stream.indirect.gather [hbm4b:s0+s10], $0x80, s31, s10, $0xb8;
	[tilespmem:$0x1E8C0] =	vst v63  }
0x243: {  	_ =	swait.ge [sflag:s7], $0x4000  }
0x244: {  	[sflag:s7] =	ssyncset.done $0x0  }
0x245: {  	s31 =	simm.s32 $0x1500;
	[sflag:s7] =	ssyncadd.s32 $0xFFFFC000  }
0x246: {  	[spmem:s3] =	stream.indirect.scatter.add.f32 [tilespmem:s5], [sflag:$0x5], $0x80, s31, s10, $0xb8;
	[tilespmem:$0x1E8C0] =	vst v63  }
0x247: {  	_ =	swait.ge [sflag:s12], $0x4000  }
0x248: {  	[sflag:s12] =	ssyncset.done $0x0  }
0x249: {  	[sflag:s12] =	ssyncadd.s32 $0xFFFFC000  }
0x24a: {  	_ =	swait.ge [sflag:s16], $0xA00  }
0x24b: {  	[sflag:s16] =	ssyncset.done $0x0  }
0x24c: {  	[sflag:s16] =	ssyncadd.s32 $0xFFFFF600  }
0x24d: {  	_ =	swait.ge [sflag:s16], $0xA00  }
0x24e: {  	[sflag:s16] =	ssyncset.done $0x0  }
0x24f: {  	s31 =	simm.s32 $0x1800;
	[sflag:s16] =	ssyncadd.s32 $0xFFFFF600  }
0x250: {  	[tilespmem:s5], [sflag:$0x1] =	stream.indirect.gather [hbm4b:s0+s10], $0x80, s31, s10, $0xb8;
	[tilespmem:$0x1E8C0] =	vst v63  }
0x251: {  	_ =	swait.ge [sflag:s14], $0x4000  }
0x252: {  	[sflag:s14] =	ssyncset.done $0x0  }
0x253: {  	s31 =	simm.s32 $0x1580;
	[sflag:s14] =	ssyncadd.s32 $0xFFFFC000  }
0x254: {  	[spmem:s3] =	stream.indirect.scatter.add.f32 [tilespmem:s11], [sflag:$0x5], $0x80, s31, s10, $0xb8;
	[tilespmem:$0x1E8C0] =	vst v63  }
0x255: {  	_ =	swait.ge [sflag:s12], $0x4000  }
0x256: {  	[sflag:s12] =	ssyncset.done $0x0  }
0x257: {  	s31 =	rddreg [dreg:$0x12];
	[sflag:s12] =	ssyncadd.s32 $0xFFFFC000  }
0x258: {  	[tilespmem:s4], [sflag:$0x3] =	stream.linear.gather [hbm4b:s31+s4], $0xA00, $0x38;
	[tilespmem:$0x1E8C0] =	vst v63  }
0x259: {  	s28 =	rddreg [dreg:$0x19];
	s31 =	simm.s32 $0xC00  }
0x25a: {  	[tilespmem:s31], [sflag:$0x3] =	stream.linear.gather [hbm4b:s28+s4], $0xA00, $0x38;
	[tilespmem:$0x1E8C0] =	vst v63  }
0x25b: {  	s31 =	simm.s32 $0x1880  }
0x25c: {  	[tilespmem:s11], [sflag:$0x2] =	stream.indirect.gather [hbm4b:s0+s10], $0x80, s31, s10, $0xb8;
	[tilespmem:$0x1E8C0] =	vst v63  }
0x25d: {  	_ =	swait.ge [sflag:s7], $0x4000  }
0x25e: {  	[sflag:s7] =	ssyncset.done $0x0  }
0x25f: {  	s31 =	simm.s32 $0x2400;
	[sflag:s7] =	ssyncadd.s32 $0xFFFFC000  }
0x260: {  	[spmem:s3] =	stream.indirect.scatter.add.f32 [tilespmem:s5], [sflag:$0x5], $0x80, s31, s10, $0xb8;
	[tilespmem:$0x1E8C0] =	vst v63  }
0x261: {  	_ =	swait.ge [sflag:s12], $0x4000  }
0x262: {  	[sflag:s12] =	ssyncset.done $0x0  }
0x263: {  	s31 =	simm.s32 $0x1900;
	[sflag:s12] =	ssyncadd.s32 $0xFFFFC000  }
0x264: {  	[tilespmem:s5], [sflag:$0x1] =	stream.indirect.gather [hbm4b:s0+s10], $0x80, s31, s10, $0xb8;
	[tilespmem:$0x1E8C0] =	vst v63  }
0x265: {  	_ =	swait.ge [sflag:s14], $0x4000  }
0x266: {  	[sflag:s14] =	ssyncset.done $0x0  }
0x267: {  	s31 =	simm.s32 $0x2480;
	[sflag:s14] =	ssyncadd.s32 $0xFFFFC000  }
0x268: {  	[spmem:s3] =	stream.indirect.scatter.add.f32 [tilespmem:s11], [sflag:$0x5], $0x80, s31, s10, $0xb8;
	[tilespmem:$0x1E8C0] =	vst v63  }
0x269: {  	_ =	swait.ge [sflag:s12], $0x4000  }
0x26a: {  	[sflag:s12] =	ssyncset.done $0x0  }
0x26b: {  	s31 =	simm.s32 $0x1980;
	[sflag:s12] =	ssyncadd.s32 $0xFFFFC000  }
0x26c: {  	[tilespmem:s11], [sflag:$0x2] =	stream.indirect.gather [hbm4b:s0+s10], $0x80, s31, s10, $0xb8;
	[tilespmem:$0x1E8C0] =	vst v63  }
0x26d: {  	_ =	swait.ge [sflag:s7], $0x4000  }
0x26e: {  	[sflag:s7] =	ssyncset.done $0x0  }
0x26f: {  	s31 =	simm.s32 $0x2500;
	[sflag:s7] =	ssyncadd.s32 $0xFFFFC000  }
0x270: {  	[spmem:s3] =	stream.indirect.scatter.add.f32 [tilespmem:s5], [sflag:$0x5], $0x80, s31, s10, $0xb8;
	[tilespmem:$0x1E8C0] =	vst v63  }
0x271: {  	_ =	swait.ge [sflag:s12], $0x4000  }
0x272: {  	[sflag:s12] =	ssyncset.done $0x0  }
0x273: {  	s31 =	simm.s32 $0x1A00;
	[sflag:s12] =	ssyncadd.s32 $0xFFFFC000  }
0x274: {  	[tilespmem:s5], [sflag:$0x1] =	stream.indirect.gather [hbm4b:s0+s10], $0x80, s31, s10, $0xb8;
	[tilespmem:$0x1E8C0] =	vst v63  }
0x275: {  	_ =	swait.ge [sflag:s14], $0x4000  }
0x276: {  	[sflag:s14] =	ssyncset.done $0x0  }
0x277: {  	s31 =	simm.s32 $0x2580;
	[sflag:s14] =	ssyncadd.s32 $0xFFFFC000  }
0x278: {  	[spmem:s3] =	stream.indirect.scatter.add.f32 [tilespmem:s11], [sflag:$0x5], $0x80, s31, s10, $0xb8;
	[tilespmem:$0x1E8C0] =	vst v63  }
0x279: {  	_ =	swait.ge [sflag:s12], $0x4000  }
0x27a: {  	[sflag:s12] =	ssyncset.done $0x0  }
0x27b: {  	s31 =	simm.s32 $0x1A80;
	[sflag:s12] =	ssyncadd.s32 $0xFFFFC000  }
0x27c: {  	[tilespmem:s11], [sflag:$0x2] =	stream.indirect.gather [hbm4b:s0+s10], $0x80, s31, s10, $0xb8;
	[tilespmem:$0x1E8C0] =	vst v63  }
0x27d: {  	_ =	swait.ge [sflag:s7], $0x4000  }
0x27e: {  	[sflag:s7] =	ssyncset.done $0x0  }
0x27f: {  	s31 =	simm.s32 $0x2600;
	[sflag:s7] =	ssyncadd.s32 $0xFFFFC000  }
0x280: {  	[spmem:s3] =	stream.indirect.scatter.add.f32 [tilespmem:s5], [sflag:$0x5], $0x80, s31, s10, $0xb8;
	[tilespmem:$0x1E8C0] =	vst v63  }
0x281: {  	_ =	swait.ge [sflag:s12], $0x4000  }
0x282: {  	[sflag:s12] =	ssyncset.done $0x0  }
0x283: {  	s31 =	simm.s32 $0x1B00;
	[sflag:s12] =	ssyncadd.s32 $0xFFFFC000  }
0x284: {  	[tilespmem:s5], [sflag:$0x1] =	stream.indirect.gather [hbm4b:s0+s10], $0x80, s31, s10, $0xb8;
	[tilespmem:$0x1E8C0] =	vst v63  }
0x285: {  	_ =	swait.ge [sflag:s14], $0x4000  }
0x286: {  	[sflag:s14] =	ssyncset.done $0x0  }
0x287: {  	s31 =	simm.s32 $0x2680;
	[sflag:s14] =	ssyncadd.s32 $0xFFFFC000  }
0x288: {  	[spmem:s3] =	stream.indirect.scatter.add.f32 [tilespmem:s11], [sflag:$0x5], $0x80, s31, s10, $0xb8;
	[tilespmem:$0x1E8C0] =	vst v63  }
0x289: {  	_ =	swait.ge [sflag:s12], $0x4000  }
0x28a: {  	[sflag:s12] =	ssyncset.done $0x0  }
0x28b: {  	s31 =	simm.s32 $0x1B80;
	[sflag:s12] =	ssyncadd.s32 $0xFFFFC000  }
0x28c: {  	[tilespmem:s11], [sflag:$0x2] =	stream.indirect.gather [hbm4b:s0+s10], $0x80, s31, s10, $0xb8;
	[tilespmem:$0x1E8C0] =	vst v63  }
0x28d: {  	_ =	swait.ge [sflag:s7], $0x4000  }
0x28e: {  	[sflag:s7] =	ssyncset.done $0x0  }
0x28f: {  	s31 =	simm.s32 $0x2700;
	[sflag:s7] =	ssyncadd.s32 $0xFFFFC000  }
0x290: {  	[spmem:s3] =	stream.indirect.scatter.add.f32 [tilespmem:s5], [sflag:$0x5], $0x80, s31, s10, $0xb8;
	[tilespmem:$0x1E8C0] =	vst v63  }
0x291: {  	_ =	swait.ge [sflag:s12], $0x4000  }
0x292: {  	[sflag:s12] =	ssyncset.done $0x0  }
0x293: {  	s31 =	simm.s32 $0x1C00;
	[sflag:s12] =	ssyncadd.s32 $0xFFFFC000  }
0x294: {  	[tilespmem:s5], [sflag:$0x1] =	stream.indirect.gather [hbm4b:s0+s10], $0x80, s31, s10, $0xb8;
	[tilespmem:$0x1E8C0] =	vst v63  }
0x295: {  	_ =	swait.ge [sflag:s14], $0x4000  }
0x296: {  	[sflag:s14] =	ssyncset.done $0x0  }
0x297: {  	s31 =	simm.s32 $0x2780;
	[sflag:s14] =	ssyncadd.s32 $0xFFFFC000  }
0x298: {  	[spmem:s3] =	stream.indirect.scatter.add.f32 [tilespmem:s11], [sflag:$0x5], $0x80, s31, s10, $0xb8;
	[tilespmem:$0x1E8C0] =	vst v63  }
0x299: {  	_ =	swait.ge [sflag:s12], $0x4000  }
0x29a: {  	[sflag:s12] =	ssyncset.done $0x0  }
0x29b: {  	s31 =	simm.s32 $0x1C80;
	[sflag:s12] =	ssyncadd.s32 $0xFFFFC000  }
0x29c: {  	[tilespmem:s11], [sflag:$0x2] =	stream.indirect.gather [hbm4b:s0+s10], $0x80, s31, s10, $0xb8;
	[tilespmem:$0x1E8C0] =	vst v63  }
0x29d: {  	_ =	swait.ge [sflag:s7], $0x4000  }
0x29e: {  	[sflag:s7] =	ssyncset.done $0x0  }
0x29f: {  	s31 =	simm.s32 $0x2800;
	[sflag:s7] =	ssyncadd.s32 $0xFFFFC000  }
0x2a0: {  	[spmem:s3] =	stream.indirect.scatter.add.f32 [tilespmem:s5], [sflag:$0x5], $0x80, s31, s10, $0xb8;
	[tilespmem:$0x1E8C0] =	vst v63  }
0x2a1: {  	_ =	swait.ge [sflag:s12], $0x4000  }
0x2a2: {  	[sflag:s12] =	ssyncset.done $0x0  }
0x2a3: {  	s31 =	simm.s32 $0x1D00;
	[sflag:s12] =	ssyncadd.s32 $0xFFFFC000  }
0x2a4: {  	[tilespmem:s5], [sflag:$0x1] =	stream.indirect.gather [hbm4b:s0+s10], $0x80, s31, s10, $0xb8;
	[tilespmem:$0x1E8C0] =	vst v63  }
0x2a5: {  	_ =	swait.ge [sflag:s14], $0x4000  }
0x2a6: {  	[sflag:s14] =	ssyncset.done $0x0  }
0x2a7: {  	s31 =	simm.s32 $0x2880;
	[sflag:s14] =	ssyncadd.s32 $0xFFFFC000  }
0x2a8: {  	[spmem:s3] =	stream.indirect.scatter.add.f32 [tilespmem:s11], [sflag:$0x5], $0x80, s31, s10, $0xb8;
	[tilespmem:$0x1E8C0] =	vst v63  }
0x2a9: {  	_ =	swait.ge [sflag:s12], $0x4000  }
0x2aa: {  	[sflag:s12] =	ssyncset.done $0x0  }
0x2ab: {  	s31 =	simm.s32 $0x1D80;
	[sflag:s12] =	ssyncadd.s32 $0xFFFFC000  }
0x2ac: {  	[tilespmem:s11], [sflag:$0x2] =	stream.indirect.gather [hbm4b:s0+s10], $0x80, s31, s10, $0xb8;
	[tilespmem:$0x1E8C0] =	vst v63  }
0x2ad: {  	_ =	swait.ge [sflag:s7], $0x4000  }
0x2ae: {  	[sflag:s7] =	ssyncset.done $0x0  }
0x2af: {  	s31 =	simm.s32 $0x2900;
	[sflag:s7] =	ssyncadd.s32 $0xFFFFC000  }
0x2b0: {  	[spmem:s3] =	stream.indirect.scatter.add.f32 [tilespmem:s5], [sflag:$0x5], $0x80, s31, s10, $0xb8;
	[tilespmem:$0x1E8C0] =	vst v63  }
0x2b1: {  	_ =	swait.ge [sflag:s12], $0x4000  }
0x2b2: {  	[sflag:s12] =	ssyncset.done $0x0  }
0x2b3: {  	s31 =	simm.s32 $0x1E00;
	[sflag:s12] =	ssyncadd.s32 $0xFFFFC000  }
0x2b4: {  	[tilespmem:s5], [sflag:$0x1] =	stream.indirect.gather [hbm4b:s0+s10], $0x80, s31, s10, $0xb8;
	[tilespmem:$0x1E8C0] =	vst v63  }
0x2b5: {  	_ =	swait.ge [sflag:s14], $0x4000  }
0x2b6: {  	[sflag:s14] =	ssyncset.done $0x0  }
0x2b7: {  	s31 =	simm.s32 $0x2980;
	[sflag:s14] =	ssyncadd.s32 $0xFFFFC000  }
0x2b8: {  	[spmem:s3] =	stream.indirect.scatter.add.f32 [tilespmem:s11], [sflag:$0x5], $0x80, s31, s10, $0xb8;
	[tilespmem:$0x1E8C0] =	vst v63  }
0x2b9: {  	_ =	swait.ge [sflag:s12], $0x4000  }
0x2ba: {  	[sflag:s12] =	ssyncset.done $0x0  }
0x2bb: {  	s31 =	simm.s32 $0x1E80;
	[sflag:s12] =	ssyncadd.s32 $0xFFFFC000  }
0x2bc: {  	[tilespmem:s11], [sflag:$0x2] =	stream.indirect.gather [hbm4b:s0+s10], $0x80, s31, s10, $0xb8;
	[tilespmem:$0x1E8C0] =	vst v63  }
0x2bd: {  	_ =	swait.ge [sflag:s7], $0x4000  }
0x2be: {  	[sflag:s7] =	ssyncset.done $0x0  }
0x2bf: {  	s31 =	simm.s32 $0x2A00;
	[sflag:s7] =	ssyncadd.s32 $0xFFFFC000  }
0x2c0: {  	[spmem:s3] =	stream.indirect.scatter.add.f32 [tilespmem:s5], [sflag:$0x5], $0x80, s31, s10, $0xb8;
	[tilespmem:$0x1E8C0] =	vst v63  }
0x2c1: {  	_ =	swait.ge [sflag:s12], $0x4000  }
0x2c2: {  	[sflag:s12] =	ssyncset.done $0x0  }
0x2c3: {  	s31 =	simm.s32 $0x1F00;
	[sflag:s12] =	ssyncadd.s32 $0xFFFFC000  }
0x2c4: {  	[tilespmem:s5], [sflag:$0x1] =	stream.indirect.gather [hbm4b:s0+s10], $0x80, s31, s10, $0xb8;
	[tilespmem:$0x1E8C0] =	vst v63  }
0x2c5: {  	_ =	swait.ge [sflag:s14], $0x4000  }
0x2c6: {  	[sflag:s14] =	ssyncset.done $0x0  }
0x2c7: {  	s31 =	simm.s32 $0x2A80;
	[sflag:s14] =	ssyncadd.s32 $0xFFFFC000  }
0x2c8: {  	[spmem:s3] =	stream.indirect.scatter.add.f32 [tilespmem:s11], [sflag:$0x5], $0x80, s31, s10, $0xb8;
	[tilespmem:$0x1E8C0] =	vst v63  }
0x2c9: {  	_ =	swait.ge [sflag:s12], $0x4000  }
0x2ca: {  	[sflag:s12] =	ssyncset.done $0x0  }
0x2cb: {  	s31 =	simm.s32 $0x1F80;
	[sflag:s12] =	ssyncadd.s32 $0xFFFFC000  }
0x2cc: {  	[tilespmem:s11], [sflag:$0x2] =	stream.indirect.gather [hbm4b:s0+s10], $0x80, s31, s10, $0xb8;
	[tilespmem:$0x1E8C0] =	vst v63  }
0x2cd: {  	_ =	swait.ge [sflag:s7], $0x4000  }
0x2ce: {  	[sflag:s7] =	ssyncset.done $0x0  }
0x2cf: {  	s31 =	simm.s32 $0x2B00;
	[sflag:s7] =	ssyncadd.s32 $0xFFFFC000  }
0x2d0: {  	[spmem:s3] =	stream.indirect.scatter.add.f32 [tilespmem:s5], [sflag:$0x5], $0x80, s31, s10, $0xb8;
	[tilespmem:$0x1E8C0] =	vst v63  }
0x2d1: {  	_ =	swait.ge [sflag:s12], $0x4000  }
0x2d2: {  	[sflag:s12] =	ssyncset.done $0x0  }
0x2d3: {  	s31 =	simm.s32 $0x2000;
	[sflag:s12] =	ssyncadd.s32 $0xFFFFC000  }
0x2d4: {  	[tilespmem:s5], [sflag:$0x1] =	stream.indirect.gather [hbm4b:s0+s10], $0x80, s31, s10, $0xb8;
	[tilespmem:$0x1E8C0] =	vst v63  }
0x2d5: {  	_ =	swait.ge [sflag:s14], $0x4000  }
0x2d6: {  	[sflag:s14] =	ssyncset.done $0x0  }
0x2d7: {  	s31 =	simm.s32 $0x2B80;
	[sflag:s14] =	ssyncadd.s32 $0xFFFFC000  }
0x2d8: {  	[spmem:s3] =	stream.indirect.scatter.add.f32 [tilespmem:s11], [sflag:$0x5], $0x80, s31, s10, $0xb8;
	[tilespmem:$0x1E8C0] =	vst v63  }
0x2d9: {  	_ =	swait.ge [sflag:s12], $0x4000  }
0x2da: {  	[sflag:s12] =	ssyncset.done $0x0  }
0x2db: {  	s31 =	simm.s32 $0x2080;
	[sflag:s12] =	ssyncadd.s32 $0xFFFFC000  }
0x2dc: {  	[tilespmem:s11], [sflag:$0x2] =	stream.indirect.gather [hbm4b:s0+s10], $0x80, s31, s10, $0xb8;
	[tilespmem:$0x1E8C0] =	vst v63  }
0x2dd: {  	_ =	swait.ge [sflag:s7], $0x4000  }
0x2de: {  	[sflag:s7] =	ssyncset.done $0x0  }
0x2df: {  	s31 =	simm.s32 $0x2C00;
	[sflag:s7] =	ssyncadd.s32 $0xFFFFC000  }
0x2e0: {  	[spmem:s3] =	stream.indirect.scatter.add.f32 [tilespmem:s5], [sflag:$0x5], $0x80, s31, s10, $0xb8;
	[tilespmem:$0x1E8C0] =	vst v63  }
0x2e1: {  	_ =	swait.ge [sflag:s12], $0x4000  }
0x2e2: {  	[sflag:s12] =	ssyncset.done $0x0  }
0x2e3: {  	s31 =	simm.s32 $0x2100;
	[sflag:s12] =	ssyncadd.s32 $0xFFFFC000  }
0x2e4: {  	[tilespmem:s5], [sflag:$0x1] =	stream.indirect.gather [hbm4b:s0+s10], $0x80, s31, s10, $0xb8;
	[tilespmem:$0x1E8C0] =	vst v63  }
0x2e5: {  	_ =	swait.ge [sflag:s14], $0x4000  }
0x2e6: {  	[sflag:s14] =	ssyncset.done $0x0  }
0x2e7: {  	s31 =	simm.s32 $0x2C80;
	[sflag:s14] =	ssyncadd.s32 $0xFFFFC000  }
0x2e8: {  	[spmem:s3] =	stream.indirect.scatter.add.f32 [tilespmem:s11], [sflag:$0x5], $0x80, s31, s10, $0xb8;
	[tilespmem:$0x1E8C0] =	vst v63  }
0x2e9: {  	_ =	swait.ge [sflag:s12], $0x4000  }
0x2ea: {  	[sflag:s12] =	ssyncset.done $0x0  }
0x2eb: {  	s31 =	simm.s32 $0x2180;
	[sflag:s12] =	ssyncadd.s32 $0xFFFFC000  }
0x2ec: {  	[tilespmem:s11], [sflag:$0x2] =	stream.indirect.gather [hbm4b:s0+s10], $0x80, s31, s10, $0xb8;
	[tilespmem:$0x1E8C0] =	vst v63  }
0x2ed: {  	_ =	swait.ge [sflag:s7], $0x4000  }
0x2ee: {  	[sflag:s7] =	ssyncset.done $0x0  }
0x2ef: {  	s31 =	simm.s32 $0x2D00;
	[sflag:s7] =	ssyncadd.s32 $0xFFFFC000  }
0x2f0: {  	[spmem:s3] =	stream.indirect.scatter.add.f32 [tilespmem:s5], [sflag:$0x5], $0x80, s31, s10, $0xb8;
	[tilespmem:$0x1E8C0] =	vst v63  }
0x2f1: {  	_ =	swait.ge [sflag:s12], $0x4000  }
0x2f2: {  	[sflag:s12] =	ssyncset.done $0x0  }
0x2f3: {  	[sflag:s12] =	ssyncadd.s32 $0xFFFFC000  }
0x2f4: {  	_ =	swait.ge [sflag:s9], $0xA00  }
0x2f5: {  	[sflag:s9] =	ssyncset.done $0x0  }
0x2f6: {  	[sflag:s9] =	ssyncadd.s32 $0xFFFFF600  }
0x2f7: {  	_ =	swait.ge [sflag:s9], $0xA00  }
0x2f8: {  	[sflag:s9] =	ssyncset.done $0x0  }
0x2f9: {  	[sflag:s9] =	ssyncadd.s32 $0xFFFFF600  }
0x2fa: {  	[tilespmem:s5], [sflag:$0x1] =	stream.indirect.gather [hbm4b:s0+s10], $0x80, s4, s10, $0xb8;
	[tilespmem:$0x1E8C0] =	vst v63  }
0x2fb: {  	_ =	swait.ge [sflag:s14], $0x4000  }
0x2fc: {  	[sflag:s14] =	ssyncset.done $0x0  }
0x2fd: {  	s31 =	simm.s32 $0x2D80;
	[sflag:s14] =	ssyncadd.s32 $0xFFFFC000  }
0x2fe: {  	[spmem:s3] =	stream.indirect.scatter.add.f32 [tilespmem:s11], [sflag:$0x5], $0x80, s31, s10, $0xb8;
	[tilespmem:$0x1E8C0] =	vst v63  }
0x2ff: {  	_ =	swait.ge [sflag:s12], $0x4000  }
0x300: {  	[sflag:s12] =	ssyncset.done $0x0  }
0x301: {  	s31 =	simm.s32 $0x1800;
	s28 =	rddreg [dreg:$0x13];
	[sflag:s12] =	ssyncadd.s32 $0xFFFFC000  }
0x302: {  	[tilespmem:s31], [sflag:$0x4] =	stream.linear.gather [hbm4b:s28+s4], $0xA00, $0x38;
	[tilespmem:$0x1E8C0] =	vst v63  }
0x303: {  	s28 =	rddreg [dreg:$0x1a];
	s31 =	simm.s32 $0x2400  }
0x304: {  	[tilespmem:s31], [sflag:$0x4] =	stream.linear.gather [hbm4b:s28+s4], $0xA00, $0x38;
	[tilespmem:$0x1E8C0] =	vst v63  }
0x305: {  	_ = 	snop  }
0x306: {  	[tilespmem:s11], [sflag:$0x2] =	stream.indirect.gather [hbm4b:s0+s10], $0x80, s10, s10, $0xb8;
	[tilespmem:$0x1E8C0] =	vst v63  }
0x307: {  	_ =	swait.ge [sflag:s7], $0x4000  }
0x308: {  	[sflag:s7] =	ssyncset.done $0x0  }
0x309: {  	s31 =	simm.s32 $0xC00;
	[sflag:s7] =	ssyncadd.s32 $0xFFFFC000  }
0x30a: {  	[spmem:s3] =	stream.indirect.scatter.add.f32 [tilespmem:s5], [sflag:$0x5], $0x80, s31, s10, $0xb8;
	[tilespmem:$0x1E8C0] =	vst v63  }
0x30b: {  	_ =	swait.ge [sflag:s12], $0x4000  }
0x30c: {  	[sflag:s12] =	ssyncset.done $0x0  }
0x30d: {  	[sflag:s12] =	ssyncadd.s32 $0xFFFFC000  }
0x30e: {  	[tilespmem:s5], [sflag:$0x1] =	stream.indirect.gather [hbm4b:s0+s10], $0x80, s6, s10, $0xb8;
	[tilespmem:$0x1E8C0] =	vst v63  }
0x30f: {  	_ =	swait.ge [sflag:s14], $0x4000  }
0x310: {  	[sflag:s14] =	ssyncset.done $0x0  }
0x311: {  	[sflag:s14] =	ssyncadd.s32 $0xFFFFC000  }
0x312: {  	[spmem:s3] =	stream.indirect.scatter.add.f32 [tilespmem:s11], [sflag:$0x5], $0x80, s13, s10, $0xb8;
	[tilespmem:$0x1E8C0] =	vst v63  }
0x313: {  	_ =	swait.ge [sflag:s12], $0x4000  }
0x314: {  	[sflag:s12] =	ssyncset.done $0x0  }
0x315: {  	[sflag:s12] =	ssyncadd.s32 $0xFFFFC000  }
0x316: {  	[tilespmem:s11], [sflag:$0x2] =	stream.indirect.gather [hbm4b:s0+s10], $0x80, s15, s10, $0xb8;
	[tilespmem:$0x1E8C0] =	vst v63  }
0x317: {  	_ =	swait.ge [sflag:s7], $0x4000  }
0x318: {  	[sflag:s7] =	ssyncset.done $0x0  }
0x319: {  	[sflag:s7] =	ssyncadd.s32 $0xFFFFC000  }
0x31a: {  	[spmem:s3] =	stream.indirect.scatter.add.f32 [tilespmem:s5], [sflag:$0x5], $0x80, s17, s10, $0xb8;
	[tilespmem:$0x1E8C0] =	vst v63  }
0x31b: {  	_ =	swait.ge [sflag:s12], $0x4000  }
0x31c: {  	[sflag:s12] =	ssyncset.done $0x0  }
0x31d: {  	[sflag:s12] =	ssyncadd.s32 $0xFFFFC000  }
0x31e: {  	[tilespmem:s5], [sflag:$0x1] =	stream.indirect.gather [hbm4b:s0+s10], $0x80, s18, s10, $0xb8;
	[tilespmem:$0x1E8C0] =	vst v63  }
0x31f: {  	_ =	swait.ge [sflag:s14], $0x4000  }
0x320: {  	[sflag:s14] =	ssyncset.done $0x0  }
0x321: {  	[sflag:s14] =	ssyncadd.s32 $0xFFFFC000  }
0x322: {  	[spmem:s3] =	stream.indirect.scatter.add.f32 [tilespmem:s11], [sflag:$0x5], $0x80, s19, s10, $0xb8;
	[tilespmem:$0x1E8C0] =	vst v63  }
0x323: {  	_ =	swait.ge [sflag:s12], $0x4000  }
0x324: {  	[sflag:s12] =	ssyncset.done $0x0  }
0x325: {  	[sflag:s12] =	ssyncadd.s32 $0xFFFFC000  }
0x326: {  	[tilespmem:s11], [sflag:$0x2] =	stream.indirect.gather [hbm4b:s0+s10], $0x80, s20, s10, $0xb8;
	[tilespmem:$0x1E8C0] =	vst v63  }
0x327: {  	_ =	swait.ge [sflag:s7], $0x4000  }
0x328: {  	[sflag:s7] =	ssyncset.done $0x0  }
0x329: {  	[sflag:s7] =	ssyncadd.s32 $0xFFFFC000  }
0x32a: {  	[spmem:s3] =	stream.indirect.scatter.add.f32 [tilespmem:s5], [sflag:$0x5], $0x80, s21, s10, $0xb8;
	[tilespmem:$0x1E8C0] =	vst v63  }
0x32b: {  	_ =	swait.ge [sflag:s12], $0x4000  }
0x32c: {  	[sflag:s12] =	ssyncset.done $0x0  }
0x32d: {  	[sflag:s12] =	ssyncadd.s32 $0xFFFFC000  }
0x32e: {  	[tilespmem:s5], [sflag:$0x1] =	stream.indirect.gather [hbm4b:s0+s10], $0x80, s22, s10, $0xb8;
	[tilespmem:$0x1E8C0] =	vst v63  }
0x32f: {  	_ =	swait.ge [sflag:s14], $0x4000  }
0x330: {  	[sflag:s14] =	ssyncset.done $0x0  }
0x331: {  	[sflag:s14] =	ssyncadd.s32 $0xFFFFC000  }
0x332: {  	[spmem:s3] =	stream.indirect.scatter.add.f32 [tilespmem:s11], [sflag:$0x5], $0x80, s23, s10, $0xb8;
	[tilespmem:$0x1E8C0] =	vst v63  }
0x333: {  	_ =	swait.ge [sflag:s12], $0x4000  }
0x334: {  	[sflag:s12] =	ssyncset.done $0x0  }
0x335: {  	[sflag:s12] =	ssyncadd.s32 $0xFFFFC000  }
0x336: {  	[tilespmem:s11], [sflag:$0x2] =	stream.indirect.gather [hbm4b:s0+s10], $0x80, s1, s10, $0xb8;
	[tilespmem:$0x1E8C0] =	vst v63  }
0x337: {  	_ =	swait.ge [sflag:s7], $0x4000  }
0x338: {  	[sflag:s7] =	ssyncset.done $0x0  }
0x339: {  	s13 =	simm.s32 $0xF00;
	[sflag:s7] =	ssyncadd.s32 $0xFFFFC000  }
0x33a: {  	[spmem:s3] =	stream.indirect.scatter.add.f32 [tilespmem:s5], [sflag:$0x5], $0x80, s13, s10, $0xb8;
	[tilespmem:$0x1E8C0] =	vst v63  }
0x33b: {  	_ =	swait.ge [sflag:s12], $0x4000  }
0x33c: {  	[sflag:s12] =	ssyncset.done $0x0  }
0x33d: {  	[sflag:s12] =	ssyncadd.s32 $0xFFFFC000  }
0x33e: {  	[tilespmem:s5], [sflag:$0x1] =	stream.indirect.gather [hbm4b:s0+s10], $0x80, s2, s10, $0xb8;
	[tilespmem:$0x1E8C0] =	vst v63  }
0x33f: {  	_ =	swait.ge [sflag:s14], $0x4000  }
0x340: {  	[sflag:s14] =	ssyncset.done $0x0  }
0x341: {  	s15 =	simm.s32 $0xF80;
	[sflag:s14] =	ssyncadd.s32 $0xFFFFC000  }
0x342: {  	[spmem:s3] =	stream.indirect.scatter.add.f32 [tilespmem:s11], [sflag:$0x5], $0x80, s15, s10, $0xb8;
	[tilespmem:$0x1E8C0] =	vst v63  }
0x343: {  	_ =	swait.ge [sflag:s12], $0x4000  }
0x344: {  	[sflag:s12] =	ssyncset.done $0x0  }
0x345: {  	[sflag:s12] =	ssyncadd.s32 $0xFFFFC000  }
0x346: {  	[tilespmem:s11], [sflag:$0x2] =	stream.indirect.gather [hbm4b:s0+s10], $0x80, s8, s10, $0xb8;
	[tilespmem:$0x1E8C0] =	vst v63  }
0x347: {  	_ =	swait.ge [sflag:s7], $0x4000  }
0x348: {  	[sflag:s7] =	ssyncset.done $0x0  }
0x349: {  	[sflag:s7] =	ssyncadd.s32 $0xFFFFC000  }
0x34a: {  	[spmem:s3] =	stream.indirect.scatter.add.f32 [tilespmem:s5], [sflag:$0x5], $0x80, s25, s10, $0xb8;
	[tilespmem:$0x1E8C0] =	vst v63  }
0x34b: {  	_ =	swait.ge [sflag:s12], $0x4000  }
0x34c: {  	[sflag:s12] =	ssyncset.done $0x0  }
0x34d: {  	[sflag:s12] =	ssyncadd.s32 $0xFFFFC000  }
0x34e: {  	[tilespmem:s5], [sflag:$0x1] =	stream.indirect.gather [hbm4b:s0+s10], $0x80, s26, s10, $0xb8;
	[tilespmem:$0x1E8C0] =	vst v63  }
0x34f: {  	_ =	swait.ge [sflag:s14], $0x4000  }
0x350: {  	[sflag:s14] =	ssyncset.done $0x0  }
0x351: {  	[sflag:s14] =	ssyncadd.s32 $0xFFFFC000  }
0x352: {  	[spmem:s3] =	stream.indirect.scatter.add.f32 [tilespmem:s11], [sflag:$0x5], $0x80, s29, s10, $0xb8;
	[tilespmem:$0x1E8C0] =	vst v63  }
0x353: {  	_ =	swait.ge [sflag:s12], $0x4000  }
0x354: {  	[sflag:s12] =	ssyncset.done $0x0  }
0x355: {  	s31 =	simm.s32 $0x580;
	[sflag:s12] =	ssyncadd.s32 $0xFFFFC000  }
0x356: {  	[tilespmem:s11], [sflag:$0x2] =	stream.indirect.gather [hbm4b:s0+s10], $0x80, s31, s10, $0xb8;
	[tilespmem:$0x1E8C0] =	vst v63  }
0x357: {  	_ =	swait.ge [sflag:s7], $0x4000  }
0x358: {  	[sflag:s7] =	ssyncset.done $0x0  }
0x359: {  	[sflag:s7] =	ssyncadd.s32 $0xFFFFC000  }
0x35a: {  	[spmem:s3] =	stream.indirect.scatter.add.f32 [tilespmem:s5], [sflag:$0x5], $0x80, s30, s10, $0xb8;
	[tilespmem:$0x1E8C0] =	vst v63  }
0x35b: {  	_ =	swait.ge [sflag:s12], $0x4000  }
0x35c: {  	[sflag:s12] =	ssyncset.done $0x0  }
0x35d: {  	s20 =	simm.s32 $0x600;
	[sflag:s12] =	ssyncadd.s32 $0xFFFFC000  }
0x35e: {  	[tilespmem:s5], [sflag:$0x1] =	stream.indirect.gather [hbm4b:s0+s10], $0x80, s20, s10, $0xb8;
	[tilespmem:$0x1E8C0] =	vst v63  }
0x35f: {  	_ =	swait.ge [sflag:s14], $0x4000  }
0x360: {  	[sflag:s14] =	ssyncset.done $0x0  }
0x361: {  	s21 =	simm.s32 $0x1180;
	[sflag:s14] =	ssyncadd.s32 $0xFFFFC000  }
0x362: {  	[spmem:s3] =	stream.indirect.scatter.add.f32 [tilespmem:s11], [sflag:$0x5], $0x80, s21, s10, $0xb8;
	[tilespmem:$0x1E8C0] =	vst v63  }
0x363: {  	_ =	swait.ge [sflag:s12], $0x4000  }
0x364: {  	[sflag:s12] =	ssyncset.done $0x0  }
0x365: {  	s22 =	simm.s32 $0x680;
	[sflag:s12] =	ssyncadd.s32 $0xFFFFC000  }
0x366: {  	[tilespmem:s11], [sflag:$0x2] =	stream.indirect.gather [hbm4b:s0+s10], $0x80, s22, s10, $0xb8;
	[tilespmem:$0x1E8C0] =	vst v63  }
0x367: {  	_ =	swait.ge [sflag:s7], $0x4000  }
0x368: {  	[sflag:s7] =	ssyncset.done $0x0  }
0x369: {  	s23 =	simm.s32 $0x1200;
	[sflag:s7] =	ssyncadd.s32 $0xFFFFC000  }
0x36a: {  	[spmem:s3] =	stream.indirect.scatter.add.f32 [tilespmem:s5], [sflag:$0x5], $0x80, s23, s10, $0xb8;
	[tilespmem:$0x1E8C0] =	vst v63  }
0x36b: {  	_ =	swait.ge [sflag:s12], $0x4000  }
0x36c: {  	[sflag:s12] =	ssyncset.done $0x0  }
0x36d: {  	s25 =	simm.s32 $0x700;
	[sflag:s12] =	ssyncadd.s32 $0xFFFFC000  }
0x36e: {  	[tilespmem:s5], [sflag:$0x1] =	stream.indirect.gather [hbm4b:s0+s10], $0x80, s25, s10, $0xb8;
	[tilespmem:$0x1E8C0] =	vst v63  }
0x36f: {  	_ =	swait.ge [sflag:s14], $0x4000  }
0x370: {  	[sflag:s14] =	ssyncset.done $0x0  }
0x371: {  	s26 =	simm.s32 $0x1280;
	[sflag:s14] =	ssyncadd.s32 $0xFFFFC000  }
0x372: {  	[spmem:s3] =	stream.indirect.scatter.add.f32 [tilespmem:s11], [sflag:$0x5], $0x80, s26, s10, $0xb8;
	[tilespmem:$0x1E8C0] =	vst v63  }
0x373: {  	_ =	swait.ge [sflag:s12], $0x4000  }
0x374: {  	[sflag:s12] =	ssyncset.done $0x0  }
0x375: {  	s28 =	simm.s32 $0x780;
	[sflag:s12] =	ssyncadd.s32 $0xFFFFC000  }
0x376: {  	[tilespmem:s11], [sflag:$0x2] =	stream.indirect.gather [hbm4b:s0+s10], $0x80, s28, s10, $0xb8;
	[tilespmem:$0x1E8C0] =	vst v63  }
0x377: {  	_ =	swait.ge [sflag:s7], $0x4000  }
0x378: {  	[sflag:s7] =	ssyncset.done $0x0  }
0x379: {  	s29 =	simm.s32 $0x1300;
	[sflag:s7] =	ssyncadd.s32 $0xFFFFC000  }
0x37a: {  	[spmem:s3] =	stream.indirect.scatter.add.f32 [tilespmem:s5], [sflag:$0x5], $0x80, s29, s10, $0xb8;
	[tilespmem:$0x1E8C0] =	vst v63  }
0x37b: {  	_ =	swait.ge [sflag:s12], $0x4000  }
0x37c: {  	[sflag:s12] =	ssyncset.done $0x0  }
0x37d: {  	s30 =	simm.s32 $0x800;
	[sflag:s12] =	ssyncadd.s32 $0xFFFFC000  }
0x37e: {  	[tilespmem:s5], [sflag:$0x1] =	stream.indirect.gather [hbm4b:s0+s10], $0x80, s30, s10, $0xb8;
	[tilespmem:$0x1E8C0] =	vst v63  }
0x37f: {  	_ =	swait.ge [sflag:s14], $0x4000  }
0x380: {  	[sflag:s14] =	ssyncset.done $0x0  }
0x381: {  	s2 =	simm.s32 $0x1380;
	[sflag:s14] =	ssyncadd.s32 $0xFFFFC000  }
0x382: {  	[spmem:s3] =	stream.indirect.scatter.add.f32 [tilespmem:s11], [sflag:$0x5], $0x80, s2, s10, $0xb8;
	[tilespmem:$0x1E8C0] =	vst v63  }
0x383: {  	_ =	swait.ge [sflag:s12], $0x4000  }
0x384: {  	[sflag:s12] =	ssyncset.done $0x0  }
0x385: {  	s8 =	simm.s32 $0x880;
	[sflag:s12] =	ssyncadd.s32 $0xFFFFC000  }
0x386: {  	[tilespmem:s11], [sflag:$0x2] =	stream.indirect.gather [hbm4b:s0+s10], $0x80, s8, s10, $0xb8;
	[tilespmem:$0x1E8C0] =	vst v63  }
0x387: {  	_ =	swait.ge [sflag:s7], $0x4000  }
0x388: {  	[sflag:s7] =	ssyncset.done $0x0  }
0x389: {  	s17 =	simm.s32 $0x1400;
	[sflag:s7] =	ssyncadd.s32 $0xFFFFC000  }
0x38a: {  	[spmem:s3] =	stream.indirect.scatter.add.f32 [tilespmem:s5], [sflag:$0x5], $0x80, s17, s10, $0xb8;
	[tilespmem:$0x1E8C0] =	vst v63  }
0x38b: {  	_ =	swait.ge [sflag:s12], $0x4000  }
0x38c: {  	[sflag:s12] =	ssyncset.done $0x0  }
0x38d: {  	s18 =	simm.s32 $0x900;
	[sflag:s12] =	ssyncadd.s32 $0xFFFFC000  }
0x38e: {  	[tilespmem:s5], [sflag:$0x1] =	stream.indirect.gather [hbm4b:s0+s10], $0x80, s18, s10, $0xb8;
	[tilespmem:$0x1E8C0] =	vst v63  }
0x38f: {  	_ =	swait.ge [sflag:s14], $0x4000  }
0x390: {  	[sflag:s14] =	ssyncset.done $0x0  }
0x391: {  	s19 =	simm.s32 $0x1480;
	[sflag:s14] =	ssyncadd.s32 $0xFFFFC000  }
0x392: {  	[spmem:s3] =	stream.indirect.scatter.add.f32 [tilespmem:s11], [sflag:$0x5], $0x80, s19, s10, $0xb8;
	[tilespmem:$0x1E8C0] =	vst v63  }
0x393: {  	_ =	swait.ge [sflag:s12], $0x4000  }
0x394: {  	[sflag:s12] =	ssyncset.done $0x0  }
0x395: {  	s20 =	simm.s32 $0x980;
	[sflag:s12] =	ssyncadd.s32 $0xFFFFC000  }
0x396: {  	[tilespmem:s11], [sflag:$0x2] =	stream.indirect.gather [hbm4b:s0+s10], $0x80, s20, s10, $0xb8;
	[tilespmem:$0x1E8C0] =	vst v63  }
0x397: {  	_ =	swait.ge [sflag:s7], $0x4000  }
0x398: {  	[sflag:s7] =	ssyncset.done $0x0  }
0x399: {  	s21 =	simm.s32 $0x1500;
	[sflag:s7] =	ssyncadd.s32 $0xFFFFC000  }
0x39a: {  	[spmem:s3] =	stream.indirect.scatter.add.f32 [tilespmem:s5], [sflag:$0x5], $0x80, s21, s10, $0xb8;
	[tilespmem:$0x1E8C0] =	vst v63  }
0x39b: {  	_ =	swait.ge [sflag:s12], $0x4000  }
0x39c: {  	[sflag:s12] =	ssyncset.done $0x0  }
0x39d: {  	[sflag:s12] =	ssyncadd.s32 $0xFFFFC000  }
0x39e: {  	_ =	swait.ge [sflag:s16], $0xA00  }
0x39f: {  	[sflag:s16] =	ssyncset.done $0x0  }
0x3a0: {  	[sflag:s16] =	ssyncadd.s32 $0xFFFFF600  }
0x3a1: {  	_ =	swait.ge [sflag:s16], $0xA00  }
0x3a2: {  	[sflag:s16] =	ssyncset.done $0x0  }
0x3a3: {  	s22 =	simm.s32 $0x1800;
	[sflag:s16] =	ssyncadd.s32 $0xFFFFF600  }
0x3a4: {  	[tilespmem:s5], [sflag:$0x1] =	stream.indirect.gather [hbm4b:s0+s10], $0x80, s22, s10, $0xb8;
	[tilespmem:$0x1E8C0] =	vst v63  }
0x3a5: {  	_ =	swait.ge [sflag:s14], $0x4000  }
0x3a6: {  	[sflag:s14] =	ssyncset.done $0x0  }
0x3a7: {  	s23 =	simm.s32 $0x1580;
	[sflag:s14] =	ssyncadd.s32 $0xFFFFC000  }
0x3a8: {  	[spmem:s3] =	stream.indirect.scatter.add.f32 [tilespmem:s11], [sflag:$0x5], $0x80, s23, s10, $0xb8;
	[tilespmem:$0x1E8C0] =	vst v63  }
0x3a9: {  	_ =	swait.ge [sflag:s12], $0x4000  }
0x3aa: {  	[sflag:s12] =	ssyncset.done $0x0  }
0x3ab: {  	s25 =	rddreg [dreg:$0x15];
	[sflag:s12] =	ssyncadd.s32 $0xFFFFC000  }
0x3ac: {  	[tilespmem:s4], [sflag:$0x3] =	stream.linear.gather [hbm4b:s25+s4], $0xA00, $0x38;
	[tilespmem:$0x1E8C0] =	vst v63  }
0x3ad: {  	s29 =	simm.s32 $0xC00;
	s26 =	rddreg [dreg:$0x1b]  }
0x3ae: {  	[tilespmem:s29], [sflag:$0x3] =	stream.linear.gather [hbm4b:s26+s4], $0xA00, $0x38;
	[tilespmem:$0x1E8C0] =	vst v63  }
0x3af: {  	s30 =	simm.s32 $0x1880  }
0x3b0: {  	[tilespmem:s11], [sflag:$0x2] =	stream.indirect.gather [hbm4b:s0+s10], $0x80, s30, s10, $0xb8;
	[tilespmem:$0x1E8C0] =	vst v63  }
0x3b1: {  	_ =	swait.ge [sflag:s7], $0x4000  }
0x3b2: {  	[sflag:s7] =	ssyncset.done $0x0  }
0x3b3: {  	s2 =	simm.s32 $0x2400;
	[sflag:s7] =	ssyncadd.s32 $0xFFFFC000  }
0x3b4: {  	[spmem:s3] =	stream.indirect.scatter.add.f32 [tilespmem:s5], [sflag:$0x5], $0x80, s2, s10, $0xb8;
	[tilespmem:$0x1E8C0] =	vst v63  }
0x3b5: {  	_ =	swait.ge [sflag:s12], $0x4000  }
0x3b6: {  	[sflag:s12] =	ssyncset.done $0x0  }
0x3b7: {  	s8 =	simm.s32 $0x1900;
	[sflag:s12] =	ssyncadd.s32 $0xFFFFC000  }
0x3b8: {  	[tilespmem:s5], [sflag:$0x1] =	stream.indirect.gather [hbm4b:s0+s10], $0x80, s8, s10, $0xb8;
	[tilespmem:$0x1E8C0] =	vst v63  }
0x3b9: {  	_ =	swait.ge [sflag:s14], $0x4000  }
0x3ba: {  	[sflag:s14] =	ssyncset.done $0x0  }
0x3bb: {  	s17 =	simm.s32 $0x2480;
	[sflag:s14] =	ssyncadd.s32 $0xFFFFC000  }
0x3bc: {  	[spmem:s3] =	stream.indirect.scatter.add.f32 [tilespmem:s11], [sflag:$0x5], $0x80, s17, s10, $0xb8;
	[tilespmem:$0x1E8C0] =	vst v63  }
0x3bd: {  	_ =	swait.ge [sflag:s12], $0x4000  }
0x3be: {  	[sflag:s12] =	ssyncset.done $0x0  }
0x3bf: {  	s18 =	simm.s32 $0x1980;
	[sflag:s12] =	ssyncadd.s32 $0xFFFFC000  }
0x3c0: {  	[tilespmem:s11], [sflag:$0x2] =	stream.indirect.gather [hbm4b:s0+s10], $0x80, s18, s10, $0xb8;
	[tilespmem:$0x1E8C0] =	vst v63  }
0x3c1: {  	_ =	swait.ge [sflag:s7], $0x4000  }
0x3c2: {  	[sflag:s7] =	ssyncset.done $0x0  }
0x3c3: {  	s19 =	simm.s32 $0x2500;
	[sflag:s7] =	ssyncadd.s32 $0xFFFFC000  }
0x3c4: {  	[spmem:s3] =	stream.indirect.scatter.add.f32 [tilespmem:s5], [sflag:$0x5], $0x80, s19, s10, $0xb8;
	[tilespmem:$0x1E8C0] =	vst v63  }
0x3c5: {  	_ =	swait.ge [sflag:s12], $0x4000  }
0x3c6: {  	[sflag:s12] =	ssyncset.done $0x0  }
0x3c7: {  	s20 =	simm.s32 $0x1A00;
	[sflag:s12] =	ssyncadd.s32 $0xFFFFC000  }
0x3c8: {  	[tilespmem:s5], [sflag:$0x1] =	stream.indirect.gather [hbm4b:s0+s10], $0x80, s20, s10, $0xb8;
	[tilespmem:$0x1E8C0] =	vst v63  }
0x3c9: {  	_ =	swait.ge [sflag:s14], $0x4000  }
0x3ca: {  	[sflag:s14] =	ssyncset.done $0x0  }
0x3cb: {  	s21 =	simm.s32 $0x2580;
	[sflag:s14] =	ssyncadd.s32 $0xFFFFC000  }
0x3cc: {  	[spmem:s3] =	stream.indirect.scatter.add.f32 [tilespmem:s11], [sflag:$0x5], $0x80, s21, s10, $0xb8;
	[tilespmem:$0x1E8C0] =	vst v63  }
0x3cd: {  	_ =	swait.ge [sflag:s12], $0x4000  }
0x3ce: {  	[sflag:s12] =	ssyncset.done $0x0  }
0x3cf: {  	s22 =	simm.s32 $0x1A80;
	[sflag:s12] =	ssyncadd.s32 $0xFFFFC000  }
0x3d0: {  	[tilespmem:s11], [sflag:$0x2] =	stream.indirect.gather [hbm4b:s0+s10], $0x80, s22, s10, $0xb8;
	[tilespmem:$0x1E8C0] =	vst v63  }
0x3d1: {  	_ =	swait.ge [sflag:s7], $0x4000  }
0x3d2: {  	[sflag:s7] =	ssyncset.done $0x0  }
0x3d3: {  	s23 =	simm.s32 $0x2600;
	[sflag:s7] =	ssyncadd.s32 $0xFFFFC000  }
0x3d4: {  	[spmem:s3] =	stream.indirect.scatter.add.f32 [tilespmem:s5], [sflag:$0x5], $0x80, s23, s10, $0xb8;
	[tilespmem:$0x1E8C0] =	vst v63  }
0x3d5: {  	_ =	swait.ge [sflag:s12], $0x4000  }
0x3d6: {  	[sflag:s12] =	ssyncset.done $0x0  }
0x3d7: {  	s25 =	simm.s32 $0x1B00;
	[sflag:s12] =	ssyncadd.s32 $0xFFFFC000  }
0x3d8: {  	[tilespmem:s5], [sflag:$0x1] =	stream.indirect.gather [hbm4b:s0+s10], $0x80, s25, s10, $0xb8;
	[tilespmem:$0x1E8C0] =	vst v63  }
0x3d9: {  	_ =	swait.ge [sflag:s14], $0x4000  }
0x3da: {  	[sflag:s14] =	ssyncset.done $0x0  }
0x3db: {  	s26 =	simm.s32 $0x2680;
	[sflag:s14] =	ssyncadd.s32 $0xFFFFC000  }
0x3dc: {  	[spmem:s3] =	stream.indirect.scatter.add.f32 [tilespmem:s11], [sflag:$0x5], $0x80, s26, s10, $0xb8;
	[tilespmem:$0x1E8C0] =	vst v63  }
0x3dd: {  	_ =	swait.ge [sflag:s12], $0x4000  }
0x3de: {  	[sflag:s12] =	ssyncset.done $0x0  }
0x3df: {  	s28 =	simm.s32 $0x1B80;
	[sflag:s12] =	ssyncadd.s32 $0xFFFFC000  }
0x3e0: {  	[tilespmem:s11], [sflag:$0x2] =	stream.indirect.gather [hbm4b:s0+s10], $0x80, s28, s10, $0xb8;
	[tilespmem:$0x1E8C0] =	vst v63  }
0x3e1: {  	_ =	swait.ge [sflag:s7], $0x4000  }
0x3e2: {  	[sflag:s7] =	ssyncset.done $0x0  }
0x3e3: {  	s29 =	simm.s32 $0x2700;
	[sflag:s7] =	ssyncadd.s32 $0xFFFFC000  }
0x3e4: {  	[spmem:s3] =	stream.indirect.scatter.add.f32 [tilespmem:s5], [sflag:$0x5], $0x80, s29, s10, $0xb8;
	[tilespmem:$0x1E8C0] =	vst v63  }
0x3e5: {  	_ =	swait.ge [sflag:s12], $0x4000  }
0x3e6: {  	[sflag:s12] =	ssyncset.done $0x0  }
0x3e7: {  	s30 =	simm.s32 $0x1C00;
	[sflag:s12] =	ssyncadd.s32 $0xFFFFC000  }
0x3e8: {  	[tilespmem:s5], [sflag:$0x1] =	stream.indirect.gather [hbm4b:s0+s10], $0x80, s30, s10, $0xb8;
	[tilespmem:$0x1E8C0] =	vst v63  }
0x3e9: {  	_ =	swait.ge [sflag:s14], $0x4000  }
0x3ea: {  	[sflag:s14] =	ssyncset.done $0x0  }
0x3eb: {  	s2 =	simm.s32 $0x2780;
	[sflag:s14] =	ssyncadd.s32 $0xFFFFC000  }
0x3ec: {  	[spmem:s3] =	stream.indirect.scatter.add.f32 [tilespmem:s11], [sflag:$0x5], $0x80, s2, s10, $0xb8;
	[tilespmem:$0x1E8C0] =	vst v63  }
0x3ed: {  	_ =	swait.ge [sflag:s12], $0x4000  }
0x3ee: {  	[sflag:s12] =	ssyncset.done $0x0  }
0x3ef: {  	s8 =	simm.s32 $0x1C80;
	[sflag:s12] =	ssyncadd.s32 $0xFFFFC000  }
0x3f0: {  	[tilespmem:s11], [sflag:$0x2] =	stream.indirect.gather [hbm4b:s0+s10], $0x80, s8, s10, $0xb8;
	[tilespmem:$0x1E8C0] =	vst v63  }
0x3f1: {  	_ =	swait.ge [sflag:s7], $0x4000  }
0x3f2: {  	[sflag:s7] =	ssyncset.done $0x0  }
0x3f3: {  	s28 =	simm.s32 $0x2800;
	[sflag:s7] =	ssyncadd.s32 $0xFFFFC000  }
0x3f4: {  	[spmem:s3] =	stream.indirect.scatter.add.f32 [tilespmem:s5], [sflag:$0x5], $0x80, s28, s10, $0xb8;
	[tilespmem:$0x1E8C0] =	vst v63  }
0x3f5: {  	_ =	swait.ge [sflag:s12], $0x4000  }
0x3f6: {  	[sflag:s12] =	ssyncset.done $0x0  }
0x3f7: {  	s2 =	simm.s32 $0x1D00;
	[sflag:s12] =	ssyncadd.s32 $0xFFFFC000  }
0x3f8: {  	[tilespmem:s5], [sflag:$0x1] =	stream.indirect.gather [hbm4b:s0+s10], $0x80, s2, s10, $0xb8;
	[tilespmem:$0x1E8C0] =	vst v63  }
0x3f9: {  	_ =	swait.ge [sflag:s14], $0x4000  }
0x3fa: {  	[sflag:s14] =	ssyncset.done $0x0  }
0x3fb: {  	s8 =	simm.s32 $0x2880;
	[sflag:s14] =	ssyncadd.s32 $0xFFFFC000  }
0x3fc: {  	[spmem:s3] =	stream.indirect.scatter.add.f32 [tilespmem:s11], [sflag:$0x5], $0x80, s8, s10, $0xb8;
	[tilespmem:$0x1E8C0] =	vst v63  }
0x3fd: {  	_ =	swait.ge [sflag:s12], $0x4000  }
0x3fe: {  	[sflag:s12] =	ssyncset.done $0x0  }
0x3ff: {  	s28 =	simm.s32 $0x1D80;
	[sflag:s12] =	ssyncadd.s32 $0xFFFFC000  }
0x400: {  	[tilespmem:s11], [sflag:$0x2] =	stream.indirect.gather [hbm4b:s0+s10], $0x80, s28, s10, $0xb8;
	[tilespmem:$0x1E8C0] =	vst v63  }
0x401: {  	_ =	swait.ge [sflag:s7], $0x4000  }
0x402: {  	[sflag:s7] =	ssyncset.done $0x0  }
0x403: {  	s2 =	simm.s32 $0x2900;
	[sflag:s7] =	ssyncadd.s32 $0xFFFFC000  }
0x404: {  	[spmem:s3] =	stream.indirect.scatter.add.f32 [tilespmem:s5], [sflag:$0x5], $0x80, s2, s10, $0xb8;
	[tilespmem:$0x1E8C0] =	vst v63  }
0x405: {  	_ =	swait.ge [sflag:s12], $0x4000  }
0x406: {  	[sflag:s12] =	ssyncset.done $0x0  }
0x407: {  	s8 =	simm.s32 $0x1E00;
	[sflag:s12] =	ssyncadd.s32 $0xFFFFC000  }
0x408: {  	[tilespmem:s5], [sflag:$0x1] =	stream.indirect.gather [hbm4b:s0+s10], $0x80, s8, s10, $0xb8;
	[tilespmem:$0x1E8C0] =	vst v63  }
0x409: {  	_ =	swait.ge [sflag:s14], $0x4000  }
0x40a: {  	[sflag:s14] =	ssyncset.done $0x0  }
0x40b: {  	s28 =	simm.s32 $0x2980;
	[sflag:s14] =	ssyncadd.s32 $0xFFFFC000  }
0x40c: {  	[spmem:s3] =	stream.indirect.scatter.add.f32 [tilespmem:s11], [sflag:$0x5], $0x80, s28, s10, $0xb8;
	[tilespmem:$0x1E8C0] =	vst v63  }
0x40d: {  	_ =	swait.ge [sflag:s12], $0x4000  }
0x40e: {  	[sflag:s12] =	ssyncset.done $0x0  }
0x40f: {  	s2 =	simm.s32 $0x1E80;
	[sflag:s12] =	ssyncadd.s32 $0xFFFFC000  }
0x410: {  	[tilespmem:s11], [sflag:$0x2] =	stream.indirect.gather [hbm4b:s0+s10], $0x80, s2, s10, $0xb8;
	[tilespmem:$0x1E8C0] =	vst v63  }
0x411: {  	_ =	swait.ge [sflag:s7], $0x4000  }
0x412: {  	[sflag:s7] =	ssyncset.done $0x0  }
0x413: {  	s8 =	simm.s32 $0x2A00;
	[sflag:s7] =	ssyncadd.s32 $0xFFFFC000  }
0x414: {  	[spmem:s3] =	stream.indirect.scatter.add.f32 [tilespmem:s5], [sflag:$0x5], $0x80, s8, s10, $0xb8;
	[tilespmem:$0x1E8C0] =	vst v63  }
0x415: {  	_ =	swait.ge [sflag:s12], $0x4000  }
0x416: {  	[sflag:s12] =	ssyncset.done $0x0  }
0x417: {  	s28 =	simm.s32 $0x1F00;
	[sflag:s12] =	ssyncadd.s32 $0xFFFFC000  }
0x418: {  	[tilespmem:s5], [sflag:$0x1] =	stream.indirect.gather [hbm4b:s0+s10], $0x80, s28, s10, $0xb8;
	[tilespmem:$0x1E8C0] =	vst v63  }
0x419: {  	_ =	swait.ge [sflag:s14], $0x4000  }
0x41a: {  	[sflag:s14] =	ssyncset.done $0x0  }
0x41b: {  	s2 =	simm.s32 $0x2A80;
	[sflag:s14] =	ssyncadd.s32 $0xFFFFC000  }
0x41c: {  	[spmem:s3] =	stream.indirect.scatter.add.f32 [tilespmem:s11], [sflag:$0x5], $0x80, s2, s10, $0xb8;
	[tilespmem:$0x1E8C0] =	vst v63  }
0x41d: {  	_ =	swait.ge [sflag:s12], $0x4000  }
0x41e: {  	[sflag:s12] =	ssyncset.done $0x0  }
0x41f: {  	s8 =	simm.s32 $0x1F80;
	[sflag:s12] =	ssyncadd.s32 $0xFFFFC000  }
0x420: {  	[tilespmem:s11], [sflag:$0x2] =	stream.indirect.gather [hbm4b:s0+s10], $0x80, s8, s10, $0xb8;
	[tilespmem:$0x1E8C0] =	vst v63  }
0x421: {  	_ =	swait.ge [sflag:s7], $0x4000  }
0x422: {  	[sflag:s7] =	ssyncset.done $0x0  }
0x423: {  	s28 =	simm.s32 $0x2B00;
	[sflag:s7] =	ssyncadd.s32 $0xFFFFC000  }
0x424: {  	[spmem:s3] =	stream.indirect.scatter.add.f32 [tilespmem:s5], [sflag:$0x5], $0x80, s28, s10, $0xb8;
	[tilespmem:$0x1E8C0] =	vst v63  }
0x425: {  	_ =	swait.ge [sflag:s12], $0x4000  }
0x426: {  	[sflag:s12] =	ssyncset.done $0x0  }
0x427: {  	s2 =	simm.s32 $0x2000;
	[sflag:s12] =	ssyncadd.s32 $0xFFFFC000  }
0x428: {  	[tilespmem:s5], [sflag:$0x1] =	stream.indirect.gather [hbm4b:s0+s10], $0x80, s2, s10, $0xb8;
	[tilespmem:$0x1E8C0] =	vst v63  }
0x429: {  	_ =	swait.ge [sflag:s14], $0x4000  }
0x42a: {  	[sflag:s14] =	ssyncset.done $0x0  }
0x42b: {  	s8 =	simm.s32 $0x2B80;
	[sflag:s14] =	ssyncadd.s32 $0xFFFFC000  }
0x42c: {  	[spmem:s3] =	stream.indirect.scatter.add.f32 [tilespmem:s11], [sflag:$0x5], $0x80, s8, s10, $0xb8;
	[tilespmem:$0x1E8C0] =	vst v63  }
0x42d: {  	_ =	swait.ge [sflag:s12], $0x4000  }
0x42e: {  	[sflag:s12] =	ssyncset.done $0x0  }
0x42f: {  	s28 =	simm.s32 $0x2080;
	[sflag:s12] =	ssyncadd.s32 $0xFFFFC000  }
0x430: {  	[tilespmem:s11], [sflag:$0x2] =	stream.indirect.gather [hbm4b:s0+s10], $0x80, s28, s10, $0xb8;
	[tilespmem:$0x1E8C0] =	vst v63  }
0x431: {  	_ =	swait.ge [sflag:s7], $0x4000  }
0x432: {  	[sflag:s7] =	ssyncset.done $0x0  }
0x433: {  	s2 =	simm.s32 $0x2C00;
	[sflag:s7] =	ssyncadd.s32 $0xFFFFC000  }
0x434: {  	[spmem:s3] =	stream.indirect.scatter.add.f32 [tilespmem:s5], [sflag:$0x5], $0x80, s2, s10, $0xb8;
	[tilespmem:$0x1E8C0] =	vst v63  }
0x435: {  	_ =	swait.ge [sflag:s12], $0x4000  }
0x436: {  	[sflag:s12] =	ssyncset.done $0x0  }
0x437: {  	s8 =	simm.s32 $0x2100;
	[sflag:s12] =	ssyncadd.s32 $0xFFFFC000  }
0x438: {  	[tilespmem:s5], [sflag:$0x1] =	stream.indirect.gather [hbm4b:s0+s10], $0x80, s8, s10, $0xb8;
	[tilespmem:$0x1E8C0] =	vst v63  }
0x439: {  	_ =	swait.ge [sflag:s14], $0x4000  }
0x43a: {  	[sflag:s14] =	ssyncset.done $0x0  }
0x43b: {  	s28 =	simm.s32 $0x2C80;
	[sflag:s14] =	ssyncadd.s32 $0xFFFFC000  }
0x43c: {  	[spmem:s3] =	stream.indirect.scatter.add.f32 [tilespmem:s11], [sflag:$0x5], $0x80, s28, s10, $0xb8;
	[tilespmem:$0x1E8C0] =	vst v63  }
0x43d: {  	_ =	swait.ge [sflag:s12], $0x4000  }
0x43e: {  	[sflag:s12] =	ssyncset.done $0x0  }
0x43f: {  	s2 =	simm.s32 $0x2180;
	[sflag:s12] =	ssyncadd.s32 $0xFFFFC000  }
0x440: {  	[tilespmem:s11], [sflag:$0x2] =	stream.indirect.gather [hbm4b:s0+s10], $0x80, s2, s10, $0xb8;
	[tilespmem:$0x1E8C0] =	vst v63  }
0x441: {  	_ =	swait.ge [sflag:s7], $0x4000  }
0x442: {  	[sflag:s7] =	ssyncset.done $0x0  }
0x443: {  	s8 =	simm.s32 $0x2D00;
	[sflag:s7] =	ssyncadd.s32 $0xFFFFC000  }
0x444: {  	[spmem:s3] =	stream.indirect.scatter.add.f32 [tilespmem:s5], [sflag:$0x5], $0x80, s8, s10, $0xb8;
	[tilespmem:$0x1E8C0] =	vst v63  }
0x445: {  	_ =	swait.ge [sflag:s12], $0x4000  }
0x446: {  	[sflag:s12] =	ssyncset.done $0x0  }
0x447: {  	[sflag:s12] =	ssyncadd.s32 $0xFFFFC000  }
0x448: {  	_ =	swait.ge [sflag:s9], $0xA00  }
0x449: {  	[sflag:s9] =	ssyncset.done $0x0  }
0x44a: {  	[sflag:s9] =	ssyncadd.s32 $0xFFFFF600  }
0x44b: {  	_ =	swait.ge [sflag:s9], $0xA00  }
0x44c: {  	[sflag:s9] =	ssyncset.done $0x0  }
0x44d: {  	[sflag:s9] =	ssyncadd.s32 $0xFFFFF600  }
0x44e: {  	[tilespmem:s5], [sflag:$0x1] =	stream.indirect.gather [hbm4b:s0+s10], $0x80, s4, s10, $0xb8;
	[tilespmem:$0x1E8C0] =	vst v63  }
0x44f: {  	_ =	swait.ge [sflag:s14], $0x4000  }
0x450: {  	[sflag:s14] =	ssyncset.done $0x0  }
0x451: {  	s28 =	simm.s32 $0x2D80;
	[sflag:s14] =	ssyncadd.s32 $0xFFFFC000  }
0x452: {  	[spmem:s3] =	stream.indirect.scatter.add.f32 [tilespmem:s11], [sflag:$0x5], $0x80, s28, s10, $0xb8;
	[tilespmem:$0x1E8C0] =	vst v63  }
0x453: {  	_ =	swait.ge [sflag:s12], $0x4000  }
0x454: {  	[sflag:s12] =	ssyncset.done $0x0  }
0x455: {  	s2 =	simm.s32 $0x1800;
	s1 =	rddreg [dreg:$0x16];
	[sflag:s12] =	ssyncadd.s32 $0xFFFFC000  }
0x456: {  	[tilespmem:s2], [sflag:$0x4] =	stream.linear.gather [hbm4b:s1+s4], $0xA00, $0x38;
	[tilespmem:$0x1E8C0] =	vst v63  }
0x457: {  	s2 =	simm.s32 $0x2400;
	s1 =	rddreg [dreg:$0x1c]  }
0x458: {  	[tilespmem:s2], [sflag:$0x4] =	stream.linear.gather [hbm4b:s1+s4], $0xA00, $0x38;
	[tilespmem:$0x1E8C0] =	vst v63  }
0x459: {  	_ = 	snop  }
0x45a: {  	[tilespmem:s11], [sflag:$0x2] =	stream.indirect.gather [hbm4b:s0+s10], $0x80, s10, s10, $0xb8;
	[tilespmem:$0x1E8C0] =	vst v63  }
0x45b: {  	_ =	swait.ge [sflag:s7], $0x4000  }
0x45c: {  	[sflag:s7] =	ssyncset.done $0x0  }
0x45d: {  	s28 =	simm.s32 $0xC00;
	[sflag:s7] =	ssyncadd.s32 $0xFFFFC000  }
0x45e: {  	[spmem:s3] =	stream.indirect.scatter.add.f32 [tilespmem:s5], [sflag:$0x5], $0x80, s28, s10, $0xb8;
	[tilespmem:$0x1E8C0] =	vst v63  }
0x45f: {  	_ =	swait.ge [sflag:s12], $0x4000  }
0x460: {  	[sflag:s12] =	ssyncset.done $0x0  }
0x461: {  	s6 =	simm.s32 $0x100;
	[sflag:s12] =	ssyncadd.s32 $0xFFFFC000  }
0x462: {  	[tilespmem:s5], [sflag:$0x1] =	stream.indirect.gather [hbm4b:s0+s10], $0x80, s6, s10, $0xb8;
	[tilespmem:$0x1E8C0] =	vst v63  }
0x463: {  	_ =	swait.ge [sflag:s14], $0x4000  }
0x464: {  	[sflag:s14] =	ssyncset.done $0x0  }
0x465: {  	s28 =	simm.s32 $0xC80;
	[sflag:s14] =	ssyncadd.s32 $0xFFFFC000  }
0x466: {  	[spmem:s3] =	stream.indirect.scatter.add.f32 [tilespmem:s11], [sflag:$0x5], $0x80, s28, s10, $0xb8;
	[tilespmem:$0x1E8C0] =	vst v63  }
0x467: {  	_ =	swait.ge [sflag:s12], $0x4000  }
0x468: {  	[sflag:s12] =	ssyncset.done $0x0  }
0x469: {  	s28 =	simm.s32 $0x180;
	[sflag:s12] =	ssyncadd.s32 $0xFFFFC000  }
0x46a: {  	[tilespmem:s11], [sflag:$0x2] =	stream.indirect.gather [hbm4b:s0+s10], $0x80, s28, s10, $0xb8;
	[tilespmem:$0x1E8C0] =	vst v63  }
0x46b: {  	_ =	swait.ge [sflag:s7], $0x4000  }
0x46c: {  	[sflag:s7] =	ssyncset.done $0x0  }
0x46d: {  	s28 =	simm.s32 $0xD00;
	[sflag:s7] =	ssyncadd.s32 $0xFFFFC000  }
0x46e: {  	[spmem:s3] =	stream.indirect.scatter.add.f32 [tilespmem:s5], [sflag:$0x5], $0x80, s28, s10, $0xb8;
	[tilespmem:$0x1E8C0] =	vst v63  }
0x46f: {  	_ =	swait.ge [sflag:s12], $0x4000  }
0x470: {  	[sflag:s12] =	ssyncset.done $0x0  }
0x471: {  	s28 =	simm.s32 $0x200;
	[sflag:s12] =	ssyncadd.s32 $0xFFFFC000  }
0x472: {  	[tilespmem:s5], [sflag:$0x1] =	stream.indirect.gather [hbm4b:s0+s10], $0x80, s28, s10, $0xb8;
	[tilespmem:$0x1E8C0] =	vst v63  }
0x473: {  	_ =	swait.ge [sflag:s14], $0x4000  }
0x474: {  	[sflag:s14] =	ssyncset.done $0x0  }
0x475: {  	s28 =	simm.s32 $0xD80;
	[sflag:s14] =	ssyncadd.s32 $0xFFFFC000  }
0x476: {  	[spmem:s3] =	stream.indirect.scatter.add.f32 [tilespmem:s11], [sflag:$0x5], $0x80, s28, s10, $0xb8;
	[tilespmem:$0x1E8C0] =	vst v63  }
0x477: {  	_ =	swait.ge [sflag:s12], $0x4000  }
0x478: {  	[sflag:s12] =	ssyncset.done $0x0  }
0x479: {  	s28 =	simm.s32 $0x280;
	[sflag:s12] =	ssyncadd.s32 $0xFFFFC000  }
0x47a: {  	[tilespmem:s11], [sflag:$0x2] =	stream.indirect.gather [hbm4b:s0+s10], $0x80, s28, s10, $0xb8;
	[tilespmem:$0x1E8C0] =	vst v63  }
0x47b: {  	_ =	swait.ge [sflag:s7], $0x4000  }
0x47c: {  	[sflag:s7] =	ssyncset.done $0x0  }
0x47d: {  	s28 =	simm.s32 $0xE00;
	[sflag:s7] =	ssyncadd.s32 $0xFFFFC000  }
0x47e: {  	[spmem:s3] =	stream.indirect.scatter.add.f32 [tilespmem:s5], [sflag:$0x5], $0x80, s28, s10, $0xb8;
	[tilespmem:$0x1E8C0] =	vst v63  }
0x47f: {  	_ =	swait.ge [sflag:s12], $0x4000  }
0x480: {  	[sflag:s12] =	ssyncset.done $0x0  }
0x481: {  	s28 =	simm.s32 $0x300;
	[sflag:s12] =	ssyncadd.s32 $0xFFFFC000  }
0x482: {  	[tilespmem:s5], [sflag:$0x1] =	stream.indirect.gather [hbm4b:s0+s10], $0x80, s28, s10, $0xb8;
	[tilespmem:$0x1E8C0] =	vst v63  }
0x483: {  	_ =	swait.ge [sflag:s14], $0x4000  }
0x484: {  	[sflag:s14] =	ssyncset.done $0x0  }
0x485: {  	s28 =	simm.s32 $0xE80;
	[sflag:s14] =	ssyncadd.s32 $0xFFFFC000  }
0x486: {  	[spmem:s3] =	stream.indirect.scatter.add.f32 [tilespmem:s11], [sflag:$0x5], $0x80, s28, s10, $0xb8;
	[tilespmem:$0x1E8C0] =	vst v63  }
0x487: {  	_ =	swait.ge [sflag:s12], $0x4000  }
0x488: {  	[sflag:s12] =	ssyncset.done $0x0  }
0x489: {  	s28 =	simm.s32 $0x380;
	[sflag:s12] =	ssyncadd.s32 $0xFFFFC000  }
0x48a: {  	[tilespmem:s11], [sflag:$0x2] =	stream.indirect.gather [hbm4b:s0+s10], $0x80, s28, s10, $0xb8;
	[tilespmem:$0x1E8C0] =	vst v63  }
0x48b: {  	_ =	swait.ge [sflag:s7], $0x4000  }
0x48c: {  	[sflag:s7] =	ssyncset.done $0x0  }
0x48d: {  	[sflag:s7] =	ssyncadd.s32 $0xFFFFC000  }
0x48e: {  	[spmem:s3] =	stream.indirect.scatter.add.f32 [tilespmem:s5], [sflag:$0x5], $0x80, s13, s10, $0xb8;
	[tilespmem:$0x1E8C0] =	vst v63  }
0x48f: {  	_ =	swait.ge [sflag:s12], $0x4000  }
0x490: {  	[sflag:s12] =	ssyncset.done $0x0  }
0x491: {  	s28 =	simm.s32 $0x400;
	[sflag:s12] =	ssyncadd.s32 $0xFFFFC000  }
0x492: {  	[tilespmem:s5], [sflag:$0x1] =	stream.indirect.gather [hbm4b:s0+s10], $0x80, s28, s10, $0xb8;
	[tilespmem:$0x1E8C0] =	vst v63  }
0x493: {  	_ =	swait.ge [sflag:s14], $0x4000  }
0x494: {  	[sflag:s14] =	ssyncset.done $0x0  }
0x495: {  	[sflag:s14] =	ssyncadd.s32 $0xFFFFC000  }
0x496: {  	[spmem:s3] =	stream.indirect.scatter.add.f32 [tilespmem:s11], [sflag:$0x5], $0x80, s15, s10, $0xb8;
	[tilespmem:$0x1E8C0] =	vst v63  }
0x497: {  	_ =	swait.ge [sflag:s12], $0x4000  }
0x498: {  	[sflag:s12] =	ssyncset.done $0x0  }
0x499: {  	s28 =	simm.s32 $0x480;
	[sflag:s12] =	ssyncadd.s32 $0xFFFFC000  }
0x49a: {  	[tilespmem:s11], [sflag:$0x2] =	stream.indirect.gather [hbm4b:s0+s10], $0x80, s28, s10, $0xb8;
	[tilespmem:$0x1E8C0] =	vst v63  }
0x49b: {  	_ =	swait.ge [sflag:s7], $0x4000  }
0x49c: {  	[sflag:s7] =	ssyncset.done $0x0  }
0x49d: {  	s15 =	simm.s32 $0x1000;
	[sflag:s7] =	ssyncadd.s32 $0xFFFFC000  }
0x49e: {  	[spmem:s3] =	stream.indirect.scatter.add.f32 [tilespmem:s5], [sflag:$0x5], $0x80, s15, s10, $0xb8;
	[tilespmem:$0x1E8C0] =	vst v63  }
0x49f: {  	_ =	swait.ge [sflag:s12], $0x4000  }
0x4a0: {  	[sflag:s12] =	ssyncset.done $0x0  }
0x4a1: {  	s28 =	simm.s32 $0x500;
	[sflag:s12] =	ssyncadd.s32 $0xFFFFC000  }
0x4a2: {  	[tilespmem:s5], [sflag:$0x1] =	stream.indirect.gather [hbm4b:s0+s10], $0x80, s28, s10, $0xb8;
	[tilespmem:$0x1E8C0] =	vst v63  }
0x4a3: {  	_ =	swait.ge [sflag:s14], $0x4000  }
0x4a4: {  	[sflag:s14] =	ssyncset.done $0x0  }
0x4a5: {  	s15 =	simm.s32 $0x1080;
	[sflag:s14] =	ssyncadd.s32 $0xFFFFC000  }
0x4a6: {  	[spmem:s3] =	stream.indirect.scatter.add.f32 [tilespmem:s11], [sflag:$0x5], $0x80, s15, s10, $0xb8;
	[tilespmem:$0x1E8C0] =	vst v63  }
0x4a7: {  	_ =	swait.ge [sflag:s12], $0x4000  }
0x4a8: {  	[sflag:s12] =	ssyncset.done $0x0  }
0x4a9: {  	[sflag:s12] =	ssyncadd.s32 $0xFFFFC000  }
0x4aa: {  	[tilespmem:s11], [sflag:$0x2] =	stream.indirect.gather [hbm4b:s0+s10], $0x80, s31, s10, $0xb8;
	[tilespmem:$0x1E8C0] =	vst v63  }
0x4ab: {  	_ =	swait.ge [sflag:s7], $0x4000  }
0x4ac: {  	[sflag:s7] =	ssyncset.done $0x0  }
0x4ad: {  	s28 =	simm.s32 $0x1100;
	[sflag:s7] =	ssyncadd.s32 $0xFFFFC000  }
0x4ae: {  	[spmem:s3] =	stream.indirect.scatter.add.f32 [tilespmem:s5], [sflag:$0x5], $0x80, s28, s10, $0xb8;
	[tilespmem:$0x1E8C0] =	vst v63  }
0x4af: {  	_ =	swait.ge [sflag:s12], $0x4000  }
0x4b0: {  	[sflag:s12] =	ssyncset.done $0x0  }
0x4b1: {  	s31 =	simm.s32 $0x600;
	[sflag:s12] =	ssyncadd.s32 $0xFFFFC000  }
0x4b2: {  	[tilespmem:s5], [sflag:$0x1] =	stream.indirect.gather [hbm4b:s0+s10], $0x80, s31, s10, $0xb8;
	[tilespmem:$0x1E8C0] =	vst v63  }
0x4b3: {  	_ =	swait.ge [sflag:s14], $0x4000  }
0x4b4: {  	[sflag:s14] =	ssyncset.done $0x0  }
0x4b5: {  	s15 =	simm.s32 $0x1180;
	[sflag:s14] =	ssyncadd.s32 $0xFFFFC000  }
0x4b6: {  	[spmem:s3] =	stream.indirect.scatter.add.f32 [tilespmem:s11], [sflag:$0x5], $0x80, s15, s10, $0xb8;
	[tilespmem:$0x1E8C0] =	vst v63  }
0x4b7: {  	_ =	swait.ge [sflag:s12], $0x4000  }
0x4b8: {  	[sflag:s12] =	ssyncset.done $0x0  }
0x4b9: {  	s28 =	simm.s32 $0x680;
	[sflag:s12] =	ssyncadd.s32 $0xFFFFC000  }
0x4ba: {  	[tilespmem:s11], [sflag:$0x2] =	stream.indirect.gather [hbm4b:s0+s10], $0x80, s28, s10, $0xb8;
	[tilespmem:$0x1E8C0] =	vst v63  }
0x4bb: {  	_ =	swait.ge [sflag:s7], $0x4000  }
0x4bc: {  	[sflag:s7] =	ssyncset.done $0x0  }
0x4bd: {  	s31 =	simm.s32 $0x1200;
	[sflag:s7] =	ssyncadd.s32 $0xFFFFC000  }
0x4be: {  	[spmem:s3] =	stream.indirect.scatter.add.f32 [tilespmem:s5], [sflag:$0x5], $0x80, s31, s10, $0xb8;
	[tilespmem:$0x1E8C0] =	vst v63  }
0x4bf: {  	_ =	swait.ge [sflag:s12], $0x4000  }
0x4c0: {  	[sflag:s12] =	ssyncset.done $0x0  }
0x4c1: {  	s15 =	simm.s32 $0x700;
	[sflag:s12] =	ssyncadd.s32 $0xFFFFC000  }
0x4c2: {  	[tilespmem:s5], [sflag:$0x1] =	stream.indirect.gather [hbm4b:s0+s10], $0x80, s15, s10, $0xb8;
	[tilespmem:$0x1E8C0] =	vst v63  }
0x4c3: {  	_ =	swait.ge [sflag:s14], $0x4000  }
0x4c4: {  	[sflag:s14] =	ssyncset.done $0x0  }
0x4c5: {  	s28 =	simm.s32 $0x1280;
	[sflag:s14] =	ssyncadd.s32 $0xFFFFC000  }
0x4c6: {  	[spmem:s3] =	stream.indirect.scatter.add.f32 [tilespmem:s11], [sflag:$0x5], $0x80, s28, s10, $0xb8;
	[tilespmem:$0x1E8C0] =	vst v63  }
0x4c7: {  	_ =	swait.ge [sflag:s12], $0x4000  }
0x4c8: {  	[sflag:s12] =	ssyncset.done $0x0  }
0x4c9: {  	s31 =	simm.s32 $0x780;
	[sflag:s12] =	ssyncadd.s32 $0xFFFFC000  }
0x4ca: {  	[tilespmem:s11], [sflag:$0x2] =	stream.indirect.gather [hbm4b:s0+s10], $0x80, s31, s10, $0xb8;
	[tilespmem:$0x1E8C0] =	vst v63  }
0x4cb: {  	_ =	swait.ge [sflag:s7], $0x4000  }
0x4cc: {  	[sflag:s7] =	ssyncset.done $0x0  }
0x4cd: {  	s15 =	simm.s32 $0x1300;
	[sflag:s7] =	ssyncadd.s32 $0xFFFFC000  }
0x4ce: {  	[spmem:s3] =	stream.indirect.scatter.add.f32 [tilespmem:s5], [sflag:$0x5], $0x80, s15, s10, $0xb8;
	[tilespmem:$0x1E8C0] =	vst v63  }
0x4cf: {  	_ =	swait.ge [sflag:s12], $0x4000  }
0x4d0: {  	[sflag:s12] =	ssyncset.done $0x0  }
0x4d1: {  	s28 =	simm.s32 $0x800;
	[sflag:s12] =	ssyncadd.s32 $0xFFFFC000  }
0x4d2: {  	[tilespmem:s5], [sflag:$0x1] =	stream.indirect.gather [hbm4b:s0+s10], $0x80, s28, s10, $0xb8;
	[tilespmem:$0x1E8C0] =	vst v63  }
0x4d3: {  	_ =	swait.ge [sflag:s14], $0x4000  }
0x4d4: {  	[sflag:s14] =	ssyncset.done $0x0  }
0x4d5: {  	s31 =	simm.s32 $0x1380;
	[sflag:s14] =	ssyncadd.s32 $0xFFFFC000  }
0x4d6: {  	[spmem:s3] =	stream.indirect.scatter.add.f32 [tilespmem:s11], [sflag:$0x5], $0x80, s31, s10, $0xb8;
	[tilespmem:$0x1E8C0] =	vst v63  }
0x4d7: {  	_ =	swait.ge [sflag:s12], $0x4000  }
0x4d8: {  	[sflag:s12] =	ssyncset.done $0x0  }
0x4d9: {  	s15 =	simm.s32 $0x880;
	[sflag:s12] =	ssyncadd.s32 $0xFFFFC000  }
0x4da: {  	[tilespmem:s11], [sflag:$0x2] =	stream.indirect.gather [hbm4b:s0+s10], $0x80, s15, s10, $0xb8;
	[tilespmem:$0x1E8C0] =	vst v63  }
0x4db: {  	_ =	swait.ge [sflag:s7], $0x4000  }
0x4dc: {  	[sflag:s7] =	ssyncset.done $0x0  }
0x4dd: {  	s28 =	simm.s32 $0x1400;
	[sflag:s7] =	ssyncadd.s32 $0xFFFFC000  }
0x4de: {  	[spmem:s3] =	stream.indirect.scatter.add.f32 [tilespmem:s5], [sflag:$0x5], $0x80, s28, s10, $0xb8;
	[tilespmem:$0x1E8C0] =	vst v63  }
0x4df: {  	_ =	swait.ge [sflag:s12], $0x4000  }
0x4e0: {  	[sflag:s12] =	ssyncset.done $0x0  }
0x4e1: {  	s31 =	simm.s32 $0x900;
	[sflag:s12] =	ssyncadd.s32 $0xFFFFC000  }
0x4e2: {  	[tilespmem:s5], [sflag:$0x1] =	stream.indirect.gather [hbm4b:s0+s10], $0x80, s31, s10, $0xb8;
	[tilespmem:$0x1E8C0] =	vst v63  }
0x4e3: {  	_ =	swait.ge [sflag:s14], $0x4000  }
0x4e4: {  	[sflag:s14] =	ssyncset.done $0x0  }
0x4e5: {  	s15 =	simm.s32 $0x1480;
	[sflag:s14] =	ssyncadd.s32 $0xFFFFC000  }
0x4e6: {  	[spmem:s3] =	stream.indirect.scatter.add.f32 [tilespmem:s11], [sflag:$0x5], $0x80, s15, s10, $0xb8;
	[tilespmem:$0x1E8C0] =	vst v63  }
0x4e7: {  	_ =	swait.ge [sflag:s12], $0x4000  }
0x4e8: {  	[sflag:s12] =	ssyncset.done $0x0  }
0x4e9: {  	s28 =	simm.s32 $0x980;
	[sflag:s12] =	ssyncadd.s32 $0xFFFFC000  }
0x4ea: {  	[tilespmem:s11], [sflag:$0x2] =	stream.indirect.gather [hbm4b:s0+s10], $0x80, s28, s10, $0xb8;
	[tilespmem:$0x1E8C0] =	vst v63  }
0x4eb: {  	_ =	swait.ge [sflag:s7], $0x4000  }
0x4ec: {  	[sflag:s7] =	ssyncset.done $0x0  }
0x4ed: {  	s31 =	simm.s32 $0x1500;
	[sflag:s7] =	ssyncadd.s32 $0xFFFFC000  }
0x4ee: {  	[spmem:s3] =	stream.indirect.scatter.add.f32 [tilespmem:s5], [sflag:$0x5], $0x80, s31, s10, $0xb8;
	[tilespmem:$0x1E8C0] =	vst v63  }
0x4ef: {  	_ =	swait.ge [sflag:s12], $0x4000  }
0x4f0: {  	[sflag:s12] =	ssyncset.done $0x0  }
0x4f1: {  	[sflag:s12] =	ssyncadd.s32 $0xFFFFC000  }
0x4f2: {  	_ =	swait.ge [sflag:s16], $0xA00  }
0x4f3: {  	[sflag:s16] =	ssyncset.done $0x0  }
0x4f4: {  	[sflag:s16] =	ssyncadd.s32 $0xFFFFF600  }
0x4f5: {  	_ =	swait.ge [sflag:s16], $0xA00  }
0x4f6: {  	[sflag:s16] =	ssyncset.done $0x0  }
0x4f7: {  	s1 =	simm.s32 $0x1800;
	[sflag:s16] =	ssyncadd.s32 $0xFFFFF600  }
0x4f8: {  	[tilespmem:s5], [sflag:$0x1] =	stream.indirect.gather [hbm4b:s0+s10], $0x80, s1, s10, $0xb8;
	[tilespmem:$0x1E8C0] =	vst v63  }
0x4f9: {  	_ =	swait.ge [sflag:s14], $0x4000  }
0x4fa: {  	[sflag:s14] =	ssyncset.done $0x0  }
0x4fb: {  	s15 =	simm.s32 $0x1580;
	[sflag:s14] =	ssyncadd.s32 $0xFFFFC000  }
0x4fc: {  	[spmem:s3] =	stream.indirect.scatter.add.f32 [tilespmem:s11], [sflag:$0x5], $0x80, s15, s10, $0xb8;
	[tilespmem:$0x1E8C0] =	vst v63  }
0x4fd: {  	_ =	swait.ge [sflag:s12], $0x4000  }
0x4fe: {  	[sflag:s12] =	ssyncset.done $0x0  }
0x4ff: {  	s28 =	simm.s32 $0x1880;
	[sflag:s12] =	ssyncadd.s32 $0xFFFFC000  }
0x500: {  	[tilespmem:s11], [sflag:$0x2] =	stream.indirect.gather [hbm4b:s0+s10], $0x80, s28, s10, $0xb8;
	[tilespmem:$0x1E8C0] =	vst v63  }
0x501: {  	_ =	swait.ge [sflag:s7], $0x4000  }
0x502: {  	[sflag:s7] =	ssyncset.done $0x0  }
0x503: {  	[sflag:s7] =	ssyncadd.s32 $0xFFFFC000  }
0x504: {  	[spmem:s3] =	stream.indirect.scatter.add.f32 [tilespmem:s5], [sflag:$0x5], $0x80, s2, s10, $0xb8;
	[tilespmem:$0x1E8C0] =	vst v63  }
0x505: {  	_ =	swait.ge [sflag:s12], $0x4000  }
0x506: {  	[sflag:s12] =	ssyncset.done $0x0  }
0x507: {  	s31 =	simm.s32 $0x1900;
	[sflag:s12] =	ssyncadd.s32 $0xFFFFC000  }
0x508: {  	[tilespmem:s5], [sflag:$0x1] =	stream.indirect.gather [hbm4b:s0+s10], $0x80, s31, s10, $0xb8;
	[tilespmem:$0x1E8C0] =	vst v63  }
0x509: {  	_ =	swait.ge [sflag:s14], $0x4000  }
0x50a: {  	[sflag:s14] =	ssyncset.done $0x0  }
0x50b: {  	s15 =	simm.s32 $0x2480;
	[sflag:s14] =	ssyncadd.s32 $0xFFFFC000  }
0x50c: {  	[spmem:s3] =	stream.indirect.scatter.add.f32 [tilespmem:s11], [sflag:$0x5], $0x80, s15, s10, $0xb8;
	[tilespmem:$0x1E8C0] =	vst v63  }
0x50d: {  	_ =	swait.ge [sflag:s12], $0x4000  }
0x50e: {  	[sflag:s12] =	ssyncset.done $0x0  }
0x50f: {  	s17 =	simm.s32 $0x1980;
	[sflag:s12] =	ssyncadd.s32 $0xFFFFC000  }
0x510: {  	[tilespmem:s11], [sflag:$0x2] =	stream.indirect.gather [hbm4b:s0+s10], $0x80, s17, s10, $0xb8;
	[tilespmem:$0x1E8C0] =	vst v63  }
0x511: {  	_ =	swait.ge [sflag:s7], $0x4000  }
0x512: {  	[sflag:s7] =	ssyncset.done $0x0  }
0x513: {  	s18 =	simm.s32 $0x2500;
	[sflag:s7] =	ssyncadd.s32 $0xFFFFC000  }
0x514: {  	[spmem:s3] =	stream.indirect.scatter.add.f32 [tilespmem:s5], [sflag:$0x5], $0x80, s18, s10, $0xb8;
	[tilespmem:$0x1E8C0] =	vst v63  }
0x515: {  	_ =	swait.ge [sflag:s12], $0x4000  }
0x516: {  	[sflag:s12] =	ssyncset.done $0x0  }
0x517: {  	s19 =	simm.s32 $0x1A00;
	[sflag:s12] =	ssyncadd.s32 $0xFFFFC000  }
0x518: {  	[tilespmem:s5], [sflag:$0x1] =	stream.indirect.gather [hbm4b:s0+s10], $0x80, s19, s10, $0xb8;
	[tilespmem:$0x1E8C0] =	vst v63  }
0x519: {  	_ =	swait.ge [sflag:s14], $0x4000  }
0x51a: {  	[sflag:s14] =	ssyncset.done $0x0  }
0x51b: {  	s20 =	simm.s32 $0x2580;
	[sflag:s14] =	ssyncadd.s32 $0xFFFFC000  }
0x51c: {  	[spmem:s3] =	stream.indirect.scatter.add.f32 [tilespmem:s11], [sflag:$0x5], $0x80, s20, s10, $0xb8;
	[tilespmem:$0x1E8C0] =	vst v63  }
0x51d: {  	_ =	swait.ge [sflag:s12], $0x4000  }
0x51e: {  	[sflag:s12] =	ssyncset.done $0x0  }
0x51f: {  	s21 =	simm.s32 $0x1A80;
	[sflag:s12] =	ssyncadd.s32 $0xFFFFC000  }
0x520: {  	[tilespmem:s11], [sflag:$0x2] =	stream.indirect.gather [hbm4b:s0+s10], $0x80, s21, s10, $0xb8;
	[tilespmem:$0x1E8C0] =	vst v63  }
0x521: {  	_ =	swait.ge [sflag:s7], $0x4000  }
0x522: {  	[sflag:s7] =	ssyncset.done $0x0  }
0x523: {  	s22 =	simm.s32 $0x2600;
	[sflag:s7] =	ssyncadd.s32 $0xFFFFC000  }
0x524: {  	[spmem:s3] =	stream.indirect.scatter.add.f32 [tilespmem:s5], [sflag:$0x5], $0x80, s22, s10, $0xb8;
	[tilespmem:$0x1E8C0] =	vst v63  }
0x525: {  	_ =	swait.ge [sflag:s12], $0x4000  }
0x526: {  	[sflag:s12] =	ssyncset.done $0x0  }
0x527: {  	s23 =	simm.s32 $0x1B00;
	[sflag:s12] =	ssyncadd.s32 $0xFFFFC000  }
0x528: {  	[tilespmem:s5], [sflag:$0x1] =	stream.indirect.gather [hbm4b:s0+s10], $0x80, s23, s10, $0xb8;
	[tilespmem:$0x1E8C0] =	vst v63  }
0x529: {  	_ =	swait.ge [sflag:s14], $0x4000  }
0x52a: {  	[sflag:s14] =	ssyncset.done $0x0  }
0x52b: {  	s25 =	simm.s32 $0x2680;
	[sflag:s14] =	ssyncadd.s32 $0xFFFFC000  }
0x52c: {  	[spmem:s3] =	stream.indirect.scatter.add.f32 [tilespmem:s11], [sflag:$0x5], $0x80, s25, s10, $0xb8;
	[tilespmem:$0x1E8C0] =	vst v63  }
0x52d: {  	_ =	swait.ge [sflag:s12], $0x4000  }
0x52e: {  	[sflag:s12] =	ssyncset.done $0x0  }
0x52f: {  	s26 =	simm.s32 $0x1B80;
	[sflag:s12] =	ssyncadd.s32 $0xFFFFC000  }
0x530: {  	[tilespmem:s11], [sflag:$0x2] =	stream.indirect.gather [hbm4b:s0+s10], $0x80, s26, s10, $0xb8;
	[tilespmem:$0x1E8C0] =	vst v63  }
0x531: {  	_ =	swait.ge [sflag:s7], $0x4000  }
0x532: {  	[sflag:s7] =	ssyncset.done $0x0  }
0x533: {  	s29 =	simm.s32 $0x2700;
	[sflag:s7] =	ssyncadd.s32 $0xFFFFC000  }
0x534: {  	[spmem:s3] =	stream.indirect.scatter.add.f32 [tilespmem:s5], [sflag:$0x5], $0x80, s29, s10, $0xb8;
	[tilespmem:$0x1E8C0] =	vst v63  }
0x535: {  	_ =	swait.ge [sflag:s12], $0x4000  }
0x536: {  	[sflag:s12] =	ssyncset.done $0x0  }
0x537: {  	s30 =	simm.s32 $0x1C00;
	[sflag:s12] =	ssyncadd.s32 $0xFFFFC000  }
0x538: {  	[tilespmem:s5], [sflag:$0x1] =	stream.indirect.gather [hbm4b:s0+s10], $0x80, s30, s10, $0xb8;
	[tilespmem:$0x1E8C0] =	vst v63  }
0x539: {  	_ =	swait.ge [sflag:s14], $0x4000  }
0x53a: {  	[sflag:s14] =	ssyncset.done $0x0  }
0x53b: {  	s20 =	simm.s32 $0x2780;
	[sflag:s14] =	ssyncadd.s32 $0xFFFFC000  }
0x53c: {  	[spmem:s3] =	stream.indirect.scatter.add.f32 [tilespmem:s11], [sflag:$0x5], $0x80, s20, s10, $0xb8;
	[tilespmem:$0x1E8C0] =	vst v63  }
0x53d: {  	_ =	swait.ge [sflag:s12], $0x4000  }
0x53e: {  	[sflag:s12] =	ssyncset.done $0x0  }
0x53f: {  	s21 =	simm.s32 $0x1C80;
	[sflag:s12] =	ssyncadd.s32 $0xFFFFC000  }
0x540: {  	[tilespmem:s11], [sflag:$0x2] =	stream.indirect.gather [hbm4b:s0+s10], $0x80, s21, s10, $0xb8;
	[tilespmem:$0x1E8C0] =	vst v63  }
0x541: {  	_ =	swait.ge [sflag:s7], $0x4000  }
0x542: {  	[sflag:s7] =	ssyncset.done $0x0  }
0x543: {  	s22 =	simm.s32 $0x2800;
	[sflag:s7] =	ssyncadd.s32 $0xFFFFC000  }
0x544: {  	[spmem:s3] =	stream.indirect.scatter.add.f32 [tilespmem:s5], [sflag:$0x5], $0x80, s22, s10, $0xb8;
	[tilespmem:$0x1E8C0] =	vst v63  }
0x545: {  	_ =	swait.ge [sflag:s12], $0x4000  }
0x546: {  	[sflag:s12] =	ssyncset.done $0x0  }
0x547: {  	s23 =	simm.s32 $0x1D00;
	[sflag:s12] =	ssyncadd.s32 $0xFFFFC000  }
0x548: {  	[tilespmem:s5], [sflag:$0x1] =	stream.indirect.gather [hbm4b:s0+s10], $0x80, s23, s10, $0xb8;
	[tilespmem:$0x1E8C0] =	vst v63  }
0x549: {  	_ =	swait.ge [sflag:s14], $0x4000  }
0x54a: {  	[sflag:s14] =	ssyncset.done $0x0  }
0x54b: {  	s25 =	simm.s32 $0x2880;
	[sflag:s14] =	ssyncadd.s32 $0xFFFFC000  }
0x54c: {  	[spmem:s3] =	stream.indirect.scatter.add.f32 [tilespmem:s11], [sflag:$0x5], $0x80, s25, s10, $0xb8;
	[tilespmem:$0x1E8C0] =	vst v63  }
0x54d: {  	_ =	swait.ge [sflag:s12], $0x4000  }
0x54e: {  	[sflag:s12] =	ssyncset.done $0x0  }
0x54f: {  	s26 =	simm.s32 $0x1D80;
	[sflag:s12] =	ssyncadd.s32 $0xFFFFC000  }
0x550: {  	[tilespmem:s11], [sflag:$0x2] =	stream.indirect.gather [hbm4b:s0+s10], $0x80, s26, s10, $0xb8;
	[tilespmem:$0x1E8C0] =	vst v63  }
0x551: {  	_ =	swait.ge [sflag:s7], $0x4000  }
0x552: {  	[sflag:s7] =	ssyncset.done $0x0  }
0x553: {  	s28 =	simm.s32 $0x2900;
	[sflag:s7] =	ssyncadd.s32 $0xFFFFC000  }
0x554: {  	[spmem:s3] =	stream.indirect.scatter.add.f32 [tilespmem:s5], [sflag:$0x5], $0x80, s28, s10, $0xb8;
	[tilespmem:$0x1E8C0] =	vst v63  }
0x555: {  	_ =	swait.ge [sflag:s12], $0x4000  }
0x556: {  	[sflag:s12] =	ssyncset.done $0x0  }
0x557: {  	s29 =	simm.s32 $0x1E00;
	[sflag:s12] =	ssyncadd.s32 $0xFFFFC000  }
0x558: {  	[tilespmem:s5], [sflag:$0x1] =	stream.indirect.gather [hbm4b:s0+s10], $0x80, s29, s10, $0xb8;
	[tilespmem:$0x1E8C0] =	vst v63  }
0x559: {  	_ =	swait.ge [sflag:s14], $0x4000  }
0x55a: {  	[sflag:s14] =	ssyncset.done $0x0  }
0x55b: {  	s30 =	simm.s32 $0x2980;
	[sflag:s14] =	ssyncadd.s32 $0xFFFFC000  }
0x55c: {  	[spmem:s3] =	stream.indirect.scatter.add.f32 [tilespmem:s11], [sflag:$0x5], $0x80, s30, s10, $0xb8;
	[tilespmem:$0x1E8C0] =	vst v63  }
0x55d: {  	_ =	swait.ge [sflag:s12], $0x4000  }
0x55e: {  	[sflag:s12] =	ssyncset.done $0x0  }
0x55f: {  	s31 =	simm.s32 $0x1E80;
	[sflag:s12] =	ssyncadd.s32 $0xFFFFC000  }
0x560: {  	[tilespmem:s11], [sflag:$0x2] =	stream.indirect.gather [hbm4b:s0+s10], $0x80, s31, s10, $0xb8;
	[tilespmem:$0x1E8C0] =	vst v63  }
0x561: {  	_ =	swait.ge [sflag:s7], $0x4000  }
0x562: {  	[sflag:s7] =	ssyncset.done $0x0  }
0x563: {  	s15 =	simm.s32 $0x2A00;
	[sflag:s7] =	ssyncadd.s32 $0xFFFFC000  }
0x564: {  	[spmem:s3] =	stream.indirect.scatter.add.f32 [tilespmem:s5], [sflag:$0x5], $0x80, s15, s10, $0xb8;
	[tilespmem:$0x1E8C0] =	vst v63  }
0x565: {  	_ =	swait.ge [sflag:s12], $0x4000  }
0x566: {  	[sflag:s12] =	ssyncset.done $0x0  }
0x567: {  	s17 =	simm.s32 $0x1F00;
	[sflag:s12] =	ssyncadd.s32 $0xFFFFC000  }
0x568: {  	[tilespmem:s5], [sflag:$0x1] =	stream.indirect.gather [hbm4b:s0+s10], $0x80, s17, s10, $0xb8;
	[tilespmem:$0x1E8C0] =	vst v63  }
0x569: {  	_ =	swait.ge [sflag:s14], $0x4000  }
0x56a: {  	[sflag:s14] =	ssyncset.done $0x0  }
0x56b: {  	s18 =	simm.s32 $0x2A80;
	[sflag:s14] =	ssyncadd.s32 $0xFFFFC000  }
0x56c: {  	[spmem:s3] =	stream.indirect.scatter.add.f32 [tilespmem:s11], [sflag:$0x5], $0x80, s18, s10, $0xb8;
	[tilespmem:$0x1E8C0] =	vst v63  }
0x56d: {  	_ =	swait.ge [sflag:s12], $0x4000  }
0x56e: {  	[sflag:s12] =	ssyncset.done $0x0  }
0x56f: {  	s19 =	simm.s32 $0x1F80;
	[sflag:s12] =	ssyncadd.s32 $0xFFFFC000  }
0x570: {  	[tilespmem:s11], [sflag:$0x2] =	stream.indirect.gather [hbm4b:s0+s10], $0x80, s19, s10, $0xb8;
	[tilespmem:$0x1E8C0] =	vst v63  }
0x571: {  	_ =	swait.ge [sflag:s7], $0x4000  }
0x572: {  	[sflag:s7] =	ssyncset.done $0x0  }
0x573: {  	s20 =	simm.s32 $0x2B00;
	[sflag:s7] =	ssyncadd.s32 $0xFFFFC000  }
0x574: {  	[spmem:s3] =	stream.indirect.scatter.add.f32 [tilespmem:s5], [sflag:$0x5], $0x80, s20, s10, $0xb8;
	[tilespmem:$0x1E8C0] =	vst v63  }
0x575: {  	_ =	swait.ge [sflag:s12], $0x4000  }
0x576: {  	[sflag:s12] =	ssyncset.done $0x0  }
0x577: {  	s21 =	simm.s32 $0x2000;
	[sflag:s12] =	ssyncadd.s32 $0xFFFFC000  }
0x578: {  	[tilespmem:s5], [sflag:$0x1] =	stream.indirect.gather [hbm4b:s0+s10], $0x80, s21, s10, $0xb8;
	[tilespmem:$0x1E8C0] =	vst v63  }
0x579: {  	_ =	swait.ge [sflag:s14], $0x4000  }
0x57a: {  	[sflag:s14] =	ssyncset.done $0x0  }
0x57b: {  	s22 =	simm.s32 $0x2B80;
	[sflag:s14] =	ssyncadd.s32 $0xFFFFC000  }
0x57c: {  	[spmem:s3] =	stream.indirect.scatter.add.f32 [tilespmem:s11], [sflag:$0x5], $0x80, s22, s10, $0xb8;
	[tilespmem:$0x1E8C0] =	vst v63  }
0x57d: {  	_ =	swait.ge [sflag:s12], $0x4000  }
0x57e: {  	[sflag:s12] =	ssyncset.done $0x0  }
0x57f: {  	s23 =	simm.s32 $0x2080;
	[sflag:s12] =	ssyncadd.s32 $0xFFFFC000  }
0x580: {  	[tilespmem:s11], [sflag:$0x2] =	stream.indirect.gather [hbm4b:s0+s10], $0x80, s23, s10, $0xb8;
	[tilespmem:$0x1E8C0] =	vst v63  }
0x581: {  	_ =	swait.ge [sflag:s7], $0x4000  }
0x582: {  	[sflag:s7] =	ssyncset.done $0x0  }
0x583: {  	s25 =	simm.s32 $0x2C00;
	[sflag:s7] =	ssyncadd.s32 $0xFFFFC000  }
0x584: {  	[spmem:s3] =	stream.indirect.scatter.add.f32 [tilespmem:s5], [sflag:$0x5], $0x80, s25, s10, $0xb8;
	[tilespmem:$0x1E8C0] =	vst v63  }
0x585: {  	_ =	swait.ge [sflag:s12], $0x4000  }
0x586: {  	[sflag:s12] =	ssyncset.done $0x0  }
0x587: {  	s26 =	simm.s32 $0x2100;
	[sflag:s12] =	ssyncadd.s32 $0xFFFFC000  }
0x588: {  	[tilespmem:s5], [sflag:$0x1] =	stream.indirect.gather [hbm4b:s0+s10], $0x80, s26, s10, $0xb8;
	[tilespmem:$0x1E8C0] =	vst v63  }
0x589: {  	_ =	swait.ge [sflag:s14], $0x4000  }
0x58a: {  	[sflag:s14] =	ssyncset.done $0x0  }
0x58b: {  	s28 =	simm.s32 $0x2C80;
	[sflag:s14] =	ssyncadd.s32 $0xFFFFC000  }
0x58c: {  	[spmem:s3] =	stream.indirect.scatter.add.f32 [tilespmem:s11], [sflag:$0x5], $0x80, s28, s10, $0xb8;
	[tilespmem:$0x1E8C0] =	vst v63  }
0x58d: {  	_ =	swait.ge [sflag:s12], $0x4000  }
0x58e: {  	[sflag:s12] =	ssyncset.done $0x0  }
0x58f: {  	s29 =	simm.s32 $0x2180;
	[sflag:s12] =	ssyncadd.s32 $0xFFFFC000  }
0x590: {  	[tilespmem:s11], [sflag:$0x2] =	stream.indirect.gather [hbm4b:s0+s10], $0x80, s29, s10, $0xb8;
	[tilespmem:$0x1E8C0] =	vst v63  }
0x591: {  	_ =	swait.ge [sflag:s7], $0x4000  }
0x592: {  	[sflag:s7] =	ssyncset.done $0x0  }
0x593: {  	s30 =	simm.s32 $0x2D00;
	[sflag:s7] =	ssyncadd.s32 $0xFFFFC000  }
0x594: {  	[spmem:s3] =	stream.indirect.scatter.add.f32 [tilespmem:s5], [sflag:$0x5], $0x80, s30, s10, $0xb8;
	[tilespmem:$0x1E8C0] =	vst v63  }
0x595: {  	_ =	swait.ge [sflag:s12], $0x4000  }
0x596: {  	[sflag:s12] =	ssyncset.done $0x0  }
0x597: {  	[sflag:s12] =	ssyncadd.s32 $0xFFFFC000  }
0x598: {  	_ =	swait.ge [sflag:s14], $0x4000  }
0x599: {  	[sflag:s14] =	ssyncset.done $0x0  }
0x59a: {  	s8 =	simm.s32 $0x2D80;
	[sflag:s14] =	ssyncadd.s32 $0xFFFFC000  }
0x59b: {  	[spmem:s3] =	stream.indirect.scatter.add.f32 [tilespmem:s11], [sflag:$0x5], $0x80, s8, s10, $0xb8;
	[tilespmem:$0x1E8C0] =	vst v63  }
0x59c: {  	_ =	swait.ge [sflag:s12], $0x4000  }
0x59d: {  	[sflag:s12] =	ssyncset.done $0x0  }
0x59e: {  	[sflag:s12] =	ssyncadd.s32 $0xFFFFC000  }
0x59f: {  	[bflag:$0x0] =	sbarrier.arrive $0xFFFF  }
0x5a0: {  	s29 =	simm.s32 @p0 $0x1FC5;
	s13 =	rddreg [dreg:$0x1d]  }
0x5a1: {  	s8 =	simm.s32 @p0 $0x5;
	s30 =	rddreg [dreg:$0x17];
	s28 =	sshrl.u32 @p0 s13, $0x3  }
0x5a2: {  	[hbm:s30], [sflag:s29] =	dma.local @p0 [spmem:s28], $0x2080  }
0x5a3: {  	s28 =	stileid.u32;
	_ =	swait.ge @p0 [sflag:s8], $0x2080  }
0x5a4: {  	s28 =	sshll.u32 @!p0 s28, $0x6;
	[sflag:s8] =	ssyncset.done @p0 $0x0  }
0x5a5: {  	s8 =	simm.s32 @p0 $0x5;
	s26 =	sor.u32 @!p0 $0x1C05, s28;
	s28 =	sshrl.u32 @!p0 s13, $0x3  }
0x5a6: {  	s29 =	rddreg [dreg:$0x14];
	[sflag:s8] =	ssyncadd.s32 @p0 $0xFFFFDF80;
	s8 =	simm.s32 @!p0 $0x5  }
0x5a7: {  	[hbm:s29], [sflag:s26] =	dma.local @!p0 [spmem:s28], $0x2780  }
0x5a8: {  	_ =	swait.ge @!p0 [sflag:s8], $0x2780  }
0x5a9: {  	s24 =	sadd.s32 $0x1, s24;
	s31 =	rddreg [dreg:$0x18]  }
0x5aa: {  	p1 =	sne.s32 s24, s31  }
.Ltmp1:
0x5ab: {  	_ = 	snop;
	(pc) =	sbr.rel @p1 .LBB2_1-.Ltmp1, $3  }
0x5ac: {  	_ =	sdelay $0x1  }
0x5ad: {  	[sflag:s8] =	ssyncset.done @!p0 $0x0;
	s8 =	simm.s32 @!p0 $0x5  }
0x5ae: {  	s6 =	simm.s32 $0xC00;
	[sflag:s8] =	ssyncadd.s32 @!p0 $0xFFFFD880  }
0x5af: {  	_ =	sfence.sel $0x180000  }
0x5b0: {  	[bflag:$0x0] =	sbarrier.arrive $0xFFFF  }
0x5b1: {  	_ =	strace $0x90000047  }
0x5b2: {  	s0 =	stileid.u32;
	[bflag:$0x2] =	sbarrier.arrive $0xFFFF  }
0x5b3: {  	p0 =	sne.s32 s0, $0x0;
	s0 =	rddreg [dreg:$0x4]  }
0x5b4: {  	s0 =	sadd.s32 @!p0 $0x100000, s0  }
0x5b5: {  	[sflag:s0] =	ssyncadd.tile.s32 @!p0 $0x1;
	_ =	shalt  }
.Lfunc_end2:
_tile_overlayer_lowered:
.L_overlay_start_2:
0x5b6: {  	(tag) =	ssettag $0x2  }
0x5b7: {  	s0 =	rddreg [dreg:$0x0];
	s2 =	stileid.u32  }
0x5b8: {  	s1 =	rddreg [dreg:$0x1];
	p0 =	sne.s32 s2, $0x0  }
0x5b9: {  	s3 =	rddreg [dreg:$0x2];
	[bflag:$0x3] =	sbarrier.arrive $0xFFFF;
	s2 =	simm.s32 @!p0 $0x1C05  }
0x5ba: {  	[timem:s3], [sflag:s2] =	dma.local @!p0 [hbm:s0], s1  }
0x5bb: {  	s0 =	simm.s32 @!p0 $0x5  }
0x5bc: {  	_ =	swait.ge @!p0 [sflag:s0], s1  }
0x5bd: {  	s1 =	ssub.s32 @!p0 $0x0, s1;
	[sflag:s0] =	ssyncset.done @!p0 $0x0  }
0x5be: {  	[sflag:s0] =	ssyncadd.s32 @!p0 s1  }
0x5bf: {  	[bflag:$0x3] =	sbarrier.arrive $0xFFFF  }
0x5c0: {  	_ =	shalt  }

</sc_bundles>
